<compile_context>
chip_gen: v7x
topology: tpu7x:2x2x1
jax: 0.10.2.dev20260603
libtpu: 0.0.44.dev20260713+nightly
codegen_flags: <defaults>
</compile_context>

<pallas_src>
import jax
import jax.numpy as jnp
from jax import lax
from jax.experimental import pallas as pl
from jax.experimental.pallas import tpu as pltpu
from jax.experimental.pallas import tpu_sc as plsc

BATCH = 16384
EMBED_DIM = 32

_info = plsc.get_sparse_core_info()
_NC, _NS = _info.num_cores, _info.num_subcores
_NW = _NC * _NS
_B_PER_W = BATCH // _NW
_CHUNK = 128
_N_CHUNKS = _B_PER_W // _CHUNK
_L = 16


def _fire(table_hbm, idx_v, buf, sem, cb):
    def grp(g, carry):
        vec = idx_v[pl.ds(cb + g * _L, _L)]
        for l in range(_L):
            pltpu.make_async_copy(
                table_hbm.at[vec[l]], buf.at[g * _L + l], sem).start()
        return carry
    lax.fori_loop(0, _CHUNK // _L, grp, 0)


def _drain(table_hbm, buf, sem):
    pltpu.make_async_copy(table_hbm.at[pl.ds(0, _CHUNK)], buf, sem).wait()


def _body(vi_hbm, vj_hbm, emb_hbm, ctx_hbm, ui_hbm, uj_hbm,
          idx_i_v, idx_j_v, bufs, sems):
    wid = lax.axis_index("s") * _NC + lax.axis_index("c")
    base = wid * _B_PER_W
    pltpu.sync_copy(vi_hbm.at[pl.ds(base, _B_PER_W)], idx_i_v)
    pltpu.sync_copy(vj_hbm.at[pl.ds(base, _B_PER_W)], idx_j_v)
    tables = (emb_hbm, ctx_hbm)
    idxs = (idx_i_v, idx_j_v)
    outs = (ui_hbm, uj_hbm)
    for t in range(2):
        for c in range(2):
            _fire(tables[t], idxs[t], bufs[2 * c + t], sems[2 * c + t],
                  c * _CHUNK)
    for c in range(_N_CHUNKS):
        for t in range(2):
            slot = 2 * (c % 2) + t
            _drain(tables[t], bufs[slot], sems[slot])
            pltpu.sync_copy(bufs[slot],
                            outs[t].at[pl.ds(base + c * _CHUNK, _CHUNK)])
            if c + 2 < _N_CHUNKS:
                _fire(tables[t], idxs[t], bufs[slot], sems[slot],
                      (c + 2) * _CHUNK)


def kernel(nodeindex, v_i, v_j, embeddings, context_embeddings):
    del nodeindex
    mesh = plsc.VectorSubcoreMesh(core_axis_name="c", subcore_axis_name="s")
    k = pl.kernel(
        _body,
        out_type=(
            jax.ShapeDtypeStruct((BATCH, EMBED_DIM), jnp.float32),
            jax.ShapeDtypeStruct((BATCH, EMBED_DIM), jnp.float32),
        ),
        mesh=mesh,
        scratch_types=[
            pltpu.VMEM((_B_PER_W,), jnp.int32),
            pltpu.VMEM((_B_PER_W,), jnp.int32),
            [pltpu.VMEM((_CHUNK, EMBED_DIM), jnp.float32) for _ in range(4)],
            [pltpu.SemaphoreType.DMA for _ in range(4)],
        ],
    )
    u_i, u_j = k(v_i, v_j, embeddings, context_embeddings)
    return (u_i, u_j)

# --- scband reference (transcript-rebuilt; emitter-appended) ---
"""Pipeline reference for scband-line-76287209111704 (READ-ONLY COPY).

The authoritative reference and input builder live on the scoring server;
editing this copy changes nothing except your own understanding.
"""

import jax, jax.numpy as jnp
import numpy as np

DICT_SIZE = 1000000
EMBED_DIM = 32
BATCH = 16384

def setup_inputs(seed: int = 0) -> dict:
    key = jax.random.key(seed)
    k1, k2, k3, k4, k5 = jax.random.split(key, 5)
    nodeindex = jax.random.randint(k1, (BATCH,), 0, DICT_SIZE, dtype=jnp.int64 if jax.config.jax_enable_x64 else jnp.int32).astype(jnp.int32)
    v_i = jax.random.randint(k2, (BATCH,), 0, DICT_SIZE).astype(jnp.int32)
    v_j = jax.random.randint(k3, (BATCH,), 0, DICT_SIZE).astype(jnp.int32)
    # Learned parameters: embeddings and context_embeddings, uniform(-0.5, 0.5)
    embeddings = jax.random.uniform(k4, (DICT_SIZE, EMBED_DIM), dtype=jnp.float32, minval=-0.5, maxval=0.5)
    context_embeddings = jax.random.uniform(k5, (DICT_SIZE, EMBED_DIM), dtype=jnp.float32, minval=-0.5, maxval=0.5)
    return {"nodeindex": nodeindex, "v_i": v_i, "v_j": v_j, "embeddings": embeddings, "context_embeddings": context_embeddings}

def reference(nodeindex, v_i, v_j, embeddings, context_embeddings):
    # order == 'second': u_i from embeddings, u_j from context_embeddings
    u_i = jnp.take(embeddings, v_i, axis=0)
    u_j_context = jnp.take(context_embeddings, v_j, axis=0)
    return (u_i, u_j_context)

if __name__ == "__main__":
    import jax
    _d = setup_inputs()
    print(jax.jit(kernel)(*tuple(_d.values())))

</pallas_src>

<mosaic_0001>
#map = affine_map<(d0, d1) -> (0)>
#map1 = affine_map<(d0, d1) -> (0, 0)>
module attributes {stable_mosaic.version = 14 : i64} {
  func.func @_body(%arg0: i32, %arg1: i32, %arg2: memref<16384xi32, #tpu.memory_space<hbm>>, %arg3: memref<16384xi32, #tpu.memory_space<hbm>>, %arg4: memref<1000000x32xf32, #tpu.memory_space<hbm>>, %arg5: memref<1000000x32xf32, #tpu.memory_space<hbm>>, %arg6: memref<16384x32xf32, #tpu.memory_space<hbm>>, %arg7: memref<16384x32xf32, #tpu.memory_space<hbm>>, %arg8: memref<512xi32, #tpu.memory_space<vmem>>, %arg9: memref<512xi32, #tpu.memory_space<vmem>>, %arg10: memref<128x32xf32, #tpu.memory_space<vmem>>, %arg11: memref<128x32xf32, #tpu.memory_space<vmem>>, %arg12: memref<128x32xf32, #tpu.memory_space<vmem>>, %arg13: memref<128x32xf32, #tpu.memory_space<vmem>>, %arg14: memref<!tpu.dma_semaphore, #tpu.memory_space<semaphore_mem>>, %arg15: memref<!tpu.dma_semaphore, #tpu.memory_space<semaphore_mem>>, %arg16: memref<!tpu.dma_semaphore, #tpu.memory_space<semaphore_mem>>, %arg17: memref<!tpu.dma_semaphore, #tpu.memory_space<semaphore_mem>>) attributes {dimension_semantics = [#tpu.dimension_semantics<core_parallel>, #tpu.dimension_semantics<subcore_parallel>], iteration_bounds = array<i64: 2, 16>, scalar_prefetch = 0 : i64, scratch_operands = 10 : i64, tpu.core_type = #tpu.core_type<sc_vector_subcore>, window_params = [{transform_indices = #map}, {transform_indices = #map}, {transform_indices = #map1}, {transform_indices = #map1}, {transform_indices = #map1}, {transform_indices = #map1}]} {
    %mul3A = arith.constant 2 : i32
    %mul3A_0 = arith.muli %arg1, %mul3A : i32
    %add3A = arith.addi %mul3A_0, %arg0 : i32
    %mul3A_1 = arith.constant 512 : i32
    %mul3A_2 = arith.muli %add3A, %mul3A_1 : i32
    "tpu.region"() ({
      %run_scoped3A = tpu.sem_alloc : memref<!tpu.dma_semaphore, #tpu.memory_space<semaphore_mem>>
      %dma_start3A = tpu.memref_slice %arg2[%mul3A_2] : memref<16384xi32, #tpu.memory_space<hbm>> -> memref<512xi32, #tpu.memory_space<hbm>>
      %dma_start3A_113 = tpu.memref_slice %arg2[%mul3A_2] : memref<16384xi32, #tpu.memory_space<hbm>> -> memref<512xi32, #tpu.memory_space<hbm>>
      tpu.enqueue_dma source(%dma_start3A_113 : memref<512xi32, #tpu.memory_space<hbm>>) target(%arg8 : memref<512xi32, #tpu.memory_space<vmem>>) target_semaphore(%run_scoped3A : memref<!tpu.dma_semaphore, #tpu.memory_space<semaphore_mem>>)
      %dma_wait3A_114 = tpu.memref_slice %arg2[%mul3A_2] : memref<16384xi32, #tpu.memory_space<hbm>> -> memref<512xi32, #tpu.memory_space<hbm>>
      %dma_wait3A_115 = tpu.memref_slice %arg2[%mul3A_2] : memref<16384xi32, #tpu.memory_space<hbm>> -> memref<512xi32, #tpu.memory_space<hbm>>
      tpu.wait_dma2 semaphore(%run_scoped3A : memref<!tpu.dma_semaphore, #tpu.memory_space<semaphore_mem>>) src(%dma_wait3A_115 : memref<512xi32, #tpu.memory_space<hbm>>) dst(%arg8 : memref<512xi32, #tpu.memory_space<vmem>>)
      tpu.yield
    }) : () -> ()
    "tpu.region"() ({
      %run_scoped3A = tpu.sem_alloc : memref<!tpu.dma_semaphore, #tpu.memory_space<semaphore_mem>>
      %dma_start3A = tpu.memref_slice %arg3[%mul3A_2] : memref<16384xi32, #tpu.memory_space<hbm>> -> memref<512xi32, #tpu.memory_space<hbm>>
      %dma_start3A_113 = tpu.memref_slice %arg3[%mul3A_2] : memref<16384xi32, #tpu.memory_space<hbm>> -> memref<512xi32, #tpu.memory_space<hbm>>
      tpu.enqueue_dma source(%dma_start3A_113 : memref<512xi32, #tpu.memory_space<hbm>>) target(%arg9 : memref<512xi32, #tpu.memory_space<vmem>>) target_semaphore(%run_scoped3A : memref<!tpu.dma_semaphore, #tpu.memory_space<semaphore_mem>>)
      %dma_wait3A_114 = tpu.memref_slice %arg3[%mul3A_2] : memref<16384xi32, #tpu.memory_space<hbm>> -> memref<512xi32, #tpu.memory_space<hbm>>
      %dma_wait3A_115 = tpu.memref_slice %arg3[%mul3A_2] : memref<16384xi32, #tpu.memory_space<hbm>> -> memref<512xi32, #tpu.memory_space<hbm>>
      tpu.wait_dma2 semaphore(%run_scoped3A : memref<!tpu.dma_semaphore, #tpu.memory_space<semaphore_mem>>) src(%dma_wait3A_115 : memref<512xi32, #tpu.memory_space<hbm>>) dst(%arg9 : memref<512xi32, #tpu.memory_space<vmem>>)
      tpu.yield
    }) : () -> ()
    %scan3A = arith.constant 0 : i32
    %scan3A_3 = arith.constant 0 : i32
    %scan3A_4 = arith.constant 8 : i32
    %scan3A_5 = arith.addi %scan3A_3, %scan3A_4 : i32
    %scan3A_6 = arith.constant 1 : i32
    scf.for %scan3A_113 = %scan3A_3 to %scan3A_5 step %scan3A_6  : i32 {
      %mul3A_114 = arith.constant 16 : i32
      %mul3A_115 = arith.muli %scan3A_113, %mul3A_114 : i32
      %add3A_116 = arith.constant 0 : i32
      %add3A_117 = arith.addi %add3A_116, %mul3A_115 : i32
      %get3A = arith.index_cast %add3A_117 : i32 to index
      %get3A_118 = tpu.vector_load %arg8[%get3A] {strides = array<i32>} : memref<512xi32, #tpu.memory_space<vmem>>, vector<16xi32>,
      %get3A_119 = vector.shape_cast %get3A_118 : vector<16xi32> to vector<16xi32>
      %slice3A = vector.extract_strided_slice %get3A_119 {offsets = [0], sizes = [1], strides = [1]} : vector<16xi32> to vector<1xi32>
      %squeeze3A = vector.extract %slice3A[0] : i32 from vector<1xi32>
      %mul3A_120 = arith.constant 16 : i32
      %mul3A_121 = arith.muli %scan3A_113, %mul3A_120 : i32
      %add3A_122 = arith.constant 0 : i32
      %add3A_123 = arith.addi %mul3A_121, %add3A_122 : i32
      %dma_start3A = arith.constant 0 : i32
      %dma_start3A_124 = tpu.memref_slice %arg10[%add3A_123, %dma_start3A] : memref<128x32xf32, #tpu.memory_space<vmem>> -> memref<1x32xf32, #tpu.memory_space<vmem>>
      %dma_start3A_125 = tpu.memref_squeeze %dma_start3A_124 : memref<1x32xf32, #tpu.memory_space<vmem>> -> memref<32xf32, #tpu.memory_space<vmem>>
      %dma_start3A_126 = arith.constant 0 : i32
      %dma_start3A_127 = tpu.memref_slice %arg4[%squeeze3A, %dma_start3A_126] : memref<1000000x32xf32, #tpu.memory_space<hbm>> -> memref<1x32xf32, #tpu.memory_space<hbm>>
      %dma_start3A_128 = tpu.memref_squeeze %dma_start3A_127 : memref<1x32xf32, #tpu.memory_space<hbm>> -> memref<32xf32, #tpu.memory_space<hbm>>
      %dma_start3A_129 = arith.constant 0 : i32
      %dma_start3A_130 = tpu.memref_slice %arg10[%add3A_123, %dma_start3A_129] : memref<128x32xf32, #tpu.memory_space<vmem>> -> memref<1x32xf32, #tpu.memory_space<vmem>>
      %dma_start3A_131 = tpu.memref_squeeze %dma_start3A_130 : memref<1x32xf32, #tpu.memory_space<vmem>> -> memref<32xf32, #tpu.memory_space<vmem>>
      %dma_start3A_132 = arith.constant 0 : i32
      %dma_start3A_133 = tpu.memref_slice %arg4[%squeeze3A, %dma_start3A_132] : memref<1000000x32xf32, #tpu.memory_space<hbm>> -> memref<1x32xf32, #tpu.memory_space<hbm>>
      %dma_start3A_134 = tpu.memref_squeeze %dma_start3A_133 : memref<1x32xf32, #tpu.memory_space<hbm>> -> memref<32xf32, #tpu.memory_space<hbm>>
      tpu.enqueue_dma source(%dma_start3A_134 : memref<32xf32, #tpu.memory_space<hbm>>) target(%dma_start3A_131 : memref<32xf32, #tpu.memory_space<vmem>>) target_semaphore(%arg14 : memref<!tpu.dma_semaphore, #tpu.memory_space<semaphore_mem>>)
      %slice3A_135 = vector.extract_strided_slice %get3A_119 {offsets = [1], sizes = [1], strides = [1]} : vector<16xi32> to vector<1xi32>
      %squeeze3A_136 = vector.extract %slice3A_135[0] : i32 from vector<1xi32>
      %mul3A_137 = arith.constant 16 : i32
      %mul3A_138 = arith.muli %scan3A_113, %mul3A_137 : i32
      %add3A_139 = arith.constant 1 : i32
      %add3A_140 = arith.addi %mul3A_138, %add3A_139 : i32
      %dma_start3A_141 = arith.constant 0 : i32
      %dma_start3A_142 = tpu.memref_slice %arg10[%add3A_140, %dma_start3A_141] : memref<128x32xf32, #tpu.memory_space<vmem>> -> memref<1x32xf32, #tpu.memory_space<vmem>>
      %dma_start3A_143 = tpu.memref_squeeze %dma_start3A_142 : memref<1x32xf32, #tpu.memory_space<vmem>> -> memref<32xf32, #tpu.memory_space<vmem>>
      %dma_start3A_144 = arith.constant 0 : i32
      %dma_start3A_145 = tpu.memref_slice %arg4[%squeeze3A_136, %dma_start3A_144] : memref<1000000x32xf32, #tpu.memory_space<hbm>> -> memref<1x32xf32, #tpu.memory_space<hbm>>
      %dma_start3A_146 = tpu.memref_squeeze %dma_start3A_145 : memref<1x32xf32, #tpu.memory_space<hbm>> -> memref<32xf32, #tpu.memory_space<hbm>>
      %dma_start3A_147 = arith.constant 0 : i32
      %dma_start3A_148 = tpu.memref_slice %arg10[%add3A_140, %dma_start3A_147] : memref<128x32xf32, #tpu.memory_space<vmem>> -> memref<1x32xf32, #tpu.memory_space<vmem>>
      %dma_start3A_149 = tpu.memref_squeeze %dma_start3A_148 : memref<1x32xf32, #tpu.memory_space<vmem>> -> memref<32xf32, #tpu.memory_space<vmem>>
      %dma_start3A_150 = arith.constant 0 : i32
      %dma_start3A_151 = tpu.memref_slice %arg4[%squeeze3A_136, %dma_start3A_150] : memref<1000000x32xf32, #tpu.memory_space<hbm>> -> memref<1x32xf32, #tpu.memory_space<hbm>>
      %dma_start3A_152 = tpu.memref_squeeze %dma_start3A_151 : memref<1x32xf32, #tpu.memory_space<hbm>> -> memref<32xf32, #tpu.memory_space<hbm>>
      tpu.enqueue_dma source(%dma_start3A_152 : memref<32xf32, #tpu.memory_space<hbm>>) target(%dma_start3A_149 : memref<32xf32, #tpu.memory_space<vmem>>) target_semaphore(%arg14 : memref<!tpu.dma_semaphore, #tpu.memory_space<semaphore_mem>>)
      %slice3A_153 = vector.extract_strided_slice %get3A_119 {offsets = [2], sizes = [1], strides = [1]} : vector<16xi32> to vector<1xi32>
      %squeeze3A_154 = vector.extract %slice3A_153[0] : i32 from vector<1xi32>
      %mul3A_155 = arith.constant 16 : i32
      %mul3A_156 = arith.muli %scan3A_113, %mul3A_155 : i32
      %add3A_157 = arith.constant 2 : i32
      %add3A_158 = arith.addi %mul3A_156, %add3A_157 : i32
      %dma_start3A_159 = arith.constant 0 : i32
      %dma_start3A_160 = tpu.memref_slice %arg10[%add3A_158, %dma_start3A_159] : memref<128x32xf32, #tpu.memory_space<vmem>> -> memref<1x32xf32, #tpu.memory_space<vmem>>
      %dma_start3A_161 = tpu.memref_squeeze %dma_start3A_160 : memref<1x32xf32, #tpu.memory_space<vmem>> -> memref<32xf32, #tpu.memory_space<vmem>>
      %dma_start3A_162 = arith.constant 0 : i32
      %dma_start3A_163 = tpu.memref_slice %arg4[%squeeze3A_154, %dma_start3A_162] : memref<1000000x32xf32, #tpu.memory_space<hbm>> -> memref<1x32xf32, #tpu.memory_space<hbm>>
      %dma_start3A_164 = tpu.memref_squeeze %dma_start3A_163 : memref<1x32xf32, #tpu.memory_space<hbm>> -> memref<32xf32, #tpu.memory_space<hbm>>
      %dma_start3A_165 = arith.constant 0 : i32
      %dma_start3A_166 = tpu.memref_slice %arg10[%add3A_158, %dma_start3A_165] : memref<128x32xf32, #tpu.memory_space<vmem>> -> memref<1x32xf32, #tpu.memory_space<vmem>>
      %dma_start3A_167 = tpu.memref_squeeze %dma_start3A_166 : memref<1x32xf32, #tpu.memory_space<vmem>> -> memref<32xf32, #tpu.memory_space<vmem>>
      %dma_start3A_168 = arith.constant 0 : i32
      %dma_start3A_169 = tpu.memref_slice %arg4[%squeeze3A_154, %dma_start3A_168] : memref<1000000x32xf32, #tpu.memory_space<hbm>> -> memref<1x32xf32, #tpu.memory_space<hbm>>
      %dma_start3A_170 = tpu.memref_squeeze %dma_start3A_169 : memref<1x32xf32, #tpu.memory_space<hbm>> -> memref<32xf32, #tpu.memory_space<hbm>>
      tpu.enqueue_dma source(%dma_start3A_170 : memref<32xf32, #tpu.memory_space<hbm>>) target(%dma_start3A_167 : memref<32xf32, #tpu.memory_space<vmem>>) target_semaphore(%arg14 : memref<!tpu.dma_semaphore, #tpu.memory_space<semaphore_mem>>)
      %slice3A_171 = vector.extract_strided_slice %get3A_119 {offsets = [3], sizes = [1], strides = [1]} : vector<16xi32> to vector<1xi32>
      %squeeze3A_172 = vector.extract %slice3A_171[0] : i32 from vector<1xi32>
      %mul3A_173 = arith.constant 16 : i32
      %mul3A_174 = arith.muli %scan3A_113, %mul3A_173 : i32
      %add3A_175 = arith.constant 3 : i32
      %add3A_176 = arith.addi %mul3A_174, %add3A_175 : i32
      %dma_start3A_177 = arith.constant 0 : i32
      %dma_start3A_178 = tpu.memref_slice %arg10[%add3A_176, %dma_start3A_177] : memref<128x32xf32, #tpu.memory_space<vmem>> -> memref<1x32xf32, #tpu.memory_space<vmem>>
      %dma_start3A_179 = tpu.memref_squeeze %dma_start3A_178 : memref<1x32xf32, #tpu.memory_space<vmem>> -> memref<32xf32, #tpu.memory_space<vmem>>
      %dma_start3A_180 = arith.constant 0 : i32
      %dma_start3A_181 = tpu.memref_slice %arg4[%squeeze3A_172, %dma_start3A_180] : memref<1000000x32xf32, #tpu.memory_space<hbm>> -> memref<1x32xf32, #tpu.memory_space<hbm>>
      %dma_start3A_182 = tpu.memref_squeeze %dma_start3A_181 : memref<1x32xf32, #tpu.memory_space<hbm>> -> memref<32xf32, #tpu.memory_space<hbm>>
      %dma_start3A_183 = arith.constant 0 : i32
      %dma_start3A_184 = tpu.memref_slice %arg10[%add3A_176, %dma_start3A_183] : memref<128x32xf32, #tpu.memory_space<vmem>> -> memref<1x32xf32, #tpu.memory_space<vmem>>
      %dma_start3A_185 = tpu.memref_squeeze %dma_start3A_184 : memref<1x32xf32, #tpu.memory_space<vmem>> -> memref<32xf32, #tpu.memory_space<vmem>>
      %dma_start3A_186 = arith.constant 0 : i32
      %dma_start3A_187 = tpu.memref_slice %arg4[%squeeze3A_172, %dma_start3A_186] : memref<1000000x32xf32, #tpu.memory_space<hbm>> -> memref<1x32xf32, #tpu.memory_space<hbm>>
      %dma_start3A_188 = tpu.memref_squeeze %dma_start3A_187 : memref<1x32xf32, #tpu.memory_space<hbm>> -> memref<32xf32, #tpu.memory_space<hbm>>
      tpu.enqueue_dma source(%dma_start3A_188 : memref<32xf32, #tpu.memory_space<hbm>>) target(%dma_start3A_185 : memref<32xf32, #tpu.memory_space<vmem>>) target_semaphore(%arg14 : memref<!tpu.dma_semaphore, #tpu.memory_space<semaphore_mem>>)
      %slice3A_189 = vector.extract_strided_slice %get3A_119 {offsets = [4], sizes = [1], strides = [1]} : vector<16xi32> to vector<1xi32>
      %squeeze3A_190 = vector.extract %slice3A_189[0] : i32 from vector<1xi32>
      %mul3A_191 = arith.constant 16 : i32
      %mul3A_192 = arith.muli %scan3A_113, %mul3A_191 : i32
      %add3A_193 = arith.constant 4 : i32
      %add3A_194 = arith.addi %mul3A_192, %add3A_193 : i32
      %dma_start3A_195 = arith.constant 0 : i32
      %dma_start3A_196 = tpu.memref_slice %arg10[%add3A_194, %dma_start3A_195] : memref<128x32xf32, #tpu.memory_space<vmem>> -> memref<1x32xf32, #tpu.memory_space<vmem>>
      %dma_start3A_197 = tpu.memref_squeeze %dma_start3A_196 : memref<1x32xf32, #tpu.memory_space<vmem>> -> memref<32xf32, #tpu.memory_space<vmem>>
      %dma_start3A_198 = arith.constant 0 : i32
      %dma_start3A_199 = tpu.memref_slice %arg4[%squeeze3A_190, %dma_start3A_198] : memref<1000000x32xf32, #tpu.memory_space<hbm>> -> memref<1x32xf32, #tpu.memory_space<hbm>>
      %dma_start3A_200 = tpu.memref_squeeze %dma_start3A_199 : memref<1x32xf32, #tpu.memory_space<hbm>> -> memref<32xf32, #tpu.memory_space<hbm>>
      %dma_start3A_201 = arith.constant 0 : i32
      %dma_start3A_202 = tpu.memref_slice %arg10[%add3A_194, %dma_start3A_201] : memref<128x32xf32, #tpu.memory_space<vmem>> -> memref<1x32xf32, #tpu.memory_space<vmem>>
      %dma_start3A_203 = tpu.memref_squeeze %dma_start3A_202 : memref<1x32xf32, #tpu.memory_space<vmem>> -> memref<32xf32, #tpu.memory_space<vmem>>
      %dma_start3A_204 = arith.constant 0 : i32
      %dma_start3A_205 = tpu.memref_slice %arg4[%squeeze3A_190, %dma_start3A_204] : memref<1000000x32xf32, #tpu.memory_space<hbm>> -> memref<1x32xf32, #tpu.memory_space<hbm>>
      %dma_start3A_206 = tpu.memref_squeeze %dma_start3A_205 : memref<1x32xf32, #tpu.memory_space<hbm>> -> memref<32xf32, #tpu.memory_space<hbm>>
      tpu.enqueue_dma source(%dma_start3A_206 : memref<32xf32, #tpu.memory_space<hbm>>) target(%dma_start3A_203 : memref<32xf32, #tpu.memory_space<vmem>>) target_semaphore(%arg14 : memref<!tpu.dma_semaphore, #tpu.memory_space<semaphore_mem>>)
      %slice3A_207 = vector.extract_strided_slice %get3A_119 {offsets = [5], sizes = [1], strides = [1]} : vector<16xi32> to vector<1xi32>
      %squeeze3A_208 = vector.extract %slice3A_207[0] : i32 from vector<1xi32>
      %mul3A_209 = arith.constant 16 : i32
      %mul3A_210 = arith.muli %scan3A_113, %mul3A_209 : i32
      %add3A_211 = arith.constant 5 : i32
      %add3A_212 = arith.addi %mul3A_210, %add3A_211 : i32
      %dma_start3A_213 = arith.constant 0 : i32
      %dma_start3A_214 = tpu.memref_slice %arg10[%add3A_212, %dma_start3A_213] : memref<128x32xf32, #tpu.memory_space<vmem>> -> memref<1x32xf32, #tpu.memory_space<vmem>>
      %dma_start3A_215 = tpu.memref_squeeze %dma_start3A_214 : memref<1x32xf32, #tpu.memory_space<vmem>> -> memref<32xf32, #tpu.memory_space<vmem>>
      %dma_start3A_216 = arith.constant 0 : i32
      %dma_start3A_217 = tpu.memref_slice %arg4[%squeeze3A_208, %dma_start3A_216] : memref<1000000x32xf32, #tpu.memory_space<hbm>> -> memref<1x32xf32, #tpu.memory_space<hbm>>
      %dma_start3A_218 = tpu.memref_squeeze %dma_start3A_217 : memref<1x32xf32, #tpu.memory_space<hbm>> -> memref<32xf32, #tpu.memory_space<hbm>>
      %dma_start3A_219 = arith.constant 0 : i32
      %dma_start3A_220 = tpu.memref_slice %arg10[%add3A_212, %dma_start3A_219] : memref<128x32xf32, #tpu.memory_space<vmem>> -> memref<1x32xf32, #tpu.memory_space<vmem>>
      %dma_start3A_221 = tpu.memref_squeeze %dma_start3A_220 : memref<1x32xf32, #tpu.memory_space<vmem>> -> memref<32xf32, #tpu.memory_space<vmem>>
      %dma_start3A_222 = arith.constant 0 : i32
      %dma_start3A_223 = tpu.memref_slice %arg4[%squeeze3A_208, %dma_start3A_222] : memref<1000000x32xf32, #tpu.memory_space<hbm>> -> memref<1x32xf32, #tpu.memory_space<hbm>>
      %dma_start3A_224 = tpu.memref_squeeze %dma_start3A_223 : memref<1x32xf32, #tpu.memory_space<hbm>> -> memref<32xf32, #tpu.memory_space<hbm>>
      tpu.enqueue_dma source(%dma_start3A_224 : memref<32xf32, #tpu.memory_space<hbm>>) target(%dma_start3A_221 : memref<32xf32, #tpu.memory_space<vmem>>) target_semaphore(%arg14 : memref<!tpu.dma_semaphore, #tpu.memory_space<semaphore_mem>>)
      %slice3A_225 = vector.extract_strided_slice %get3A_119 {offsets = [6], sizes = [1], strides = [1]} : vector<16xi32> to vector<1xi32>
      %squeeze3A_226 = vector.extract %slice3A_225[0] : i32 from vector<1xi32>
      %mul3A_227 = arith.constant 16 : i32
      %mul3A_228 = arith.muli %scan3A_113, %mul3A_227 : i32
      %add3A_229 = arith.constant 6 : i32
      %add3A_230 = arith.addi %mul3A_228, %add3A_229 : i32
      %dma_start3A_231 = arith.constant 0 : i32
      %dma_start3A_232 = tpu.memref_slice %arg10[%add3A_230, %dma_start3A_231] : memref<128x32xf32, #tpu.memory_space<vmem>> -> memref<1x32xf32, #tpu.memory_space<vmem>>
      %dma_start3A_233 = tpu.memref_squeeze %dma_start3A_232 : memref<1x32xf32, #tpu.memory_space<vmem>> -> memref<32xf32, #tpu.memory_space<vmem>>
      %dma_start3A_234 = arith.constant 0 : i32
      %dma_start3A_235 = tpu.memref_slice %arg4[%squeeze3A_226, %dma_start3A_234] : memref<1000000x32xf32, #tpu.memory_space<hbm>> -> memref<1x32xf32, #tpu.memory_space<hbm>>
      %dma_start3A_236 = tpu.memref_squeeze %dma_start3A_235 : memref<1x32xf32, #tpu.memory_space<hbm>> -> memref<32xf32, #tpu.memory_space<hbm>>
      %dma_start3A_237 = arith.constant 0 : i32
      %dma_start3A_238 = tpu.memref_slice %arg10[%add3A_230, %dma_start3A_237] : memref<128x32xf32, #tpu.memory_space<vmem>> -> memref<1x32xf32, #tpu.memory_space<vmem>>
      %dma_start3A_239 = tpu.memref_squeeze %dma_start3A_238 : memref<1x32xf32, #tpu.memory_space<vmem>> -> memref<32xf32, #tpu.memory_space<vmem>>
      %dma_start3A_240 = arith.constant 0 : i32
      %dma_start3A_241 = tpu.memref_slice %arg4[%squeeze3A_226, %dma_start3A_240] : memref<1000000x32xf32, #tpu.memory_space<hbm>> -> memref<1x32xf32, #tpu.memory_space<hbm>>
      %dma_start3A_242 = tpu.memref_squeeze %dma_start3A_241 : memref<1x32xf32, #tpu.memory_space<hbm>> -> memref<32xf32, #tpu.memory_space<hbm>>
      tpu.enqueue_dma source(%dma_start3A_242 : memref<32xf32, #tpu.memory_space<hbm>>) target(%dma_start3A_239 : memref<32xf32, #tpu.memory_space<vmem>>) target_semaphore(%arg14 : memref<!tpu.dma_semaphore, #tpu.memory_space<semaphore_mem>>)
      %slice3A_243 = vector.extract_strided_slice %get3A_119 {offsets = [7], sizes = [1], strides = [1]} : vector<16xi32> to vector<1xi32>
      %squeeze3A_244 = vector.extract %slice3A_243[0] : i32 from vector<1xi32>
      %mul3A_245 = arith.constant 16 : i32
      %mul3A_246 = arith.muli %scan3A_113, %mul3A_245 : i32
      %add3A_247 = arith.constant 7 : i32
      %add3A_248 = arith.addi %mul3A_246, %add3A_247 : i32
      %dma_start3A_249 = arith.constant 0 : i32
      %dma_start3A_250 = tpu.memref_slice %arg10[%add3A_248, %dma_start3A_249] : memref<128x32xf32, #tpu.memory_space<vmem>> -> memref<1x32xf32, #tpu.memory_space<vmem>>
      %dma_start3A_251 = tpu.memref_squeeze %dma_start3A_250 : memref<1x32xf32, #tpu.memory_space<vmem>> -> memref<32xf32, #tpu.memory_space<vmem>>
      %dma_start3A_252 = arith.constant 0 : i32
      %dma_start3A_253 = tpu.memref_slice %arg4[%squeeze3A_244, %dma_start3A_252] : memref<1000000x32xf32, #tpu.memory_space<hbm>> -> memref<1x32xf32, #tpu.memory_space<hbm>>
      %dma_start3A_254 = tpu.memref_squeeze %dma_start3A_253 : memref<1x32xf32, #tpu.memory_space<hbm>> -> memref<32xf32, #tpu.memory_space<hbm>>
      %dma_start3A_255 = arith.constant 0 : i32
      %dma_start3A_256 = tpu.memref_slice %arg10[%add3A_248, %dma_start3A_255] : memref<128x32xf32, #tpu.memory_space<vmem>> -> memref<1x32xf32, #tpu.memory_space<vmem>>
      %dma_start3A_257 = tpu.memref_squeeze %dma_start3A_256 : memref<1x32xf32, #tpu.memory_space<vmem>> -> memref<32xf32, #tpu.memory_space<vmem>>
      %dma_start3A_258 = arith.constant 0 : i32
      %dma_start3A_259 = tpu.memref_slice %arg4[%squeeze3A_244, %dma_start3A_258] : memref<1000000x32xf32, #tpu.memory_space<hbm>> -> memref<1x32xf32, #tpu.memory_space<hbm>>
      %dma_start3A_260 = tpu.memref_squeeze %dma_start3A_259 : memref<1x32xf32, #tpu.memory_space<hbm>> -> memref<32xf32, #tpu.memory_space<hbm>>
      tpu.enqueue_dma source(%dma_start3A_260 : memref<32xf32, #tpu.memory_space<hbm>>) target(%dma_start3A_257 : memref<32xf32, #tpu.memory_space<vmem>>) target_semaphore(%arg14 : memref<!tpu.dma_semaphore, #tpu.memory_space<semaphore_mem>>)
      %slice3A_261 = vector.extract_strided_slice %get3A_119 {offsets = [8], sizes = [1], strides = [1]} : vector<16xi32> to vector<1xi32>
      %squeeze3A_262 = vector.extract %slice3A_261[0] : i32 from vector<1xi32>
      %mul3A_263 = arith.constant 16 : i32
      %mul3A_264 = arith.muli %scan3A_113, %mul3A_263 : i32
      %add3A_265 = arith.constant 8 : i32
      %add3A_266 = arith.addi %mul3A_264, %add3A_265 : i32
      %dma_start3A_267 = arith.constant 0 : i32
      %dma_start3A_268 = tpu.memref_slice %arg10[%add3A_266, %dma_start3A_267] : memref<128x32xf32, #tpu.memory_space<vmem>> -> memref<1x32xf32, #tpu.memory_space<vmem>>
      %dma_start3A_269 = tpu.memref_squeeze %dma_start3A_268 : memref<1x32xf32, #tpu.memory_space<vmem>> -> memref<32xf32, #tpu.memory_space<vmem>>
      %dma_start3A_270 = arith.constant 0 : i32
      %dma_start3A_271 = tpu.memref_slice %arg4[%squeeze3A_262, %dma_start3A_270] : memref<1000000x32xf32, #tpu.memory_space<hbm>> -> memref<1x32xf32, #tpu.memory_space<hbm>>
      %dma_start3A_272 = tpu.memref_squeeze %dma_start3A_271 : memref<1x32xf32, #tpu.memory_space<hbm>> -> memref<32xf32, #tpu.memory_space<hbm>>
      %dma_start3A_273 = arith.constant 0 : i32
      %dma_start3A_274 = tpu.memref_slice %arg10[%add3A_266, %dma_start3A_273] : memref<128x32xf32, #tpu.memory_space<vmem>> -> memref<1x32xf32, #tpu.memory_space<vmem>>
      %dma_start3A_275 = tpu.memref_squeeze %dma_start3A_274 : memref<1x32xf32, #tpu.memory_space<vmem>> -> memref<32xf32, #tpu.memory_space<vmem>>
      %dma_start3A_276 = arith.constant 0 : i32
      %dma_start3A_277 = tpu.memref_slice %arg4[%squeeze3A_262, %dma_start3A_276] : memref<1000000x32xf32, #tpu.memory_space<hbm>> -> memref<1x32xf32, #tpu.memory_space<hbm>>
      %dma_start3A_278 = tpu.memref_squeeze %dma_start3A_277 : memref<1x32xf32, #tpu.memory_space<hbm>> -> memref<32xf32, #tpu.memory_space<hbm>>
      tpu.enqueue_dma source(%dma_start3A_278 : memref<32xf32, #tpu.memory_space<hbm>>) target(%dma_start3A_275 : memref<32xf32, #tpu.memory_space<vmem>>) target_semaphore(%arg14 : memref<!tpu.dma_semaphore, #tpu.memory_space<semaphore_mem>>)
      %slice3A_279 = vector.extract_strided_slice %get3A_119 {offsets = [9], sizes = [1], strides = [1]} : vector<16xi32> to vector<1xi32>
      %squeeze3A_280 = vector.extract %slice3A_279[0] : i32 from vector<1xi32>
      %mul3A_281 = arith.constant 16 : i32
      %mul3A_282 = arith.muli %scan3A_113, %mul3A_281 : i32
      %add3A_283 = arith.constant 9 : i32
      %add3A_284 = arith.addi %mul3A_282, %add3A_283 : i32
      %dma_start3A_285 = arith.constant 0 : i32
      %dma_start3A_286 = tpu.memref_slice %arg10[%add3A_284, %dma_start3A_285] : memref<128x32xf32, #tpu.memory_space<vmem>> -> memref<1x32xf32, #tpu.memory_space<vmem>>
      %dma_start3A_287 = tpu.memref_squeeze %dma_start3A_286 : memref<1x32xf32, #tpu.memory_space<vmem>> -> memref<32xf32, #tpu.memory_space<vmem>>
      %dma_start3A_288 = arith.constant 0 : i32
      %dma_start3A_289 = tpu.memref_slice %arg4[%squeeze3A_280, %dma_start3A_288] : memref<1000000x32xf32, #tpu.memory_space<hbm>> -> memref<1x32xf32, #tpu.memory_space<hbm>>
      %dma_start3A_290 = tpu.memref_squeeze %dma_start3A_289 : memref<1x32xf32, #tpu.memory_space<hbm>> -> memref<32xf32, #tpu.memory_space<hbm>>
      %dma_start3A_291 = arith.constant 0 : i32
      %dma_start3A_292 = tpu.memref_slice %arg10[%add3A_284, %dma_start3A_291] : memref<128x32xf32, #tpu.memory_space<vmem>> -> memref<1x32xf32, #tpu.memory_space<vmem>>
      %dma_start3A_293 = tpu.memref_squeeze %dma_start3A_292 : memref<1x32xf32, #tpu.memory_space<vmem>> -> memref<32xf32, #tpu.memory_space<vmem>>
      %dma_start3A_294 = arith.constant 0 : i32
      %dma_start3A_295 = tpu.memref_slice %arg4[%squeeze3A_280, %dma_start3A_294] : memref<1000000x32xf32, #tpu.memory_space<hbm>> -> memref<1x32xf32, #tpu.memory_space<hbm>>
      %dma_start3A_296 = tpu.memref_squeeze %dma_start3A_295 : memref<1x32xf32, #tpu.memory_space<hbm>> -> memref<32xf32, #tpu.memory_space<hbm>>
      tpu.enqueue_dma source(%dma_start3A_296 : memref<32xf32, #tpu.memory_space<hbm>>) target(%dma_start3A_293 : memref<32xf32, #tpu.memory_space<vmem>>) target_semaphore(%arg14 : memref<!tpu.dma_semaphore, #tpu.memory_space<semaphore_mem>>)
      %slice3A_297 = vector.extract_strided_slice %get3A_119 {offsets = [10], sizes = [1], strides = [1]} : vector<16xi32> to vector<1xi32>
      %squeeze3A_298 = vector.extract %slice3A_297[0] : i32 from vector<1xi32>
      %mul3A_299 = arith.constant 16 : i32
      %mul3A_300 = arith.muli %scan3A_113, %mul3A_299 : i32
      %add3A_301 = arith.constant 10 : i32
      %add3A_302 = arith.addi %mul3A_300, %add3A_301 : i32
      %dma_start3A_303 = arith.constant 0 : i32
      %dma_start3A_304 = tpu.memref_slice %arg10[%add3A_302, %dma_start3A_303] : memref<128x32xf32, #tpu.memory_space<vmem>> -> memref<1x32xf32, #tpu.memory_space<vmem>>
      %dma_start3A_305 = tpu.memref_squeeze %dma_start3A_304 : memref<1x32xf32, #tpu.memory_space<vmem>> -> memref<32xf32, #tpu.memory_space<vmem>>
      %dma_start3A_306 = arith.constant 0 : i32
      %dma_start3A_307 = tpu.memref_slice %arg4[%squeeze3A_298, %dma_start3A_306] : memref<1000000x32xf32, #tpu.memory_space<hbm>> -> memref<1x32xf32, #tpu.memory_space<hbm>>
      %dma_start3A_308 = tpu.memref_squeeze %dma_start3A_307 : memref<1x32xf32, #tpu.memory_space<hbm>> -> memref<32xf32, #tpu.memory_space<hbm>>
      %dma_start3A_309 = arith.constant 0 : i32
      %dma_start3A_310 = tpu.memref_slice %arg10[%add3A_302, %dma_start3A_309] : memref<128x32xf32, #tpu.memory_space<vmem>> -> memref<1x32xf32, #tpu.memory_space<vmem>>
      %dma_start3A_311 = tpu.memref_squeeze %dma_start3A_310 : memref<1x32xf32, #tpu.memory_space<vmem>> -> memref<32xf32, #tpu.memory_space<vmem>>
      %dma_start3A_312 = arith.constant 0 : i32
      %dma_start3A_313 = tpu.memref_slice %arg4[%squeeze3A_298, %dma_start3A_312] : memref<1000000x32xf32, #tpu.memory_space<hbm>> -> memref<1x32xf32, #tpu.memory_space<hbm>>
      %dma_start3A_314 = tpu.memref_squeeze %dma_start3A_313 : memref<1x32xf32, #tpu.memory_space<hbm>> -> memref<32xf32, #tpu.memory_space<hbm>>
      tpu.enqueue_dma source(%dma_start3A_314 : memref<32xf32, #tpu.memory_space<hbm>>) target(%dma_start3A_311 : memref<32xf32, #tpu.memory_space<vmem>>) target_semaphore(%arg14 : memref<!tpu.dma_semaphore, #tpu.memory_space<semaphore_mem>>)
      %slice3A_315 = vector.extract_strided_slice %get3A_119 {offsets = [11], sizes = [1], strides = [1]} : vector<16xi32> to vector<1xi32>
      %squeeze3A_316 = vector.extract %slice3A_315[0] : i32 from vector<1xi32>
      %mul3A_317 = arith.constant 16 : i32
      %mul3A_318 = arith.muli %scan3A_113, %mul3A_317 : i32
      %add3A_319 = arith.constant 11 : i32
      %add3A_320 = arith.addi %mul3A_318, %add3A_319 : i32
      %dma_start3A_321 = arith.constant 0 : i32
      %dma_start3A_322 = tpu.memref_slice %arg10[%add3A_320, %dma_start3A_321] : memref<128x32xf32, #tpu.memory_space<vmem>> -> memref<1x32xf32, #tpu.memory_space<vmem>>
      %dma_start3A_323 = tpu.memref_squeeze %dma_start3A_322 : memref<1x32xf32, #tpu.memory_space<vmem>> -> memref<32xf32, #tpu.memory_space<vmem>>
      %dma_start3A_324 = arith.constant 0 : i32
      %dma_start3A_325 = tpu.memref_slice %arg4[%squeeze3A_316, %dma_start3A_324] : memref<1000000x32xf32, #tpu.memory_space<hbm>> -> memref<1x32xf32, #tpu.memory_space<hbm>>
      %dma_start3A_326 = tpu.memref_squeeze %dma_start3A_325 : memref<1x32xf32, #tpu.memory_space<hbm>> -> memref<32xf32, #tpu.memory_space<hbm>>
      %dma_start3A_327 = arith.constant 0 : i32
      %dma_start3A_328 = tpu.memref_slice %arg10[%add3A_320, %dma_start3A_327] : memref<128x32xf32, #tpu.memory_space<vmem>> -> memref<1x32xf32, #tpu.memory_space<vmem>>
      %dma_start3A_329 = tpu.memref_squeeze %dma_start3A_328 : memref<1x32xf32, #tpu.memory_space<vmem>> -> memref<32xf32, #tpu.memory_space<vmem>>
      %dma_start3A_330 = arith.constant 0 : i32
      %dma_start3A_331 = tpu.memref_slice %arg4[%squeeze3A_316, %dma_start3A_330] : memref<1000000x32xf32, #tpu.memory_space<hbm>> -> memref<1x32xf32, #tpu.memory_space<hbm>>
      %dma_start3A_332 = tpu.memref_squeeze %dma_start3A_331 : memref<1x32xf32, #tpu.memory_space<hbm>> -> memref<32xf32, #tpu.memory_space<hbm>>
      tpu.enqueue_dma source(%dma_start3A_332 : memref<32xf32, #tpu.memory_space<hbm>>) target(%dma_start3A_329 : memref<32xf32, #tpu.memory_space<vmem>>) target_semaphore(%arg14 : memref<!tpu.dma_semaphore, #tpu.memory_space<semaphore_mem>>)
      %slice3A_333 = vector.extract_strided_slice %get3A_119 {offsets = [12], sizes = [1], strides = [1]} : vector<16xi32> to vector<1xi32>
      %squeeze3A_334 = vector.extract %slice3A_333[0] : i32 from vector<1xi32>
      %mul3A_335 = arith.constant 16 : i32
      %mul3A_336 = arith.muli %scan3A_113, %mul3A_335 : i32
      %add3A_337 = arith.constant 12 : i32
      %add3A_338 = arith.addi %mul3A_336, %add3A_337 : i32
      %dma_start3A_339 = arith.constant 0 : i32
      %dma_start3A_340 = tpu.memref_slice %arg10[%add3A_338, %dma_start3A_339] : memref<128x32xf32, #tpu.memory_space<vmem>> -> memref<1x32xf32, #tpu.memory_space<vmem>>
      %dma_start3A_341 = tpu.memref_squeeze %dma_start3A_340 : memref<1x32xf32, #tpu.memory_space<vmem>> -> memref<32xf32, #tpu.memory_space<vmem>>
      %dma_start3A_342 = arith.constant 0 : i32
      %dma_start3A_343 = tpu.memref_slice %arg4[%squeeze3A_334, %dma_start3A_342] : memref<1000000x32xf32, #tpu.memory_space<hbm>> -> memref<1x32xf32, #tpu.memory_space<hbm>>
      %dma_start3A_344 = tpu.memref_squeeze %dma_start3A_343 : memref<1x32xf32, #tpu.memory_space<hbm>> -> memref<32xf32, #tpu.memory_space<hbm>>
      %dma_start3A_345 = arith.constant 0 : i32
      %dma_start3A_346 = tpu.memref_slice %arg10[%add3A_338, %dma_start3A_345] : memref<128x32xf32, #tpu.memory_space<vmem>> -> memref<1x32xf32, #tpu.memory_space<vmem>>
      %dma_start3A_347 = tpu.memref_squeeze %dma_start3A_346 : memref<1x32xf32, #tpu.memory_space<vmem>> -> memref<32xf32, #tpu.memory_space<vmem>>
      %dma_start3A_348 = arith.constant 0 : i32
      %dma_start3A_349 = tpu.memref_slice %arg4[%squeeze3A_334, %dma_start3A_348] : memref<1000000x32xf32, #tpu.memory_space<hbm>> -> memref<1x32xf32, #tpu.memory_space<hbm>>
      %dma_start3A_350 = tpu.memref_squeeze %dma_start3A_349 : memref<1x32xf32, #tpu.memory_space<hbm>> -> memref<32xf32, #tpu.memory_space<hbm>>
      tpu.enqueue_dma source(%dma_start3A_350 : memref<32xf32, #tpu.memory_space<hbm>>) target(%dma_start3A_347 : memref<32xf32, #tpu.memory_space<vmem>>) target_semaphore(%arg14 : memref<!tpu.dma_semaphore, #tpu.memory_space<semaphore_mem>>)
      %slice3A_351 = vector.extract_strided_slice %get3A_119 {offsets = [13], sizes = [1], strides = [1]} : vector<16xi32> to vector<1xi32>
      %squeeze3A_352 = vector.extract %slice3A_351[0] : i32 from vector<1xi32>
      %mul3A_353 = arith.constant 16 : i32
      %mul3A_354 = arith.muli %scan3A_113, %mul3A_353 : i32
      %add3A_355 = arith.constant 13 : i32
      %add3A_356 = arith.addi %mul3A_354, %add3A_355 : i32
      %dma_start3A_357 = arith.constant 0 : i32
      %dma_start3A_358 = tpu.memref_slice %arg10[%add3A_356, %dma_start3A_357] : memref<128x32xf32, #tpu.memory_space<vmem>> -> memref<1x32xf32, #tpu.memory_space<vmem>>
      %dma_start3A_359 = tpu.memref_squeeze %dma_start3A_358 : memref<1x32xf32, #tpu.memory_space<vmem>> -> memref<32xf32, #tpu.memory_space<vmem>>
      %dma_start3A_360 = arith.constant 0 : i32
      %dma_start3A_361 = tpu.memref_slice %arg4[%squeeze3A_352, %dma_start3A_360] : memref<1000000x32xf32, #tpu.memory_space<hbm>> -> memref<1x32xf32, #tpu.memory_space<hbm>>
      %dma_start3A_362 = tpu.memref_squeeze %dma_start3A_361 : memref<1x32xf32, #tpu.memory_space<hbm>> -> memref<32xf32, #tpu.memory_space<hbm>>
      %dma_start3A_363 = arith.constant 0 : i32
      %dma_start3A_364 = tpu.memref_slice %arg10[%add3A_356, %dma_start3A_363] : memref<128x32xf32, #tpu.memory_space<vmem>> -> memref<1x32xf32, #tpu.memory_space<vmem>>
      %dma_start3A_365 = tpu.memref_squeeze %dma_start3A_364 : memref<1x32xf32, #tpu.memory_space<vmem>> -> memref<32xf32, #tpu.memory_space<vmem>>
      %dma_start3A_366 = arith.constant 0 : i32
      %dma_start3A_367 = tpu.memref_slice %arg4[%squeeze3A_352, %dma_start3A_366] : memref<1000000x32xf32, #tpu.memory_space<hbm>> -> memref<1x32xf32, #tpu.memory_space<hbm>>
      %dma_start3A_368 = tpu.memref_squeeze %dma_start3A_367 : memref<1x32xf32, #tpu.memory_space<hbm>> -> memref<32xf32, #tpu.memory_space<hbm>>
      tpu.enqueue_dma source(%dma_start3A_368 : memref<32xf32, #tpu.memory_space<hbm>>) target(%dma_start3A_365 : memref<32xf32, #tpu.memory_space<vmem>>) target_semaphore(%arg14 : memref<!tpu.dma_semaphore, #tpu.memory_space<semaphore_mem>>)
      %slice3A_369 = vector.extract_strided_slice %get3A_119 {offsets = [14], sizes = [1], strides = [1]} : vector<16xi32> to vector<1xi32>
      %squeeze3A_370 = vector.extract %slice3A_369[0] : i32 from vector<1xi32>
      %mul3A_371 = arith.constant 16 : i32
      %mul3A_372 = arith.muli %scan3A_113, %mul3A_371 : i32
      %add3A_373 = arith.constant 14 : i32
      %add3A_374 = arith.addi %mul3A_372, %add3A_373 : i32
      %dma_start3A_375 = arith.constant 0 : i32
      %dma_start3A_376 = tpu.memref_slice %arg10[%add3A_374, %dma_start3A_375] : memref<128x32xf32, #tpu.memory_space<vmem>> -> memref<1x32xf32, #tpu.memory_space<vmem>>
      %dma_start3A_377 = tpu.memref_squeeze %dma_start3A_376 : memref<1x32xf32, #tpu.memory_space<vmem>> -> memref<32xf32, #tpu.memory_space<vmem>>
      %dma_start3A_378 = arith.constant 0 : i32
      %dma_start3A_379 = tpu.memref_slice %arg4[%squeeze3A_370, %dma_start3A_378] : memref<1000000x32xf32, #tpu.memory_space<hbm>> -> memref<1x32xf32, #tpu.memory_space<hbm>>
      %dma_start3A_380 = tpu.memref_squeeze %dma_start3A_379 : memref<1x32xf32, #tpu.memory_space<hbm>> -> memref<32xf32, #tpu.memory_space<hbm>>
      %dma_start3A_381 = arith.constant 0 : i32
      %dma_start3A_382 = tpu.memref_slice %arg10[%add3A_374, %dma_start3A_381] : memref<128x32xf32, #tpu.memory_space<vmem>> -> memref<1x32xf32, #tpu.memory_space<vmem>>
      %dma_start3A_383 = tpu.memref_squeeze %dma_start3A_382 : memref<1x32xf32, #tpu.memory_space<vmem>> -> memref<32xf32, #tpu.memory_space<vmem>>
      %dma_start3A_384 = arith.constant 0 : i32
      %dma_start3A_385 = tpu.memref_slice %arg4[%squeeze3A_370, %dma_start3A_384] : memref<1000000x32xf32, #tpu.memory_space<hbm>> -> memref<1x32xf32, #tpu.memory_space<hbm>>
      %dma_start3A_386 = tpu.memref_squeeze %dma_start3A_385 : memref<1x32xf32, #tpu.memory_space<hbm>> -> memref<32xf32, #tpu.memory_space<hbm>>
      tpu.enqueue_dma source(%dma_start3A_386 : memref<32xf32, #tpu.memory_space<hbm>>) target(%dma_start3A_383 : memref<32xf32, #tpu.memory_space<vmem>>) target_semaphore(%arg14 : memref<!tpu.dma_semaphore, #tpu.memory_space<semaphore_mem>>)
      %slice3A_387 = vector.extract_strided_slice %get3A_119 {offsets = [15], sizes = [1], strides = [1]} : vector<16xi32> to vector<1xi32>
      %squeeze3A_388 = vector.extract %slice3A_387[0] : i32 from vector<1xi32>
      %mul3A_389 = arith.constant 16 : i32
      %mul3A_390 = arith.muli %scan3A_113, %mul3A_389 : i32
      %add3A_391 = arith.constant 15 : i32
      %add3A_392 = arith.addi %mul3A_390, %add3A_391 : i32
      %dma_start3A_393 = arith.constant 0 : i32
      %dma_start3A_394 = tpu.memref_slice %arg10[%add3A_392, %dma_start3A_393] : memref<128x32xf32, #tpu.memory_space<vmem>> -> memref<1x32xf32, #tpu.memory_space<vmem>>
      %dma_start3A_395 = tpu.memref_squeeze %dma_start3A_394 : memref<1x32xf32, #tpu.memory_space<vmem>> -> memref<32xf32, #tpu.memory_space<vmem>>
      %dma_start3A_396 = arith.constant 0 : i32
      %dma_start3A_397 = tpu.memref_slice %arg4[%squeeze3A_388, %dma_start3A_396] : memref<1000000x32xf32, #tpu.memory_space<hbm>> -> memref<1x32xf32, #tpu.memory_space<hbm>>
      %dma_start3A_398 = tpu.memref_squeeze %dma_start3A_397 : memref<1x32xf32, #tpu.memory_space<hbm>> -> memref<32xf32, #tpu.memory_space<hbm>>
      %dma_start3A_399 = arith.constant 0 : i32
      %dma_start3A_400 = tpu.memref_slice %arg10[%add3A_392, %dma_start3A_399] : memref<128x32xf32, #tpu.memory_space<vmem>> -> memref<1x32xf32, #tpu.memory_space<vmem>>
      %dma_start3A_401 = tpu.memref_squeeze %dma_start3A_400 : memref<1x32xf32, #tpu.memory_space<vmem>> -> memref<32xf32, #tpu.memory_space<vmem>>
      %dma_start3A_402 = arith.constant 0 : i32
      %dma_start3A_403 = tpu.memref_slice %arg4[%squeeze3A_388, %dma_start3A_402] : memref<1000000x32xf32, #tpu.memory_space<hbm>> -> memref<1x32xf32, #tpu.memory_space<hbm>>
      %dma_start3A_404 = tpu.memref_squeeze %dma_start3A_403 : memref<1x32xf32, #tpu.memory_space<hbm>> -> memref<32xf32, #tpu.memory_space<hbm>>
      tpu.enqueue_dma source(%dma_start3A_404 : memref<32xf32, #tpu.memory_space<hbm>>) target(%dma_start3A_401 : memref<32xf32, #tpu.memory_space<vmem>>) target_semaphore(%arg14 : memref<!tpu.dma_semaphore, #tpu.memory_space<semaphore_mem>>)
    }
    %scan3A_7 = arith.constant 8 : i32
    %scan3A_8 = arith.constant 0 : i32
    %scan3A_9 = arith.constant 0 : i32
    %scan3A_10 = arith.constant 8 : i32
    %scan3A_11 = arith.addi %scan3A_9, %scan3A_10 : i32
    %scan3A_12 = arith.constant 1 : i32
    scf.for %scan3A_113 = %scan3A_9 to %scan3A_11 step %scan3A_12  : i32 {
      %mul3A_114 = arith.constant 16 : i32
      %mul3A_115 = arith.muli %scan3A_113, %mul3A_114 : i32
      %add3A_116 = arith.constant 128 : i32
      %add3A_117 = arith.addi %add3A_116, %mul3A_115 : i32
      %get3A = arith.index_cast %add3A_117 : i32 to index
      %get3A_118 = tpu.vector_load %arg8[%get3A] {strides = array<i32>} : memref<512xi32, #tpu.memory_space<vmem>>, vector<16xi32>,
      %get3A_119 = vector.shape_cast %get3A_118 : vector<16xi32> to vector<16xi32>
      %slice3A = vector.extract_strided_slice %get3A_119 {offsets = [0], sizes = [1], strides = [1]} : vector<16xi32> to vector<1xi32>
      %squeeze3A = vector.extract %slice3A[0] : i32 from vector<1xi32>
      %mul3A_120 = arith.constant 16 : i32
      %mul3A_121 = arith.muli %scan3A_113, %mul3A_120 : i32
      %add3A_122 = arith.constant 0 : i32
      %add3A_123 = arith.addi %mul3A_121, %add3A_122 : i32
      %dma_start3A = arith.constant 0 : i32
      %dma_start3A_124 = tpu.memref_slice %arg12[%add3A_123, %dma_start3A] : memref<128x32xf32, #tpu.memory_space<vmem>> -> memref<1x32xf32, #tpu.memory_space<vmem>>
      %dma_start3A_125 = tpu.memref_squeeze %dma_start3A_124 : memref<1x32xf32, #tpu.memory_space<vmem>> -> memref<32xf32, #tpu.memory_space<vmem>>
      %dma_start3A_126 = arith.constant 0 : i32
      %dma_start3A_127 = tpu.memref_slice %arg4[%squeeze3A, %dma_start3A_126] : memref<1000000x32xf32, #tpu.memory_space<hbm>> -> memref<1x32xf32, #tpu.memory_space<hbm>>
      %dma_start3A_128 = tpu.memref_squeeze %dma_start3A_127 : memref<1x32xf32, #tpu.memory_space<hbm>> -> memref<32xf32, #tpu.memory_space<hbm>>
      %dma_start3A_129 = arith.constant 0 : i32
      %dma_start3A_130 = tpu.memref_slice %arg12[%add3A_123, %dma_start3A_129] : memref<128x32xf32, #tpu.memory_space<vmem>> -> memref<1x32xf32, #tpu.memory_space<vmem>>
      %dma_start3A_131 = tpu.memref_squeeze %dma_start3A_130 : memref<1x32xf32, #tpu.memory_space<vmem>> -> memref<32xf32, #tpu.memory_space<vmem>>
      %dma_start3A_132 = arith.constant 0 : i32
      %dma_start3A_133 = tpu.memref_slice %arg4[%squeeze3A, %dma_start3A_132] : memref<1000000x32xf32, #tpu.memory_space<hbm>> -> memref<1x32xf32, #tpu.memory_space<hbm>>
      %dma_start3A_134 = tpu.memref_squeeze %dma_start3A_133 : memref<1x32xf32, #tpu.memory_space<hbm>> -> memref<32xf32, #tpu.memory_space<hbm>>
      tpu.enqueue_dma source(%dma_start3A_134 : memref<32xf32, #tpu.memory_space<hbm>>) target(%dma_start3A_131 : memref<32xf32, #tpu.memory_space<vmem>>) target_semaphore(%arg16 : memref<!tpu.dma_semaphore, #tpu.memory_space<semaphore_mem>>)
      %slice3A_135 = vector.extract_strided_slice %get3A_119 {offsets = [1], sizes = [1], strides = [1]} : vector<16xi32> to vector<1xi32>
      %squeeze3A_136 = vector.extract %slice3A_135[0] : i32 from vector<1xi32>
      %mul3A_137 = arith.constant 16 : i32
      %mul3A_138 = arith.muli %scan3A_113, %mul3A_137 : i32
      %add3A_139 = arith.constant 1 : i32
      %add3A_140 = arith.addi %mul3A_138, %add3A_139 : i32
      %dma_start3A_141 = arith.constant 0 : i32
      %dma_start3A_142 = tpu.memref_slice %arg12[%add3A_140, %dma_start3A_141] : memref<128x32xf32, #tpu.memory_space<vmem>> -> memref<1x32xf32, #tpu.memory_space<vmem>>
      %dma_start3A_143 = tpu.memref_squeeze %dma_start3A_142 : memref<1x32xf32, #tpu.memory_space<vmem>> -> memref<32xf32, #tpu.memory_space<vmem>>
      %dma_start3A_144 = arith.constant 0 : i32
      %dma_start3A_145 = tpu.memref_slice %arg4[%squeeze3A_136, %dma_start3A_144] : memref<1000000x32xf32, #tpu.memory_space<hbm>> -> memref<1x32xf32, #tpu.memory_space<hbm>>
      %dma_start3A_146 = tpu.memref_squeeze %dma_start3A_145 : memref<1x32xf32, #tpu.memory_space<hbm>> -> memref<32xf32, #tpu.memory_space<hbm>>
      %dma_start3A_147 = arith.constant 0 : i32
      %dma_start3A_148 = tpu.memref_slice %arg12[%add3A_140, %dma_start3A_147] : memref<128x32xf32, #tpu.memory_space<vmem>> -> memref<1x32xf32, #tpu.memory_space<vmem>>
      %dma_start3A_149 = tpu.memref_squeeze %dma_start3A_148 : memref<1x32xf32, #tpu.memory_space<vmem>> -> memref<32xf32, #tpu.memory_space<vmem>>
      %dma_start3A_150 = arith.constant 0 : i32
      %dma_start3A_151 = tpu.memref_slice %arg4[%squeeze3A_136, %dma_start3A_150] : memref<1000000x32xf32, #tpu.memory_space<hbm>> -> memref<1x32xf32, #tpu.memory_space<hbm>>
      %dma_start3A_152 = tpu.memref_squeeze %dma_start3A_151 : memref<1x32xf32, #tpu.memory_space<hbm>> -> memref<32xf32, #tpu.memory_space<hbm>>
      tpu.enqueue_dma source(%dma_start3A_152 : memref<32xf32, #tpu.memory_space<hbm>>) target(%dma_start3A_149 : memref<32xf32, #tpu.memory_space<vmem>>) target_semaphore(%arg16 : memref<!tpu.dma_semaphore, #tpu.memory_space<semaphore_mem>>)
      %slice3A_153 = vector.extract_strided_slice %get3A_119 {offsets = [2], sizes = [1], strides = [1]} : vector<16xi32> to vector<1xi32>
      %squeeze3A_154 = vector.extract %slice3A_153[0] : i32 from vector<1xi32>
      %mul3A_155 = arith.constant 16 : i32
      %mul3A_156 = arith.muli %scan3A_113, %mul3A_155 : i32
      %add3A_157 = arith.constant 2 : i32
      %add3A_158 = arith.addi %mul3A_156, %add3A_157 : i32
      %dma_start3A_159 = arith.constant 0 : i32
      %dma_start3A_160 = tpu.memref_slice %arg12[%add3A_158, %dma_start3A_159] : memref<128x32xf32, #tpu.memory_space<vmem>> -> memref<1x32xf32, #tpu.memory_space<vmem>>
      %dma_start3A_161 = tpu.memref_squeeze %dma_start3A_160 : memref<1x32xf32, #tpu.memory_space<vmem>> -> memref<32xf32, #tpu.memory_space<vmem>>
      %dma_start3A_162 = arith.constant 0 : i32
      %dma_start3A_163 = tpu.memref_slice %arg4[%squeeze3A_154, %dma_start3A_162] : memref<1000000x32xf32, #tpu.memory_space<hbm>> -> memref<1x32xf32, #tpu.memory_space<hbm>>
      %dma_start3A_164 = tpu.memref_squeeze %dma_start3A_163 : memref<1x32xf32, #tpu.memory_space<hbm>> -> memref<32xf32, #tpu.memory_space<hbm>>
      %dma_start3A_165 = arith.constant 0 : i32
      %dma_start3A_166 = tpu.memref_slice %arg12[%add3A_158, %dma_start3A_165] : memref<128x32xf32, #tpu.memory_space<vmem>> -> memref<1x32xf32, #tpu.memory_space<vmem>>
      %dma_start3A_167 = tpu.memref_squeeze %dma_start3A_166 : memref<1x32xf32, #tpu.memory_space<vmem>> -> memref<32xf32, #tpu.memory_space<vmem>>
      %dma_start3A_168 = arith.constant 0 : i32
      %dma_start3A_169 = tpu.memref_slice %arg4[%squeeze3A_154, %dma_start3A_168] : memref<1000000x32xf32, #tpu.memory_space<hbm>> -> memref<1x32xf32, #tpu.memory_space<hbm>>
      %dma_start3A_170 = tpu.memref_squeeze %dma_start3A_169 : memref<1x32xf32, #tpu.memory_space<hbm>> -> memref<32xf32, #tpu.memory_space<hbm>>
      tpu.enqueue_dma source(%dma_start3A_170 : memref<32xf32, #tpu.memory_space<hbm>>) target(%dma_start3A_167 : memref<32xf32, #tpu.memory_space<vmem>>) target_semaphore(%arg16 : memref<!tpu.dma_semaphore, #tpu.memory_space<semaphore_mem>>)
      %slice3A_171 = vector.extract_strided_slice %get3A_119 {offsets = [3], sizes = [1], strides = [1]} : vector<16xi32> to vector<1xi32>
      %squeeze3A_172 = vector.extract %slice3A_171[0] : i32 from vector<1xi32>
      %mul3A_173 = arith.constant 16 : i32
      %mul3A_174 = arith.muli %scan3A_113, %mul3A_173 : i32
      %add3A_175 = arith.constant 3 : i32
      %add3A_176 = arith.addi %mul3A_174, %add3A_175 : i32
      %dma_start3A_177 = arith.constant 0 : i32
      %dma_start3A_178 = tpu.memref_slice %arg12[%add3A_176, %dma_start3A_177] : memref<128x32xf32, #tpu.memory_space<vmem>> -> memref<1x32xf32, #tpu.memory_space<vmem>>
      %dma_start3A_179 = tpu.memref_squeeze %dma_start3A_178 : memref<1x32xf32, #tpu.memory_space<vmem>> -> memref<32xf32, #tpu.memory_space<vmem>>
      %dma_start3A_180 = arith.constant 0 : i32
      %dma_start3A_181 = tpu.memref_slice %arg4[%squeeze3A_172, %dma_start3A_180] : memref<1000000x32xf32, #tpu.memory_space<hbm>> -> memref<1x32xf32, #tpu.memory_space<hbm>>
      %dma_start3A_182 = tpu.memref_squeeze %dma_start3A_181 : memref<1x32xf32, #tpu.memory_space<hbm>> -> memref<32xf32, #tpu.memory_space<hbm>>
      %dma_start3A_183 = arith.constant 0 : i32
      %dma_start3A_184 = tpu.memref_slice %arg12[%add3A_176, %dma_start3A_183] : memref<128x32xf32, #tpu.memory_space<vmem>> -> memref<1x32xf32, #tpu.memory_space<vmem>>
      %dma_start3A_185 = tpu.memref_squeeze %dma_start3A_184 : memref<1x32xf32, #tpu.memory_space<vmem>> -> memref<32xf32, #tpu.memory_space<vmem>>
      %dma_start3A_186 = arith.constant 0 : i32
      %dma_start3A_187 = tpu.memref_slice %arg4[%squeeze3A_172, %dma_start3A_186] : memref<1000000x32xf32, #tpu.memory_space<hbm>> -> memref<1x32xf32, #tpu.memory_space<hbm>>
      %dma_start3A_188 = tpu.memref_squeeze %dma_start3A_187 : memref<1x32xf32, #tpu.memory_space<hbm>> -> memref<32xf32, #tpu.memory_space<hbm>>
      tpu.enqueue_dma source(%dma_start3A_188 : memref<32xf32, #tpu.memory_space<hbm>>) target(%dma_start3A_185 : memref<32xf32, #tpu.memory_space<vmem>>) target_semaphore(%arg16 : memref<!tpu.dma_semaphore, #tpu.memory_space<semaphore_mem>>)
      %slice3A_189 = vector.extract_strided_slice %get3A_119 {offsets = [4], sizes = [1], strides = [1]} : vector<16xi32> to vector<1xi32>
      %squeeze3A_190 = vector.extract %slice3A_189[0] : i32 from vector<1xi32>
      %mul3A_191 = arith.constant 16 : i32
      %mul3A_192 = arith.muli %scan3A_113, %mul3A_191 : i32
      %add3A_193 = arith.constant 4 : i32
      %add3A_194 = arith.addi %mul3A_192, %add3A_193 : i32
      %dma_start3A_195 = arith.constant 0 : i32
      %dma_start3A_196 = tpu.memref_slice %arg12[%add3A_194, %dma_start3A_195] : memref<128x32xf32, #tpu.memory_space<vmem>> -> memref<1x32xf32, #tpu.memory_space<vmem>>
      %dma_start3A_197 = tpu.memref_squeeze %dma_start3A_196 : memref<1x32xf32, #tpu.memory_space<vmem>> -> memref<32xf32, #tpu.memory_space<vmem>>
      %dma_start3A_198 = arith.constant 0 : i32
      %dma_start3A_199 = tpu.memref_slice %arg4[%squeeze3A_190, %dma_start3A_198] : memref<1000000x32xf32, #tpu.memory_space<hbm>> -> memref<1x32xf32, #tpu.memory_space<hbm>>
      %dma_start3A_200 = tpu.memref_squeeze %dma_start3A_199 : memref<1x32xf32, #tpu.memory_space<hbm>> -> memref<32xf32, #tpu.memory_space<hbm>>
      %dma_start3A_201 = arith.constant 0 : i32
      %dma_start3A_202 = tpu.memref_slice %arg12[%add3A_194, %dma_start3A_201] : memref<128x32xf32, #tpu.memory_space<vmem>> -> memref<1x32xf32, #tpu.memory_space<vmem>>
      %dma_start3A_203 = tpu.memref_squeeze %dma_start3A_202 : memref<1x32xf32, #tpu.memory_space<vmem>> -> memref<32xf32, #tpu.memory_space<vmem>>
      %dma_start3A_204 = arith.constant 0 : i32
      %dma_start3A_205 = tpu.memref_slice %arg4[%squeeze3A_190, %dma_start3A_204] : memref<1000000x32xf32, #tpu.memory_space<hbm>> -> memref<1x32xf32, #tpu.memory_space<hbm>>
      %dma_start3A_206 = tpu.memref_squeeze %dma_start3A_205 : memref<1x32xf32, #tpu.memory_space<hbm>> -> memref<32xf32, #tpu.memory_space<hbm>>
      tpu.enqueue_dma source(%dma_start3A_206 : memref<32xf32, #tpu.memory_space<hbm>>) target(%dma_start3A_203 : memref<32xf32, #tpu.memory_space<vmem>>) target_semaphore(%arg16 : memref<!tpu.dma_semaphore, #tpu.memory_space<semaphore_mem>>)
      %slice3A_207 = vector.extract_strided_slice %get3A_119 {offsets = [5], sizes = [1], strides = [1]} : vector<16xi32> to vector<1xi32>
      %squeeze3A_208 = vector.extract %slice3A_207[0] : i32 from vector<1xi32>
      %mul3A_209 = arith.constant 16 : i32
      %mul3A_210 = arith.muli %scan3A_113, %mul3A_209 : i32
      %add3A_211 = arith.constant 5 : i32
      %add3A_212 = arith.addi %mul3A_210, %add3A_211 : i32
      %dma_start3A_213 = arith.constant 0 : i32
      %dma_start3A_214 = tpu.memref_slice %arg12[%add3A_212, %dma_start3A_213] : memref<128x32xf32, #tpu.memory_space<vmem>> -> memref<1x32xf32, #tpu.memory_space<vmem>>
      %dma_start3A_215 = tpu.memref_squeeze %dma_start3A_214 : memref<1x32xf32, #tpu.memory_space<vmem>> -> memref<32xf32, #tpu.memory_space<vmem>>
      %dma_start3A_216 = arith.constant 0 : i32
      %dma_start3A_217 = tpu.memref_slice %arg4[%squeeze3A_208, %dma_start3A_216] : memref<1000000x32xf32, #tpu.memory_space<hbm>> -> memref<1x32xf32, #tpu.memory_space<hbm>>
      %dma_start3A_218 = tpu.memref_squeeze %dma_start3A_217 : memref<1x32xf32, #tpu.memory_space<hbm>> -> memref<32xf32, #tpu.memory_space<hbm>>
      %dma_start3A_219 = arith.constant 0 : i32
      %dma_start3A_220 = tpu.memref_slice %arg12[%add3A_212, %dma_start3A_219] : memref<128x32xf32, #tpu.memory_space<vmem>> -> memref<1x32xf32, #tpu.memory_space<vmem>>
      %dma_start3A_221 = tpu.memref_squeeze %dma_start3A_220 : memref<1x32xf32, #tpu.memory_space<vmem>> -> memref<32xf32, #tpu.memory_space<vmem>>
      %dma_start3A_222 = arith.constant 0 : i32
      %dma_start3A_223 = tpu.memref_slice %arg4[%squeeze3A_208, %dma_start3A_222] : memref<1000000x32xf32, #tpu.memory_space<hbm>> -> memref<1x32xf32, #tpu.memory_space<hbm>>
      %dma_start3A_224 = tpu.memref_squeeze %dma_start3A_223 : memref<1x32xf32, #tpu.memory_space<hbm>> -> memref<32xf32, #tpu.memory_space<hbm>>
      tpu.enqueue_dma source(%dma_start3A_224 : memref<32xf32, #tpu.memory_space<hbm>>) target(%dma_start3A_221 : memref<32xf32, #tpu.memory_space<vmem>>) target_semaphore(%arg16 : memref<!tpu.dma_semaphore, #tpu.memory_space<semaphore_mem>>)
      %slice3A_225 = vector.extract_strided_slice %get3A_119 {offsets = [6], sizes = [1], strides = [1]} : vector<16xi32> to vector<1xi32>
      %squeeze3A_226 = vector.extract %slice3A_225[0] : i32 from vector<1xi32>
      %mul3A_227 = arith.constant 16 : i32
      %mul3A_228 = arith.muli %scan3A_113, %mul3A_227 : i32
      %add3A_229 = arith.constant 6 : i32
      %add3A_230 = arith.addi %mul3A_228, %add3A_229 : i32
      %dma_start3A_231 = arith.constant 0 : i32
      %dma_start3A_232 = tpu.memref_slice %arg12[%add3A_230, %dma_start3A_231] : memref<128x32xf32, #tpu.memory_space<vmem>> -> memref<1x32xf32, #tpu.memory_space<vmem>>
      %dma_start3A_233 = tpu.memref_squeeze %dma_start3A_232 : memref<1x32xf32, #tpu.memory_space<vmem>> -> memref<32xf32, #tpu.memory_space<vmem>>
      %dma_start3A_234 = arith.constant 0 : i32
      %dma_start3A_235 = tpu.memref_slice %arg4[%squeeze3A_226, %dma_start3A_234] : memref<1000000x32xf32, #tpu.memory_space<hbm>> -> memref<1x32xf32, #tpu.memory_space<hbm>>
      %dma_start3A_236 = tpu.memref_squeeze %dma_start3A_235 : memref<1x32xf32, #tpu.memory_space<hbm>> -> memref<32xf32, #tpu.memory_space<hbm>>
      %dma_start3A_237 = arith.constant 0 : i32
      %dma_start3A_238 = tpu.memref_slice %arg12[%add3A_230, %dma_start3A_237] : memref<128x32xf32, #tpu.memory_space<vmem>> -> memref<1x32xf32, #tpu.memory_space<vmem>>
      %dma_start3A_239 = tpu.memref_squeeze %dma_start3A_238 : memref<1x32xf32, #tpu.memory_space<vmem>> -> memref<32xf32, #tpu.memory_space<vmem>>
      %dma_start3A_240 = arith.constant 0 : i32
      %dma_start3A_241 = tpu.memref_slice %arg4[%squeeze3A_226, %dma_start3A_240] : memref<1000000x32xf32, #tpu.memory_space<hbm>> -> memref<1x32xf32, #tpu.memory_space<hbm>>
      %dma_start3A_242 = tpu.memref_squeeze %dma_start3A_241 : memref<1x32xf32, #tpu.memory_space<hbm>> -> memref<32xf32, #tpu.memory_space<hbm>>
      tpu.enqueue_dma source(%dma_start3A_242 : memref<32xf32, #tpu.memory_space<hbm>>) target(%dma_start3A_239 : memref<32xf32, #tpu.memory_space<vmem>>) target_semaphore(%arg16 : memref<!tpu.dma_semaphore, #tpu.memory_space<semaphore_mem>>)
      %slice3A_243 = vector.extract_strided_slice %get3A_119 {offsets = [7], sizes = [1], strides = [1]} : vector<16xi32> to vector<1xi32>
      %squeeze3A_244 = vector.extract %slice3A_243[0] : i32 from vector<1xi32>
      %mul3A_245 = arith.constant 16 : i32
      %mul3A_246 = arith.muli %scan3A_113, %mul3A_245 : i32
      %add3A_247 = arith.constant 7 : i32
      %add3A_248 = arith.addi %mul3A_246, %add3A_247 : i32
      %dma_start3A_249 = arith.constant 0 : i32
      %dma_start3A_250 = tpu.memref_slice %arg12[%add3A_248, %dma_start3A_249] : memref<128x32xf32, #tpu.memory_space<vmem>> -> memref<1x32xf32, #tpu.memory_space<vmem>>
      %dma_start3A_251 = tpu.memref_squeeze %dma_start3A_250 : memref<1x32xf32, #tpu.memory_space<vmem>> -> memref<32xf32, #tpu.memory_space<vmem>>
      %dma_start3A_252 = arith.constant 0 : i32
      %dma_start3A_253 = tpu.memref_slice %arg4[%squeeze3A_244, %dma_start3A_252] : memref<1000000x32xf32, #tpu.memory_space<hbm>> -> memref<1x32xf32, #tpu.memory_space<hbm>>
      %dma_start3A_254 = tpu.memref_squeeze %dma_start3A_253 : memref<1x32xf32, #tpu.memory_space<hbm>> -> memref<32xf32, #tpu.memory_space<hbm>>
      %dma_start3A_255 = arith.constant 0 : i32
      %dma_start3A_256 = tpu.memref_slice %arg12[%add3A_248, %dma_start3A_255] : memref<128x32xf32, #tpu.memory_space<vmem>> -> memref<1x32xf32, #tpu.memory_space<vmem>>
      %dma_start3A_257 = tpu.memref_squeeze %dma_start3A_256 : memref<1x32xf32, #tpu.memory_space<vmem>> -> memref<32xf32, #tpu.memory_space<vmem>>
      %dma_start3A_258 = arith.constant 0 : i32
      %dma_start3A_259 = tpu.memref_slice %arg4[%squeeze3A_244, %dma_start3A_258] : memref<1000000x32xf32, #tpu.memory_space<hbm>> -> memref<1x32xf32, #tpu.memory_space<hbm>>
      %dma_start3A_260 = tpu.memref_squeeze %dma_start3A_259 : memref<1x32xf32, #tpu.memory_space<hbm>> -> memref<32xf32, #tpu.memory_space<hbm>>
      tpu.enqueue_dma source(%dma_start3A_260 : memref<32xf32, #tpu.memory_space<hbm>>) target(%dma_start3A_257 : memref<32xf32, #tpu.memory_space<vmem>>) target_semaphore(%arg16 : memref<!tpu.dma_semaphore, #tpu.memory_space<semaphore_mem>>)
      %slice3A_261 = vector.extract_strided_slice %get3A_119 {offsets = [8], sizes = [1], strides = [1]} : vector<16xi32> to vector<1xi32>
      %squeeze3A_262 = vector.extract %slice3A_261[0] : i32 from vector<1xi32>
      %mul3A_263 = arith.constant 16 : i32
      %mul3A_264 = arith.muli %scan3A_113, %mul3A_263 : i32
      %add3A_265 = arith.constant 8 : i32
      %add3A_266 = arith.addi %mul3A_264, %add3A_265 : i32
      %dma_start3A_267 = arith.constant 0 : i32
      %dma_start3A_268 = tpu.memref_slice %arg12[%add3A_266, %dma_start3A_267] : memref<128x32xf32, #tpu.memory_space<vmem>> -> memref<1x32xf32, #tpu.memory_space<vmem>>
      %dma_start3A_269 = tpu.memref_squeeze %dma_start3A_268 : memref<1x32xf32, #tpu.memory_space<vmem>> -> memref<32xf32, #tpu.memory_space<vmem>>
      %dma_start3A_270 = arith.constant 0 : i32
      %dma_start3A_271 = tpu.memref_slice %arg4[%squeeze3A_262, %dma_start3A_270] : memref<1000000x32xf32, #tpu.memory_space<hbm>> -> memref<1x32xf32, #tpu.memory_space<hbm>>
      %dma_start3A_272 = tpu.memref_squeeze %dma_start3A_271 : memref<1x32xf32, #tpu.memory_space<hbm>> -> memref<32xf32, #tpu.memory_space<hbm>>
      %dma_start3A_273 = arith.constant 0 : i32
      %dma_start3A_274 = tpu.memref_slice %arg12[%add3A_266, %dma_start3A_273] : memref<128x32xf32, #tpu.memory_space<vmem>> -> memref<1x32xf32, #tpu.memory_space<vmem>>
      %dma_start3A_275 = tpu.memref_squeeze %dma_start3A_274 : memref<1x32xf32, #tpu.memory_space<vmem>> -> memref<32xf32, #tpu.memory_space<vmem>>
      %dma_start3A_276 = arith.constant 0 : i32
      %dma_start3A_277 = tpu.memref_slice %arg4[%squeeze3A_262, %dma_start3A_276] : memref<1000000x32xf32, #tpu.memory_space<hbm>> -> memref<1x32xf32, #tpu.memory_space<hbm>>
      %dma_start3A_278 = tpu.memref_squeeze %dma_start3A_277 : memref<1x32xf32, #tpu.memory_space<hbm>> -> memref<32xf32, #tpu.memory_space<hbm>>
      tpu.enqueue_dma source(%dma_start3A_278 : memref<32xf32, #tpu.memory_space<hbm>>) target(%dma_start3A_275 : memref<32xf32, #tpu.memory_space<vmem>>) target_semaphore(%arg16 : memref<!tpu.dma_semaphore, #tpu.memory_space<semaphore_mem>>)
      %slice3A_279 = vector.extract_strided_slice %get3A_119 {offsets = [9], sizes = [1], strides = [1]} : vector<16xi32> to vector<1xi32>
      %squeeze3A_280 = vector.extract %slice3A_279[0] : i32 from vector<1xi32>
      %mul3A_281 = arith.constant 16 : i32
      %mul3A_282 = arith.muli %scan3A_113, %mul3A_281 : i32
      %add3A_283 = arith.constant 9 : i32
      %add3A_284 = arith.addi %mul3A_282, %add3A_283 : i32
      %dma_start3A_285 = arith.constant 0 : i32
      %dma_start3A_286 = tpu.memref_slice %arg12[%add3A_284, %dma_start3A_285] : memref<128x32xf32, #tpu.memory_space<vmem>> -> memref<1x32xf32, #tpu.memory_space<vmem>>
      %dma_start3A_287 = tpu.memref_squeeze %dma_start3A_286 : memref<1x32xf32, #tpu.memory_space<vmem>> -> memref<32xf32, #tpu.memory_space<vmem>>
      %dma_start3A_288 = arith.constant 0 : i32
      %dma_start3A_289 = tpu.memref_slice %arg4[%squeeze3A_280, %dma_start3A_288] : memref<1000000x32xf32, #tpu.memory_space<hbm>> -> memref<1x32xf32, #tpu.memory_space<hbm>>
      %dma_start3A_290 = tpu.memref_squeeze %dma_start3A_289 : memref<1x32xf32, #tpu.memory_space<hbm>> -> memref<32xf32, #tpu.memory_space<hbm>>
      %dma_start3A_291 = arith.constant 0 : i32
      %dma_start3A_292 = tpu.memref_slice %arg12[%add3A_284, %dma_start3A_291] : memref<128x32xf32, #tpu.memory_space<vmem>> -> memref<1x32xf32, #tpu.memory_space<vmem>>
      %dma_start3A_293 = tpu.memref_squeeze %dma_start3A_292 : memref<1x32xf32, #tpu.memory_space<vmem>> -> memref<32xf32, #tpu.memory_space<vmem>>
      %dma_start3A_294 = arith.constant 0 : i32
      %dma_start3A_295 = tpu.memref_slice %arg4[%squeeze3A_280, %dma_start3A_294] : memref<1000000x32xf32, #tpu.memory_space<hbm>> -> memref<1x32xf32, #tpu.memory_space<hbm>>
      %dma_start3A_296 = tpu.memref_squeeze %dma_start3A_295 : memref<1x32xf32, #tpu.memory_space<hbm>> -> memref<32xf32, #tpu.memory_space<hbm>>
      tpu.enqueue_dma source(%dma_start3A_296 : memref<32xf32, #tpu.memory_space<hbm>>) target(%dma_start3A_293 : memref<32xf32, #tpu.memory_space<vmem>>) target_semaphore(%arg16 : memref<!tpu.dma_semaphore, #tpu.memory_space<semaphore_mem>>)
      %slice3A_297 = vector.extract_strided_slice %get3A_119 {offsets = [10], sizes = [1], strides = [1]} : vector<16xi32> to vector<1xi32>
      %squeeze3A_298 = vector.extract %slice3A_297[0] : i32 from vector<1xi32>
      %mul3A_299 = arith.constant 16 : i32
      %mul3A_300 = arith.muli %scan3A_113, %mul3A_299 : i32
      %add3A_301 = arith.constant 10 : i32
      %add3A_302 = arith.addi %mul3A_300, %add3A_301 : i32
      %dma_start3A_303 = arith.constant 0 : i32
      %dma_start3A_304 = tpu.memref_slice %arg12[%add3A_302, %dma_start3A_303] : memref<128x32xf32, #tpu.memory_space<vmem>> -> memref<1x32xf32, #tpu.memory_space<vmem>>
      %dma_start3A_305 = tpu.memref_squeeze %dma_start3A_304 : memref<1x32xf32, #tpu.memory_space<vmem>> -> memref<32xf32, #tpu.memory_space<vmem>>
      %dma_start3A_306 = arith.constant 0 : i32
      %dma_start3A_307 = tpu.memref_slice %arg4[%squeeze3A_298, %dma_start3A_306] : memref<1000000x32xf32, #tpu.memory_space<hbm>> -> memref<1x32xf32, #tpu.memory_space<hbm>>
      %dma_start3A_308 = tpu.memref_squeeze %dma_start3A_307 : memref<1x32xf32, #tpu.memory_space<hbm>> -> memref<32xf32, #tpu.memory_space<hbm>>
      %dma_start3A_309 = arith.constant 0 : i32
      %dma_start3A_310 = tpu.memref_slice %arg12[%add3A_302, %dma_start3A_309] : memref<128x32xf32, #tpu.memory_space<vmem>> -> memref<1x32xf32, #tpu.memory_space<vmem>>
      %dma_start3A_311 = tpu.memref_squeeze %dma_start3A_310 : memref<1x32xf32, #tpu.memory_space<vmem>> -> memref<32xf32, #tpu.memory_space<vmem>>
      %dma_start3A_312 = arith.constant 0 : i32
      %dma_start3A_313 = tpu.memref_slice %arg4[%squeeze3A_298, %dma_start3A_312] : memref<1000000x32xf32, #tpu.memory_space<hbm>> -> memref<1x32xf32, #tpu.memory_space<hbm>>
      %dma_start3A_314 = tpu.memref_squeeze %dma_start3A_313 : memref<1x32xf32, #tpu.memory_space<hbm>> -> memref<32xf32, #tpu.memory_space<hbm>>
      tpu.enqueue_dma source(%dma_start3A_314 : memref<32xf32, #tpu.memory_space<hbm>>) target(%dma_start3A_311 : memref<32xf32, #tpu.memory_space<vmem>>) target_semaphore(%arg16 : memref<!tpu.dma_semaphore, #tpu.memory_space<semaphore_mem>>)
      %slice3A_315 = vector.extract_strided_slice %get3A_119 {offsets = [11], sizes = [1], strides = [1]} : vector<16xi32> to vector<1xi32>
      %squeeze3A_316 = vector.extract %slice3A_315[0] : i32 from vector<1xi32>
      %mul3A_317 = arith.constant 16 : i32
      %mul3A_318 = arith.muli %scan3A_113, %mul3A_317 : i32
      %add3A_319 = arith.constant 11 : i32
      %add3A_320 = arith.addi %mul3A_318, %add3A_319 : i32
      %dma_start3A_321 = arith.constant 0 : i32
      %dma_start3A_322 = tpu.memref_slice %arg12[%add3A_320, %dma_start3A_321] : memref<128x32xf32, #tpu.memory_space<vmem>> -> memref<1x32xf32, #tpu.memory_space<vmem>>
      %dma_start3A_323 = tpu.memref_squeeze %dma_start3A_322 : memref<1x32xf32, #tpu.memory_space<vmem>> -> memref<32xf32, #tpu.memory_space<vmem>>
      %dma_start3A_324 = arith.constant 0 : i32
      %dma_start3A_325 = tpu.memref_slice %arg4[%squeeze3A_316, %dma_start3A_324] : memref<1000000x32xf32, #tpu.memory_space<hbm>> -> memref<1x32xf32, #tpu.memory_space<hbm>>
      %dma_start3A_326 = tpu.memref_squeeze %dma_start3A_325 : memref<1x32xf32, #tpu.memory_space<hbm>> -> memref<32xf32, #tpu.memory_space<hbm>>
      %dma_start3A_327 = arith.constant 0 : i32
      %dma_start3A_328 = tpu.memref_slice %arg12[%add3A_320, %dma_start3A_327] : memref<128x32xf32, #tpu.memory_space<vmem>> -> memref<1x32xf32, #tpu.memory_space<vmem>>
      %dma_start3A_329 = tpu.memref_squeeze %dma_start3A_328 : memref<1x32xf32, #tpu.memory_space<vmem>> -> memref<32xf32, #tpu.memory_space<vmem>>
      %dma_start3A_330 = arith.constant 0 : i32
      %dma_start3A_331 = tpu.memref_slice %arg4[%squeeze3A_316, %dma_start3A_330] : memref<1000000x32xf32, #tpu.memory_space<hbm>> -> memref<1x32xf32, #tpu.memory_space<hbm>>
      %dma_start3A_332 = tpu.memref_squeeze %dma_start3A_331 : memref<1x32xf32, #tpu.memory_space<hbm>> -> memref<32xf32, #tpu.memory_space<hbm>>
      tpu.enqueue_dma source(%dma_start3A_332 : memref<32xf32, #tpu.memory_space<hbm>>) target(%dma_start3A_329 : memref<32xf32, #tpu.memory_space<vmem>>) target_semaphore(%arg16 : memref<!tpu.dma_semaphore, #tpu.memory_space<semaphore_mem>>)
      %slice3A_333 = vector.extract_strided_slice %get3A_119 {offsets = [12], sizes = [1], strides = [1]} : vector<16xi32> to vector<1xi32>
      %squeeze3A_334 = vector.extract %slice3A_333[0] : i32 from vector<1xi32>
      %mul3A_335 = arith.constant 16 : i32
      %mul3A_336 = arith.muli %scan3A_113, %mul3A_335 : i32
      %add3A_337 = arith.constant 12 : i32
      %add3A_338 = arith.addi %mul3A_336, %add3A_337 : i32
      %dma_start3A_339 = arith.constant 0 : i32
      %dma_start3A_340 = tpu.memref_slice %arg12[%add3A_338, %dma_start3A_339] : memref<128x32xf32, #tpu.memory_space<vmem>> -> memref<1x32xf32, #tpu.memory_space<vmem>>
      %dma_start3A_341 = tpu.memref_squeeze %dma_start3A_340 : memref<1x32xf32, #tpu.memory_space<vmem>> -> memref<32xf32, #tpu.memory_space<vmem>>
      %dma_start3A_342 = arith.constant 0 : i32
      %dma_start3A_343 = tpu.memref_slice %arg4[%squeeze3A_334, %dma_start3A_342] : memref<1000000x32xf32, #tpu.memory_space<hbm>> -> memref<1x32xf32, #tpu.memory_space<hbm>>
      %dma_start3A_344 = tpu.memref_squeeze %dma_start3A_343 : memref<1x32xf32, #tpu.memory_space<hbm>> -> memref<32xf32, #tpu.memory_space<hbm>>
      %dma_start3A_345 = arith.constant 0 : i32
      %dma_start3A_346 = tpu.memref_slice %arg12[%add3A_338, %dma_start3A_345] : memref<128x32xf32, #tpu.memory_space<vmem>> -> memref<1x32xf32, #tpu.memory_space<vmem>>
      %dma_start3A_347 = tpu.memref_squeeze %dma_start3A_346 : memref<1x32xf32, #tpu.memory_space<vmem>> -> memref<32xf32, #tpu.memory_space<vmem>>
      %dma_start3A_348 = arith.constant 0 : i32
      %dma_start3A_349 = tpu.memref_slice %arg4[%squeeze3A_334, %dma_start3A_348] : memref<1000000x32xf32, #tpu.memory_space<hbm>> -> memref<1x32xf32, #tpu.memory_space<hbm>>
      %dma_start3A_350 = tpu.memref_squeeze %dma_start3A_349 : memref<1x32xf32, #tpu.memory_space<hbm>> -> memref<32xf32, #tpu.memory_space<hbm>>
      tpu.enqueue_dma source(%dma_start3A_350 : memref<32xf32, #tpu.memory_space<hbm>>) target(%dma_start3A_347 : memref<32xf32, #tpu.memory_space<vmem>>) target_semaphore(%arg16 : memref<!tpu.dma_semaphore, #tpu.memory_space<semaphore_mem>>)
      %slice3A_351 = vector.extract_strided_slice %get3A_119 {offsets = [13], sizes = [1], strides = [1]} : vector<16xi32> to vector<1xi32>
      %squeeze3A_352 = vector.extract %slice3A_351[0] : i32 from vector<1xi32>
      %mul3A_353 = arith.constant 16 : i32
      %mul3A_354 = arith.muli %scan3A_113, %mul3A_353 : i32
      %add3A_355 = arith.constant 13 : i32
      %add3A_356 = arith.addi %mul3A_354, %add3A_355 : i32
      %dma_start3A_357 = arith.constant 0 : i32
      %dma_start3A_358 = tpu.memref_slice %arg12[%add3A_356, %dma_start3A_357] : memref<128x32xf32, #tpu.memory_space<vmem>> -> memref<1x32xf32, #tpu.memory_space<vmem>>
      %dma_start3A_359 = tpu.memref_squeeze %dma_start3A_358 : memref<1x32xf32, #tpu.memory_space<vmem>> -> memref<32xf32, #tpu.memory_space<vmem>>
      %dma_start3A_360 = arith.constant 0 : i32
      %dma_start3A_361 = tpu.memref_slice %arg4[%squeeze3A_352, %dma_start3A_360] : memref<1000000x32xf32, #tpu.memory_space<hbm>> -> memref<1x32xf32, #tpu.memory_space<hbm>>
      %dma_start3A_362 = tpu.memref_squeeze %dma_start3A_361 : memref<1x32xf32, #tpu.memory_space<hbm>> -> memref<32xf32, #tpu.memory_space<hbm>>
      %dma_start3A_363 = arith.constant 0 : i32
      %dma_start3A_364 = tpu.memref_slice %arg12[%add3A_356, %dma_start3A_363] : memref<128x32xf32, #tpu.memory_space<vmem>> -> memref<1x32xf32, #tpu.memory_space<vmem>>
      %dma_start3A_365 = tpu.memref_squeeze %dma_start3A_364 : memref<1x32xf32, #tpu.memory_space<vmem>> -> memref<32xf32, #tpu.memory_space<vmem>>
      %dma_start3A_366 = arith.constant 0 : i32
      %dma_start3A_367 = tpu.memref_slice %arg4[%squeeze3A_352, %dma_start3A_366] : memref<1000000x32xf32, #tpu.memory_space<hbm>> -> memref<1x32xf32, #tpu.memory_space<hbm>>
      %dma_start3A_368 = tpu.memref_squeeze %dma_start3A_367 : memref<1x32xf32, #tpu.memory_space<hbm>> -> memref<32xf32, #tpu.memory_space<hbm>>
      tpu.enqueue_dma source(%dma_start3A_368 : memref<32xf32, #tpu.memory_space<hbm>>) target(%dma_start3A_365 : memref<32xf32, #tpu.memory_space<vmem>>) target_semaphore(%arg16 : memref<!tpu.dma_semaphore, #tpu.memory_space<semaphore_mem>>)
      %slice3A_369 = vector.extract_strided_slice %get3A_119 {offsets = [14], sizes = [1], strides = [1]} : vector<16xi32> to vector<1xi32>
      %squeeze3A_370 = vector.extract %slice3A_369[0] : i32 from vector<1xi32>
      %mul3A_371 = arith.constant 16 : i32
      %mul3A_372 = arith.muli %scan3A_113, %mul3A_371 : i32
      %add3A_373 = arith.constant 14 : i32
      %add3A_374 = arith.addi %mul3A_372, %add3A_373 : i32
      %dma_start3A_375 = arith.constant 0 : i32
      %dma_start3A_376 = tpu.memref_slice %arg12[%add3A_374, %dma_start3A_375] : memref<128x32xf32, #tpu.memory_space<vmem>> -> memref<1x32xf32, #tpu.memory_space<vmem>>
      %dma_start3A_377 = tpu.memref_squeeze %dma_start3A_376 : memref<1x32xf32, #tpu.memory_space<vmem>> -> memref<32xf32, #tpu.memory_space<vmem>>
      %dma_start3A_378 = arith.constant 0 : i32
      %dma_start3A_379 = tpu.memref_slice %arg4[%squeeze3A_370, %dma_start3A_378] : memref<1000000x32xf32, #tpu.memory_space<hbm>> -> memref<1x32xf32, #tpu.memory_space<hbm>>
      %dma_start3A_380 = tpu.memref_squeeze %dma_start3A_379 : memref<1x32xf32, #tpu.memory_space<hbm>> -> memref<32xf32, #tpu.memory_space<hbm>>
      %dma_start3A_381 = arith.constant 0 : i32
      %dma_start3A_382 = tpu.memref_slice %arg12[%add3A_374, %dma_start3A_381] : memref<128x32xf32, #tpu.memory_space<vmem>> -> memref<1x32xf32, #tpu.memory_space<vmem>>
      %dma_start3A_383 = tpu.memref_squeeze %dma_start3A_382 : memref<1x32xf32, #tpu.memory_space<vmem>> -> memref<32xf32, #tpu.memory_space<vmem>>
      %dma_start3A_384 = arith.constant 0 : i32
      %dma_start3A_385 = tpu.memref_slice %arg4[%squeeze3A_370, %dma_start3A_384] : memref<1000000x32xf32, #tpu.memory_space<hbm>> -> memref<1x32xf32, #tpu.memory_space<hbm>>
      %dma_start3A_386 = tpu.memref_squeeze %dma_start3A_385 : memref<1x32xf32, #tpu.memory_space<hbm>> -> memref<32xf32, #tpu.memory_space<hbm>>
      tpu.enqueue_dma source(%dma_start3A_386 : memref<32xf32, #tpu.memory_space<hbm>>) target(%dma_start3A_383 : memref<32xf32, #tpu.memory_space<vmem>>) target_semaphore(%arg16 : memref<!tpu.dma_semaphore, #tpu.memory_space<semaphore_mem>>)
      %slice3A_387 = vector.extract_strided_slice %get3A_119 {offsets = [15], sizes = [1], strides = [1]} : vector<16xi32> to vector<1xi32>
      %squeeze3A_388 = vector.extract %slice3A_387[0] : i32 from vector<1xi32>
      %mul3A_389 = arith.constant 16 : i32
      %mul3A_390 = arith.muli %scan3A_113, %mul3A_389 : i32
      %add3A_391 = arith.constant 15 : i32
      %add3A_392 = arith.addi %mul3A_390, %add3A_391 : i32
      %dma_start3A_393 = arith.constant 0 : i32
      %dma_start3A_394 = tpu.memref_slice %arg12[%add3A_392, %dma_start3A_393] : memref<128x32xf32, #tpu.memory_space<vmem>> -> memref<1x32xf32, #tpu.memory_space<vmem>>
      %dma_start3A_395 = tpu.memref_squeeze %dma_start3A_394 : memref<1x32xf32, #tpu.memory_space<vmem>> -> memref<32xf32, #tpu.memory_space<vmem>>
      %dma_start3A_396 = arith.constant 0 : i32
      %dma_start3A_397 = tpu.memref_slice %arg4[%squeeze3A_388, %dma_start3A_396] : memref<1000000x32xf32, #tpu.memory_space<hbm>> -> memref<1x32xf32, #tpu.memory_space<hbm>>
      %dma_start3A_398 = tpu.memref_squeeze %dma_start3A_397 : memref<1x32xf32, #tpu.memory_space<hbm>> -> memref<32xf32, #tpu.memory_space<hbm>>
      %dma_start3A_399 = arith.constant 0 : i32
      %dma_start3A_400 = tpu.memref_slice %arg12[%add3A_392, %dma_start3A_399] : memref<128x32xf32, #tpu.memory_space<vmem>> -> memref<1x32xf32, #tpu.memory_space<vmem>>
      %dma_start3A_401 = tpu.memref_squeeze %dma_start3A_400 : memref<1x32xf32, #tpu.memory_space<vmem>> -> memref<32xf32, #tpu.memory_space<vmem>>
      %dma_start3A_402 = arith.constant 0 : i32
      %dma_start3A_403 = tpu.memref_slice %arg4[%squeeze3A_388, %dma_start3A_402] : memref<1000000x32xf32, #tpu.memory_space<hbm>> -> memref<1x32xf32, #tpu.memory_space<hbm>>
      %dma_start3A_404 = tpu.memref_squeeze %dma_start3A_403 : memref<1x32xf32, #tpu.memory_space<hbm>> -> memref<32xf32, #tpu.memory_space<hbm>>
      tpu.enqueue_dma source(%dma_start3A_404 : memref<32xf32, #tpu.memory_space<hbm>>) target(%dma_start3A_401 : memref<32xf32, #tpu.memory_space<vmem>>) target_semaphore(%arg16 : memref<!tpu.dma_semaphore, #tpu.memory_space<semaphore_mem>>)
    }
    %scan3A_13 = arith.constant 8 : i32
    %scan3A_14 = arith.constant 0 : i32
    %scan3A_15 = arith.constant 0 : i32
    %scan3A_16 = arith.constant 8 : i32
    %scan3A_17 = arith.addi %scan3A_15, %scan3A_16 : i32
    %scan3A_18 = arith.constant 1 : i32
    scf.for %scan3A_113 = %scan3A_15 to %scan3A_17 step %scan3A_18  : i32 {
      %mul3A_114 = arith.constant 16 : i32
      %mul3A_115 = arith.muli %scan3A_113, %mul3A_114 : i32
      %add3A_116 = arith.constant 0 : i32
      %add3A_117 = arith.addi %add3A_116, %mul3A_115 : i32
      %get3A = arith.index_cast %add3A_117 : i32 to index
      %get3A_118 = tpu.vector_load %arg9[%get3A] {strides = array<i32>} : memref<512xi32, #tpu.memory_space<vmem>>, vector<16xi32>,
      %get3A_119 = vector.shape_cast %get3A_118 : vector<16xi32> to vector<16xi32>
      %slice3A = vector.extract_strided_slice %get3A_119 {offsets = [0], sizes = [1], strides = [1]} : vector<16xi32> to vector<1xi32>
      %squeeze3A = vector.extract %slice3A[0] : i32 from vector<1xi32>
      %mul3A_120 = arith.constant 16 : i32
      %mul3A_121 = arith.muli %scan3A_113, %mul3A_120 : i32
      %add3A_122 = arith.constant 0 : i32
      %add3A_123 = arith.addi %mul3A_121, %add3A_122 : i32
      %dma_start3A = arith.constant 0 : i32
      %dma_start3A_124 = tpu.memref_slice %arg11[%add3A_123, %dma_start3A] : memref<128x32xf32, #tpu.memory_space<vmem>> -> memref<1x32xf32, #tpu.memory_space<vmem>>
      %dma_start3A_125 = tpu.memref_squeeze %dma_start3A_124 : memref<1x32xf32, #tpu.memory_space<vmem>> -> memref<32xf32, #tpu.memory_space<vmem>>
      %dma_start3A_126 = arith.constant 0 : i32
      %dma_start3A_127 = tpu.memref_slice %arg5[%squeeze3A, %dma_start3A_126] : memref<1000000x32xf32, #tpu.memory_space<hbm>> -> memref<1x32xf32, #tpu.memory_space<hbm>>
      %dma_start3A_128 = tpu.memref_squeeze %dma_start3A_127 : memref<1x32xf32, #tpu.memory_space<hbm>> -> memref<32xf32, #tpu.memory_space<hbm>>
      %dma_start3A_129 = arith.constant 0 : i32
      %dma_start3A_130 = tpu.memref_slice %arg11[%add3A_123, %dma_start3A_129] : memref<128x32xf32, #tpu.memory_space<vmem>> -> memref<1x32xf32, #tpu.memory_space<vmem>>
      %dma_start3A_131 = tpu.memref_squeeze %dma_start3A_130 : memref<1x32xf32, #tpu.memory_space<vmem>> -> memref<32xf32, #tpu.memory_space<vmem>>
      %dma_start3A_132 = arith.constant 0 : i32
      %dma_start3A_133 = tpu.memref_slice %arg5[%squeeze3A, %dma_start3A_132] : memref<1000000x32xf32, #tpu.memory_space<hbm>> -> memref<1x32xf32, #tpu.memory_space<hbm>>
      %dma_start3A_134 = tpu.memref_squeeze %dma_start3A_133 : memref<1x32xf32, #tpu.memory_space<hbm>> -> memref<32xf32, #tpu.memory_space<hbm>>
      tpu.enqueue_dma source(%dma_start3A_134 : memref<32xf32, #tpu.memory_space<hbm>>) target(%dma_start3A_131 : memref<32xf32, #tpu.memory_space<vmem>>) target_semaphore(%arg15 : memref<!tpu.dma_semaphore, #tpu.memory_space<semaphore_mem>>)
      %slice3A_135 = vector.extract_strided_slice %get3A_119 {offsets = [1], sizes = [1], strides = [1]} : vector<16xi32> to vector<1xi32>
      %squeeze3A_136 = vector.extract %slice3A_135[0] : i32 from vector<1xi32>
      %mul3A_137 = arith.constant 16 : i32
      %mul3A_138 = arith.muli %scan3A_113, %mul3A_137 : i32
      %add3A_139 = arith.constant 1 : i32
      %add3A_140 = arith.addi %mul3A_138, %add3A_139 : i32
      %dma_start3A_141 = arith.constant 0 : i32
      %dma_start3A_142 = tpu.memref_slice %arg11[%add3A_140, %dma_start3A_141] : memref<128x32xf32, #tpu.memory_space<vmem>> -> memref<1x32xf32, #tpu.memory_space<vmem>>
      %dma_start3A_143 = tpu.memref_squeeze %dma_start3A_142 : memref<1x32xf32, #tpu.memory_space<vmem>> -> memref<32xf32, #tpu.memory_space<vmem>>
      %dma_start3A_144 = arith.constant 0 : i32
      %dma_start3A_145 = tpu.memref_slice %arg5[%squeeze3A_136, %dma_start3A_144] : memref<1000000x32xf32, #tpu.memory_space<hbm>> -> memref<1x32xf32, #tpu.memory_space<hbm>>
      %dma_start3A_146 = tpu.memref_squeeze %dma_start3A_145 : memref<1x32xf32, #tpu.memory_space<hbm>> -> memref<32xf32, #tpu.memory_space<hbm>>
      %dma_start3A_147 = arith.constant 0 : i32
      %dma_start3A_148 = tpu.memref_slice %arg11[%add3A_140, %dma_start3A_147] : memref<128x32xf32, #tpu.memory_space<vmem>> -> memref<1x32xf32, #tpu.memory_space<vmem>>
      %dma_start3A_149 = tpu.memref_squeeze %dma_start3A_148 : memref<1x32xf32, #tpu.memory_space<vmem>> -> memref<32xf32, #tpu.memory_space<vmem>>
      %dma_start3A_150 = arith.constant 0 : i32
      %dma_start3A_151 = tpu.memref_slice %arg5[%squeeze3A_136, %dma_start3A_150] : memref<1000000x32xf32, #tpu.memory_space<hbm>> -> memref<1x32xf32, #tpu.memory_space<hbm>>
      %dma_start3A_152 = tpu.memref_squeeze %dma_start3A_151 : memref<1x32xf32, #tpu.memory_space<hbm>> -> memref<32xf32, #tpu.memory_space<hbm>>
      tpu.enqueue_dma source(%dma_start3A_152 : memref<32xf32, #tpu.memory_space<hbm>>) target(%dma_start3A_149 : memref<32xf32, #tpu.memory_space<vmem>>) target_semaphore(%arg15 : memref<!tpu.dma_semaphore, #tpu.memory_space<semaphore_mem>>)
      %slice3A_153 = vector.extract_strided_slice %get3A_119 {offsets = [2], sizes = [1], strides = [1]} : vector<16xi32> to vector<1xi32>
      %squeeze3A_154 = vector.extract %slice3A_153[0] : i32 from vector<1xi32>
      %mul3A_155 = arith.constant 16 : i32
      %mul3A_156 = arith.muli %scan3A_113, %mul3A_155 : i32
      %add3A_157 = arith.constant 2 : i32
      %add3A_158 = arith.addi %mul3A_156, %add3A_157 : i32
      %dma_start3A_159 = arith.constant 0 : i32
      %dma_start3A_160 = tpu.memref_slice %arg11[%add3A_158, %dma_start3A_159] : memref<128x32xf32, #tpu.memory_space<vmem>> -> memref<1x32xf32, #tpu.memory_space<vmem>>
      %dma_start3A_161 = tpu.memref_squeeze %dma_start3A_160 : memref<1x32xf32, #tpu.memory_space<vmem>> -> memref<32xf32, #tpu.memory_space<vmem>>
      %dma_start3A_162 = arith.constant 0 : i32
      %dma_start3A_163 = tpu.memref_slice %arg5[%squeeze3A_154, %dma_start3A_162] : memref<1000000x32xf32, #tpu.memory_space<hbm>> -> memref<1x32xf32, #tpu.memory_space<hbm>>
      %dma_start3A_164 = tpu.memref_squeeze %dma_start3A_163 : memref<1x32xf32, #tpu.memory_space<hbm>> -> memref<32xf32, #tpu.memory_space<hbm>>
      %dma_start3A_165 = arith.constant 0 : i32
      %dma_start3A_166 = tpu.memref_slice %arg11[%add3A_158, %dma_start3A_165] : memref<128x32xf32, #tpu.memory_space<vmem>> -> memref<1x32xf32, #tpu.memory_space<vmem>>
      %dma_start3A_167 = tpu.memref_squeeze %dma_start3A_166 : memref<1x32xf32, #tpu.memory_space<vmem>> -> memref<32xf32, #tpu.memory_space<vmem>>
      %dma_start3A_168 = arith.constant 0 : i32
      %dma_start3A_169 = tpu.memref_slice %arg5[%squeeze3A_154, %dma_start3A_168] : memref<1000000x32xf32, #tpu.memory_space<hbm>> -> memref<1x32xf32, #tpu.memory_space<hbm>>
      %dma_start3A_170 = tpu.memref_squeeze %dma_start3A_169 : memref<1x32xf32, #tpu.memory_space<hbm>> -> memref<32xf32, #tpu.memory_space<hbm>>
      tpu.enqueue_dma source(%dma_start3A_170 : memref<32xf32, #tpu.memory_space<hbm>>) target(%dma_start3A_167 : memref<32xf32, #tpu.memory_space<vmem>>) target_semaphore(%arg15 : memref<!tpu.dma_semaphore, #tpu.memory_space<semaphore_mem>>)
      %slice3A_171 = vector.extract_strided_slice %get3A_119 {offsets = [3], sizes = [1], strides = [1]} : vector<16xi32> to vector<1xi32>
      %squeeze3A_172 = vector.extract %slice3A_171[0] : i32 from vector<1xi32>
      %mul3A_173 = arith.constant 16 : i32
      %mul3A_174 = arith.muli %scan3A_113, %mul3A_173 : i32
      %add3A_175 = arith.constant 3 : i32
      %add3A_176 = arith.addi %mul3A_174, %add3A_175 : i32
      %dma_start3A_177 = arith.constant 0 : i32
      %dma_start3A_178 = tpu.memref_slice %arg11[%add3A_176, %dma_start3A_177] : memref<128x32xf32, #tpu.memory_space<vmem>> -> memref<1x32xf32, #tpu.memory_space<vmem>>
      %dma_start3A_179 = tpu.memref_squeeze %dma_start3A_178 : memref<1x32xf32, #tpu.memory_space<vmem>> -> memref<32xf32, #tpu.memory_space<vmem>>
      %dma_start3A_180 = arith.constant 0 : i32
      %dma_start3A_181 = tpu.memref_slice %arg5[%squeeze3A_172, %dma_start3A_180] : memref<1000000x32xf32, #tpu.memory_space<hbm>> -> memref<1x32xf32, #tpu.memory_space<hbm>>
      %dma_start3A_182 = tpu.memref_squeeze %dma_start3A_181 : memref<1x32xf32, #tpu.memory_space<hbm>> -> memref<32xf32, #tpu.memory_space<hbm>>
      %dma_start3A_183 = arith.constant 0 : i32
      %dma_start3A_184 = tpu.memref_slice %arg11[%add3A_176, %dma_start3A_183] : memref<128x32xf32, #tpu.memory_space<vmem>> -> memref<1x32xf32, #tpu.memory_space<vmem>>
      %dma_start3A_185 = tpu.memref_squeeze %dma_start3A_184 : memref<1x32xf32, #tpu.memory_space<vmem>> -> memref<32xf32, #tpu.memory_space<vmem>>
      %dma_start3A_186 = arith.constant 0 : i32
      %dma_start3A_187 = tpu.memref_slice %arg5[%squeeze3A_172, %dma_start3A_186] : memref<1000000x32xf32, #tpu.memory_space<hbm>> -> memref<1x32xf32, #tpu.memory_space<hbm>>
      %dma_start3A_188 = tpu.memref_squeeze %dma_start3A_187 : memref<1x32xf32, #tpu.memory_space<hbm>> -> memref<32xf32, #tpu.memory_space<hbm>>
      tpu.enqueue_dma source(%dma_start3A_188 : memref<32xf32, #tpu.memory_space<hbm>>) target(%dma_start3A_185 : memref<32xf32, #tpu.memory_space<vmem>>) target_semaphore(%arg15 : memref<!tpu.dma_semaphore, #tpu.memory_space<semaphore_mem>>)
      %slice3A_189 = vector.extract_strided_slice %get3A_119 {offsets = [4], sizes = [1], strides = [1]} : vector<16xi32> to vector<1xi32>
      %squeeze3A_190 = vector.extract %slice3A_189[0] : i32 from vector<1xi32>
      %mul3A_191 = arith.constant 16 : i32
      %mul3A_192 = arith.muli %scan3A_113, %mul3A_191 : i32
      %add3A_193 = arith.constant 4 : i32
      %add3A_194 = arith.addi %mul3A_192, %add3A_193 : i32
      %dma_start3A_195 = arith.constant 0 : i32
      %dma_start3A_196 = tpu.memref_slice %arg11[%add3A_194, %dma_start3A_195] : memref<128x32xf32, #tpu.memory_space<vmem>> -> memref<1x32xf32, #tpu.memory_space<vmem>>
      %dma_start3A_197 = tpu.memref_squeeze %dma_start3A_196 : memref<1x32xf32, #tpu.memory_space<vmem>> -> memref<32xf32, #tpu.memory_space<vmem>>
      %dma_start3A_198 = arith.constant 0 : i32
      %dma_start3A_199 = tpu.memref_slice %arg5[%squeeze3A_190, %dma_start3A_198] : memref<1000000x32xf32, #tpu.memory_space<hbm>> -> memref<1x32xf32, #tpu.memory_space<hbm>>
      %dma_start3A_200 = tpu.memref_squeeze %dma_start3A_199 : memref<1x32xf32, #tpu.memory_space<hbm>> -> memref<32xf32, #tpu.memory_space<hbm>>
      %dma_start3A_201 = arith.constant 0 : i32
      %dma_start3A_202 = tpu.memref_slice %arg11[%add3A_194, %dma_start3A_201] : memref<128x32xf32, #tpu.memory_space<vmem>> -> memref<1x32xf32, #tpu.memory_space<vmem>>
      %dma_start3A_203 = tpu.memref_squeeze %dma_start3A_202 : memref<1x32xf32, #tpu.memory_space<vmem>> -> memref<32xf32, #tpu.memory_space<vmem>>
      %dma_start3A_204 = arith.constant 0 : i32
      %dma_start3A_205 = tpu.memref_slice %arg5[%squeeze3A_190, %dma_start3A_204] : memref<1000000x32xf32, #tpu.memory_space<hbm>> -> memref<1x32xf32, #tpu.memory_space<hbm>>
      %dma_start3A_206 = tpu.memref_squeeze %dma_start3A_205 : memref<1x32xf32, #tpu.memory_space<hbm>> -> memref<32xf32, #tpu.memory_space<hbm>>
      tpu.enqueue_dma source(%dma_start3A_206 : memref<32xf32, #tpu.memory_space<hbm>>) target(%dma_start3A_203 : memref<32xf32, #tpu.memory_space<vmem>>) target_semaphore(%arg15 : memref<!tpu.dma_semaphore, #tpu.memory_space<semaphore_mem>>)
      %slice3A_207 = vector.extract_strided_slice %get3A_119 {offsets = [5], sizes = [1], strides = [1]} : vector<16xi32> to vector<1xi32>
      %squeeze3A_208 = vector.extract %slice3A_207[0] : i32 from vector<1xi32>
      %mul3A_209 = arith.constant 16 : i32
      %mul3A_210 = arith.muli %scan3A_113, %mul3A_209 : i32
      %add3A_211 = arith.constant 5 : i32
      %add3A_212 = arith.addi %mul3A_210, %add3A_211 : i32
      %dma_start3A_213 = arith.constant 0 : i32
      %dma_start3A_214 = tpu.memref_slice %arg11[%add3A_212, %dma_start3A_213] : memref<128x32xf32, #tpu.memory_space<vmem>> -> memref<1x32xf32, #tpu.memory_space<vmem>>
      %dma_start3A_215 = tpu.memref_squeeze %dma_start3A_214 : memref<1x32xf32, #tpu.memory_space<vmem>> -> memref<32xf32, #tpu.memory_space<vmem>>
      %dma_start3A_216 = arith.constant 0 : i32
      %dma_start3A_217 = tpu.memref_slice %arg5[%squeeze3A_208, %dma_start3A_216] : memref<1000000x32xf32, #tpu.memory_space<hbm>> -> memref<1x32xf32, #tpu.memory_space<hbm>>
      %dma_start3A_218 = tpu.memref_squeeze %dma_start3A_217 : memref<1x32xf32, #tpu.memory_space<hbm>> -> memref<32xf32, #tpu.memory_space<hbm>>
      %dma_start3A_219 = arith.constant 0 : i32
      %dma_start3A_220 = tpu.memref_slice %arg11[%add3A_212, %dma_start3A_219] : memref<128x32xf32, #tpu.memory_space<vmem>> -> memref<1x32xf32, #tpu.memory_space<vmem>>
      %dma_start3A_221 = tpu.memref_squeeze %dma_start3A_220 : memref<1x32xf32, #tpu.memory_space<vmem>> -> memref<32xf32, #tpu.memory_space<vmem>>
      %dma_start3A_222 = arith.constant 0 : i32
      %dma_start3A_223 = tpu.memref_slice %arg5[%squeeze3A_208, %dma_start3A_222] : memref<1000000x32xf32, #tpu.memory_space<hbm>> -> memref<1x32xf32, #tpu.memory_space<hbm>>
      %dma_start3A_224 = tpu.memref_squeeze %dma_start3A_223 : memref<1x32xf32, #tpu.memory_space<hbm>> -> memref<32xf32, #tpu.memory_space<hbm>>
      tpu.enqueue_dma source(%dma_start3A_224 : memref<32xf32, #tpu.memory_space<hbm>>) target(%dma_start3A_221 : memref<32xf32, #tpu.memory_space<vmem>>) target_semaphore(%arg15 : memref<!tpu.dma_semaphore, #tpu.memory_space<semaphore_mem>>)
      %slice3A_225 = vector.extract_strided_slice %get3A_119 {offsets = [6], sizes = [1], strides = [1]} : vector<16xi32> to vector<1xi32>
      %squeeze3A_226 = vector.extract %slice3A_225[0] : i32 from vector<1xi32>
      %mul3A_227 = arith.constant 16 : i32
      %mul3A_228 = arith.muli %scan3A_113, %mul3A_227 : i32
      %add3A_229 = arith.constant 6 : i32
      %add3A_230 = arith.addi %mul3A_228, %add3A_229 : i32
      %dma_start3A_231 = arith.constant 0 : i32
      %dma_start3A_232 = tpu.memref_slice %arg11[%add3A_230, %dma_start3A_231] : memref<128x32xf32, #tpu.memory_space<vmem>> -> memref<1x32xf32, #tpu.memory_space<vmem>>
      %dma_start3A_233 = tpu.memref_squeeze %dma_start3A_232 : memref<1x32xf32, #tpu.memory_space<vmem>> -> memref<32xf32, #tpu.memory_space<vmem>>
      %dma_start3A_234 = arith.constant 0 : i32
      %dma_start3A_235 = tpu.memref_slice %arg5[%squeeze3A_226, %dma_start3A_234] : memref<1000000x32xf32, #tpu.memory_space<hbm>> -> memref<1x32xf32, #tpu.memory_space<hbm>>
      %dma_start3A_236 = tpu.memref_squeeze %dma_start3A_235 : memref<1x32xf32, #tpu.memory_space<hbm>> -> memref<32xf32, #tpu.memory_space<hbm>>
      %dma_start3A_237 = arith.constant 0 : i32
      %dma_start3A_238 = tpu.memref_slice %arg11[%add3A_230, %dma_start3A_237] : memref<128x32xf32, #tpu.memory_space<vmem>> -> memref<1x32xf32, #tpu.memory_space<vmem>>
      %dma_start3A_239 = tpu.memref_squeeze %dma_start3A_238 : memref<1x32xf32, #tpu.memory_space<vmem>> -> memref<32xf32, #tpu.memory_space<vmem>>
      %dma_start3A_240 = arith.constant 0 : i32
      %dma_start3A_241 = tpu.memref_slice %arg5[%squeeze3A_226, %dma_start3A_240] : memref<1000000x32xf32, #tpu.memory_space<hbm>> -> memref<1x32xf32, #tpu.memory_space<hbm>>
      %dma_start3A_242 = tpu.memref_squeeze %dma_start3A_241 : memref<1x32xf32, #tpu.memory_space<hbm>> -> memref<32xf32, #tpu.memory_space<hbm>>
      tpu.enqueue_dma source(%dma_start3A_242 : memref<32xf32, #tpu.memory_space<hbm>>) target(%dma_start3A_239 : memref<32xf32, #tpu.memory_space<vmem>>) target_semaphore(%arg15 : memref<!tpu.dma_semaphore, #tpu.memory_space<semaphore_mem>>)
      %slice3A_243 = vector.extract_strided_slice %get3A_119 {offsets = [7], sizes = [1], strides = [1]} : vector<16xi32> to vector<1xi32>
      %squeeze3A_244 = vector.extract %slice3A_243[0] : i32 from vector<1xi32>
      %mul3A_245 = arith.constant 16 : i32
      %mul3A_246 = arith.muli %scan3A_113, %mul3A_245 : i32
      %add3A_247 = arith.constant 7 : i32
      %add3A_248 = arith.addi %mul3A_246, %add3A_247 : i32
      %dma_start3A_249 = arith.constant 0 : i32
      %dma_start3A_250 = tpu.memref_slice %arg11[%add3A_248, %dma_start3A_249] : memref<128x32xf32, #tpu.memory_space<vmem>> -> memref<1x32xf32, #tpu.memory_space<vmem>>
      %dma_start3A_251 = tpu.memref_squeeze %dma_start3A_250 : memref<1x32xf32, #tpu.memory_space<vmem>> -> memref<32xf32, #tpu.memory_space<vmem>>
      %dma_start3A_252 = arith.constant 0 : i32
      %dma_start3A_253 = tpu.memref_slice %arg5[%squeeze3A_244, %dma_start3A_252] : memref<1000000x32xf32, #tpu.memory_space<hbm>> -> memref<1x32xf32, #tpu.memory_space<hbm>>
      %dma_start3A_254 = tpu.memref_squeeze %dma_start3A_253 : memref<1x32xf32, #tpu.memory_space<hbm>> -> memref<32xf32, #tpu.memory_space<hbm>>
      %dma_start3A_255 = arith.constant 0 : i32
      %dma_start3A_256 = tpu.memref_slice %arg11[%add3A_248, %dma_start3A_255] : memref<128x32xf32, #tpu.memory_space<vmem>> -> memref<1x32xf32, #tpu.memory_space<vmem>>
      %dma_start3A_257 = tpu.memref_squeeze %dma_start3A_256 : memref<1x32xf32, #tpu.memory_space<vmem>> -> memref<32xf32, #tpu.memory_space<vmem>>
      %dma_start3A_258 = arith.constant 0 : i32
      %dma_start3A_259 = tpu.memref_slice %arg5[%squeeze3A_244, %dma_start3A_258] : memref<1000000x32xf32, #tpu.memory_space<hbm>> -> memref<1x32xf32, #tpu.memory_space<hbm>>
      %dma_start3A_260 = tpu.memref_squeeze %dma_start3A_259 : memref<1x32xf32, #tpu.memory_space<hbm>> -> memref<32xf32, #tpu.memory_space<hbm>>
      tpu.enqueue_dma source(%dma_start3A_260 : memref<32xf32, #tpu.memory_space<hbm>>) target(%dma_start3A_257 : memref<32xf32, #tpu.memory_space<vmem>>) target_semaphore(%arg15 : memref<!tpu.dma_semaphore, #tpu.memory_space<semaphore_mem>>)
      %slice3A_261 = vector.extract_strided_slice %get3A_119 {offsets = [8], sizes = [1], strides = [1]} : vector<16xi32> to vector<1xi32>
      %squeeze3A_262 = vector.extract %slice3A_261[0] : i32 from vector<1xi32>
      %mul3A_263 = arith.constant 16 : i32
      %mul3A_264 = arith.muli %scan3A_113, %mul3A_263 : i32
      %add3A_265 = arith.constant 8 : i32
      %add3A_266 = arith.addi %mul3A_264, %add3A_265 : i32
      %dma_start3A_267 = arith.constant 0 : i32
      %dma_start3A_268 = tpu.memref_slice %arg11[%add3A_266, %dma_start3A_267] : memref<128x32xf32, #tpu.memory_space<vmem>> -> memref<1x32xf32, #tpu.memory_space<vmem>>
      %dma_start3A_269 = tpu.memref_squeeze %dma_start3A_268 : memref<1x32xf32, #tpu.memory_space<vmem>> -> memref<32xf32, #tpu.memory_space<vmem>>
      %dma_start3A_270 = arith.constant 0 : i32
      %dma_start3A_271 = tpu.memref_slice %arg5[%squeeze3A_262, %dma_start3A_270] : memref<1000000x32xf32, #tpu.memory_space<hbm>> -> memref<1x32xf32, #tpu.memory_space<hbm>>
      %dma_start3A_272 = tpu.memref_squeeze %dma_start3A_271 : memref<1x32xf32, #tpu.memory_space<hbm>> -> memref<32xf32, #tpu.memory_space<hbm>>
      %dma_start3A_273 = arith.constant 0 : i32
      %dma_start3A_274 = tpu.memref_slice %arg11[%add3A_266, %dma_start3A_273] : memref<128x32xf32, #tpu.memory_space<vmem>> -> memref<1x32xf32, #tpu.memory_space<vmem>>
      %dma_start3A_275 = tpu.memref_squeeze %dma_start3A_274 : memref<1x32xf32, #tpu.memory_space<vmem>> -> memref<32xf32, #tpu.memory_space<vmem>>
      %dma_start3A_276 = arith.constant 0 : i32
      %dma_start3A_277 = tpu.memref_slice %arg5[%squeeze3A_262, %dma_start3A_276] : memref<1000000x32xf32, #tpu.memory_space<hbm>> -> memref<1x32xf32, #tpu.memory_space<hbm>>
      %dma_start3A_278 = tpu.memref_squeeze %dma_start3A_277 : memref<1x32xf32, #tpu.memory_space<hbm>> -> memref<32xf32, #tpu.memory_space<hbm>>
      tpu.enqueue_dma source(%dma_start3A_278 : memref<32xf32, #tpu.memory_space<hbm>>) target(%dma_start3A_275 : memref<32xf32, #tpu.memory_space<vmem>>) target_semaphore(%arg15 : memref<!tpu.dma_semaphore, #tpu.memory_space<semaphore_mem>>)
      %slice3A_279 = vector.extract_strided_slice %get3A_119 {offsets = [9], sizes = [1], strides = [1]} : vector<16xi32> to vector<1xi32>
      %squeeze3A_280 = vector.extract %slice3A_279[0] : i32 from vector<1xi32>
      %mul3A_281 = arith.constant 16 : i32
      %mul3A_282 = arith.muli %scan3A_113, %mul3A_281 : i32
      %add3A_283 = arith.constant 9 : i32
      %add3A_284 = arith.addi %mul3A_282, %add3A_283 : i32
      %dma_start3A_285 = arith.constant 0 : i32
      %dma_start3A_286 = tpu.memref_slice %arg11[%add3A_284, %dma_start3A_285] : memref<128x32xf32, #tpu.memory_space<vmem>> -> memref<1x32xf32, #tpu.memory_space<vmem>>
      %dma_start3A_287 = tpu.memref_squeeze %dma_start3A_286 : memref<1x32xf32, #tpu.memory_space<vmem>> -> memref<32xf32, #tpu.memory_space<vmem>>
      %dma_start3A_288 = arith.constant 0 : i32
      %dma_start3A_289 = tpu.memref_slice %arg5[%squeeze3A_280, %dma_start3A_288] : memref<1000000x32xf32, #tpu.memory_space<hbm>> -> memref<1x32xf32, #tpu.memory_space<hbm>>
      %dma_start3A_290 = tpu.memref_squeeze %dma_start3A_289 : memref<1x32xf32, #tpu.memory_space<hbm>> -> memref<32xf32, #tpu.memory_space<hbm>>
      %dma_start3A_291 = arith.constant 0 : i32
      %dma_start3A_292 = tpu.memref_slice %arg11[%add3A_284, %dma_start3A_291] : memref<128x32xf32, #tpu.memory_space<vmem>> -> memref<1x32xf32, #tpu.memory_space<vmem>>
      %dma_start3A_293 = tpu.memref_squeeze %dma_start3A_292 : memref<1x32xf32, #tpu.memory_space<vmem>> -> memref<32xf32, #tpu.memory_space<vmem>>
      %dma_start3A_294 = arith.constant 0 : i32
      %dma_start3A_295 = tpu.memref_slice %arg5[%squeeze3A_280, %dma_start3A_294] : memref<1000000x32xf32, #tpu.memory_space<hbm>> -> memref<1x32xf32, #tpu.memory_space<hbm>>
      %dma_start3A_296 = tpu.memref_squeeze %dma_start3A_295 : memref<1x32xf32, #tpu.memory_space<hbm>> -> memref<32xf32, #tpu.memory_space<hbm>>
      tpu.enqueue_dma source(%dma_start3A_296 : memref<32xf32, #tpu.memory_space<hbm>>) target(%dma_start3A_293 : memref<32xf32, #tpu.memory_space<vmem>>) target_semaphore(%arg15 : memref<!tpu.dma_semaphore, #tpu.memory_space<semaphore_mem>>)
      %slice3A_297 = vector.extract_strided_slice %get3A_119 {offsets = [10], sizes = [1], strides = [1]} : vector<16xi32> to vector<1xi32>
      %squeeze3A_298 = vector.extract %slice3A_297[0] : i32 from vector<1xi32>
      %mul3A_299 = arith.constant 16 : i32
      %mul3A_300 = arith.muli %scan3A_113, %mul3A_299 : i32
      %add3A_301 = arith.constant 10 : i32
      %add3A_302 = arith.addi %mul3A_300, %add3A_301 : i32
      %dma_start3A_303 = arith.constant 0 : i32
      %dma_start3A_304 = tpu.memref_slice %arg11[%add3A_302, %dma_start3A_303] : memref<128x32xf32, #tpu.memory_space<vmem>> -> memref<1x32xf32, #tpu.memory_space<vmem>>
      %dma_start3A_305 = tpu.memref_squeeze %dma_start3A_304 : memref<1x32xf32, #tpu.memory_space<vmem>> -> memref<32xf32, #tpu.memory_space<vmem>>
      %dma_start3A_306 = arith.constant 0 : i32
      %dma_start3A_307 = tpu.memref_slice %arg5[%squeeze3A_298, %dma_start3A_306] : memref<1000000x32xf32, #tpu.memory_space<hbm>> -> memref<1x32xf32, #tpu.memory_space<hbm>>
      %dma_start3A_308 = tpu.memref_squeeze %dma_start3A_307 : memref<1x32xf32, #tpu.memory_space<hbm>> -> memref<32xf32, #tpu.memory_space<hbm>>
      %dma_start3A_309 = arith.constant 0 : i32
      %dma_start3A_310 = tpu.memref_slice %arg11[%add3A_302, %dma_start3A_309] : memref<128x32xf32, #tpu.memory_space<vmem>> -> memref<1x32xf32, #tpu.memory_space<vmem>>
      %dma_start3A_311 = tpu.memref_squeeze %dma_start3A_310 : memref<1x32xf32, #tpu.memory_space<vmem>> -> memref<32xf32, #tpu.memory_space<vmem>>
      %dma_start3A_312 = arith.constant 0 : i32
      %dma_start3A_313 = tpu.memref_slice %arg5[%squeeze3A_298, %dma_start3A_312] : memref<1000000x32xf32, #tpu.memory_space<hbm>> -> memref<1x32xf32, #tpu.memory_space<hbm>>
      %dma_start3A_314 = tpu.memref_squeeze %dma_start3A_313 : memref<1x32xf32, #tpu.memory_space<hbm>> -> memref<32xf32, #tpu.memory_space<hbm>>
      tpu.enqueue_dma source(%dma_start3A_314 : memref<32xf32, #tpu.memory_space<hbm>>) target(%dma_start3A_311 : memref<32xf32, #tpu.memory_space<vmem>>) target_semaphore(%arg15 : memref<!tpu.dma_semaphore, #tpu.memory_space<semaphore_mem>>)
      %slice3A_315 = vector.extract_strided_slice %get3A_119 {offsets = [11], sizes = [1], strides = [1]} : vector<16xi32> to vector<1xi32>
      %squeeze3A_316 = vector.extract %slice3A_315[0] : i32 from vector<1xi32>
      %mul3A_317 = arith.constant 16 : i32
      %mul3A_318 = arith.muli %scan3A_113, %mul3A_317 : i32
      %add3A_319 = arith.constant 11 : i32
      %add3A_320 = arith.addi %mul3A_318, %add3A_319 : i32
      %dma_start3A_321 = arith.constant 0 : i32
      %dma_start3A_322 = tpu.memref_slice %arg11[%add3A_320, %dma_start3A_321] : memref<128x32xf32, #tpu.memory_space<vmem>> -> memref<1x32xf32, #tpu.memory_space<vmem>>
      %dma_start3A_323 = tpu.memref_squeeze %dma_start3A_322 : memref<1x32xf32, #tpu.memory_space<vmem>> -> memref<32xf32, #tpu.memory_space<vmem>>
      %dma_start3A_324 = arith.constant 0 : i32
      %dma_start3A_325 = tpu.memref_slice %arg5[%squeeze3A_316, %dma_start3A_324] : memref<1000000x32xf32, #tpu.memory_space<hbm>> -> memref<1x32xf32, #tpu.memory_space<hbm>>
      %dma_start3A_326 = tpu.memref_squeeze %dma_start3A_325 : memref<1x32xf32, #tpu.memory_space<hbm>> -> memref<32xf32, #tpu.memory_space<hbm>>
      %dma_start3A_327 = arith.constant 0 : i32
      %dma_start3A_328 = tpu.memref_slice %arg11[%add3A_320, %dma_start3A_327] : memref<128x32xf32, #tpu.memory_space<vmem>> -> memref<1x32xf32, #tpu.memory_space<vmem>>
      %dma_start3A_329 = tpu.memref_squeeze %dma_start3A_328 : memref<1x32xf32, #tpu.memory_space<vmem>> -> memref<32xf32, #tpu.memory_space<vmem>>
      %dma_start3A_330 = arith.constant 0 : i32
      %dma_start3A_331 = tpu.memref_slice %arg5[%squeeze3A_316, %dma_start3A_330] : memref<1000000x32xf32, #tpu.memory_space<hbm>> -> memref<1x32xf32, #tpu.memory_space<hbm>>
      %dma_start3A_332 = tpu.memref_squeeze %dma_start3A_331 : memref<1x32xf32, #tpu.memory_space<hbm>> -> memref<32xf32, #tpu.memory_space<hbm>>
      tpu.enqueue_dma source(%dma_start3A_332 : memref<32xf32, #tpu.memory_space<hbm>>) target(%dma_start3A_329 : memref<32xf32, #tpu.memory_space<vmem>>) target_semaphore(%arg15 : memref<!tpu.dma_semaphore, #tpu.memory_space<semaphore_mem>>)
      %slice3A_333 = vector.extract_strided_slice %get3A_119 {offsets = [12], sizes = [1], strides = [1]} : vector<16xi32> to vector<1xi32>
      %squeeze3A_334 = vector.extract %slice3A_333[0] : i32 from vector<1xi32>
      %mul3A_335 = arith.constant 16 : i32
      %mul3A_336 = arith.muli %scan3A_113, %mul3A_335 : i32
      %add3A_337 = arith.constant 12 : i32
      %add3A_338 = arith.addi %mul3A_336, %add3A_337 : i32
      %dma_start3A_339 = arith.constant 0 : i32
      %dma_start3A_340 = tpu.memref_slice %arg11[%add3A_338, %dma_start3A_339] : memref<128x32xf32, #tpu.memory_space<vmem>> -> memref<1x32xf32, #tpu.memory_space<vmem>>
      %dma_start3A_341 = tpu.memref_squeeze %dma_start3A_340 : memref<1x32xf32, #tpu.memory_space<vmem>> -> memref<32xf32, #tpu.memory_space<vmem>>
      %dma_start3A_342 = arith.constant 0 : i32
      %dma_start3A_343 = tpu.memref_slice %arg5[%squeeze3A_334, %dma_start3A_342] : memref<1000000x32xf32, #tpu.memory_space<hbm>> -> memref<1x32xf32, #tpu.memory_space<hbm>>
      %dma_start3A_344 = tpu.memref_squeeze %dma_start3A_343 : memref<1x32xf32, #tpu.memory_space<hbm>> -> memref<32xf32, #tpu.memory_space<hbm>>
      %dma_start3A_345 = arith.constant 0 : i32
      %dma_start3A_346 = tpu.memref_slice %arg11[%add3A_338, %dma_start3A_345] : memref<128x32xf32, #tpu.memory_space<vmem>> -> memref<1x32xf32, #tpu.memory_space<vmem>>
      %dma_start3A_347 = tpu.memref_squeeze %dma_start3A_346 : memref<1x32xf32, #tpu.memory_space<vmem>> -> memref<32xf32, #tpu.memory_space<vmem>>
      %dma_start3A_348 = arith.constant 0 : i32
      %dma_start3A_349 = tpu.memref_slice %arg5[%squeeze3A_334, %dma_start3A_348] : memref<1000000x32xf32, #tpu.memory_space<hbm>> -> memref<1x32xf32, #tpu.memory_space<hbm>>
      %dma_start3A_350 = tpu.memref_squeeze %dma_start3A_349 : memref<1x32xf32, #tpu.memory_space<hbm>> -> memref<32xf32, #tpu.memory_space<hbm>>
      tpu.enqueue_dma source(%dma_start3A_350 : memref<32xf32, #tpu.memory_space<hbm>>) target(%dma_start3A_347 : memref<32xf32, #tpu.memory_space<vmem>>) target_semaphore(%arg15 : memref<!tpu.dma_semaphore, #tpu.memory_space<semaphore_mem>>)
      %slice3A_351 = vector.extract_strided_slice %get3A_119 {offsets = [13], sizes = [1], strides = [1]} : vector<16xi32> to vector<1xi32>
      %squeeze3A_352 = vector.extract %slice3A_351[0] : i32 from vector<1xi32>
      %mul3A_353 = arith.constant 16 : i32
      %mul3A_354 = arith.muli %scan3A_113, %mul3A_353 : i32
      %add3A_355 = arith.constant 13 : i32
      %add3A_356 = arith.addi %mul3A_354, %add3A_355 : i32
      %dma_start3A_357 = arith.constant 0 : i32
      %dma_start3A_358 = tpu.memref_slice %arg11[%add3A_356, %dma_start3A_357] : memref<128x32xf32, #tpu.memory_space<vmem>> -> memref<1x32xf32, #tpu.memory_space<vmem>>
      %dma_start3A_359 = tpu.memref_squeeze %dma_start3A_358 : memref<1x32xf32, #tpu.memory_space<vmem>> -> memref<32xf32, #tpu.memory_space<vmem>>
      %dma_start3A_360 = arith.constant 0 : i32
      %dma_start3A_361 = tpu.memref_slice %arg5[%squeeze3A_352, %dma_start3A_360] : memref<1000000x32xf32, #tpu.memory_space<hbm>> -> memref<1x32xf32, #tpu.memory_space<hbm>>
      %dma_start3A_362 = tpu.memref_squeeze %dma_start3A_361 : memref<1x32xf32, #tpu.memory_space<hbm>> -> memref<32xf32, #tpu.memory_space<hbm>>
      %dma_start3A_363 = arith.constant 0 : i32
      %dma_start3A_364 = tpu.memref_slice %arg11[%add3A_356, %dma_start3A_363] : memref<128x32xf32, #tpu.memory_space<vmem>> -> memref<1x32xf32, #tpu.memory_space<vmem>>
      %dma_start3A_365 = tpu.memref_squeeze %dma_start3A_364 : memref<1x32xf32, #tpu.memory_space<vmem>> -> memref<32xf32, #tpu.memory_space<vmem>>
      %dma_start3A_366 = arith.constant 0 : i32
      %dma_start3A_367 = tpu.memref_slice %arg5[%squeeze3A_352, %dma_start3A_366] : memref<1000000x32xf32, #tpu.memory_space<hbm>> -> memref<1x32xf32, #tpu.memory_space<hbm>>
      %dma_start3A_368 = tpu.memref_squeeze %dma_start3A_367 : memref<1x32xf32, #tpu.memory_space<hbm>> -> memref<32xf32, #tpu.memory_space<hbm>>
      tpu.enqueue_dma source(%dma_start3A_368 : memref<32xf32, #tpu.memory_space<hbm>>) target(%dma_start3A_365 : memref<32xf32, #tpu.memory_space<vmem>>) target_semaphore(%arg15 : memref<!tpu.dma_semaphore, #tpu.memory_space<semaphore_mem>>)
      %slice3A_369 = vector.extract_strided_slice %get3A_119 {offsets = [14], sizes = [1], strides = [1]} : vector<16xi32> to vector<1xi32>
      %squeeze3A_370 = vector.extract %slice3A_369[0] : i32 from vector<1xi32>
      %mul3A_371 = arith.constant 16 : i32
      %mul3A_372 = arith.muli %scan3A_113, %mul3A_371 : i32
      %add3A_373 = arith.constant 14 : i32
      %add3A_374 = arith.addi %mul3A_372, %add3A_373 : i32
      %dma_start3A_375 = arith.constant 0 : i32
      %dma_start3A_376 = tpu.memref_slice %arg11[%add3A_374, %dma_start3A_375] : memref<128x32xf32, #tpu.memory_space<vmem>> -> memref<1x32xf32, #tpu.memory_space<vmem>>
      %dma_start3A_377 = tpu.memref_squeeze %dma_start3A_376 : memref<1x32xf32, #tpu.memory_space<vmem>> -> memref<32xf32, #tpu.memory_space<vmem>>
      %dma_start3A_378 = arith.constant 0 : i32
      %dma_start3A_379 = tpu.memref_slice %arg5[%squeeze3A_370, %dma_start3A_378] : memref<1000000x32xf32, #tpu.memory_space<hbm>> -> memref<1x32xf32, #tpu.memory_space<hbm>>
      %dma_start3A_380 = tpu.memref_squeeze %dma_start3A_379 : memref<1x32xf32, #tpu.memory_space<hbm>> -> memref<32xf32, #tpu.memory_space<hbm>>
      %dma_start3A_381 = arith.constant 0 : i32
      %dma_start3A_382 = tpu.memref_slice %arg11[%add3A_374, %dma_start3A_381] : memref<128x32xf32, #tpu.memory_space<vmem>> -> memref<1x32xf32, #tpu.memory_space<vmem>>
      %dma_start3A_383 = tpu.memref_squeeze %dma_start3A_382 : memref<1x32xf32, #tpu.memory_space<vmem>> -> memref<32xf32, #tpu.memory_space<vmem>>
      %dma_start3A_384 = arith.constant 0 : i32
      %dma_start3A_385 = tpu.memref_slice %arg5[%squeeze3A_370, %dma_start3A_384] : memref<1000000x32xf32, #tpu.memory_space<hbm>> -> memref<1x32xf32, #tpu.memory_space<hbm>>
      %dma_start3A_386 = tpu.memref_squeeze %dma_start3A_385 : memref<1x32xf32, #tpu.memory_space<hbm>> -> memref<32xf32, #tpu.memory_space<hbm>>
      tpu.enqueue_dma source(%dma_start3A_386 : memref<32xf32, #tpu.memory_space<hbm>>) target(%dma_start3A_383 : memref<32xf32, #tpu.memory_space<vmem>>) target_semaphore(%arg15 : memref<!tpu.dma_semaphore, #tpu.memory_space<semaphore_mem>>)
      %slice3A_387 = vector.extract_strided_slice %get3A_119 {offsets = [15], sizes = [1], strides = [1]} : vector<16xi32> to vector<1xi32>
      %squeeze3A_388 = vector.extract %slice3A_387[0] : i32 from vector<1xi32>
      %mul3A_389 = arith.constant 16 : i32
      %mul3A_390 = arith.muli %scan3A_113, %mul3A_389 : i32
      %add3A_391 = arith.constant 15 : i32
      %add3A_392 = arith.addi %mul3A_390, %add3A_391 : i32
      %dma_start3A_393 = arith.constant 0 : i32
      %dma_start3A_394 = tpu.memref_slice %arg11[%add3A_392, %dma_start3A_393] : memref<128x32xf32, #tpu.memory_space<vmem>> -> memref<1x32xf32, #tpu.memory_space<vmem>>
      %dma_start3A_395 = tpu.memref_squeeze %dma_start3A_394 : memref<1x32xf32, #tpu.memory_space<vmem>> -> memref<32xf32, #tpu.memory_space<vmem>>
      %dma_start3A_396 = arith.constant 0 : i32
      %dma_start3A_397 = tpu.memref_slice %arg5[%squeeze3A_388, %dma_start3A_396] : memref<1000000x32xf32, #tpu.memory_space<hbm>> -> memref<1x32xf32, #tpu.memory_space<hbm>>
      %dma_start3A_398 = tpu.memref_squeeze %dma_start3A_397 : memref<1x32xf32, #tpu.memory_space<hbm>> -> memref<32xf32, #tpu.memory_space<hbm>>
      %dma_start3A_399 = arith.constant 0 : i32
      %dma_start3A_400 = tpu.memref_slice %arg11[%add3A_392, %dma_start3A_399] : memref<128x32xf32, #tpu.memory_space<vmem>> -> memref<1x32xf32, #tpu.memory_space<vmem>>
      %dma_start3A_401 = tpu.memref_squeeze %dma_start3A_400 : memref<1x32xf32, #tpu.memory_space<vmem>> -> memref<32xf32, #tpu.memory_space<vmem>>
      %dma_start3A_402 = arith.constant 0 : i32
      %dma_start3A_403 = tpu.memref_slice %arg5[%squeeze3A_388, %dma_start3A_402] : memref<1000000x32xf32, #tpu.memory_space<hbm>> -> memref<1x32xf32, #tpu.memory_space<hbm>>
      %dma_start3A_404 = tpu.memref_squeeze %dma_start3A_403 : memref<1x32xf32, #tpu.memory_space<hbm>> -> memref<32xf32, #tpu.memory_space<hbm>>
      tpu.enqueue_dma source(%dma_start3A_404 : memref<32xf32, #tpu.memory_space<hbm>>) target(%dma_start3A_401 : memref<32xf32, #tpu.memory_space<vmem>>) target_semaphore(%arg15 : memref<!tpu.dma_semaphore, #tpu.memory_space<semaphore_mem>>)
    }
    %scan3A_19 = arith.constant 8 : i32
    %scan3A_20 = arith.constant 0 : i32
    %scan3A_21 = arith.constant 0 : i32
    %scan3A_22 = arith.constant 8 : i32
    %scan3A_23 = arith.addi %scan3A_21, %scan3A_22 : i32
    %scan3A_24 = arith.constant 1 : i32
    scf.for %scan3A_113 = %scan3A_21 to %scan3A_23 step %scan3A_24  : i32 {
      %mul3A_114 = arith.constant 16 : i32
      %mul3A_115 = arith.muli %scan3A_113, %mul3A_114 : i32
      %add3A_116 = arith.constant 128 : i32
      %add3A_117 = arith.addi %add3A_116, %mul3A_115 : i32
      %get3A = arith.index_cast %add3A_117 : i32 to index
      %get3A_118 = tpu.vector_load %arg9[%get3A] {strides = array<i32>} : memref<512xi32, #tpu.memory_space<vmem>>, vector<16xi32>,
      %get3A_119 = vector.shape_cast %get3A_118 : vector<16xi32> to vector<16xi32>
      %slice3A = vector.extract_strided_slice %get3A_119 {offsets = [0], sizes = [1], strides = [1]} : vector<16xi32> to vector<1xi32>
      %squeeze3A = vector.extract %slice3A[0] : i32 from vector<1xi32>
      %mul3A_120 = arith.constant 16 : i32
      %mul3A_121 = arith.muli %scan3A_113, %mul3A_120 : i32
      %add3A_122 = arith.constant 0 : i32
      %add3A_123 = arith.addi %mul3A_121, %add3A_122 : i32
      %dma_start3A = arith.constant 0 : i32
      %dma_start3A_124 = tpu.memref_slice %arg13[%add3A_123, %dma_start3A] : memref<128x32xf32, #tpu.memory_space<vmem>> -> memref<1x32xf32, #tpu.memory_space<vmem>>
      %dma_start3A_125 = tpu.memref_squeeze %dma_start3A_124 : memref<1x32xf32, #tpu.memory_space<vmem>> -> memref<32xf32, #tpu.memory_space<vmem>>
      %dma_start3A_126 = arith.constant 0 : i32
      %dma_start3A_127 = tpu.memref_slice %arg5[%squeeze3A, %dma_start3A_126] : memref<1000000x32xf32, #tpu.memory_space<hbm>> -> memref<1x32xf32, #tpu.memory_space<hbm>>
      %dma_start3A_128 = tpu.memref_squeeze %dma_start3A_127 : memref<1x32xf32, #tpu.memory_space<hbm>> -> memref<32xf32, #tpu.memory_space<hbm>>
      %dma_start3A_129 = arith.constant 0 : i32
      %dma_start3A_130 = tpu.memref_slice %arg13[%add3A_123, %dma_start3A_129] : memref<128x32xf32, #tpu.memory_space<vmem>> -> memref<1x32xf32, #tpu.memory_space<vmem>>
      %dma_start3A_131 = tpu.memref_squeeze %dma_start3A_130 : memref<1x32xf32, #tpu.memory_space<vmem>> -> memref<32xf32, #tpu.memory_space<vmem>>
      %dma_start3A_132 = arith.constant 0 : i32
      %dma_start3A_133 = tpu.memref_slice %arg5[%squeeze3A, %dma_start3A_132] : memref<1000000x32xf32, #tpu.memory_space<hbm>> -> memref<1x32xf32, #tpu.memory_space<hbm>>
      %dma_start3A_134 = tpu.memref_squeeze %dma_start3A_133 : memref<1x32xf32, #tpu.memory_space<hbm>> -> memref<32xf32, #tpu.memory_space<hbm>>
      tpu.enqueue_dma source(%dma_start3A_134 : memref<32xf32, #tpu.memory_space<hbm>>) target(%dma_start3A_131 : memref<32xf32, #tpu.memory_space<vmem>>) target_semaphore(%arg17 : memref<!tpu.dma_semaphore, #tpu.memory_space<semaphore_mem>>)
      %slice3A_135 = vector.extract_strided_slice %get3A_119 {offsets = [1], sizes = [1], strides = [1]} : vector<16xi32> to vector<1xi32>
      %squeeze3A_136 = vector.extract %slice3A_135[0] : i32 from vector<1xi32>
      %mul3A_137 = arith.constant 16 : i32
      %mul3A_138 = arith.muli %scan3A_113, %mul3A_137 : i32
      %add3A_139 = arith.constant 1 : i32
      %add3A_140 = arith.addi %mul3A_138, %add3A_139 : i32
      %dma_start3A_141 = arith.constant 0 : i32
      %dma_start3A_142 = tpu.memref_slice %arg13[%add3A_140, %dma_start3A_141] : memref<128x32xf32, #tpu.memory_space<vmem>> -> memref<1x32xf32, #tpu.memory_space<vmem>>
      %dma_start3A_143 = tpu.memref_squeeze %dma_start3A_142 : memref<1x32xf32, #tpu.memory_space<vmem>> -> memref<32xf32, #tpu.memory_space<vmem>>
      %dma_start3A_144 = arith.constant 0 : i32
      %dma_start3A_145 = tpu.memref_slice %arg5[%squeeze3A_136, %dma_start3A_144] : memref<1000000x32xf32, #tpu.memory_space<hbm>> -> memref<1x32xf32, #tpu.memory_space<hbm>>
      %dma_start3A_146 = tpu.memref_squeeze %dma_start3A_145 : memref<1x32xf32, #tpu.memory_space<hbm>> -> memref<32xf32, #tpu.memory_space<hbm>>
      %dma_start3A_147 = arith.constant 0 : i32
      %dma_start3A_148 = tpu.memref_slice %arg13[%add3A_140, %dma_start3A_147] : memref<128x32xf32, #tpu.memory_space<vmem>> -> memref<1x32xf32, #tpu.memory_space<vmem>>
      %dma_start3A_149 = tpu.memref_squeeze %dma_start3A_148 : memref<1x32xf32, #tpu.memory_space<vmem>> -> memref<32xf32, #tpu.memory_space<vmem>>
      %dma_start3A_150 = arith.constant 0 : i32
      %dma_start3A_151 = tpu.memref_slice %arg5[%squeeze3A_136, %dma_start3A_150] : memref<1000000x32xf32, #tpu.memory_space<hbm>> -> memref<1x32xf32, #tpu.memory_space<hbm>>
      %dma_start3A_152 = tpu.memref_squeeze %dma_start3A_151 : memref<1x32xf32, #tpu.memory_space<hbm>> -> memref<32xf32, #tpu.memory_space<hbm>>
      tpu.enqueue_dma source(%dma_start3A_152 : memref<32xf32, #tpu.memory_space<hbm>>) target(%dma_start3A_149 : memref<32xf32, #tpu.memory_space<vmem>>) target_semaphore(%arg17 : memref<!tpu.dma_semaphore, #tpu.memory_space<semaphore_mem>>)
      %slice3A_153 = vector.extract_strided_slice %get3A_119 {offsets = [2], sizes = [1], strides = [1]} : vector<16xi32> to vector<1xi32>
      %squeeze3A_154 = vector.extract %slice3A_153[0] : i32 from vector<1xi32>
      %mul3A_155 = arith.constant 16 : i32
      %mul3A_156 = arith.muli %scan3A_113, %mul3A_155 : i32
      %add3A_157 = arith.constant 2 : i32
      %add3A_158 = arith.addi %mul3A_156, %add3A_157 : i32
      %dma_start3A_159 = arith.constant 0 : i32
      %dma_start3A_160 = tpu.memref_slice %arg13[%add3A_158, %dma_start3A_159] : memref<128x32xf32, #tpu.memory_space<vmem>> -> memref<1x32xf32, #tpu.memory_space<vmem>>
      %dma_start3A_161 = tpu.memref_squeeze %dma_start3A_160 : memref<1x32xf32, #tpu.memory_space<vmem>> -> memref<32xf32, #tpu.memory_space<vmem>>
      %dma_start3A_162 = arith.constant 0 : i32
      %dma_start3A_163 = tpu.memref_slice %arg5[%squeeze3A_154, %dma_start3A_162] : memref<1000000x32xf32, #tpu.memory_space<hbm>> -> memref<1x32xf32, #tpu.memory_space<hbm>>
      %dma_start3A_164 = tpu.memref_squeeze %dma_start3A_163 : memref<1x32xf32, #tpu.memory_space<hbm>> -> memref<32xf32, #tpu.memory_space<hbm>>
      %dma_start3A_165 = arith.constant 0 : i32
      %dma_start3A_166 = tpu.memref_slice %arg13[%add3A_158, %dma_start3A_165] : memref<128x32xf32, #tpu.memory_space<vmem>> -> memref<1x32xf32, #tpu.memory_space<vmem>>
      %dma_start3A_167 = tpu.memref_squeeze %dma_start3A_166 : memref<1x32xf32, #tpu.memory_space<vmem>> -> memref<32xf32, #tpu.memory_space<vmem>>
      %dma_start3A_168 = arith.constant 0 : i32
      %dma_start3A_169 = tpu.memref_slice %arg5[%squeeze3A_154, %dma_start3A_168] : memref<1000000x32xf32, #tpu.memory_space<hbm>> -> memref<1x32xf32, #tpu.memory_space<hbm>>
      %dma_start3A_170 = tpu.memref_squeeze %dma_start3A_169 : memref<1x32xf32, #tpu.memory_space<hbm>> -> memref<32xf32, #tpu.memory_space<hbm>>
      tpu.enqueue_dma source(%dma_start3A_170 : memref<32xf32, #tpu.memory_space<hbm>>) target(%dma_start3A_167 : memref<32xf32, #tpu.memory_space<vmem>>) target_semaphore(%arg17 : memref<!tpu.dma_semaphore, #tpu.memory_space<semaphore_mem>>)
      %slice3A_171 = vector.extract_strided_slice %get3A_119 {offsets = [3], sizes = [1], strides = [1]} : vector<16xi32> to vector<1xi32>
      %squeeze3A_172 = vector.extract %slice3A_171[0] : i32 from vector<1xi32>
      %mul3A_173 = arith.constant 16 : i32
      %mul3A_174 = arith.muli %scan3A_113, %mul3A_173 : i32
      %add3A_175 = arith.constant 3 : i32
      %add3A_176 = arith.addi %mul3A_174, %add3A_175 : i32
      %dma_start3A_177 = arith.constant 0 : i32
      %dma_start3A_178 = tpu.memref_slice %arg13[%add3A_176, %dma_start3A_177] : memref<128x32xf32, #tpu.memory_space<vmem>> -> memref<1x32xf32, #tpu.memory_space<vmem>>
      %dma_start3A_179 = tpu.memref_squeeze %dma_start3A_178 : memref<1x32xf32, #tpu.memory_space<vmem>> -> memref<32xf32, #tpu.memory_space<vmem>>
      %dma_start3A_180 = arith.constant 0 : i32
      %dma_start3A_181 = tpu.memref_slice %arg5[%squeeze3A_172, %dma_start3A_180] : memref<1000000x32xf32, #tpu.memory_space<hbm>> -> memref<1x32xf32, #tpu.memory_space<hbm>>
      %dma_start3A_182 = tpu.memref_squeeze %dma_start3A_181 : memref<1x32xf32, #tpu.memory_space<hbm>> -> memref<32xf32, #tpu.memory_space<hbm>>
      %dma_start3A_183 = arith.constant 0 : i32
      %dma_start3A_184 = tpu.memref_slice %arg13[%add3A_176, %dma_start3A_183] : memref<128x32xf32, #tpu.memory_space<vmem>> -> memref<1x32xf32, #tpu.memory_space<vmem>>
      %dma_start3A_185 = tpu.memref_squeeze %dma_start3A_184 : memref<1x32xf32, #tpu.memory_space<vmem>> -> memref<32xf32, #tpu.memory_space<vmem>>
      %dma_start3A_186 = arith.constant 0 : i32
      %dma_start3A_187 = tpu.memref_slice %arg5[%squeeze3A_172, %dma_start3A_186] : memref<1000000x32xf32, #tpu.memory_space<hbm>> -> memref<1x32xf32, #tpu.memory_space<hbm>>
      %dma_start3A_188 = tpu.memref_squeeze %dma_start3A_187 : memref<1x32xf32, #tpu.memory_space<hbm>> -> memref<32xf32, #tpu.memory_space<hbm>>
      tpu.enqueue_dma source(%dma_start3A_188 : memref<32xf32, #tpu.memory_space<hbm>>) target(%dma_start3A_185 : memref<32xf32, #tpu.memory_space<vmem>>) target_semaphore(%arg17 : memref<!tpu.dma_semaphore, #tpu.memory_space<semaphore_mem>>)
      %slice3A_189 = vector.extract_strided_slice %get3A_119 {offsets = [4], sizes = [1], strides = [1]} : vector<16xi32> to vector<1xi32>
      %squeeze3A_190 = vector.extract %slice3A_189[0] : i32 from vector<1xi32>
      %mul3A_191 = arith.constant 16 : i32
      %mul3A_192 = arith.muli %scan3A_113, %mul3A_191 : i32
      %add3A_193 = arith.constant 4 : i32
      %add3A_194 = arith.addi %mul3A_192, %add3A_193 : i32
      %dma_start3A_195 = arith.constant 0 : i32
      %dma_start3A_196 = tpu.memref_slice %arg13[%add3A_194, %dma_start3A_195] : memref<128x32xf32, #tpu.memory_space<vmem>> -> memref<1x32xf32, #tpu.memory_space<vmem>>
      %dma_start3A_197 = tpu.memref_squeeze %dma_start3A_196 : memref<1x32xf32, #tpu.memory_space<vmem>> -> memref<32xf32, #tpu.memory_space<vmem>>
      %dma_start3A_198 = arith.constant 0 : i32
      %dma_start3A_199 = tpu.memref_slice %arg5[%squeeze3A_190, %dma_start3A_198] : memref<1000000x32xf32, #tpu.memory_space<hbm>> -> memref<1x32xf32, #tpu.memory_space<hbm>>
      %dma_start3A_200 = tpu.memref_squeeze %dma_start3A_199 : memref<1x32xf32, #tpu.memory_space<hbm>> -> memref<32xf32, #tpu.memory_space<hbm>>
      %dma_start3A_201 = arith.constant 0 : i32
      %dma_start3A_202 = tpu.memref_slice %arg13[%add3A_194, %dma_start3A_201] : memref<128x32xf32, #tpu.memory_space<vmem>> -> memref<1x32xf32, #tpu.memory_space<vmem>>
      %dma_start3A_203 = tpu.memref_squeeze %dma_start3A_202 : memref<1x32xf32, #tpu.memory_space<vmem>> -> memref<32xf32, #tpu.memory_space<vmem>>
      %dma_start3A_204 = arith.constant 0 : i32
      %dma_start3A_205 = tpu.memref_slice %arg5[%squeeze3A_190, %dma_start3A_204] : memref<1000000x32xf32, #tpu.memory_space<hbm>> -> memref<1x32xf32, #tpu.memory_space<hbm>>
      %dma_start3A_206 = tpu.memref_squeeze %dma_start3A_205 : memref<1x32xf32, #tpu.memory_space<hbm>> -> memref<32xf32, #tpu.memory_space<hbm>>
      tpu.enqueue_dma source(%dma_start3A_206 : memref<32xf32, #tpu.memory_space<hbm>>) target(%dma_start3A_203 : memref<32xf32, #tpu.memory_space<vmem>>) target_semaphore(%arg17 : memref<!tpu.dma_semaphore, #tpu.memory_space<semaphore_mem>>)
      %slice3A_207 = vector.extract_strided_slice %get3A_119 {offsets = [5], sizes = [1], strides = [1]} : vector<16xi32> to vector<1xi32>
      %squeeze3A_208 = vector.extract %slice3A_207[0] : i32 from vector<1xi32>
      %mul3A_209 = arith.constant 16 : i32
      %mul3A_210 = arith.muli %scan3A_113, %mul3A_209 : i32
      %add3A_211 = arith.constant 5 : i32
      %add3A_212 = arith.addi %mul3A_210, %add3A_211 : i32
      %dma_start3A_213 = arith.constant 0 : i32
      %dma_start3A_214 = tpu.memref_slice %arg13[%add3A_212, %dma_start3A_213] : memref<128x32xf32, #tpu.memory_space<vmem>> -> memref<1x32xf32, #tpu.memory_space<vmem>>
      %dma_start3A_215 = tpu.memref_squeeze %dma_start3A_214 : memref<1x32xf32, #tpu.memory_space<vmem>> -> memref<32xf32, #tpu.memory_space<vmem>>
      %dma_start3A_216 = arith.constant 0 : i32
      %dma_start3A_217 = tpu.memref_slice %arg5[%squeeze3A_208, %dma_start3A_216] : memref<1000000x32xf32, #tpu.memory_space<hbm>> -> memref<1x32xf32, #tpu.memory_space<hbm>>
      %dma_start3A_218 = tpu.memref_squeeze %dma_start3A_217 : memref<1x32xf32, #tpu.memory_space<hbm>> -> memref<32xf32, #tpu.memory_space<hbm>>
      %dma_start3A_219 = arith.constant 0 : i32
      %dma_start3A_220 = tpu.memref_slice %arg13[%add3A_212, %dma_start3A_219] : memref<128x32xf32, #tpu.memory_space<vmem>> -> memref<1x32xf32, #tpu.memory_space<vmem>>
      %dma_start3A_221 = tpu.memref_squeeze %dma_start3A_220 : memref<1x32xf32, #tpu.memory_space<vmem>> -> memref<32xf32, #tpu.memory_space<vmem>>
      %dma_start3A_222 = arith.constant 0 : i32
      %dma_start3A_223 = tpu.memref_slice %arg5[%squeeze3A_208, %dma_start3A_222] : memref<1000000x32xf32, #tpu.memory_space<hbm>> -> memref<1x32xf32, #tpu.memory_space<hbm>>
      %dma_start3A_224 = tpu.memref_squeeze %dma_start3A_223 : memref<1x32xf32, #tpu.memory_space<hbm>> -> memref<32xf32, #tpu.memory_space<hbm>>
      tpu.enqueue_dma source(%dma_start3A_224 : memref<32xf32, #tpu.memory_space<hbm>>) target(%dma_start3A_221 : memref<32xf32, #tpu.memory_space<vmem>>) target_semaphore(%arg17 : memref<!tpu.dma_semaphore, #tpu.memory_space<semaphore_mem>>)
      %slice3A_225 = vector.extract_strided_slice %get3A_119 {offsets = [6], sizes = [1], strides = [1]} : vector<16xi32> to vector<1xi32>
      %squeeze3A_226 = vector.extract %slice3A_225[0] : i32 from vector<1xi32>
      %mul3A_227 = arith.constant 16 : i32
      %mul3A_228 = arith.muli %scan3A_113, %mul3A_227 : i32
      %add3A_229 = arith.constant 6 : i32
      %add3A_230 = arith.addi %mul3A_228, %add3A_229 : i32
      %dma_start3A_231 = arith.constant 0 : i32
      %dma_start3A_232 = tpu.memref_slice %arg13[%add3A_230, %dma_start3A_231] : memref<128x32xf32, #tpu.memory_space<vmem>> -> memref<1x32xf32, #tpu.memory_space<vmem>>
      %dma_start3A_233 = tpu.memref_squeeze %dma_start3A_232 : memref<1x32xf32, #tpu.memory_space<vmem>> -> memref<32xf32, #tpu.memory_space<vmem>>
      %dma_start3A_234 = arith.constant 0 : i32
      %dma_start3A_235 = tpu.memref_slice %arg5[%squeeze3A_226, %dma_start3A_234] : memref<1000000x32xf32, #tpu.memory_space<hbm>> -> memref<1x32xf32, #tpu.memory_space<hbm>>
      %dma_start3A_236 = tpu.memref_squeeze %dma_start3A_235 : memref<1x32xf32, #tpu.memory_space<hbm>> -> memref<32xf32, #tpu.memory_space<hbm>>
      %dma_start3A_237 = arith.constant 0 : i32
      %dma_start3A_238 = tpu.memref_slice %arg13[%add3A_230, %dma_start3A_237] : memref<128x32xf32, #tpu.memory_space<vmem>> -> memref<1x32xf32, #tpu.memory_space<vmem>>
      %dma_start3A_239 = tpu.memref_squeeze %dma_start3A_238 : memref<1x32xf32, #tpu.memory_space<vmem>> -> memref<32xf32, #tpu.memory_space<vmem>>
      %dma_start3A_240 = arith.constant 0 : i32
      %dma_start3A_241 = tpu.memref_slice %arg5[%squeeze3A_226, %dma_start3A_240] : memref<1000000x32xf32, #tpu.memory_space<hbm>> -> memref<1x32xf32, #tpu.memory_space<hbm>>
      %dma_start3A_242 = tpu.memref_squeeze %dma_start3A_241 : memref<1x32xf32, #tpu.memory_space<hbm>> -> memref<32xf32, #tpu.memory_space<hbm>>
      tpu.enqueue_dma source(%dma_start3A_242 : memref<32xf32, #tpu.memory_space<hbm>>) target(%dma_start3A_239 : memref<32xf32, #tpu.memory_space<vmem>>) target_semaphore(%arg17 : memref<!tpu.dma_semaphore, #tpu.memory_space<semaphore_mem>>)
      %slice3A_243 = vector.extract_strided_slice %get3A_119 {offsets = [7], sizes = [1], strides = [1]} : vector<16xi32> to vector<1xi32>
      %squeeze3A_244 = vector.extract %slice3A_243[0] : i32 from vector<1xi32>
      %mul3A_245 = arith.constant 16 : i32
      %mul3A_246 = arith.muli %scan3A_113, %mul3A_245 : i32
      %add3A_247 = arith.constant 7 : i32
      %add3A_248 = arith.addi %mul3A_246, %add3A_247 : i32
      %dma_start3A_249 = arith.constant 0 : i32
      %dma_start3A_250 = tpu.memref_slice %arg13[%add3A_248, %dma_start3A_249] : memref<128x32xf32, #tpu.memory_space<vmem>> -> memref<1x32xf32, #tpu.memory_space<vmem>>
      %dma_start3A_251 = tpu.memref_squeeze %dma_start3A_250 : memref<1x32xf32, #tpu.memory_space<vmem>> -> memref<32xf32, #tpu.memory_space<vmem>>
      %dma_start3A_252 = arith.constant 0 : i32
      %dma_start3A_253 = tpu.memref_slice %arg5[%squeeze3A_244, %dma_start3A_252] : memref<1000000x32xf32, #tpu.memory_space<hbm>> -> memref<1x32xf32, #tpu.memory_space<hbm>>
      %dma_start3A_254 = tpu.memref_squeeze %dma_start3A_253 : memref<1x32xf32, #tpu.memory_space<hbm>> -> memref<32xf32, #tpu.memory_space<hbm>>
      %dma_start3A_255 = arith.constant 0 : i32
      %dma_start3A_256 = tpu.memref_slice %arg13[%add3A_248, %dma_start3A_255] : memref<128x32xf32, #tpu.memory_space<vmem>> -> memref<1x32xf32, #tpu.memory_space<vmem>>
      %dma_start3A_257 = tpu.memref_squeeze %dma_start3A_256 : memref<1x32xf32, #tpu.memory_space<vmem>> -> memref<32xf32, #tpu.memory_space<vmem>>
      %dma_start3A_258 = arith.constant 0 : i32
      %dma_start3A_259 = tpu.memref_slice %arg5[%squeeze3A_244, %dma_start3A_258] : memref<1000000x32xf32, #tpu.memory_space<hbm>> -> memref<1x32xf32, #tpu.memory_space<hbm>>
      %dma_start3A_260 = tpu.memref_squeeze %dma_start3A_259 : memref<1x32xf32, #tpu.memory_space<hbm>> -> memref<32xf32, #tpu.memory_space<hbm>>
      tpu.enqueue_dma source(%dma_start3A_260 : memref<32xf32, #tpu.memory_space<hbm>>) target(%dma_start3A_257 : memref<32xf32, #tpu.memory_space<vmem>>) target_semaphore(%arg17 : memref<!tpu.dma_semaphore, #tpu.memory_space<semaphore_mem>>)
      %slice3A_261 = vector.extract_strided_slice %get3A_119 {offsets = [8], sizes = [1], strides = [1]} : vector<16xi32> to vector<1xi32>
      %squeeze3A_262 = vector.extract %slice3A_261[0] : i32 from vector<1xi32>
      %mul3A_263 = arith.constant 16 : i32
      %mul3A_264 = arith.muli %scan3A_113, %mul3A_263 : i32
      %add3A_265 = arith.constant 8 : i32
      %add3A_266 = arith.addi %mul3A_264, %add3A_265 : i32
      %dma_start3A_267 = arith.constant 0 : i32
      %dma_start3A_268 = tpu.memref_slice %arg13[%add3A_266, %dma_start3A_267] : memref<128x32xf32, #tpu.memory_space<vmem>> -> memref<1x32xf32, #tpu.memory_space<vmem>>
      %dma_start3A_269 = tpu.memref_squeeze %dma_start3A_268 : memref<1x32xf32, #tpu.memory_space<vmem>> -> memref<32xf32, #tpu.memory_space<vmem>>
      %dma_start3A_270 = arith.constant 0 : i32
      %dma_start3A_271 = tpu.memref_slice %arg5[%squeeze3A_262, %dma_start3A_270] : memref<1000000x32xf32, #tpu.memory_space<hbm>> -> memref<1x32xf32, #tpu.memory_space<hbm>>
      %dma_start3A_272 = tpu.memref_squeeze %dma_start3A_271 : memref<1x32xf32, #tpu.memory_space<hbm>> -> memref<32xf32, #tpu.memory_space<hbm>>
      %dma_start3A_273 = arith.constant 0 : i32
      %dma_start3A_274 = tpu.memref_slice %arg13[%add3A_266, %dma_start3A_273] : memref<128x32xf32, #tpu.memory_space<vmem>> -> memref<1x32xf32, #tpu.memory_space<vmem>>
      %dma_start3A_275 = tpu.memref_squeeze %dma_start3A_274 : memref<1x32xf32, #tpu.memory_space<vmem>> -> memref<32xf32, #tpu.memory_space<vmem>>
      %dma_start3A_276 = arith.constant 0 : i32
      %dma_start3A_277 = tpu.memref_slice %arg5[%squeeze3A_262, %dma_start3A_276] : memref<1000000x32xf32, #tpu.memory_space<hbm>> -> memref<1x32xf32, #tpu.memory_space<hbm>>
      %dma_start3A_278 = tpu.memref_squeeze %dma_start3A_277 : memref<1x32xf32, #tpu.memory_space<hbm>> -> memref<32xf32, #tpu.memory_space<hbm>>
      tpu.enqueue_dma source(%dma_start3A_278 : memref<32xf32, #tpu.memory_space<hbm>>) target(%dma_start3A_275 : memref<32xf32, #tpu.memory_space<vmem>>) target_semaphore(%arg17 : memref<!tpu.dma_semaphore, #tpu.memory_space<semaphore_mem>>)
      %slice3A_279 = vector.extract_strided_slice %get3A_119 {offsets = [9], sizes = [1], strides = [1]} : vector<16xi32> to vector<1xi32>
      %squeeze3A_280 = vector.extract %slice3A_279[0] : i32 from vector<1xi32>
      %mul3A_281 = arith.constant 16 : i32
      %mul3A_282 = arith.muli %scan3A_113, %mul3A_281 : i32
      %add3A_283 = arith.constant 9 : i32
      %add3A_284 = arith.addi %mul3A_282, %add3A_283 : i32
      %dma_start3A_285 = arith.constant 0 : i32
      %dma_start3A_286 = tpu.memref_slice %arg13[%add3A_284, %dma_start3A_285] : memref<128x32xf32, #tpu.memory_space<vmem>> -> memref<1x32xf32, #tpu.memory_space<vmem>>
      %dma_start3A_287 = tpu.memref_squeeze %dma_start3A_286 : memref<1x32xf32, #tpu.memory_space<vmem>> -> memref<32xf32, #tpu.memory_space<vmem>>
      %dma_start3A_288 = arith.constant 0 : i32
      %dma_start3A_289 = tpu.memref_slice %arg5[%squeeze3A_280, %dma_start3A_288] : memref<1000000x32xf32, #tpu.memory_space<hbm>> -> memref<1x32xf32, #tpu.memory_space<hbm>>
      %dma_start3A_290 = tpu.memref_squeeze %dma_start3A_289 : memref<1x32xf32, #tpu.memory_space<hbm>> -> memref<32xf32, #tpu.memory_space<hbm>>
      %dma_start3A_291 = arith.constant 0 : i32
      %dma_start3A_292 = tpu.memref_slice %arg13[%add3A_284, %dma_start3A_291] : memref<128x32xf32, #tpu.memory_space<vmem>> -> memref<1x32xf32, #tpu.memory_space<vmem>>
      %dma_start3A_293 = tpu.memref_squeeze %dma_start3A_292 : memref<1x32xf32, #tpu.memory_space<vmem>> -> memref<32xf32, #tpu.memory_space<vmem>>
      %dma_start3A_294 = arith.constant 0 : i32
      %dma_start3A_295 = tpu.memref_slice %arg5[%squeeze3A_280, %dma_start3A_294] : memref<1000000x32xf32, #tpu.memory_space<hbm>> -> memref<1x32xf32, #tpu.memory_space<hbm>>
      %dma_start3A_296 = tpu.memref_squeeze %dma_start3A_295 : memref<1x32xf32, #tpu.memory_space<hbm>> -> memref<32xf32, #tpu.memory_space<hbm>>
      tpu.enqueue_dma source(%dma_start3A_296 : memref<32xf32, #tpu.memory_space<hbm>>) target(%dma_start3A_293 : memref<32xf32, #tpu.memory_space<vmem>>) target_semaphore(%arg17 : memref<!tpu.dma_semaphore, #tpu.memory_space<semaphore_mem>>)
      %slice3A_297 = vector.extract_strided_slice %get3A_119 {offsets = [10], sizes = [1], strides = [1]} : vector<16xi32> to vector<1xi32>
      %squeeze3A_298 = vector.extract %slice3A_297[0] : i32 from vector<1xi32>
      %mul3A_299 = arith.constant 16 : i32
      %mul3A_300 = arith.muli %scan3A_113, %mul3A_299 : i32
      %add3A_301 = arith.constant 10 : i32
      %add3A_302 = arith.addi %mul3A_300, %add3A_301 : i32
      %dma_start3A_303 = arith.constant 0 : i32
      %dma_start3A_304 = tpu.memref_slice %arg13[%add3A_302, %dma_start3A_303] : memref<128x32xf32, #tpu.memory_space<vmem>> -> memref<1x32xf32, #tpu.memory_space<vmem>>
      %dma_start3A_305 = tpu.memref_squeeze %dma_start3A_304 : memref<1x32xf32, #tpu.memory_space<vmem>> -> memref<32xf32, #tpu.memory_space<vmem>>
      %dma_start3A_306 = arith.constant 0 : i32
      %dma_start3A_307 = tpu.memref_slice %arg5[%squeeze3A_298, %dma_start3A_306] : memref<1000000x32xf32, #tpu.memory_space<hbm>> -> memref<1x32xf32, #tpu.memory_space<hbm>>
      %dma_start3A_308 = tpu.memref_squeeze %dma_start3A_307 : memref<1x32xf32, #tpu.memory_space<hbm>> -> memref<32xf32, #tpu.memory_space<hbm>>
      %dma_start3A_309 = arith.constant 0 : i32
      %dma_start3A_310 = tpu.memref_slice %arg13[%add3A_302, %dma_start3A_309] : memref<128x32xf32, #tpu.memory_space<vmem>> -> memref<1x32xf32, #tpu.memory_space<vmem>>
      %dma_start3A_311 = tpu.memref_squeeze %dma_start3A_310 : memref<1x32xf32, #tpu.memory_space<vmem>> -> memref<32xf32, #tpu.memory_space<vmem>>
      %dma_start3A_312 = arith.constant 0 : i32
      %dma_start3A_313 = tpu.memref_slice %arg5[%squeeze3A_298, %dma_start3A_312] : memref<1000000x32xf32, #tpu.memory_space<hbm>> -> memref<1x32xf32, #tpu.memory_space<hbm>>
      %dma_start3A_314 = tpu.memref_squeeze %dma_start3A_313 : memref<1x32xf32, #tpu.memory_space<hbm>> -> memref<32xf32, #tpu.memory_space<hbm>>
      tpu.enqueue_dma source(%dma_start3A_314 : memref<32xf32, #tpu.memory_space<hbm>>) target(%dma_start3A_311 : memref<32xf32, #tpu.memory_space<vmem>>) target_semaphore(%arg17 : memref<!tpu.dma_semaphore, #tpu.memory_space<semaphore_mem>>)
      %slice3A_315 = vector.extract_strided_slice %get3A_119 {offsets = [11], sizes = [1], strides = [1]} : vector<16xi32> to vector<1xi32>
      %squeeze3A_316 = vector.extract %slice3A_315[0] : i32 from vector<1xi32>
      %mul3A_317 = arith.constant 16 : i32
      %mul3A_318 = arith.muli %scan3A_113, %mul3A_317 : i32
      %add3A_319 = arith.constant 11 : i32
      %add3A_320 = arith.addi %mul3A_318, %add3A_319 : i32
      %dma_start3A_321 = arith.constant 0 : i32
      %dma_start3A_322 = tpu.memref_slice %arg13[%add3A_320, %dma_start3A_321] : memref<128x32xf32, #tpu.memory_space<vmem>> -> memref<1x32xf32, #tpu.memory_space<vmem>>
      %dma_start3A_323 = tpu.memref_squeeze %dma_start3A_322 : memref<1x32xf32, #tpu.memory_space<vmem>> -> memref<32xf32, #tpu.memory_space<vmem>>
      %dma_start3A_324 = arith.constant 0 : i32
      %dma_start3A_325 = tpu.memref_slice %arg5[%squeeze3A_316, %dma_start3A_324] : memref<1000000x32xf32, #tpu.memory_space<hbm>> -> memref<1x32xf32, #tpu.memory_space<hbm>>
      %dma_start3A_326 = tpu.memref_squeeze %dma_start3A_325 : memref<1x32xf32, #tpu.memory_space<hbm>> -> memref<32xf32, #tpu.memory_space<hbm>>
      %dma_start3A_327 = arith.constant 0 : i32
      %dma_start3A_328 = tpu.memref_slice %arg13[%add3A_320, %dma_start3A_327] : memref<128x32xf32, #tpu.memory_space<vmem>> -> memref<1x32xf32, #tpu.memory_space<vmem>>
      %dma_start3A_329 = tpu.memref_squeeze %dma_start3A_328 : memref<1x32xf32, #tpu.memory_space<vmem>> -> memref<32xf32, #tpu.memory_space<vmem>>
      %dma_start3A_330 = arith.constant 0 : i32
      %dma_start3A_331 = tpu.memref_slice %arg5[%squeeze3A_316, %dma_start3A_330] : memref<1000000x32xf32, #tpu.memory_space<hbm>> -> memref<1x32xf32, #tpu.memory_space<hbm>>
      %dma_start3A_332 = tpu.memref_squeeze %dma_start3A_331 : memref<1x32xf32, #tpu.memory_space<hbm>> -> memref<32xf32, #tpu.memory_space<hbm>>
      tpu.enqueue_dma source(%dma_start3A_332 : memref<32xf32, #tpu.memory_space<hbm>>) target(%dma_start3A_329 : memref<32xf32, #tpu.memory_space<vmem>>) target_semaphore(%arg17 : memref<!tpu.dma_semaphore, #tpu.memory_space<semaphore_mem>>)
      %slice3A_333 = vector.extract_strided_slice %get3A_119 {offsets = [12], sizes = [1], strides = [1]} : vector<16xi32> to vector<1xi32>
      %squeeze3A_334 = vector.extract %slice3A_333[0] : i32 from vector<1xi32>
      %mul3A_335 = arith.constant 16 : i32
      %mul3A_336 = arith.muli %scan3A_113, %mul3A_335 : i32
      %add3A_337 = arith.constant 12 : i32
      %add3A_338 = arith.addi %mul3A_336, %add3A_337 : i32
      %dma_start3A_339 = arith.constant 0 : i32
      %dma_start3A_340 = tpu.memref_slice %arg13[%add3A_338, %dma_start3A_339] : memref<128x32xf32, #tpu.memory_space<vmem>> -> memref<1x32xf32, #tpu.memory_space<vmem>>
      %dma_start3A_341 = tpu.memref_squeeze %dma_start3A_340 : memref<1x32xf32, #tpu.memory_space<vmem>> -> memref<32xf32, #tpu.memory_space<vmem>>
      %dma_start3A_342 = arith.constant 0 : i32
      %dma_start3A_343 = tpu.memref_slice %arg5[%squeeze3A_334, %dma_start3A_342] : memref<1000000x32xf32, #tpu.memory_space<hbm>> -> memref<1x32xf32, #tpu.memory_space<hbm>>
      %dma_start3A_344 = tpu.memref_squeeze %dma_start3A_343 : memref<1x32xf32, #tpu.memory_space<hbm>> -> memref<32xf32, #tpu.memory_space<hbm>>
      %dma_start3A_345 = arith.constant 0 : i32
      %dma_start3A_346 = tpu.memref_slice %arg13[%add3A_338, %dma_start3A_345] : memref<128x32xf32, #tpu.memory_space<vmem>> -> memref<1x32xf32, #tpu.memory_space<vmem>>
      %dma_start3A_347 = tpu.memref_squeeze %dma_start3A_346 : memref<1x32xf32, #tpu.memory_space<vmem>> -> memref<32xf32, #tpu.memory_space<vmem>>
      %dma_start3A_348 = arith.constant 0 : i32
      %dma_start3A_349 = tpu.memref_slice %arg5[%squeeze3A_334, %dma_start3A_348] : memref<1000000x32xf32, #tpu.memory_space<hbm>> -> memref<1x32xf32, #tpu.memory_space<hbm>>
      %dma_start3A_350 = tpu.memref_squeeze %dma_start3A_349 : memref<1x32xf32, #tpu.memory_space<hbm>> -> memref<32xf32, #tpu.memory_space<hbm>>
      tpu.enqueue_dma source(%dma_start3A_350 : memref<32xf32, #tpu.memory_space<hbm>>) target(%dma_start3A_347 : memref<32xf32, #tpu.memory_space<vmem>>) target_semaphore(%arg17 : memref<!tpu.dma_semaphore, #tpu.memory_space<semaphore_mem>>)
      %slice3A_351 = vector.extract_strided_slice %get3A_119 {offsets = [13], sizes = [1], strides = [1]} : vector<16xi32> to vector<1xi32>
      %squeeze3A_352 = vector.extract %slice3A_351[0] : i32 from vector<1xi32>
      %mul3A_353 = arith.constant 16 : i32
      %mul3A_354 = arith.muli %scan3A_113, %mul3A_353 : i32
      %add3A_355 = arith.constant 13 : i32
      %add3A_356 = arith.addi %mul3A_354, %add3A_355 : i32
      %dma_start3A_357 = arith.constant 0 : i32
      %dma_start3A_358 = tpu.memref_slice %arg13[%add3A_356, %dma_start3A_357] : memref<128x32xf32, #tpu.memory_space<vmem>> -> memref<1x32xf32, #tpu.memory_space<vmem>>
      %dma_start3A_359 = tpu.memref_squeeze %dma_start3A_358 : memref<1x32xf32, #tpu.memory_space<vmem>> -> memref<32xf32, #tpu.memory_space<vmem>>
      %dma_start3A_360 = arith.constant 0 : i32
      %dma_start3A_361 = tpu.memref_slice %arg5[%squeeze3A_352, %dma_start3A_360] : memref<1000000x32xf32, #tpu.memory_space<hbm>> -> memref<1x32xf32, #tpu.memory_space<hbm>>
      %dma_start3A_362 = tpu.memref_squeeze %dma_start3A_361 : memref<1x32xf32, #tpu.memory_space<hbm>> -> memref<32xf32, #tpu.memory_space<hbm>>
      %dma_start3A_363 = arith.constant 0 : i32
      %dma_start3A_364 = tpu.memref_slice %arg13[%add3A_356, %dma_start3A_363] : memref<128x32xf32, #tpu.memory_space<vmem>> -> memref<1x32xf32, #tpu.memory_space<vmem>>
      %dma_start3A_365 = tpu.memref_squeeze %dma_start3A_364 : memref<1x32xf32, #tpu.memory_space<vmem>> -> memref<32xf32, #tpu.memory_space<vmem>>
      %dma_start3A_366 = arith.constant 0 : i32
      %dma_start3A_367 = tpu.memref_slice %arg5[%squeeze3A_352, %dma_start3A_366] : memref<1000000x32xf32, #tpu.memory_space<hbm>> -> memref<1x32xf32, #tpu.memory_space<hbm>>
      %dma_start3A_368 = tpu.memref_squeeze %dma_start3A_367 : memref<1x32xf32, #tpu.memory_space<hbm>> -> memref<32xf32, #tpu.memory_space<hbm>>
      tpu.enqueue_dma source(%dma_start3A_368 : memref<32xf32, #tpu.memory_space<hbm>>) target(%dma_start3A_365 : memref<32xf32, #tpu.memory_space<vmem>>) target_semaphore(%arg17 : memref<!tpu.dma_semaphore, #tpu.memory_space<semaphore_mem>>)
      %slice3A_369 = vector.extract_strided_slice %get3A_119 {offsets = [14], sizes = [1], strides = [1]} : vector<16xi32> to vector<1xi32>
      %squeeze3A_370 = vector.extract %slice3A_369[0] : i32 from vector<1xi32>
      %mul3A_371 = arith.constant 16 : i32
      %mul3A_372 = arith.muli %scan3A_113, %mul3A_371 : i32
      %add3A_373 = arith.constant 14 : i32
      %add3A_374 = arith.addi %mul3A_372, %add3A_373 : i32
      %dma_start3A_375 = arith.constant 0 : i32
      %dma_start3A_376 = tpu.memref_slice %arg13[%add3A_374, %dma_start3A_375] : memref<128x32xf32, #tpu.memory_space<vmem>> -> memref<1x32xf32, #tpu.memory_space<vmem>>
      %dma_start3A_377 = tpu.memref_squeeze %dma_start3A_376 : memref<1x32xf32, #tpu.memory_space<vmem>> -> memref<32xf32, #tpu.memory_space<vmem>>
      %dma_start3A_378 = arith.constant 0 : i32
      %dma_start3A_379 = tpu.memref_slice %arg5[%squeeze3A_370, %dma_start3A_378] : memref<1000000x32xf32, #tpu.memory_space<hbm>> -> memref<1x32xf32, #tpu.memory_space<hbm>>
      %dma_start3A_380 = tpu.memref_squeeze %dma_start3A_379 : memref<1x32xf32, #tpu.memory_space<hbm>> -> memref<32xf32, #tpu.memory_space<hbm>>
      %dma_start3A_381 = arith.constant 0 : i32
      %dma_start3A_382 = tpu.memref_slice %arg13[%add3A_374, %dma_start3A_381] : memref<128x32xf32, #tpu.memory_space<vmem>> -> memref<1x32xf32, #tpu.memory_space<vmem>>
      %dma_start3A_383 = tpu.memref_squeeze %dma_start3A_382 : memref<1x32xf32, #tpu.memory_space<vmem>> -> memref<32xf32, #tpu.memory_space<vmem>>
      %dma_start3A_384 = arith.constant 0 : i32
      %dma_start3A_385 = tpu.memref_slice %arg5[%squeeze3A_370, %dma_start3A_384] : memref<1000000x32xf32, #tpu.memory_space<hbm>> -> memref<1x32xf32, #tpu.memory_space<hbm>>
      %dma_start3A_386 = tpu.memref_squeeze %dma_start3A_385 : memref<1x32xf32, #tpu.memory_space<hbm>> -> memref<32xf32, #tpu.memory_space<hbm>>
      tpu.enqueue_dma source(%dma_start3A_386 : memref<32xf32, #tpu.memory_space<hbm>>) target(%dma_start3A_383 : memref<32xf32, #tpu.memory_space<vmem>>) target_semaphore(%arg17 : memref<!tpu.dma_semaphore, #tpu.memory_space<semaphore_mem>>)
      %slice3A_387 = vector.extract_strided_slice %get3A_119 {offsets = [15], sizes = [1], strides = [1]} : vector<16xi32> to vector<1xi32>
      %squeeze3A_388 = vector.extract %slice3A_387[0] : i32 from vector<1xi32>
      %mul3A_389 = arith.constant 16 : i32
      %mul3A_390 = arith.muli %scan3A_113, %mul3A_389 : i32
      %add3A_391 = arith.constant 15 : i32
      %add3A_392 = arith.addi %mul3A_390, %add3A_391 : i32
      %dma_start3A_393 = arith.constant 0 : i32
      %dma_start3A_394 = tpu.memref_slice %arg13[%add3A_392, %dma_start3A_393] : memref<128x32xf32, #tpu.memory_space<vmem>> -> memref<1x32xf32, #tpu.memory_space<vmem>>
      %dma_start3A_395 = tpu.memref_squeeze %dma_start3A_394 : memref<1x32xf32, #tpu.memory_space<vmem>> -> memref<32xf32, #tpu.memory_space<vmem>>
      %dma_start3A_396 = arith.constant 0 : i32
      %dma_start3A_397 = tpu.memref_slice %arg5[%squeeze3A_388, %dma_start3A_396] : memref<1000000x32xf32, #tpu.memory_space<hbm>> -> memref<1x32xf32, #tpu.memory_space<hbm>>
      %dma_start3A_398 = tpu.memref_squeeze %dma_start3A_397 : memref<1x32xf32, #tpu.memory_space<hbm>> -> memref<32xf32, #tpu.memory_space<hbm>>
      %dma_start3A_399 = arith.constant 0 : i32
      %dma_start3A_400 = tpu.memref_slice %arg13[%add3A_392, %dma_start3A_399] : memref<128x32xf32, #tpu.memory_space<vmem>> -> memref<1x32xf32, #tpu.memory_space<vmem>>
      %dma_start3A_401 = tpu.memref_squeeze %dma_start3A_400 : memref<1x32xf32, #tpu.memory_space<vmem>> -> memref<32xf32, #tpu.memory_space<vmem>>
      %dma_start3A_402 = arith.constant 0 : i32
      %dma_start3A_403 = tpu.memref_slice %arg5[%squeeze3A_388, %dma_start3A_402] : memref<1000000x32xf32, #tpu.memory_space<hbm>> -> memref<1x32xf32, #tpu.memory_space<hbm>>
      %dma_start3A_404 = tpu.memref_squeeze %dma_start3A_403 : memref<1x32xf32, #tpu.memory_space<hbm>> -> memref<32xf32, #tpu.memory_space<hbm>>
      tpu.enqueue_dma source(%dma_start3A_404 : memref<32xf32, #tpu.memory_space<hbm>>) target(%dma_start3A_401 : memref<32xf32, #tpu.memory_space<vmem>>) target_semaphore(%arg17 : memref<!tpu.dma_semaphore, #tpu.memory_space<semaphore_mem>>)
    }
    %scan3A_25 = arith.constant 8 : i32
    %dma_wait3A = arith.constant 0 : i32
    %dma_wait3A_26 = arith.constant 0 : i32
    %dma_wait3A_27 = tpu.memref_slice %arg4[%dma_wait3A, %dma_wait3A_26] : memref<1000000x32xf32, #tpu.memory_space<hbm>> -> memref<128x32xf32, #tpu.memory_space<hbm>>
    %dma_wait3A_28 = arith.constant 0 : i32
    %dma_wait3A_29 = arith.constant 0 : i32
    %dma_wait3A_30 = tpu.memref_slice %arg4[%dma_wait3A_28, %dma_wait3A_29] : memref<1000000x32xf32, #tpu.memory_space<hbm>> -> memref<128x32xf32, #tpu.memory_space<hbm>>
    tpu.wait_dma2 semaphore(%arg14 : memref<!tpu.dma_semaphore, #tpu.memory_space<semaphore_mem>>) src(%dma_wait3A_30 : memref<128x32xf32, #tpu.memory_space<hbm>>) dst(%arg10 : memref<128x32xf32, #tpu.memory_space<vmem>>)
    %add3A_31 = arith.constant 0 : i32
    %add3A_32 = arith.addi %mul3A_2, %add3A_31 : i32
    "tpu.region"() ({
      %run_scoped3A = tpu.sem_alloc : memref<!tpu.dma_semaphore, #tpu.memory_space<semaphore_mem>>
      %dma_start3A = arith.constant 0 : i32
      %dma_start3A_113 = tpu.memref_slice %arg6[%add3A_32, %dma_start3A] : memref<16384x32xf32, #tpu.memory_space<hbm>> -> memref<128x32xf32, #tpu.memory_space<hbm>>
      %dma_start3A_114 = arith.constant 0 : i32
      %dma_start3A_115 = tpu.memref_slice %arg6[%add3A_32, %dma_start3A_114] : memref<16384x32xf32, #tpu.memory_space<hbm>> -> memref<128x32xf32, #tpu.memory_space<hbm>>
      tpu.enqueue_dma source(%arg10 : memref<128x32xf32, #tpu.memory_space<vmem>>) target(%dma_start3A_115 : memref<128x32xf32, #tpu.memory_space<hbm>>) target_semaphore(%run_scoped3A : memref<!tpu.dma_semaphore, #tpu.memory_space<semaphore_mem>>)
      %dma_wait3A_116 = arith.constant 0 : i32
      %dma_wait3A_117 = tpu.memref_slice %arg6[%add3A_32, %dma_wait3A_116] : memref<16384x32xf32, #tpu.memory_space<hbm>> -> memref<128x32xf32, #tpu.memory_space<hbm>>
      %dma_wait3A_118 = arith.constant 0 : i32
      %dma_wait3A_119 = tpu.memref_slice %arg6[%add3A_32, %dma_wait3A_118] : memref<16384x32xf32, #tpu.memory_space<hbm>> -> memref<128x32xf32, #tpu.memory_space<hbm>>
      tpu.wait_dma2 semaphore(%run_scoped3A : memref<!tpu.dma_semaphore, #tpu.memory_space<semaphore_mem>>) src(%arg10 : memref<128x32xf32, #tpu.memory_space<vmem>>) dst(%dma_wait3A_119 : memref<128x32xf32, #tpu.memory_space<hbm>>)
      tpu.yield
    }) : () -> ()
    %scan3A_33 = arith.constant 0 : i32
    %scan3A_34 = arith.constant 0 : i32
    %scan3A_35 = arith.constant 8 : i32
    %scan3A_36 = arith.addi %scan3A_34, %scan3A_35 : i32
    %scan3A_37 = arith.constant 1 : i32
    scf.for %scan3A_113 = %scan3A_34 to %scan3A_36 step %scan3A_37  : i32 {
      %mul3A_114 = arith.constant 16 : i32
      %mul3A_115 = arith.muli %scan3A_113, %mul3A_114 : i32
      %add3A_116 = arith.constant 256 : i32
      %add3A_117 = arith.addi %add3A_116, %mul3A_115 : i32
      %get3A = arith.index_cast %add3A_117 : i32 to index
      %get3A_118 = tpu.vector_load %arg8[%get3A] {strides = array<i32>} : memref<512xi32, #tpu.memory_space<vmem>>, vector<16xi32>,
      %get3A_119 = vector.shape_cast %get3A_118 : vector<16xi32> to vector<16xi32>
      %slice3A = vector.extract_strided_slice %get3A_119 {offsets = [0], sizes = [1], strides = [1]} : vector<16xi32> to vector<1xi32>
      %squeeze3A = vector.extract %slice3A[0] : i32 from vector<1xi32>
      %mul3A_120 = arith.constant 16 : i32
      %mul3A_121 = arith.muli %scan3A_113, %mul3A_120 : i32
      %add3A_122 = arith.constant 0 : i32
      %add3A_123 = arith.addi %mul3A_121, %add3A_122 : i32
      %dma_start3A = arith.constant 0 : i32
      %dma_start3A_124 = tpu.memref_slice %arg10[%add3A_123, %dma_start3A] : memref<128x32xf32, #tpu.memory_space<vmem>> -> memref<1x32xf32, #tpu.memory_space<vmem>>
      %dma_start3A_125 = tpu.memref_squeeze %dma_start3A_124 : memref<1x32xf32, #tpu.memory_space<vmem>> -> memref<32xf32, #tpu.memory_space<vmem>>
      %dma_start3A_126 = arith.constant 0 : i32
      %dma_start3A_127 = tpu.memref_slice %arg4[%squeeze3A, %dma_start3A_126] : memref<1000000x32xf32, #tpu.memory_space<hbm>> -> memref<1x32xf32, #tpu.memory_space<hbm>>
      %dma_start3A_128 = tpu.memref_squeeze %dma_start3A_127 : memref<1x32xf32, #tpu.memory_space<hbm>> -> memref<32xf32, #tpu.memory_space<hbm>>
      %dma_start3A_129 = arith.constant 0 : i32
      %dma_start3A_130 = tpu.memref_slice %arg10[%add3A_123, %dma_start3A_129] : memref<128x32xf32, #tpu.memory_space<vmem>> -> memref<1x32xf32, #tpu.memory_space<vmem>>
      %dma_start3A_131 = tpu.memref_squeeze %dma_start3A_130 : memref<1x32xf32, #tpu.memory_space<vmem>> -> memref<32xf32, #tpu.memory_space<vmem>>
      %dma_start3A_132 = arith.constant 0 : i32
      %dma_start3A_133 = tpu.memref_slice %arg4[%squeeze3A, %dma_start3A_132] : memref<1000000x32xf32, #tpu.memory_space<hbm>> -> memref<1x32xf32, #tpu.memory_space<hbm>>
      %dma_start3A_134 = tpu.memref_squeeze %dma_start3A_133 : memref<1x32xf32, #tpu.memory_space<hbm>> -> memref<32xf32, #tpu.memory_space<hbm>>
      tpu.enqueue_dma source(%dma_start3A_134 : memref<32xf32, #tpu.memory_space<hbm>>) target(%dma_start3A_131 : memref<32xf32, #tpu.memory_space<vmem>>) target_semaphore(%arg14 : memref<!tpu.dma_semaphore, #tpu.memory_space<semaphore_mem>>)
      %slice3A_135 = vector.extract_strided_slice %get3A_119 {offsets = [1], sizes = [1], strides = [1]} : vector<16xi32> to vector<1xi32>
      %squeeze3A_136 = vector.extract %slice3A_135[0] : i32 from vector<1xi32>
      %mul3A_137 = arith.constant 16 : i32
      %mul3A_138 = arith.muli %scan3A_113, %mul3A_137 : i32
      %add3A_139 = arith.constant 1 : i32
      %add3A_140 = arith.addi %mul3A_138, %add3A_139 : i32
      %dma_start3A_141 = arith.constant 0 : i32
      %dma_start3A_142 = tpu.memref_slice %arg10[%add3A_140, %dma_start3A_141] : memref<128x32xf32, #tpu.memory_space<vmem>> -> memref<1x32xf32, #tpu.memory_space<vmem>>
      %dma_start3A_143 = tpu.memref_squeeze %dma_start3A_142 : memref<1x32xf32, #tpu.memory_space<vmem>> -> memref<32xf32, #tpu.memory_space<vmem>>
      %dma_start3A_144 = arith.constant 0 : i32
      %dma_start3A_145 = tpu.memref_slice %arg4[%squeeze3A_136, %dma_start3A_144] : memref<1000000x32xf32, #tpu.memory_space<hbm>> -> memref<1x32xf32, #tpu.memory_space<hbm>>
      %dma_start3A_146 = tpu.memref_squeeze %dma_start3A_145 : memref<1x32xf32, #tpu.memory_space<hbm>> -> memref<32xf32, #tpu.memory_space<hbm>>
      %dma_start3A_147 = arith.constant 0 : i32
      %dma_start3A_148 = tpu.memref_slice %arg10[%add3A_140, %dma_start3A_147] : memref<128x32xf32, #tpu.memory_space<vmem>> -> memref<1x32xf32, #tpu.memory_space<vmem>>
      %dma_start3A_149 = tpu.memref_squeeze %dma_start3A_148 : memref<1x32xf32, #tpu.memory_space<vmem>> -> memref<32xf32, #tpu.memory_space<vmem>>
      %dma_start3A_150 = arith.constant 0 : i32
      %dma_start3A_151 = tpu.memref_slice %arg4[%squeeze3A_136, %dma_start3A_150] : memref<1000000x32xf32, #tpu.memory_space<hbm>> -> memref<1x32xf32, #tpu.memory_space<hbm>>
      %dma_start3A_152 = tpu.memref_squeeze %dma_start3A_151 : memref<1x32xf32, #tpu.memory_space<hbm>> -> memref<32xf32, #tpu.memory_space<hbm>>
      tpu.enqueue_dma source(%dma_start3A_152 : memref<32xf32, #tpu.memory_space<hbm>>) target(%dma_start3A_149 : memref<32xf32, #tpu.memory_space<vmem>>) target_semaphore(%arg14 : memref<!tpu.dma_semaphore, #tpu.memory_space<semaphore_mem>>)
      %slice3A_153 = vector.extract_strided_slice %get3A_119 {offsets = [2], sizes = [1], strides = [1]} : vector<16xi32> to vector<1xi32>
      %squeeze3A_154 = vector.extract %slice3A_153[0] : i32 from vector<1xi32>
      %mul3A_155 = arith.constant 16 : i32
      %mul3A_156 = arith.muli %scan3A_113, %mul3A_155 : i32
      %add3A_157 = arith.constant 2 : i32
      %add3A_158 = arith.addi %mul3A_156, %add3A_157 : i32
      %dma_start3A_159 = arith.constant 0 : i32
      %dma_start3A_160 = tpu.memref_slice %arg10[%add3A_158, %dma_start3A_159] : memref<128x32xf32, #tpu.memory_space<vmem>> -> memref<1x32xf32, #tpu.memory_space<vmem>>
      %dma_start3A_161 = tpu.memref_squeeze %dma_start3A_160 : memref<1x32xf32, #tpu.memory_space<vmem>> -> memref<32xf32, #tpu.memory_space<vmem>>
      %dma_start3A_162 = arith.constant 0 : i32
      %dma_start3A_163 = tpu.memref_slice %arg4[%squeeze3A_154, %dma_start3A_162] : memref<1000000x32xf32, #tpu.memory_space<hbm>> -> memref<1x32xf32, #tpu.memory_space<hbm>>
      %dma_start3A_164 = tpu.memref_squeeze %dma_start3A_163 : memref<1x32xf32, #tpu.memory_space<hbm>> -> memref<32xf32, #tpu.memory_space<hbm>>
      %dma_start3A_165 = arith.constant 0 : i32
      %dma_start3A_166 = tpu.memref_slice %arg10[%add3A_158, %dma_start3A_165] : memref<128x32xf32, #tpu.memory_space<vmem>> -> memref<1x32xf32, #tpu.memory_space<vmem>>
      %dma_start3A_167 = tpu.memref_squeeze %dma_start3A_166 : memref<1x32xf32, #tpu.memory_space<vmem>> -> memref<32xf32, #tpu.memory_space<vmem>>
      %dma_start3A_168 = arith.constant 0 : i32
      %dma_start3A_169 = tpu.memref_slice %arg4[%squeeze3A_154, %dma_start3A_168] : memref<1000000x32xf32, #tpu.memory_space<hbm>> -> memref<1x32xf32, #tpu.memory_space<hbm>>
      %dma_start3A_170 = tpu.memref_squeeze %dma_start3A_169 : memref<1x32xf32, #tpu.memory_space<hbm>> -> memref<32xf32, #tpu.memory_space<hbm>>
      tpu.enqueue_dma source(%dma_start3A_170 : memref<32xf32, #tpu.memory_space<hbm>>) target(%dma_start3A_167 : memref<32xf32, #tpu.memory_space<vmem>>) target_semaphore(%arg14 : memref<!tpu.dma_semaphore, #tpu.memory_space<semaphore_mem>>)
      %slice3A_171 = vector.extract_strided_slice %get3A_119 {offsets = [3], sizes = [1], strides = [1]} : vector<16xi32> to vector<1xi32>
      %squeeze3A_172 = vector.extract %slice3A_171[0] : i32 from vector<1xi32>
      %mul3A_173 = arith.constant 16 : i32
      %mul3A_174 = arith.muli %scan3A_113, %mul3A_173 : i32
      %add3A_175 = arith.constant 3 : i32
      %add3A_176 = arith.addi %mul3A_174, %add3A_175 : i32
      %dma_start3A_177 = arith.constant 0 : i32
      %dma_start3A_178 = tpu.memref_slice %arg10[%add3A_176, %dma_start3A_177] : memref<128x32xf32, #tpu.memory_space<vmem>> -> memref<1x32xf32, #tpu.memory_space<vmem>>
      %dma_start3A_179 = tpu.memref_squeeze %dma_start3A_178 : memref<1x32xf32, #tpu.memory_space<vmem>> -> memref<32xf32, #tpu.memory_space<vmem>>
      %dma_start3A_180 = arith.constant 0 : i32
      %dma_start3A_181 = tpu.memref_slice %arg4[%squeeze3A_172, %dma_start3A_180] : memref<1000000x32xf32, #tpu.memory_space<hbm>> -> memref<1x32xf32, #tpu.memory_space<hbm>>
      %dma_start3A_182 = tpu.memref_squeeze %dma_start3A_181 : memref<1x32xf32, #tpu.memory_space<hbm>> -> memref<32xf32, #tpu.memory_space<hbm>>
      %dma_start3A_183 = arith.constant 0 : i32
      %dma_start3A_184 = tpu.memref_slice %arg10[%add3A_176, %dma_start3A_183] : memref<128x32xf32, #tpu.memory_space<vmem>> -> memref<1x32xf32, #tpu.memory_space<vmem>>
      %dma_start3A_185 = tpu.memref_squeeze %dma_start3A_184 : memref<1x32xf32, #tpu.memory_space<vmem>> -> memref<32xf32, #tpu.memory_space<vmem>>
      %dma_start3A_186 = arith.constant 0 : i32
      %dma_start3A_187 = tpu.memref_slice %arg4[%squeeze3A_172, %dma_start3A_186] : memref<1000000x32xf32, #tpu.memory_space<hbm>> -> memref<1x32xf32, #tpu.memory_space<hbm>>
      %dma_start3A_188 = tpu.memref_squeeze %dma_start3A_187 : memref<1x32xf32, #tpu.memory_space<hbm>> -> memref<32xf32, #tpu.memory_space<hbm>>
      tpu.enqueue_dma source(%dma_start3A_188 : memref<32xf32, #tpu.memory_space<hbm>>) target(%dma_start3A_185 : memref<32xf32, #tpu.memory_space<vmem>>) target_semaphore(%arg14 : memref<!tpu.dma_semaphore, #tpu.memory_space<semaphore_mem>>)
      %slice3A_189 = vector.extract_strided_slice %get3A_119 {offsets = [4], sizes = [1], strides = [1]} : vector<16xi32> to vector<1xi32>
      %squeeze3A_190 = vector.extract %slice3A_189[0] : i32 from vector<1xi32>
      %mul3A_191 = arith.constant 16 : i32
      %mul3A_192 = arith.muli %scan3A_113, %mul3A_191 : i32
      %add3A_193 = arith.constant 4 : i32
      %add3A_194 = arith.addi %mul3A_192, %add3A_193 : i32
      %dma_start3A_195 = arith.constant 0 : i32
      %dma_start3A_196 = tpu.memref_slice %arg10[%add3A_194, %dma_start3A_195] : memref<128x32xf32, #tpu.memory_space<vmem>> -> memref<1x32xf32, #tpu.memory_space<vmem>>
      %dma_start3A_197 = tpu.memref_squeeze %dma_start3A_196 : memref<1x32xf32, #tpu.memory_space<vmem>> -> memref<32xf32, #tpu.memory_space<vmem>>
      %dma_start3A_198 = arith.constant 0 : i32
      %dma_start3A_199 = tpu.memref_slice %arg4[%squeeze3A_190, %dma_start3A_198] : memref<1000000x32xf32, #tpu.memory_space<hbm>> -> memref<1x32xf32, #tpu.memory_space<hbm>>
      %dma_start3A_200 = tpu.memref_squeeze %dma_start3A_199 : memref<1x32xf32, #tpu.memory_space<hbm>> -> memref<32xf32, #tpu.memory_space<hbm>>
      %dma_start3A_201 = arith.constant 0 : i32
      %dma_start3A_202 = tpu.memref_slice %arg10[%add3A_194, %dma_start3A_201] : memref<128x32xf32, #tpu.memory_space<vmem>> -> memref<1x32xf32, #tpu.memory_space<vmem>>
      %dma_start3A_203 = tpu.memref_squeeze %dma_start3A_202 : memref<1x32xf32, #tpu.memory_space<vmem>> -> memref<32xf32, #tpu.memory_space<vmem>>
      %dma_start3A_204 = arith.constant 0 : i32
      %dma_start3A_205 = tpu.memref_slice %arg4[%squeeze3A_190, %dma_start3A_204] : memref<1000000x32xf32, #tpu.memory_space<hbm>> -> memref<1x32xf32, #tpu.memory_space<hbm>>
      %dma_start3A_206 = tpu.memref_squeeze %dma_start3A_205 : memref<1x32xf32, #tpu.memory_space<hbm>> -> memref<32xf32, #tpu.memory_space<hbm>>
      tpu.enqueue_dma source(%dma_start3A_206 : memref<32xf32, #tpu.memory_space<hbm>>) target(%dma_start3A_203 : memref<32xf32, #tpu.memory_space<vmem>>) target_semaphore(%arg14 : memref<!tpu.dma_semaphore, #tpu.memory_space<semaphore_mem>>)
      %slice3A_207 = vector.extract_strided_slice %get3A_119 {offsets = [5], sizes = [1], strides = [1]} : vector<16xi32> to vector<1xi32>
      %squeeze3A_208 = vector.extract %slice3A_207[0] : i32 from vector<1xi32>
      %mul3A_209 = arith.constant 16 : i32
      %mul3A_210 = arith.muli %scan3A_113, %mul3A_209 : i32
      %add3A_211 = arith.constant 5 : i32
      %add3A_212 = arith.addi %mul3A_210, %add3A_211 : i32
      %dma_start3A_213 = arith.constant 0 : i32
      %dma_start3A_214 = tpu.memref_slice %arg10[%add3A_212, %dma_start3A_213] : memref<128x32xf32, #tpu.memory_space<vmem>> -> memref<1x32xf32, #tpu.memory_space<vmem>>
      %dma_start3A_215 = tpu.memref_squeeze %dma_start3A_214 : memref<1x32xf32, #tpu.memory_space<vmem>> -> memref<32xf32, #tpu.memory_space<vmem>>
      %dma_start3A_216 = arith.constant 0 : i32
      %dma_start3A_217 = tpu.memref_slice %arg4[%squeeze3A_208, %dma_start3A_216] : memref<1000000x32xf32, #tpu.memory_space<hbm>> -> memref<1x32xf32, #tpu.memory_space<hbm>>
      %dma_start3A_218 = tpu.memref_squeeze %dma_start3A_217 : memref<1x32xf32, #tpu.memory_space<hbm>> -> memref<32xf32, #tpu.memory_space<hbm>>
      %dma_start3A_219 = arith.constant 0 : i32
      %dma_start3A_220 = tpu.memref_slice %arg10[%add3A_212, %dma_start3A_219] : memref<128x32xf32, #tpu.memory_space<vmem>> -> memref<1x32xf32, #tpu.memory_space<vmem>>
      %dma_start3A_221 = tpu.memref_squeeze %dma_start3A_220 : memref<1x32xf32, #tpu.memory_space<vmem>> -> memref<32xf32, #tpu.memory_space<vmem>>
      %dma_start3A_222 = arith.constant 0 : i32
      %dma_start3A_223 = tpu.memref_slice %arg4[%squeeze3A_208, %dma_start3A_222] : memref<1000000x32xf32, #tpu.memory_space<hbm>> -> memref<1x32xf32, #tpu.memory_space<hbm>>
      %dma_start3A_224 = tpu.memref_squeeze %dma_start3A_223 : memref<1x32xf32, #tpu.memory_space<hbm>> -> memref<32xf32, #tpu.memory_space<hbm>>
      tpu.enqueue_dma source(%dma_start3A_224 : memref<32xf32, #tpu.memory_space<hbm>>) target(%dma_start3A_221 : memref<32xf32, #tpu.memory_space<vmem>>) target_semaphore(%arg14 : memref<!tpu.dma_semaphore, #tpu.memory_space<semaphore_mem>>)
      %slice3A_225 = vector.extract_strided_slice %get3A_119 {offsets = [6], sizes = [1], strides = [1]} : vector<16xi32> to vector<1xi32>
      %squeeze3A_226 = vector.extract %slice3A_225[0] : i32 from vector<1xi32>
      %mul3A_227 = arith.constant 16 : i32
      %mul3A_228 = arith.muli %scan3A_113, %mul3A_227 : i32
      %add3A_229 = arith.constant 6 : i32
      %add3A_230 = arith.addi %mul3A_228, %add3A_229 : i32
      %dma_start3A_231 = arith.constant 0 : i32
      %dma_start3A_232 = tpu.memref_slice %arg10[%add3A_230, %dma_start3A_231] : memref<128x32xf32, #tpu.memory_space<vmem>> -> memref<1x32xf32, #tpu.memory_space<vmem>>
      %dma_start3A_233 = tpu.memref_squeeze %dma_start3A_232 : memref<1x32xf32, #tpu.memory_space<vmem>> -> memref<32xf32, #tpu.memory_space<vmem>>
      %dma_start3A_234 = arith.constant 0 : i32
      %dma_start3A_235 = tpu.memref_slice %arg4[%squeeze3A_226, %dma_start3A_234] : memref<1000000x32xf32, #tpu.memory_space<hbm>> -> memref<1x32xf32, #tpu.memory_space<hbm>>
      %dma_start3A_236 = tpu.memref_squeeze %dma_start3A_235 : memref<1x32xf32, #tpu.memory_space<hbm>> -> memref<32xf32, #tpu.memory_space<hbm>>
      %dma_start3A_237 = arith.constant 0 : i32
      %dma_start3A_238 = tpu.memref_slice %arg10[%add3A_230, %dma_start3A_237] : memref<128x32xf32, #tpu.memory_space<vmem>> -> memref<1x32xf32, #tpu.memory_space<vmem>>
      %dma_start3A_239 = tpu.memref_squeeze %dma_start3A_238 : memref<1x32xf32, #tpu.memory_space<vmem>> -> memref<32xf32, #tpu.memory_space<vmem>>
      %dma_start3A_240 = arith.constant 0 : i32
      %dma_start3A_241 = tpu.memref_slice %arg4[%squeeze3A_226, %dma_start3A_240] : memref<1000000x32xf32, #tpu.memory_space<hbm>> -> memref<1x32xf32, #tpu.memory_space<hbm>>
      %dma_start3A_242 = tpu.memref_squeeze %dma_start3A_241 : memref<1x32xf32, #tpu.memory_space<hbm>> -> memref<32xf32, #tpu.memory_space<hbm>>
      tpu.enqueue_dma source(%dma_start3A_242 : memref<32xf32, #tpu.memory_space<hbm>>) target(%dma_start3A_239 : memref<32xf32, #tpu.memory_space<vmem>>) target_semaphore(%arg14 : memref<!tpu.dma_semaphore, #tpu.memory_space<semaphore_mem>>)
      %slice3A_243 = vector.extract_strided_slice %get3A_119 {offsets = [7], sizes = [1], strides = [1]} : vector<16xi32> to vector<1xi32>
      %squeeze3A_244 = vector.extract %slice3A_243[0] : i32 from vector<1xi32>
      %mul3A_245 = arith.constant 16 : i32
      %mul3A_246 = arith.muli %scan3A_113, %mul3A_245 : i32
      %add3A_247 = arith.constant 7 : i32
      %add3A_248 = arith.addi %mul3A_246, %add3A_247 : i32
      %dma_start3A_249 = arith.constant 0 : i32
      %dma_start3A_250 = tpu.memref_slice %arg10[%add3A_248, %dma_start3A_249] : memref<128x32xf32, #tpu.memory_space<vmem>> -> memref<1x32xf32, #tpu.memory_space<vmem>>
      %dma_start3A_251 = tpu.memref_squeeze %dma_start3A_250 : memref<1x32xf32, #tpu.memory_space<vmem>> -> memref<32xf32, #tpu.memory_space<vmem>>
      %dma_start3A_252 = arith.constant 0 : i32
      %dma_start3A_253 = tpu.memref_slice %arg4[%squeeze3A_244, %dma_start3A_252] : memref<1000000x32xf32, #tpu.memory_space<hbm>> -> memref<1x32xf32, #tpu.memory_space<hbm>>
      %dma_start3A_254 = tpu.memref_squeeze %dma_start3A_253 : memref<1x32xf32, #tpu.memory_space<hbm>> -> memref<32xf32, #tpu.memory_space<hbm>>
      %dma_start3A_255 = arith.constant 0 : i32
      %dma_start3A_256 = tpu.memref_slice %arg10[%add3A_248, %dma_start3A_255] : memref<128x32xf32, #tpu.memory_space<vmem>> -> memref<1x32xf32, #tpu.memory_space<vmem>>
      %dma_start3A_257 = tpu.memref_squeeze %dma_start3A_256 : memref<1x32xf32, #tpu.memory_space<vmem>> -> memref<32xf32, #tpu.memory_space<vmem>>
      %dma_start3A_258 = arith.constant 0 : i32
      %dma_start3A_259 = tpu.memref_slice %arg4[%squeeze3A_244, %dma_start3A_258] : memref<1000000x32xf32, #tpu.memory_space<hbm>> -> memref<1x32xf32, #tpu.memory_space<hbm>>
      %dma_start3A_260 = tpu.memref_squeeze %dma_start3A_259 : memref<1x32xf32, #tpu.memory_space<hbm>> -> memref<32xf32, #tpu.memory_space<hbm>>
      tpu.enqueue_dma source(%dma_start3A_260 : memref<32xf32, #tpu.memory_space<hbm>>) target(%dma_start3A_257 : memref<32xf32, #tpu.memory_space<vmem>>) target_semaphore(%arg14 : memref<!tpu.dma_semaphore, #tpu.memory_space<semaphore_mem>>)
      %slice3A_261 = vector.extract_strided_slice %get3A_119 {offsets = [8], sizes = [1], strides = [1]} : vector<16xi32> to vector<1xi32>
      %squeeze3A_262 = vector.extract %slice3A_261[0] : i32 from vector<1xi32>
      %mul3A_263 = arith.constant 16 : i32
      %mul3A_264 = arith.muli %scan3A_113, %mul3A_263 : i32
      %add3A_265 = arith.constant 8 : i32
      %add3A_266 = arith.addi %mul3A_264, %add3A_265 : i32
      %dma_start3A_267 = arith.constant 0 : i32
      %dma_start3A_268 = tpu.memref_slice %arg10[%add3A_266, %dma_start3A_267] : memref<128x32xf32, #tpu.memory_space<vmem>> -> memref<1x32xf32, #tpu.memory_space<vmem>>
      %dma_start3A_269 = tpu.memref_squeeze %dma_start3A_268 : memref<1x32xf32, #tpu.memory_space<vmem>> -> memref<32xf32, #tpu.memory_space<vmem>>
      %dma_start3A_270 = arith.constant 0 : i32
      %dma_start3A_271 = tpu.memref_slice %arg4[%squeeze3A_262, %dma_start3A_270] : memref<1000000x32xf32, #tpu.memory_space<hbm>> -> memref<1x32xf32, #tpu.memory_space<hbm>>
      %dma_start3A_272 = tpu.memref_squeeze %dma_start3A_271 : memref<1x32xf32, #tpu.memory_space<hbm>> -> memref<32xf32, #tpu.memory_space<hbm>>
      %dma_start3A_273 = arith.constant 0 : i32
      %dma_start3A_274 = tpu.memref_slice %arg10[%add3A_266, %dma_start3A_273] : memref<128x32xf32, #tpu.memory_space<vmem>> -> memref<1x32xf32, #tpu.memory_space<vmem>>
      %dma_start3A_275 = tpu.memref_squeeze %dma_start3A_274 : memref<1x32xf32, #tpu.memory_space<vmem>> -> memref<32xf32, #tpu.memory_space<vmem>>
      %dma_start3A_276 = arith.constant 0 : i32
      %dma_start3A_277 = tpu.memref_slice %arg4[%squeeze3A_262, %dma_start3A_276] : memref<1000000x32xf32, #tpu.memory_space<hbm>> -> memref<1x32xf32, #tpu.memory_space<hbm>>
      %dma_start3A_278 = tpu.memref_squeeze %dma_start3A_277 : memref<1x32xf32, #tpu.memory_space<hbm>> -> memref<32xf32, #tpu.memory_space<hbm>>
      tpu.enqueue_dma source(%dma_start3A_278 : memref<32xf32, #tpu.memory_space<hbm>>) target(%dma_start3A_275 : memref<32xf32, #tpu.memory_space<vmem>>) target_semaphore(%arg14 : memref<!tpu.dma_semaphore, #tpu.memory_space<semaphore_mem>>)
      %slice3A_279 = vector.extract_strided_slice %get3A_119 {offsets = [9], sizes = [1], strides = [1]} : vector<16xi32> to vector<1xi32>
      %squeeze3A_280 = vector.extract %slice3A_279[0] : i32 from vector<1xi32>
      %mul3A_281 = arith.constant 16 : i32
      %mul3A_282 = arith.muli %scan3A_113, %mul3A_281 : i32
      %add3A_283 = arith.constant 9 : i32
      %add3A_284 = arith.addi %mul3A_282, %add3A_283 : i32
      %dma_start3A_285 = arith.constant 0 : i32
      %dma_start3A_286 = tpu.memref_slice %arg10[%add3A_284, %dma_start3A_285] : memref<128x32xf32, #tpu.memory_space<vmem>> -> memref<1x32xf32, #tpu.memory_space<vmem>>
      %dma_start3A_287 = tpu.memref_squeeze %dma_start3A_286 : memref<1x32xf32, #tpu.memory_space<vmem>> -> memref<32xf32, #tpu.memory_space<vmem>>
      %dma_start3A_288 = arith.constant 0 : i32
      %dma_start3A_289 = tpu.memref_slice %arg4[%squeeze3A_280, %dma_start3A_288] : memref<1000000x32xf32, #tpu.memory_space<hbm>> -> memref<1x32xf32, #tpu.memory_space<hbm>>
      %dma_start3A_290 = tpu.memref_squeeze %dma_start3A_289 : memref<1x32xf32, #tpu.memory_space<hbm>> -> memref<32xf32, #tpu.memory_space<hbm>>
      %dma_start3A_291 = arith.constant 0 : i32
      %dma_start3A_292 = tpu.memref_slice %arg10[%add3A_284, %dma_start3A_291] : memref<128x32xf32, #tpu.memory_space<vmem>> -> memref<1x32xf32, #tpu.memory_space<vmem>>
      %dma_start3A_293 = tpu.memref_squeeze %dma_start3A_292 : memref<1x32xf32, #tpu.memory_space<vmem>> -> memref<32xf32, #tpu.memory_space<vmem>>
      %dma_start3A_294 = arith.constant 0 : i32
      %dma_start3A_295 = tpu.memref_slice %arg4[%squeeze3A_280, %dma_start3A_294] : memref<1000000x32xf32, #tpu.memory_space<hbm>> -> memref<1x32xf32, #tpu.memory_space<hbm>>
      %dma_start3A_296 = tpu.memref_squeeze %dma_start3A_295 : memref<1x32xf32, #tpu.memory_space<hbm>> -> memref<32xf32, #tpu.memory_space<hbm>>
      tpu.enqueue_dma source(%dma_start3A_296 : memref<32xf32, #tpu.memory_space<hbm>>) target(%dma_start3A_293 : memref<32xf32, #tpu.memory_space<vmem>>) target_semaphore(%arg14 : memref<!tpu.dma_semaphore, #tpu.memory_space<semaphore_mem>>)
      %slice3A_297 = vector.extract_strided_slice %get3A_119 {offsets = [10], sizes = [1], strides = [1]} : vector<16xi32> to vector<1xi32>
      %squeeze3A_298 = vector.extract %slice3A_297[0] : i32 from vector<1xi32>
      %mul3A_299 = arith.constant 16 : i32
      %mul3A_300 = arith.muli %scan3A_113, %mul3A_299 : i32
      %add3A_301 = arith.constant 10 : i32
      %add3A_302 = arith.addi %mul3A_300, %add3A_301 : i32
      %dma_start3A_303 = arith.constant 0 : i32
      %dma_start3A_304 = tpu.memref_slice %arg10[%add3A_302, %dma_start3A_303] : memref<128x32xf32, #tpu.memory_space<vmem>> -> memref<1x32xf32, #tpu.memory_space<vmem>>
      %dma_start3A_305 = tpu.memref_squeeze %dma_start3A_304 : memref<1x32xf32, #tpu.memory_space<vmem>> -> memref<32xf32, #tpu.memory_space<vmem>>
      %dma_start3A_306 = arith.constant 0 : i32
      %dma_start3A_307 = tpu.memref_slice %arg4[%squeeze3A_298, %dma_start3A_306] : memref<1000000x32xf32, #tpu.memory_space<hbm>> -> memref<1x32xf32, #tpu.memory_space<hbm>>
      %dma_start3A_308 = tpu.memref_squeeze %dma_start3A_307 : memref<1x32xf32, #tpu.memory_space<hbm>> -> memref<32xf32, #tpu.memory_space<hbm>>
      %dma_start3A_309 = arith.constant 0 : i32
      %dma_start3A_310 = tpu.memref_slice %arg10[%add3A_302, %dma_start3A_309] : memref<128x32xf32, #tpu.memory_space<vmem>> -> memref<1x32xf32, #tpu.memory_space<vmem>>
      %dma_start3A_311 = tpu.memref_squeeze %dma_start3A_310 : memref<1x32xf32, #tpu.memory_space<vmem>> -> memref<32xf32, #tpu.memory_space<vmem>>
      %dma_start3A_312 = arith.constant 0 : i32
      %dma_start3A_313 = tpu.memref_slice %arg4[%squeeze3A_298, %dma_start3A_312] : memref<1000000x32xf32, #tpu.memory_space<hbm>> -> memref<1x32xf32, #tpu.memory_space<hbm>>
      %dma_start3A_314 = tpu.memref_squeeze %dma_start3A_313 : memref<1x32xf32, #tpu.memory_space<hbm>> -> memref<32xf32, #tpu.memory_space<hbm>>
      tpu.enqueue_dma source(%dma_start3A_314 : memref<32xf32, #tpu.memory_space<hbm>>) target(%dma_start3A_311 : memref<32xf32, #tpu.memory_space<vmem>>) target_semaphore(%arg14 : memref<!tpu.dma_semaphore, #tpu.memory_space<semaphore_mem>>)
      %slice3A_315 = vector.extract_strided_slice %get3A_119 {offsets = [11], sizes = [1], strides = [1]} : vector<16xi32> to vector<1xi32>
      %squeeze3A_316 = vector.extract %slice3A_315[0] : i32 from vector<1xi32>
      %mul3A_317 = arith.constant 16 : i32
      %mul3A_318 = arith.muli %scan3A_113, %mul3A_317 : i32
      %add3A_319 = arith.constant 11 : i32
      %add3A_320 = arith.addi %mul3A_318, %add3A_319 : i32
      %dma_start3A_321 = arith.constant 0 : i32
      %dma_start3A_322 = tpu.memref_slice %arg10[%add3A_320, %dma_start3A_321] : memref<128x32xf32, #tpu.memory_space<vmem>> -> memref<1x32xf32, #tpu.memory_space<vmem>>
      %dma_start3A_323 = tpu.memref_squeeze %dma_start3A_322 : memref<1x32xf32, #tpu.memory_space<vmem>> -> memref<32xf32, #tpu.memory_space<vmem>>
      %dma_start3A_324 = arith.constant 0 : i32
      %dma_start3A_325 = tpu.memref_slice %arg4[%squeeze3A_316, %dma_start3A_324] : memref<1000000x32xf32, #tpu.memory_space<hbm>> -> memref<1x32xf32, #tpu.memory_space<hbm>>
      %dma_start3A_326 = tpu.memref_squeeze %dma_start3A_325 : memref<1x32xf32, #tpu.memory_space<hbm>> -> memref<32xf32, #tpu.memory_space<hbm>>
      %dma_start3A_327 = arith.constant 0 : i32
      %dma_start3A_328 = tpu.memref_slice %arg10[%add3A_320, %dma_start3A_327] : memref<128x32xf32, #tpu.memory_space<vmem>> -> memref<1x32xf32, #tpu.memory_space<vmem>>
      %dma_start3A_329 = tpu.memref_squeeze %dma_start3A_328 : memref<1x32xf32, #tpu.memory_space<vmem>> -> memref<32xf32, #tpu.memory_space<vmem>>
      %dma_start3A_330 = arith.constant 0 : i32
      %dma_start3A_331 = tpu.memref_slice %arg4[%squeeze3A_316, %dma_start3A_330] : memref<1000000x32xf32, #tpu.memory_space<hbm>> -> memref<1x32xf32, #tpu.memory_space<hbm>>
      %dma_start3A_332 = tpu.memref_squeeze %dma_start3A_331 : memref<1x32xf32, #tpu.memory_space<hbm>> -> memref<32xf32, #tpu.memory_space<hbm>>
      tpu.enqueue_dma source(%dma_start3A_332 : memref<32xf32, #tpu.memory_space<hbm>>) target(%dma_start3A_329 : memref<32xf32, #tpu.memory_space<vmem>>) target_semaphore(%arg14 : memref<!tpu.dma_semaphore, #tpu.memory_space<semaphore_mem>>)
      %slice3A_333 = vector.extract_strided_slice %get3A_119 {offsets = [12], sizes = [1], strides = [1]} : vector<16xi32> to vector<1xi32>
      %squeeze3A_334 = vector.extract %slice3A_333[0] : i32 from vector<1xi32>
      %mul3A_335 = arith.constant 16 : i32
      %mul3A_336 = arith.muli %scan3A_113, %mul3A_335 : i32
      %add3A_337 = arith.constant 12 : i32
      %add3A_338 = arith.addi %mul3A_336, %add3A_337 : i32
      %dma_start3A_339 = arith.constant 0 : i32
      %dma_start3A_340 = tpu.memref_slice %arg10[%add3A_338, %dma_start3A_339] : memref<128x32xf32, #tpu.memory_space<vmem>> -> memref<1x32xf32, #tpu.memory_space<vmem>>
      %dma_start3A_341 = tpu.memref_squeeze %dma_start3A_340 : memref<1x32xf32, #tpu.memory_space<vmem>> -> memref<32xf32, #tpu.memory_space<vmem>>
      %dma_start3A_342 = arith.constant 0 : i32
      %dma_start3A_343 = tpu.memref_slice %arg4[%squeeze3A_334, %dma_start3A_342] : memref<1000000x32xf32, #tpu.memory_space<hbm>> -> memref<1x32xf32, #tpu.memory_space<hbm>>
      %dma_start3A_344 = tpu.memref_squeeze %dma_start3A_343 : memref<1x32xf32, #tpu.memory_space<hbm>> -> memref<32xf32, #tpu.memory_space<hbm>>
      %dma_start3A_345 = arith.constant 0 : i32
      %dma_start3A_346 = tpu.memref_slice %arg10[%add3A_338, %dma_start3A_345] : memref<128x32xf32, #tpu.memory_space<vmem>> -> memref<1x32xf32, #tpu.memory_space<vmem>>
      %dma_start3A_347 = tpu.memref_squeeze %dma_start3A_346 : memref<1x32xf32, #tpu.memory_space<vmem>> -> memref<32xf32, #tpu.memory_space<vmem>>
      %dma_start3A_348 = arith.constant 0 : i32
      %dma_start3A_349 = tpu.memref_slice %arg4[%squeeze3A_334, %dma_start3A_348] : memref<1000000x32xf32, #tpu.memory_space<hbm>> -> memref<1x32xf32, #tpu.memory_space<hbm>>
      %dma_start3A_350 = tpu.memref_squeeze %dma_start3A_349 : memref<1x32xf32, #tpu.memory_space<hbm>> -> memref<32xf32, #tpu.memory_space<hbm>>
      tpu.enqueue_dma source(%dma_start3A_350 : memref<32xf32, #tpu.memory_space<hbm>>) target(%dma_start3A_347 : memref<32xf32, #tpu.memory_space<vmem>>) target_semaphore(%arg14 : memref<!tpu.dma_semaphore, #tpu.memory_space<semaphore_mem>>)
      %slice3A_351 = vector.extract_strided_slice %get3A_119 {offsets = [13], sizes = [1], strides = [1]} : vector<16xi32> to vector<1xi32>
      %squeeze3A_352 = vector.extract %slice3A_351[0] : i32 from vector<1xi32>
      %mul3A_353 = arith.constant 16 : i32
      %mul3A_354 = arith.muli %scan3A_113, %mul3A_353 : i32
      %add3A_355 = arith.constant 13 : i32
      %add3A_356 = arith.addi %mul3A_354, %add3A_355 : i32
      %dma_start3A_357 = arith.constant 0 : i32
      %dma_start3A_358 = tpu.memref_slice %arg10[%add3A_356, %dma_start3A_357] : memref<128x32xf32, #tpu.memory_space<vmem>> -> memref<1x32xf32, #tpu.memory_space<vmem>>
      %dma_start3A_359 = tpu.memref_squeeze %dma_start3A_358 : memref<1x32xf32, #tpu.memory_space<vmem>> -> memref<32xf32, #tpu.memory_space<vmem>>
      %dma_start3A_360 = arith.constant 0 : i32
      %dma_start3A_361 = tpu.memref_slice %arg4[%squeeze3A_352, %dma_start3A_360] : memref<1000000x32xf32, #tpu.memory_space<hbm>> -> memref<1x32xf32, #tpu.memory_space<hbm>>
      %dma_start3A_362 = tpu.memref_squeeze %dma_start3A_361 : memref<1x32xf32, #tpu.memory_space<hbm>> -> memref<32xf32, #tpu.memory_space<hbm>>
      %dma_start3A_363 = arith.constant 0 : i32
      %dma_start3A_364 = tpu.memref_slice %arg10[%add3A_356, %dma_start3A_363] : memref<128x32xf32, #tpu.memory_space<vmem>> -> memref<1x32xf32, #tpu.memory_space<vmem>>
      %dma_start3A_365 = tpu.memref_squeeze %dma_start3A_364 : memref<1x32xf32, #tpu.memory_space<vmem>> -> memref<32xf32, #tpu.memory_space<vmem>>
      %dma_start3A_366 = arith.constant 0 : i32
      %dma_start3A_367 = tpu.memref_slice %arg4[%squeeze3A_352, %dma_start3A_366] : memref<1000000x32xf32, #tpu.memory_space<hbm>> -> memref<1x32xf32, #tpu.memory_space<hbm>>
      %dma_start3A_368 = tpu.memref_squeeze %dma_start3A_367 : memref<1x32xf32, #tpu.memory_space<hbm>> -> memref<32xf32, #tpu.memory_space<hbm>>
      tpu.enqueue_dma source(%dma_start3A_368 : memref<32xf32, #tpu.memory_space<hbm>>) target(%dma_start3A_365 : memref<32xf32, #tpu.memory_space<vmem>>) target_semaphore(%arg14 : memref<!tpu.dma_semaphore, #tpu.memory_space<semaphore_mem>>)
      %slice3A_369 = vector.extract_strided_slice %get3A_119 {offsets = [14], sizes = [1], strides = [1]} : vector<16xi32> to vector<1xi32>
      %squeeze3A_370 = vector.extract %slice3A_369[0] : i32 from vector<1xi32>
      %mul3A_371 = arith.constant 16 : i32
      %mul3A_372 = arith.muli %scan3A_113, %mul3A_371 : i32
      %add3A_373 = arith.constant 14 : i32
      %add3A_374 = arith.addi %mul3A_372, %add3A_373 : i32
      %dma_start3A_375 = arith.constant 0 : i32
      %dma_start3A_376 = tpu.memref_slice %arg10[%add3A_374, %dma_start3A_375] : memref<128x32xf32, #tpu.memory_space<vmem>> -> memref<1x32xf32, #tpu.memory_space<vmem>>
      %dma_start3A_377 = tpu.memref_squeeze %dma_start3A_376 : memref<1x32xf32, #tpu.memory_space<vmem>> -> memref<32xf32, #tpu.memory_space<vmem>>
      %dma_start3A_378 = arith.constant 0 : i32
      %dma_start3A_379 = tpu.memref_slice %arg4[%squeeze3A_370, %dma_start3A_378] : memref<1000000x32xf32, #tpu.memory_space<hbm>> -> memref<1x32xf32, #tpu.memory_space<hbm>>
      %dma_start3A_380 = tpu.memref_squeeze %dma_start3A_379 : memref<1x32xf32, #tpu.memory_space<hbm>> -> memref<32xf32, #tpu.memory_space<hbm>>
      %dma_start3A_381 = arith.constant 0 : i32
      %dma_start3A_382 = tpu.memref_slice %arg10[%add3A_374, %dma_start3A_381] : memref<128x32xf32, #tpu.memory_space<vmem>> -> memref<1x32xf32, #tpu.memory_space<vmem>>
      %dma_start3A_383 = tpu.memref_squeeze %dma_start3A_382 : memref<1x32xf32, #tpu.memory_space<vmem>> -> memref<32xf32, #tpu.memory_space<vmem>>
      %dma_start3A_384 = arith.constant 0 : i32
      %dma_start3A_385 = tpu.memref_slice %arg4[%squeeze3A_370, %dma_start3A_384] : memref<1000000x32xf32, #tpu.memory_space<hbm>> -> memref<1x32xf32, #tpu.memory_space<hbm>>
      %dma_start3A_386 = tpu.memref_squeeze %dma_start3A_385 : memref<1x32xf32, #tpu.memory_space<hbm>> -> memref<32xf32, #tpu.memory_space<hbm>>
      tpu.enqueue_dma source(%dma_start3A_386 : memref<32xf32, #tpu.memory_space<hbm>>) target(%dma_start3A_383 : memref<32xf32, #tpu.memory_space<vmem>>) target_semaphore(%arg14 : memref<!tpu.dma_semaphore, #tpu.memory_space<semaphore_mem>>)
      %slice3A_387 = vector.extract_strided_slice %get3A_119 {offsets = [15], sizes = [1], strides = [1]} : vector<16xi32> to vector<1xi32>
      %squeeze3A_388 = vector.extract %slice3A_387[0] : i32 from vector<1xi32>
      %mul3A_389 = arith.constant 16 : i32
      %mul3A_390 = arith.muli %scan3A_113, %mul3A_389 : i32
      %add3A_391 = arith.constant 15 : i32
      %add3A_392 = arith.addi %mul3A_390, %add3A_391 : i32
      %dma_start3A_393 = arith.constant 0 : i32
      %dma_start3A_394 = tpu.memref_slice %arg10[%add3A_392, %dma_start3A_393] : memref<128x32xf32, #tpu.memory_space<vmem>> -> memref<1x32xf32, #tpu.memory_space<vmem>>
      %dma_start3A_395 = tpu.memref_squeeze %dma_start3A_394 : memref<1x32xf32, #tpu.memory_space<vmem>> -> memref<32xf32, #tpu.memory_space<vmem>>
      %dma_start3A_396 = arith.constant 0 : i32
      %dma_start3A_397 = tpu.memref_slice %arg4[%squeeze3A_388, %dma_start3A_396] : memref<1000000x32xf32, #tpu.memory_space<hbm>> -> memref<1x32xf32, #tpu.memory_space<hbm>>
      %dma_start3A_398 = tpu.memref_squeeze %dma_start3A_397 : memref<1x32xf32, #tpu.memory_space<hbm>> -> memref<32xf32, #tpu.memory_space<hbm>>
      %dma_start3A_399 = arith.constant 0 : i32
      %dma_start3A_400 = tpu.memref_slice %arg10[%add3A_392, %dma_start3A_399] : memref<128x32xf32, #tpu.memory_space<vmem>> -> memref<1x32xf32, #tpu.memory_space<vmem>>
      %dma_start3A_401 = tpu.memref_squeeze %dma_start3A_400 : memref<1x32xf32, #tpu.memory_space<vmem>> -> memref<32xf32, #tpu.memory_space<vmem>>
      %dma_start3A_402 = arith.constant 0 : i32
      %dma_start3A_403 = tpu.memref_slice %arg4[%squeeze3A_388, %dma_start3A_402] : memref<1000000x32xf32, #tpu.memory_space<hbm>> -> memref<1x32xf32, #tpu.memory_space<hbm>>
      %dma_start3A_404 = tpu.memref_squeeze %dma_start3A_403 : memref<1x32xf32, #tpu.memory_space<hbm>> -> memref<32xf32, #tpu.memory_space<hbm>>
      tpu.enqueue_dma source(%dma_start3A_404 : memref<32xf32, #tpu.memory_space<hbm>>) target(%dma_start3A_401 : memref<32xf32, #tpu.memory_space<vmem>>) target_semaphore(%arg14 : memref<!tpu.dma_semaphore, #tpu.memory_space<semaphore_mem>>)
    }
    %scan3A_38 = arith.constant 8 : i32
    %dma_wait3A_39 = arith.constant 0 : i32
    %dma_wait3A_40 = arith.constant 0 : i32
    %dma_wait3A_41 = tpu.memref_slice %arg5[%dma_wait3A_39, %dma_wait3A_40] : memref<1000000x32xf32, #tpu.memory_space<hbm>> -> memref<128x32xf32, #tpu.memory_space<hbm>>
    %dma_wait3A_42 = arith.constant 0 : i32
    %dma_wait3A_43 = arith.constant 0 : i32
    %dma_wait3A_44 = tpu.memref_slice %arg5[%dma_wait3A_42, %dma_wait3A_43] : memref<1000000x32xf32, #tpu.memory_space<hbm>> -> memref<128x32xf32, #tpu.memory_space<hbm>>
    tpu.wait_dma2 semaphore(%arg15 : memref<!tpu.dma_semaphore, #tpu.memory_space<semaphore_mem>>) src(%dma_wait3A_44 : memref<128x32xf32, #tpu.memory_space<hbm>>) dst(%arg11 : memref<128x32xf32, #tpu.memory_space<vmem>>)
    %add3A_45 = arith.constant 0 : i32
    %add3A_46 = arith.addi %mul3A_2, %add3A_45 : i32
    "tpu.region"() ({
      %run_scoped3A = tpu.sem_alloc : memref<!tpu.dma_semaphore, #tpu.memory_space<semaphore_mem>>
      %dma_start3A = arith.constant 0 : i32
      %dma_start3A_113 = tpu.memref_slice %arg7[%add3A_46, %dma_start3A] : memref<16384x32xf32, #tpu.memory_space<hbm>> -> memref<128x32xf32, #tpu.memory_space<hbm>>
      %dma_start3A_114 = arith.constant 0 : i32
      %dma_start3A_115 = tpu.memref_slice %arg7[%add3A_46, %dma_start3A_114] : memref<16384x32xf32, #tpu.memory_space<hbm>> -> memref<128x32xf32, #tpu.memory_space<hbm>>
      tpu.enqueue_dma source(%arg11 : memref<128x32xf32, #tpu.memory_space<vmem>>) target(%dma_start3A_115 : memref<128x32xf32, #tpu.memory_space<hbm>>) target_semaphore(%run_scoped3A : memref<!tpu.dma_semaphore, #tpu.memory_space<semaphore_mem>>)
      %dma_wait3A_116 = arith.constant 0 : i32
      %dma_wait3A_117 = tpu.memref_slice %arg7[%add3A_46, %dma_wait3A_116] : memref<16384x32xf32, #tpu.memory_space<hbm>> -> memref<128x32xf32, #tpu.memory_space<hbm>>
      %dma_wait3A_118 = arith.constant 0 : i32
      %dma_wait3A_119 = tpu.memref_slice %arg7[%add3A_46, %dma_wait3A_118] : memref<16384x32xf32, #tpu.memory_space<hbm>> -> memref<128x32xf32, #tpu.memory_space<hbm>>
      tpu.wait_dma2 semaphore(%run_scoped3A : memref<!tpu.dma_semaphore, #tpu.memory_space<semaphore_mem>>) src(%arg11 : memref<128x32xf32, #tpu.memory_space<vmem>>) dst(%dma_wait3A_119 : memref<128x32xf32, #tpu.memory_space<hbm>>)
      tpu.yield
    }) : () -> ()
    %scan3A_47 = arith.constant 0 : i32
    %scan3A_48 = arith.constant 0 : i32
    %scan3A_49 = arith.constant 8 : i32
    %scan3A_50 = arith.addi %scan3A_48, %scan3A_49 : i32
    %scan3A_51 = arith.constant 1 : i32
    scf.for %scan3A_113 = %scan3A_48 to %scan3A_50 step %scan3A_51  : i32 {
      %mul3A_114 = arith.constant 16 : i32
      %mul3A_115 = arith.muli %scan3A_113, %mul3A_114 : i32
      %add3A_116 = arith.constant 256 : i32
      %add3A_117 = arith.addi %add3A_116, %mul3A_115 : i32
      %get3A = arith.index_cast %add3A_117 : i32 to index
      %get3A_118 = tpu.vector_load %arg9[%get3A] {strides = array<i32>} : memref<512xi32, #tpu.memory_space<vmem>>, vector<16xi32>,
      %get3A_119 = vector.shape_cast %get3A_118 : vector<16xi32> to vector<16xi32>
      %slice3A = vector.extract_strided_slice %get3A_119 {offsets = [0], sizes = [1], strides = [1]} : vector<16xi32> to vector<1xi32>
      %squeeze3A = vector.extract %slice3A[0] : i32 from vector<1xi32>
      %mul3A_120 = arith.constant 16 : i32
      %mul3A_121 = arith.muli %scan3A_113, %mul3A_120 : i32
      %add3A_122 = arith.constant 0 : i32
      %add3A_123 = arith.addi %mul3A_121, %add3A_122 : i32
      %dma_start3A = arith.constant 0 : i32
      %dma_start3A_124 = tpu.memref_slice %arg11[%add3A_123, %dma_start3A] : memref<128x32xf32, #tpu.memory_space<vmem>> -> memref<1x32xf32, #tpu.memory_space<vmem>>
      %dma_start3A_125 = tpu.memref_squeeze %dma_start3A_124 : memref<1x32xf32, #tpu.memory_space<vmem>> -> memref<32xf32, #tpu.memory_space<vmem>>
      %dma_start3A_126 = arith.constant 0 : i32
      %dma_start3A_127 = tpu.memref_slice %arg5[%squeeze3A, %dma_start3A_126] : memref<1000000x32xf32, #tpu.memory_space<hbm>> -> memref<1x32xf32, #tpu.memory_space<hbm>>
      %dma_start3A_128 = tpu.memref_squeeze %dma_start3A_127 : memref<1x32xf32, #tpu.memory_space<hbm>> -> memref<32xf32, #tpu.memory_space<hbm>>
      %dma_start3A_129 = arith.constant 0 : i32
      %dma_start3A_130 = tpu.memref_slice %arg11[%add3A_123, %dma_start3A_129] : memref<128x32xf32, #tpu.memory_space<vmem>> -> memref<1x32xf32, #tpu.memory_space<vmem>>
      %dma_start3A_131 = tpu.memref_squeeze %dma_start3A_130 : memref<1x32xf32, #tpu.memory_space<vmem>> -> memref<32xf32, #tpu.memory_space<vmem>>
      %dma_start3A_132 = arith.constant 0 : i32
      %dma_start3A_133 = tpu.memref_slice %arg5[%squeeze3A, %dma_start3A_132] : memref<1000000x32xf32, #tpu.memory_space<hbm>> -> memref<1x32xf32, #tpu.memory_space<hbm>>
      %dma_start3A_134 = tpu.memref_squeeze %dma_start3A_133 : memref<1x32xf32, #tpu.memory_space<hbm>> -> memref<32xf32, #tpu.memory_space<hbm>>
      tpu.enqueue_dma source(%dma_start3A_134 : memref<32xf32, #tpu.memory_space<hbm>>) target(%dma_start3A_131 : memref<32xf32, #tpu.memory_space<vmem>>) target_semaphore(%arg15 : memref<!tpu.dma_semaphore, #tpu.memory_space<semaphore_mem>>)
      %slice3A_135 = vector.extract_strided_slice %get3A_119 {offsets = [1], sizes = [1], strides = [1]} : vector<16xi32> to vector<1xi32>
      %squeeze3A_136 = vector.extract %slice3A_135[0] : i32 from vector<1xi32>
      %mul3A_137 = arith.constant 16 : i32
      %mul3A_138 = arith.muli %scan3A_113, %mul3A_137 : i32
      %add3A_139 = arith.constant 1 : i32
      %add3A_140 = arith.addi %mul3A_138, %add3A_139 : i32
      %dma_start3A_141 = arith.constant 0 : i32
      %dma_start3A_142 = tpu.memref_slice %arg11[%add3A_140, %dma_start3A_141] : memref<128x32xf32, #tpu.memory_space<vmem>> -> memref<1x32xf32, #tpu.memory_space<vmem>>
      %dma_start3A_143 = tpu.memref_squeeze %dma_start3A_142 : memref<1x32xf32, #tpu.memory_space<vmem>> -> memref<32xf32, #tpu.memory_space<vmem>>
      %dma_start3A_144 = arith.constant 0 : i32
      %dma_start3A_145 = tpu.memref_slice %arg5[%squeeze3A_136, %dma_start3A_144] : memref<1000000x32xf32, #tpu.memory_space<hbm>> -> memref<1x32xf32, #tpu.memory_space<hbm>>
      %dma_start3A_146 = tpu.memref_squeeze %dma_start3A_145 : memref<1x32xf32, #tpu.memory_space<hbm>> -> memref<32xf32, #tpu.memory_space<hbm>>
      %dma_start3A_147 = arith.constant 0 : i32
      %dma_start3A_148 = tpu.memref_slice %arg11[%add3A_140, %dma_start3A_147] : memref<128x32xf32, #tpu.memory_space<vmem>> -> memref<1x32xf32, #tpu.memory_space<vmem>>
      %dma_start3A_149 = tpu.memref_squeeze %dma_start3A_148 : memref<1x32xf32, #tpu.memory_space<vmem>> -> memref<32xf32, #tpu.memory_space<vmem>>
      %dma_start3A_150 = arith.constant 0 : i32
      %dma_start3A_151 = tpu.memref_slice %arg5[%squeeze3A_136, %dma_start3A_150] : memref<1000000x32xf32, #tpu.memory_space<hbm>> -> memref<1x32xf32, #tpu.memory_space<hbm>>
      %dma_start3A_152 = tpu.memref_squeeze %dma_start3A_151 : memref<1x32xf32, #tpu.memory_space<hbm>> -> memref<32xf32, #tpu.memory_space<hbm>>
      tpu.enqueue_dma source(%dma_start3A_152 : memref<32xf32, #tpu.memory_space<hbm>>) target(%dma_start3A_149 : memref<32xf32, #tpu.memory_space<vmem>>) target_semaphore(%arg15 : memref<!tpu.dma_semaphore, #tpu.memory_space<semaphore_mem>>)
      %slice3A_153 = vector.extract_strided_slice %get3A_119 {offsets = [2], sizes = [1], strides = [1]} : vector<16xi32> to vector<1xi32>
      %squeeze3A_154 = vector.extract %slice3A_153[0] : i32 from vector<1xi32>
      %mul3A_155 = arith.constant 16 : i32
      %mul3A_156 = arith.muli %scan3A_113, %mul3A_155 : i32
      %add3A_157 = arith.constant 2 : i32
      %add3A_158 = arith.addi %mul3A_156, %add3A_157 : i32
      %dma_start3A_159 = arith.constant 0 : i32
      %dma_start3A_160 = tpu.memref_slice %arg11[%add3A_158, %dma_start3A_159] : memref<128x32xf32, #tpu.memory_space<vmem>> -> memref<1x32xf32, #tpu.memory_space<vmem>>
      %dma_start3A_161 = tpu.memref_squeeze %dma_start3A_160 : memref<1x32xf32, #tpu.memory_space<vmem>> -> memref<32xf32, #tpu.memory_space<vmem>>
      %dma_start3A_162 = arith.constant 0 : i32
      %dma_start3A_163 = tpu.memref_slice %arg5[%squeeze3A_154, %dma_start3A_162] : memref<1000000x32xf32, #tpu.memory_space<hbm>> -> memref<1x32xf32, #tpu.memory_space<hbm>>
      %dma_start3A_164 = tpu.memref_squeeze %dma_start3A_163 : memref<1x32xf32, #tpu.memory_space<hbm>> -> memref<32xf32, #tpu.memory_space<hbm>>
      %dma_start3A_165 = arith.constant 0 : i32
      %dma_start3A_166 = tpu.memref_slice %arg11[%add3A_158, %dma_start3A_165] : memref<128x32xf32, #tpu.memory_space<vmem>> -> memref<1x32xf32, #tpu.memory_space<vmem>>
      %dma_start3A_167 = tpu.memref_squeeze %dma_start3A_166 : memref<1x32xf32, #tpu.memory_space<vmem>> -> memref<32xf32, #tpu.memory_space<vmem>>
      %dma_start3A_168 = arith.constant 0 : i32
      %dma_start3A_169 = tpu.memref_slice %arg5[%squeeze3A_154, %dma_start3A_168] : memref<1000000x32xf32, #tpu.memory_space<hbm>> -> memref<1x32xf32, #tpu.memory_space<hbm>>
      %dma_start3A_170 = tpu.memref_squeeze %dma_start3A_169 : memref<1x32xf32, #tpu.memory_space<hbm>> -> memref<32xf32, #tpu.memory_space<hbm>>
      tpu.enqueue_dma source(%dma_start3A_170 : memref<32xf32, #tpu.memory_space<hbm>>) target(%dma_start3A_167 : memref<32xf32, #tpu.memory_space<vmem>>) target_semaphore(%arg15 : memref<!tpu.dma_semaphore, #tpu.memory_space<semaphore_mem>>)
      %slice3A_171 = vector.extract_strided_slice %get3A_119 {offsets = [3], sizes = [1], strides = [1]} : vector<16xi32> to vector<1xi32>
      %squeeze3A_172 = vector.extract %slice3A_171[0] : i32 from vector<1xi32>
      %mul3A_173 = arith.constant 16 : i32
      %mul3A_174 = arith.muli %scan3A_113, %mul3A_173 : i32
      %add3A_175 = arith.constant 3 : i32
      %add3A_176 = arith.addi %mul3A_174, %add3A_175 : i32
      %dma_start3A_177 = arith.constant 0 : i32
      %dma_start3A_178 = tpu.memref_slice %arg11[%add3A_176, %dma_start3A_177] : memref<128x32xf32, #tpu.memory_space<vmem>> -> memref<1x32xf32, #tpu.memory_space<vmem>>
      %dma_start3A_179 = tpu.memref_squeeze %dma_start3A_178 : memref<1x32xf32, #tpu.memory_space<vmem>> -> memref<32xf32, #tpu.memory_space<vmem>>
      %dma_start3A_180 = arith.constant 0 : i32
      %dma_start3A_181 = tpu.memref_slice %arg5[%squeeze3A_172, %dma_start3A_180] : memref<1000000x32xf32, #tpu.memory_space<hbm>> -> memref<1x32xf32, #tpu.memory_space<hbm>>
      %dma_start3A_182 = tpu.memref_squeeze %dma_start3A_181 : memref<1x32xf32, #tpu.memory_space<hbm>> -> memref<32xf32, #tpu.memory_space<hbm>>
      %dma_start3A_183 = arith.constant 0 : i32
      %dma_start3A_184 = tpu.memref_slice %arg11[%add3A_176, %dma_start3A_183] : memref<128x32xf32, #tpu.memory_space<vmem>> -> memref<1x32xf32, #tpu.memory_space<vmem>>
      %dma_start3A_185 = tpu.memref_squeeze %dma_start3A_184 : memref<1x32xf32, #tpu.memory_space<vmem>> -> memref<32xf32, #tpu.memory_space<vmem>>
      %dma_start3A_186 = arith.constant 0 : i32
      %dma_start3A_187 = tpu.memref_slice %arg5[%squeeze3A_172, %dma_start3A_186] : memref<1000000x32xf32, #tpu.memory_space<hbm>> -> memref<1x32xf32, #tpu.memory_space<hbm>>
      %dma_start3A_188 = tpu.memref_squeeze %dma_start3A_187 : memref<1x32xf32, #tpu.memory_space<hbm>> -> memref<32xf32, #tpu.memory_space<hbm>>
      tpu.enqueue_dma source(%dma_start3A_188 : memref<32xf32, #tpu.memory_space<hbm>>) target(%dma_start3A_185 : memref<32xf32, #tpu.memory_space<vmem>>) target_semaphore(%arg15 : memref<!tpu.dma_semaphore, #tpu.memory_space<semaphore_mem>>)
      %slice3A_189 = vector.extract_strided_slice %get3A_119 {offsets = [4], sizes = [1], strides = [1]} : vector<16xi32> to vector<1xi32>
      %squeeze3A_190 = vector.extract %slice3A_189[0] : i32 from vector<1xi32>
      %mul3A_191 = arith.constant 16 : i32
      %mul3A_192 = arith.muli %scan3A_113, %mul3A_191 : i32
      %add3A_193 = arith.constant 4 : i32
      %add3A_194 = arith.addi %mul3A_192, %add3A_193 : i32
      %dma_start3A_195 = arith.constant 0 : i32
      %dma_start3A_196 = tpu.memref_slice %arg11[%add3A_194, %dma_start3A_195] : memref<128x32xf32, #tpu.memory_space<vmem>> -> memref<1x32xf32, #tpu.memory_space<vmem>>
      %dma_start3A_197 = tpu.memref_squeeze %dma_start3A_196 : memref<1x32xf32, #tpu.memory_space<vmem>> -> memref<32xf32, #tpu.memory_space<vmem>>
      %dma_start3A_198 = arith.constant 0 : i32
      %dma_start3A_199 = tpu.memref_slice %arg5[%squeeze3A_190, %dma_start3A_198] : memref<1000000x32xf32, #tpu.memory_space<hbm>> -> memref<1x32xf32, #tpu.memory_space<hbm>>
      %dma_start3A_200 = tpu.memref_squeeze %dma_start3A_199 : memref<1x32xf32, #tpu.memory_space<hbm>> -> memref<32xf32, #tpu.memory_space<hbm>>
      %dma_start3A_201 = arith.constant 0 : i32
      %dma_start3A_202 = tpu.memref_slice %arg11[%add3A_194, %dma_start3A_201] : memref<128x32xf32, #tpu.memory_space<vmem>> -> memref<1x32xf32, #tpu.memory_space<vmem>>
      %dma_start3A_203 = tpu.memref_squeeze %dma_start3A_202 : memref<1x32xf32, #tpu.memory_space<vmem>> -> memref<32xf32, #tpu.memory_space<vmem>>
      %dma_start3A_204 = arith.constant 0 : i32
      %dma_start3A_205 = tpu.memref_slice %arg5[%squeeze3A_190, %dma_start3A_204] : memref<1000000x32xf32, #tpu.memory_space<hbm>> -> memref<1x32xf32, #tpu.memory_space<hbm>>
      %dma_start3A_206 = tpu.memref_squeeze %dma_start3A_205 : memref<1x32xf32, #tpu.memory_space<hbm>> -> memref<32xf32, #tpu.memory_space<hbm>>
      tpu.enqueue_dma source(%dma_start3A_206 : memref<32xf32, #tpu.memory_space<hbm>>) target(%dma_start3A_203 : memref<32xf32, #tpu.memory_space<vmem>>) target_semaphore(%arg15 : memref<!tpu.dma_semaphore, #tpu.memory_space<semaphore_mem>>)
      %slice3A_207 = vector.extract_strided_slice %get3A_119 {offsets = [5], sizes = [1], strides = [1]} : vector<16xi32> to vector<1xi32>
      %squeeze3A_208 = vector.extract %slice3A_207[0] : i32 from vector<1xi32>
      %mul3A_209 = arith.constant 16 : i32
      %mul3A_210 = arith.muli %scan3A_113, %mul3A_209 : i32
      %add3A_211 = arith.constant 5 : i32
      %add3A_212 = arith.addi %mul3A_210, %add3A_211 : i32
      %dma_start3A_213 = arith.constant 0 : i32
      %dma_start3A_214 = tpu.memref_slice %arg11[%add3A_212, %dma_start3A_213] : memref<128x32xf32, #tpu.memory_space<vmem>> -> memref<1x32xf32, #tpu.memory_space<vmem>>
      %dma_start3A_215 = tpu.memref_squeeze %dma_start3A_214 : memref<1x32xf32, #tpu.memory_space<vmem>> -> memref<32xf32, #tpu.memory_space<vmem>>
      %dma_start3A_216 = arith.constant 0 : i32
      %dma_start3A_217 = tpu.memref_slice %arg5[%squeeze3A_208, %dma_start3A_216] : memref<1000000x32xf32, #tpu.memory_space<hbm>> -> memref<1x32xf32, #tpu.memory_space<hbm>>
      %dma_start3A_218 = tpu.memref_squeeze %dma_start3A_217 : memref<1x32xf32, #tpu.memory_space<hbm>> -> memref<32xf32, #tpu.memory_space<hbm>>
      %dma_start3A_219 = arith.constant 0 : i32
      %dma_start3A_220 = tpu.memref_slice %arg11[%add3A_212, %dma_start3A_219] : memref<128x32xf32, #tpu.memory_space<vmem>> -> memref<1x32xf32, #tpu.memory_space<vmem>>
      %dma_start3A_221 = tpu.memref_squeeze %dma_start3A_220 : memref<1x32xf32, #tpu.memory_space<vmem>> -> memref<32xf32, #tpu.memory_space<vmem>>
      %dma_start3A_222 = arith.constant 0 : i32
      %dma_start3A_223 = tpu.memref_slice %arg5[%squeeze3A_208, %dma_start3A_222] : memref<1000000x32xf32, #tpu.memory_space<hbm>> -> memref<1x32xf32, #tpu.memory_space<hbm>>
      %dma_start3A_224 = tpu.memref_squeeze %dma_start3A_223 : memref<1x32xf32, #tpu.memory_space<hbm>> -> memref<32xf32, #tpu.memory_space<hbm>>
      tpu.enqueue_dma source(%dma_start3A_224 : memref<32xf32, #tpu.memory_space<hbm>>) target(%dma_start3A_221 : memref<32xf32, #tpu.memory_space<vmem>>) target_semaphore(%arg15 : memref<!tpu.dma_semaphore, #tpu.memory_space<semaphore_mem>>)
      %slice3A_225 = vector.extract_strided_slice %get3A_119 {offsets = [6], sizes = [1], strides = [1]} : vector<16xi32> to vector<1xi32>
      %squeeze3A_226 = vector.extract %slice3A_225[0] : i32 from vector<1xi32>
      %mul3A_227 = arith.constant 16 : i32
      %mul3A_228 = arith.muli %scan3A_113, %mul3A_227 : i32
      %add3A_229 = arith.constant 6 : i32
      %add3A_230 = arith.addi %mul3A_228, %add3A_229 : i32
      %dma_start3A_231 = arith.constant 0 : i32
      %dma_start3A_232 = tpu.memref_slice %arg11[%add3A_230, %dma_start3A_231] : memref<128x32xf32, #tpu.memory_space<vmem>> -> memref<1x32xf32, #tpu.memory_space<vmem>>
      %dma_start3A_233 = tpu.memref_squeeze %dma_start3A_232 : memref<1x32xf32, #tpu.memory_space<vmem>> -> memref<32xf32, #tpu.memory_space<vmem>>
      %dma_start3A_234 = arith.constant 0 : i32
      %dma_start3A_235 = tpu.memref_slice %arg5[%squeeze3A_226, %dma_start3A_234] : memref<1000000x32xf32, #tpu.memory_space<hbm>> -> memref<1x32xf32, #tpu.memory_space<hbm>>
      %dma_start3A_236 = tpu.memref_squeeze %dma_start3A_235 : memref<1x32xf32, #tpu.memory_space<hbm>> -> memref<32xf32, #tpu.memory_space<hbm>>
      %dma_start3A_237 = arith.constant 0 : i32
      %dma_start3A_238 = tpu.memref_slice %arg11[%add3A_230, %dma_start3A_237] : memref<128x32xf32, #tpu.memory_space<vmem>> -> memref<1x32xf32, #tpu.memory_space<vmem>>
      %dma_start3A_239 = tpu.memref_squeeze %dma_start3A_238 : memref<1x32xf32, #tpu.memory_space<vmem>> -> memref<32xf32, #tpu.memory_space<vmem>>
      %dma_start3A_240 = arith.constant 0 : i32
      %dma_start3A_241 = tpu.memref_slice %arg5[%squeeze3A_226, %dma_start3A_240] : memref<1000000x32xf32, #tpu.memory_space<hbm>> -> memref<1x32xf32, #tpu.memory_space<hbm>>
      %dma_start3A_242 = tpu.memref_squeeze %dma_start3A_241 : memref<1x32xf32, #tpu.memory_space<hbm>> -> memref<32xf32, #tpu.memory_space<hbm>>
      tpu.enqueue_dma source(%dma_start3A_242 : memref<32xf32, #tpu.memory_space<hbm>>) target(%dma_start3A_239 : memref<32xf32, #tpu.memory_space<vmem>>) target_semaphore(%arg15 : memref<!tpu.dma_semaphore, #tpu.memory_space<semaphore_mem>>)
      %slice3A_243 = vector.extract_strided_slice %get3A_119 {offsets = [7], sizes = [1], strides = [1]} : vector<16xi32> to vector<1xi32>
      %squeeze3A_244 = vector.extract %slice3A_243[0] : i32 from vector<1xi32>
      %mul3A_245 = arith.constant 16 : i32
      %mul3A_246 = arith.muli %scan3A_113, %mul3A_245 : i32
      %add3A_247 = arith.constant 7 : i32
      %add3A_248 = arith.addi %mul3A_246, %add3A_247 : i32
      %dma_start3A_249 = arith.constant 0 : i32
      %dma_start3A_250 = tpu.memref_slice %arg11[%add3A_248, %dma_start3A_249] : memref<128x32xf32, #tpu.memory_space<vmem>> -> memref<1x32xf32, #tpu.memory_space<vmem>>
      %dma_start3A_251 = tpu.memref_squeeze %dma_start3A_250 : memref<1x32xf32, #tpu.memory_space<vmem>> -> memref<32xf32, #tpu.memory_space<vmem>>
      %dma_start3A_252 = arith.constant 0 : i32
      %dma_start3A_253 = tpu.memref_slice %arg5[%squeeze3A_244, %dma_start3A_252] : memref<1000000x32xf32, #tpu.memory_space<hbm>> -> memref<1x32xf32, #tpu.memory_space<hbm>>
      %dma_start3A_254 = tpu.memref_squeeze %dma_start3A_253 : memref<1x32xf32, #tpu.memory_space<hbm>> -> memref<32xf32, #tpu.memory_space<hbm>>
      %dma_start3A_255 = arith.constant 0 : i32
      %dma_start3A_256 = tpu.memref_slice %arg11[%add3A_248, %dma_start3A_255] : memref<128x32xf32, #tpu.memory_space<vmem>> -> memref<1x32xf32, #tpu.memory_space<vmem>>
      %dma_start3A_257 = tpu.memref_squeeze %dma_start3A_256 : memref<1x32xf32, #tpu.memory_space<vmem>> -> memref<32xf32, #tpu.memory_space<vmem>>
      %dma_start3A_258 = arith.constant 0 : i32
      %dma_start3A_259 = tpu.memref_slice %arg5[%squeeze3A_244, %dma_start3A_258] : memref<1000000x32xf32, #tpu.memory_space<hbm>> -> memref<1x32xf32, #tpu.memory_space<hbm>>
      %dma_start3A_260 = tpu.memref_squeeze %dma_start3A_259 : memref<1x32xf32, #tpu.memory_space<hbm>> -> memref<32xf32, #tpu.memory_space<hbm>>
      tpu.enqueue_dma source(%dma_start3A_260 : memref<32xf32, #tpu.memory_space<hbm>>) target(%dma_start3A_257 : memref<32xf32, #tpu.memory_space<vmem>>) target_semaphore(%arg15 : memref<!tpu.dma_semaphore, #tpu.memory_space<semaphore_mem>>)
      %slice3A_261 = vector.extract_strided_slice %get3A_119 {offsets = [8], sizes = [1], strides = [1]} : vector<16xi32> to vector<1xi32>
      %squeeze3A_262 = vector.extract %slice3A_261[0] : i32 from vector<1xi32>
      %mul3A_263 = arith.constant 16 : i32
      %mul3A_264 = arith.muli %scan3A_113, %mul3A_263 : i32
      %add3A_265 = arith.constant 8 : i32
      %add3A_266 = arith.addi %mul3A_264, %add3A_265 : i32
      %dma_start3A_267 = arith.constant 0 : i32
      %dma_start3A_268 = tpu.memref_slice %arg11[%add3A_266, %dma_start3A_267] : memref<128x32xf32, #tpu.memory_space<vmem>> -> memref<1x32xf32, #tpu.memory_space<vmem>>
      %dma_start3A_269 = tpu.memref_squeeze %dma_start3A_268 : memref<1x32xf32, #tpu.memory_space<vmem>> -> memref<32xf32, #tpu.memory_space<vmem>>
      %dma_start3A_270 = arith.constant 0 : i32
      %dma_start3A_271 = tpu.memref_slice %arg5[%squeeze3A_262, %dma_start3A_270] : memref<1000000x32xf32, #tpu.memory_space<hbm>> -> memref<1x32xf32, #tpu.memory_space<hbm>>
      %dma_start3A_272 = tpu.memref_squeeze %dma_start3A_271 : memref<1x32xf32, #tpu.memory_space<hbm>> -> memref<32xf32, #tpu.memory_space<hbm>>
      %dma_start3A_273 = arith.constant 0 : i32
      %dma_start3A_274 = tpu.memref_slice %arg11[%add3A_266, %dma_start3A_273] : memref<128x32xf32, #tpu.memory_space<vmem>> -> memref<1x32xf32, #tpu.memory_space<vmem>>
      %dma_start3A_275 = tpu.memref_squeeze %dma_start3A_274 : memref<1x32xf32, #tpu.memory_space<vmem>> -> memref<32xf32, #tpu.memory_space<vmem>>
      %dma_start3A_276 = arith.constant 0 : i32
      %dma_start3A_277 = tpu.memref_slice %arg5[%squeeze3A_262, %dma_start3A_276] : memref<1000000x32xf32, #tpu.memory_space<hbm>> -> memref<1x32xf32, #tpu.memory_space<hbm>>
      %dma_start3A_278 = tpu.memref_squeeze %dma_start3A_277 : memref<1x32xf32, #tpu.memory_space<hbm>> -> memref<32xf32, #tpu.memory_space<hbm>>
      tpu.enqueue_dma source(%dma_start3A_278 : memref<32xf32, #tpu.memory_space<hbm>>) target(%dma_start3A_275 : memref<32xf32, #tpu.memory_space<vmem>>) target_semaphore(%arg15 : memref<!tpu.dma_semaphore, #tpu.memory_space<semaphore_mem>>)
      %slice3A_279 = vector.extract_strided_slice %get3A_119 {offsets = [9], sizes = [1], strides = [1]} : vector<16xi32> to vector<1xi32>
      %squeeze3A_280 = vector.extract %slice3A_279[0] : i32 from vector<1xi32>
      %mul3A_281 = arith.constant 16 : i32
      %mul3A_282 = arith.muli %scan3A_113, %mul3A_281 : i32
      %add3A_283 = arith.constant 9 : i32
      %add3A_284 = arith.addi %mul3A_282, %add3A_283 : i32
      %dma_start3A_285 = arith.constant 0 : i32
      %dma_start3A_286 = tpu.memref_slice %arg11[%add3A_284, %dma_start3A_285] : memref<128x32xf32, #tpu.memory_space<vmem>> -> memref<1x32xf32, #tpu.memory_space<vmem>>
      %dma_start3A_287 = tpu.memref_squeeze %dma_start3A_286 : memref<1x32xf32, #tpu.memory_space<vmem>> -> memref<32xf32, #tpu.memory_space<vmem>>
      %dma_start3A_288 = arith.constant 0 : i32
      %dma_start3A_289 = tpu.memref_slice %arg5[%squeeze3A_280, %dma_start3A_288] : memref<1000000x32xf32, #tpu.memory_space<hbm>> -> memref<1x32xf32, #tpu.memory_space<hbm>>
      %dma_start3A_290 = tpu.memref_squeeze %dma_start3A_289 : memref<1x32xf32, #tpu.memory_space<hbm>> -> memref<32xf32, #tpu.memory_space<hbm>>
      %dma_start3A_291 = arith.constant 0 : i32
      %dma_start3A_292 = tpu.memref_slice %arg11[%add3A_284, %dma_start3A_291] : memref<128x32xf32, #tpu.memory_space<vmem>> -> memref<1x32xf32, #tpu.memory_space<vmem>>
      %dma_start3A_293 = tpu.memref_squeeze %dma_start3A_292 : memref<1x32xf32, #tpu.memory_space<vmem>> -> memref<32xf32, #tpu.memory_space<vmem>>
      %dma_start3A_294 = arith.constant 0 : i32
      %dma_start3A_295 = tpu.memref_slice %arg5[%squeeze3A_280, %dma_start3A_294] : memref<1000000x32xf32, #tpu.memory_space<hbm>> -> memref<1x32xf32, #tpu.memory_space<hbm>>
      %dma_start3A_296 = tpu.memref_squeeze %dma_start3A_295 : memref<1x32xf32, #tpu.memory_space<hbm>> -> memref<32xf32, #tpu.memory_space<hbm>>
      tpu.enqueue_dma source(%dma_start3A_296 : memref<32xf32, #tpu.memory_space<hbm>>) target(%dma_start3A_293 : memref<32xf32, #tpu.memory_space<vmem>>) target_semaphore(%arg15 : memref<!tpu.dma_semaphore, #tpu.memory_space<semaphore_mem>>)
      %slice3A_297 = vector.extract_strided_slice %get3A_119 {offsets = [10], sizes = [1], strides = [1]} : vector<16xi32> to vector<1xi32>
      %squeeze3A_298 = vector.extract %slice3A_297[0] : i32 from vector<1xi32>
      %mul3A_299 = arith.constant 16 : i32
      %mul3A_300 = arith.muli %scan3A_113, %mul3A_299 : i32
      %add3A_301 = arith.constant 10 : i32
      %add3A_302 = arith.addi %mul3A_300, %add3A_301 : i32
      %dma_start3A_303 = arith.constant 0 : i32
      %dma_start3A_304 = tpu.memref_slice %arg11[%add3A_302, %dma_start3A_303] : memref<128x32xf32, #tpu.memory_space<vmem>> -> memref<1x32xf32, #tpu.memory_space<vmem>>
      %dma_start3A_305 = tpu.memref_squeeze %dma_start3A_304 : memref<1x32xf32, #tpu.memory_space<vmem>> -> memref<32xf32, #tpu.memory_space<vmem>>
      %dma_start3A_306 = arith.constant 0 : i32
      %dma_start3A_307 = tpu.memref_slice %arg5[%squeeze3A_298, %dma_start3A_306] : memref<1000000x32xf32, #tpu.memory_space<hbm>> -> memref<1x32xf32, #tpu.memory_space<hbm>>
      %dma_start3A_308 = tpu.memref_squeeze %dma_start3A_307 : memref<1x32xf32, #tpu.memory_space<hbm>> -> memref<32xf32, #tpu.memory_space<hbm>>
      %dma_start3A_309 = arith.constant 0 : i32
      %dma_start3A_310 = tpu.memref_slice %arg11[%add3A_302, %dma_start3A_309] : memref<128x32xf32, #tpu.memory_space<vmem>> -> memref<1x32xf32, #tpu.memory_space<vmem>>
      %dma_start3A_311 = tpu.memref_squeeze %dma_start3A_310 : memref<1x32xf32, #tpu.memory_space<vmem>> -> memref<32xf32, #tpu.memory_space<vmem>>
      %dma_start3A_312 = arith.constant 0 : i32
      %dma_start3A_313 = tpu.memref_slice %arg5[%squeeze3A_298, %dma_start3A_312] : memref<1000000x32xf32, #tpu.memory_space<hbm>> -> memref<1x32xf32, #tpu.memory_space<hbm>>
      %dma_start3A_314 = tpu.memref_squeeze %dma_start3A_313 : memref<1x32xf32, #tpu.memory_space<hbm>> -> memref<32xf32, #tpu.memory_space<hbm>>
      tpu.enqueue_dma source(%dma_start3A_314 : memref<32xf32, #tpu.memory_space<hbm>>) target(%dma_start3A_311 : memref<32xf32, #tpu.memory_space<vmem>>) target_semaphore(%arg15 : memref<!tpu.dma_semaphore, #tpu.memory_space<semaphore_mem>>)
      %slice3A_315 = vector.extract_strided_slice %get3A_119 {offsets = [11], sizes = [1], strides = [1]} : vector<16xi32> to vector<1xi32>
      %squeeze3A_316 = vector.extract %slice3A_315[0] : i32 from vector<1xi32>
      %mul3A_317 = arith.constant 16 : i32
      %mul3A_318 = arith.muli %scan3A_113, %mul3A_317 : i32
      %add3A_319 = arith.constant 11 : i32
      %add3A_320 = arith.addi %mul3A_318, %add3A_319 : i32
      %dma_start3A_321 = arith.constant 0 : i32
      %dma_start3A_322 = tpu.memref_slice %arg11[%add3A_320, %dma_start3A_321] : memref<128x32xf32, #tpu.memory_space<vmem>> -> memref<1x32xf32, #tpu.memory_space<vmem>>
      %dma_start3A_323 = tpu.memref_squeeze %dma_start3A_322 : memref<1x32xf32, #tpu.memory_space<vmem>> -> memref<32xf32, #tpu.memory_space<vmem>>
      %dma_start3A_324 = arith.constant 0 : i32
      %dma_start3A_325 = tpu.memref_slice %arg5[%squeeze3A_316, %dma_start3A_324] : memref<1000000x32xf32, #tpu.memory_space<hbm>> -> memref<1x32xf32, #tpu.memory_space<hbm>>
      %dma_start3A_326 = tpu.memref_squeeze %dma_start3A_325 : memref<1x32xf32, #tpu.memory_space<hbm>> -> memref<32xf32, #tpu.memory_space<hbm>>
      %dma_start3A_327 = arith.constant 0 : i32
      %dma_start3A_328 = tpu.memref_slice %arg11[%add3A_320, %dma_start3A_327] : memref<128x32xf32, #tpu.memory_space<vmem>> -> memref<1x32xf32, #tpu.memory_space<vmem>>
      %dma_start3A_329 = tpu.memref_squeeze %dma_start3A_328 : memref<1x32xf32, #tpu.memory_space<vmem>> -> memref<32xf32, #tpu.memory_space<vmem>>
      %dma_start3A_330 = arith.constant 0 : i32
      %dma_start3A_331 = tpu.memref_slice %arg5[%squeeze3A_316, %dma_start3A_330] : memref<1000000x32xf32, #tpu.memory_space<hbm>> -> memref<1x32xf32, #tpu.memory_space<hbm>>
      %dma_start3A_332 = tpu.memref_squeeze %dma_start3A_331 : memref<1x32xf32, #tpu.memory_space<hbm>> -> memref<32xf32, #tpu.memory_space<hbm>>
      tpu.enqueue_dma source(%dma_start3A_332 : memref<32xf32, #tpu.memory_space<hbm>>) target(%dma_start3A_329 : memref<32xf32, #tpu.memory_space<vmem>>) target_semaphore(%arg15 : memref<!tpu.dma_semaphore, #tpu.memory_space<semaphore_mem>>)
      %slice3A_333 = vector.extract_strided_slice %get3A_119 {offsets = [12], sizes = [1], strides = [1]} : vector<16xi32> to vector<1xi32>
      %squeeze3A_334 = vector.extract %slice3A_333[0] : i32 from vector<1xi32>
      %mul3A_335 = arith.constant 16 : i32
      %mul3A_336 = arith.muli %scan3A_113, %mul3A_335 : i32
      %add3A_337 = arith.constant 12 : i32
      %add3A_338 = arith.addi %mul3A_336, %add3A_337 : i32
      %dma_start3A_339 = arith.constant 0 : i32
      %dma_start3A_340 = tpu.memref_slice %arg11[%add3A_338, %dma_start3A_339] : memref<128x32xf32, #tpu.memory_space<vmem>> -> memref<1x32xf32, #tpu.memory_space<vmem>>
      %dma_start3A_341 = tpu.memref_squeeze %dma_start3A_340 : memref<1x32xf32, #tpu.memory_space<vmem>> -> memref<32xf32, #tpu.memory_space<vmem>>
      %dma_start3A_342 = arith.constant 0 : i32
      %dma_start3A_343 = tpu.memref_slice %arg5[%squeeze3A_334, %dma_start3A_342] : memref<1000000x32xf32, #tpu.memory_space<hbm>> -> memref<1x32xf32, #tpu.memory_space<hbm>>
      %dma_start3A_344 = tpu.memref_squeeze %dma_start3A_343 : memref<1x32xf32, #tpu.memory_space<hbm>> -> memref<32xf32, #tpu.memory_space<hbm>>
      %dma_start3A_345 = arith.constant 0 : i32
      %dma_start3A_346 = tpu.memref_slice %arg11[%add3A_338, %dma_start3A_345] : memref<128x32xf32, #tpu.memory_space<vmem>> -> memref<1x32xf32, #tpu.memory_space<vmem>>
      %dma_start3A_347 = tpu.memref_squeeze %dma_start3A_346 : memref<1x32xf32, #tpu.memory_space<vmem>> -> memref<32xf32, #tpu.memory_space<vmem>>
      %dma_start3A_348 = arith.constant 0 : i32
      %dma_start3A_349 = tpu.memref_slice %arg5[%squeeze3A_334, %dma_start3A_348] : memref<1000000x32xf32, #tpu.memory_space<hbm>> -> memref<1x32xf32, #tpu.memory_space<hbm>>
      %dma_start3A_350 = tpu.memref_squeeze %dma_start3A_349 : memref<1x32xf32, #tpu.memory_space<hbm>> -> memref<32xf32, #tpu.memory_space<hbm>>
      tpu.enqueue_dma source(%dma_start3A_350 : memref<32xf32, #tpu.memory_space<hbm>>) target(%dma_start3A_347 : memref<32xf32, #tpu.memory_space<vmem>>) target_semaphore(%arg15 : memref<!tpu.dma_semaphore, #tpu.memory_space<semaphore_mem>>)
      %slice3A_351 = vector.extract_strided_slice %get3A_119 {offsets = [13], sizes = [1], strides = [1]} : vector<16xi32> to vector<1xi32>
      %squeeze3A_352 = vector.extract %slice3A_351[0] : i32 from vector<1xi32>
      %mul3A_353 = arith.constant 16 : i32
      %mul3A_354 = arith.muli %scan3A_113, %mul3A_353 : i32
      %add3A_355 = arith.constant 13 : i32
      %add3A_356 = arith.addi %mul3A_354, %add3A_355 : i32
      %dma_start3A_357 = arith.constant 0 : i32
      %dma_start3A_358 = tpu.memref_slice %arg11[%add3A_356, %dma_start3A_357] : memref<128x32xf32, #tpu.memory_space<vmem>> -> memref<1x32xf32, #tpu.memory_space<vmem>>
      %dma_start3A_359 = tpu.memref_squeeze %dma_start3A_358 : memref<1x32xf32, #tpu.memory_space<vmem>> -> memref<32xf32, #tpu.memory_space<vmem>>
      %dma_start3A_360 = arith.constant 0 : i32
      %dma_start3A_361 = tpu.memref_slice %arg5[%squeeze3A_352, %dma_start3A_360] : memref<1000000x32xf32, #tpu.memory_space<hbm>> -> memref<1x32xf32, #tpu.memory_space<hbm>>
      %dma_start3A_362 = tpu.memref_squeeze %dma_start3A_361 : memref<1x32xf32, #tpu.memory_space<hbm>> -> memref<32xf32, #tpu.memory_space<hbm>>
      %dma_start3A_363 = arith.constant 0 : i32
      %dma_start3A_364 = tpu.memref_slice %arg11[%add3A_356, %dma_start3A_363] : memref<128x32xf32, #tpu.memory_space<vmem>> -> memref<1x32xf32, #tpu.memory_space<vmem>>
      %dma_start3A_365 = tpu.memref_squeeze %dma_start3A_364 : memref<1x32xf32, #tpu.memory_space<vmem>> -> memref<32xf32, #tpu.memory_space<vmem>>
      %dma_start3A_366 = arith.constant 0 : i32
      %dma_start3A_367 = tpu.memref_slice %arg5[%squeeze3A_352, %dma_start3A_366] : memref<1000000x32xf32, #tpu.memory_space<hbm>> -> memref<1x32xf32, #tpu.memory_space<hbm>>
      %dma_start3A_368 = tpu.memref_squeeze %dma_start3A_367 : memref<1x32xf32, #tpu.memory_space<hbm>> -> memref<32xf32, #tpu.memory_space<hbm>>
      tpu.enqueue_dma source(%dma_start3A_368 : memref<32xf32, #tpu.memory_space<hbm>>) target(%dma_start3A_365 : memref<32xf32, #tpu.memory_space<vmem>>) target_semaphore(%arg15 : memref<!tpu.dma_semaphore, #tpu.memory_space<semaphore_mem>>)
      %slice3A_369 = vector.extract_strided_slice %get3A_119 {offsets = [14], sizes = [1], strides = [1]} : vector<16xi32> to vector<1xi32>
      %squeeze3A_370 = vector.extract %slice3A_369[0] : i32 from vector<1xi32>
      %mul3A_371 = arith.constant 16 : i32
      %mul3A_372 = arith.muli %scan3A_113, %mul3A_371 : i32
      %add3A_373 = arith.constant 14 : i32
      %add3A_374 = arith.addi %mul3A_372, %add3A_373 : i32
      %dma_start3A_375 = arith.constant 0 : i32
      %dma_start3A_376 = tpu.memref_slice %arg11[%add3A_374, %dma_start3A_375] : memref<128x32xf32, #tpu.memory_space<vmem>> -> memref<1x32xf32, #tpu.memory_space<vmem>>
      %dma_start3A_377 = tpu.memref_squeeze %dma_start3A_376 : memref<1x32xf32, #tpu.memory_space<vmem>> -> memref<32xf32, #tpu.memory_space<vmem>>
      %dma_start3A_378 = arith.constant 0 : i32
      %dma_start3A_379 = tpu.memref_slice %arg5[%squeeze3A_370, %dma_start3A_378] : memref<1000000x32xf32, #tpu.memory_space<hbm>> -> memref<1x32xf32, #tpu.memory_space<hbm>>
      %dma_start3A_380 = tpu.memref_squeeze %dma_start3A_379 : memref<1x32xf32, #tpu.memory_space<hbm>> -> memref<32xf32, #tpu.memory_space<hbm>>
      %dma_start3A_381 = arith.constant 0 : i32
      %dma_start3A_382 = tpu.memref_slice %arg11[%add3A_374, %dma_start3A_381] : memref<128x32xf32, #tpu.memory_space<vmem>> -> memref<1x32xf32, #tpu.memory_space<vmem>>
      %dma_start3A_383 = tpu.memref_squeeze %dma_start3A_382 : memref<1x32xf32, #tpu.memory_space<vmem>> -> memref<32xf32, #tpu.memory_space<vmem>>
      %dma_start3A_384 = arith.constant 0 : i32
      %dma_start3A_385 = tpu.memref_slice %arg5[%squeeze3A_370, %dma_start3A_384] : memref<1000000x32xf32, #tpu.memory_space<hbm>> -> memref<1x32xf32, #tpu.memory_space<hbm>>
      %dma_start3A_386 = tpu.memref_squeeze %dma_start3A_385 : memref<1x32xf32, #tpu.memory_space<hbm>> -> memref<32xf32, #tpu.memory_space<hbm>>
      tpu.enqueue_dma source(%dma_start3A_386 : memref<32xf32, #tpu.memory_space<hbm>>) target(%dma_start3A_383 : memref<32xf32, #tpu.memory_space<vmem>>) target_semaphore(%arg15 : memref<!tpu.dma_semaphore, #tpu.memory_space<semaphore_mem>>)
      %slice3A_387 = vector.extract_strided_slice %get3A_119 {offsets = [15], sizes = [1], strides = [1]} : vector<16xi32> to vector<1xi32>
      %squeeze3A_388 = vector.extract %slice3A_387[0] : i32 from vector<1xi32>
      %mul3A_389 = arith.constant 16 : i32
      %mul3A_390 = arith.muli %scan3A_113, %mul3A_389 : i32
      %add3A_391 = arith.constant 15 : i32
      %add3A_392 = arith.addi %mul3A_390, %add3A_391 : i32
      %dma_start3A_393 = arith.constant 0 : i32
      %dma_start3A_394 = tpu.memref_slice %arg11[%add3A_392, %dma_start3A_393] : memref<128x32xf32, #tpu.memory_space<vmem>> -> memref<1x32xf32, #tpu.memory_space<vmem>>
      %dma_start3A_395 = tpu.memref_squeeze %dma_start3A_394 : memref<1x32xf32, #tpu.memory_space<vmem>> -> memref<32xf32, #tpu.memory_space<vmem>>
      %dma_start3A_396 = arith.constant 0 : i32
      %dma_start3A_397 = tpu.memref_slice %arg5[%squeeze3A_388, %dma_start3A_396] : memref<1000000x32xf32, #tpu.memory_space<hbm>> -> memref<1x32xf32, #tpu.memory_space<hbm>>
      %dma_start3A_398 = tpu.memref_squeeze %dma_start3A_397 : memref<1x32xf32, #tpu.memory_space<hbm>> -> memref<32xf32, #tpu.memory_space<hbm>>
      %dma_start3A_399 = arith.constant 0 : i32
      %dma_start3A_400 = tpu.memref_slice %arg11[%add3A_392, %dma_start3A_399] : memref<128x32xf32, #tpu.memory_space<vmem>> -> memref<1x32xf32, #tpu.memory_space<vmem>>
      %dma_start3A_401 = tpu.memref_squeeze %dma_start3A_400 : memref<1x32xf32, #tpu.memory_space<vmem>> -> memref<32xf32, #tpu.memory_space<vmem>>
      %dma_start3A_402 = arith.constant 0 : i32
      %dma_start3A_403 = tpu.memref_slice %arg5[%squeeze3A_388, %dma_start3A_402] : memref<1000000x32xf32, #tpu.memory_space<hbm>> -> memref<1x32xf32, #tpu.memory_space<hbm>>
      %dma_start3A_404 = tpu.memref_squeeze %dma_start3A_403 : memref<1x32xf32, #tpu.memory_space<hbm>> -> memref<32xf32, #tpu.memory_space<hbm>>
      tpu.enqueue_dma source(%dma_start3A_404 : memref<32xf32, #tpu.memory_space<hbm>>) target(%dma_start3A_401 : memref<32xf32, #tpu.memory_space<vmem>>) target_semaphore(%arg15 : memref<!tpu.dma_semaphore, #tpu.memory_space<semaphore_mem>>)
    }
    %scan3A_52 = arith.constant 8 : i32
    %dma_wait3A_53 = arith.constant 0 : i32
    %dma_wait3A_54 = arith.constant 0 : i32
    %dma_wait3A_55 = tpu.memref_slice %arg4[%dma_wait3A_53, %dma_wait3A_54] : memref<1000000x32xf32, #tpu.memory_space<hbm>> -> memref<128x32xf32, #tpu.memory_space<hbm>>
    %dma_wait3A_56 = arith.constant 0 : i32
    %dma_wait3A_57 = arith.constant 0 : i32
    %dma_wait3A_58 = tpu.memref_slice %arg4[%dma_wait3A_56, %dma_wait3A_57] : memref<1000000x32xf32, #tpu.memory_space<hbm>> -> memref<128x32xf32, #tpu.memory_space<hbm>>
    tpu.wait_dma2 semaphore(%arg16 : memref<!tpu.dma_semaphore, #tpu.memory_space<semaphore_mem>>) src(%dma_wait3A_58 : memref<128x32xf32, #tpu.memory_space<hbm>>) dst(%arg12 : memref<128x32xf32, #tpu.memory_space<vmem>>)
    %add3A_59 = arith.constant 128 : i32
    %add3A_60 = arith.addi %mul3A_2, %add3A_59 : i32
    "tpu.region"() ({
      %run_scoped3A = tpu.sem_alloc : memref<!tpu.dma_semaphore, #tpu.memory_space<semaphore_mem>>
      %dma_start3A = arith.constant 0 : i32
      %dma_start3A_113 = tpu.memref_slice %arg6[%add3A_60, %dma_start3A] : memref<16384x32xf32, #tpu.memory_space<hbm>> -> memref<128x32xf32, #tpu.memory_space<hbm>>
      %dma_start3A_114 = arith.constant 0 : i32
      %dma_start3A_115 = tpu.memref_slice %arg6[%add3A_60, %dma_start3A_114] : memref<16384x32xf32, #tpu.memory_space<hbm>> -> memref<128x32xf32, #tpu.memory_space<hbm>>
      tpu.enqueue_dma source(%arg12 : memref<128x32xf32, #tpu.memory_space<vmem>>) target(%dma_start3A_115 : memref<128x32xf32, #tpu.memory_space<hbm>>) target_semaphore(%run_scoped3A : memref<!tpu.dma_semaphore, #tpu.memory_space<semaphore_mem>>)
      %dma_wait3A_116 = arith.constant 0 : i32
      %dma_wait3A_117 = tpu.memref_slice %arg6[%add3A_60, %dma_wait3A_116] : memref<16384x32xf32, #tpu.memory_space<hbm>> -> memref<128x32xf32, #tpu.memory_space<hbm>>
      %dma_wait3A_118 = arith.constant 0 : i32
      %dma_wait3A_119 = tpu.memref_slice %arg6[%add3A_60, %dma_wait3A_118] : memref<16384x32xf32, #tpu.memory_space<hbm>> -> memref<128x32xf32, #tpu.memory_space<hbm>>
      tpu.wait_dma2 semaphore(%run_scoped3A : memref<!tpu.dma_semaphore, #tpu.memory_space<semaphore_mem>>) src(%arg12 : memref<128x32xf32, #tpu.memory_space<vmem>>) dst(%dma_wait3A_119 : memref<128x32xf32, #tpu.memory_space<hbm>>)
      tpu.yield
    }) : () -> ()
    %scan3A_61 = arith.constant 0 : i32
    %scan3A_62 = arith.constant 0 : i32
    %scan3A_63 = arith.constant 8 : i32
    %scan3A_64 = arith.addi %scan3A_62, %scan3A_63 : i32
    %scan3A_65 = arith.constant 1 : i32
    scf.for %scan3A_113 = %scan3A_62 to %scan3A_64 step %scan3A_65  : i32 {
      %mul3A_114 = arith.constant 16 : i32
      %mul3A_115 = arith.muli %scan3A_113, %mul3A_114 : i32
      %add3A_116 = arith.constant 384 : i32
      %add3A_117 = arith.addi %add3A_116, %mul3A_115 : i32
      %get3A = arith.index_cast %add3A_117 : i32 to index
      %get3A_118 = tpu.vector_load %arg8[%get3A] {strides = array<i32>} : memref<512xi32, #tpu.memory_space<vmem>>, vector<16xi32>,
      %get3A_119 = vector.shape_cast %get3A_118 : vector<16xi32> to vector<16xi32>
      %slice3A = vector.extract_strided_slice %get3A_119 {offsets = [0], sizes = [1], strides = [1]} : vector<16xi32> to vector<1xi32>
      %squeeze3A = vector.extract %slice3A[0] : i32 from vector<1xi32>
      %mul3A_120 = arith.constant 16 : i32
      %mul3A_121 = arith.muli %scan3A_113, %mul3A_120 : i32
      %add3A_122 = arith.constant 0 : i32
      %add3A_123 = arith.addi %mul3A_121, %add3A_122 : i32
      %dma_start3A = arith.constant 0 : i32
      %dma_start3A_124 = tpu.memref_slice %arg12[%add3A_123, %dma_start3A] : memref<128x32xf32, #tpu.memory_space<vmem>> -> memref<1x32xf32, #tpu.memory_space<vmem>>
      %dma_start3A_125 = tpu.memref_squeeze %dma_start3A_124 : memref<1x32xf32, #tpu.memory_space<vmem>> -> memref<32xf32, #tpu.memory_space<vmem>>
      %dma_start3A_126 = arith.constant 0 : i32
      %dma_start3A_127 = tpu.memref_slice %arg4[%squeeze3A, %dma_start3A_126] : memref<1000000x32xf32, #tpu.memory_space<hbm>> -> memref<1x32xf32, #tpu.memory_space<hbm>>
      %dma_start3A_128 = tpu.memref_squeeze %dma_start3A_127 : memref<1x32xf32, #tpu.memory_space<hbm>> -> memref<32xf32, #tpu.memory_space<hbm>>
      %dma_start3A_129 = arith.constant 0 : i32
      %dma_start3A_130 = tpu.memref_slice %arg12[%add3A_123, %dma_start3A_129] : memref<128x32xf32, #tpu.memory_space<vmem>> -> memref<1x32xf32, #tpu.memory_space<vmem>>
      %dma_start3A_131 = tpu.memref_squeeze %dma_start3A_130 : memref<1x32xf32, #tpu.memory_space<vmem>> -> memref<32xf32, #tpu.memory_space<vmem>>
      %dma_start3A_132 = arith.constant 0 : i32
      %dma_start3A_133 = tpu.memref_slice %arg4[%squeeze3A, %dma_start3A_132] : memref<1000000x32xf32, #tpu.memory_space<hbm>> -> memref<1x32xf32, #tpu.memory_space<hbm>>
      %dma_start3A_134 = tpu.memref_squeeze %dma_start3A_133 : memref<1x32xf32, #tpu.memory_space<hbm>> -> memref<32xf32, #tpu.memory_space<hbm>>
      tpu.enqueue_dma source(%dma_start3A_134 : memref<32xf32, #tpu.memory_space<hbm>>) target(%dma_start3A_131 : memref<32xf32, #tpu.memory_space<vmem>>) target_semaphore(%arg16 : memref<!tpu.dma_semaphore, #tpu.memory_space<semaphore_mem>>)
      %slice3A_135 = vector.extract_strided_slice %get3A_119 {offsets = [1], sizes = [1], strides = [1]} : vector<16xi32> to vector<1xi32>
      %squeeze3A_136 = vector.extract %slice3A_135[0] : i32 from vector<1xi32>
      %mul3A_137 = arith.constant 16 : i32
      %mul3A_138 = arith.muli %scan3A_113, %mul3A_137 : i32
      %add3A_139 = arith.constant 1 : i32
      %add3A_140 = arith.addi %mul3A_138, %add3A_139 : i32
      %dma_start3A_141 = arith.constant 0 : i32
      %dma_start3A_142 = tpu.memref_slice %arg12[%add3A_140, %dma_start3A_141] : memref<128x32xf32, #tpu.memory_space<vmem>> -> memref<1x32xf32, #tpu.memory_space<vmem>>
      %dma_start3A_143 = tpu.memref_squeeze %dma_start3A_142 : memref<1x32xf32, #tpu.memory_space<vmem>> -> memref<32xf32, #tpu.memory_space<vmem>>
      %dma_start3A_144 = arith.constant 0 : i32
      %dma_start3A_145 = tpu.memref_slice %arg4[%squeeze3A_136, %dma_start3A_144] : memref<1000000x32xf32, #tpu.memory_space<hbm>> -> memref<1x32xf32, #tpu.memory_space<hbm>>
      %dma_start3A_146 = tpu.memref_squeeze %dma_start3A_145 : memref<1x32xf32, #tpu.memory_space<hbm>> -> memref<32xf32, #tpu.memory_space<hbm>>
      %dma_start3A_147 = arith.constant 0 : i32
      %dma_start3A_148 = tpu.memref_slice %arg12[%add3A_140, %dma_start3A_147] : memref<128x32xf32, #tpu.memory_space<vmem>> -> memref<1x32xf32, #tpu.memory_space<vmem>>
      %dma_start3A_149 = tpu.memref_squeeze %dma_start3A_148 : memref<1x32xf32, #tpu.memory_space<vmem>> -> memref<32xf32, #tpu.memory_space<vmem>>
      %dma_start3A_150 = arith.constant 0 : i32
      %dma_start3A_151 = tpu.memref_slice %arg4[%squeeze3A_136, %dma_start3A_150] : memref<1000000x32xf32, #tpu.memory_space<hbm>> -> memref<1x32xf32, #tpu.memory_space<hbm>>
      %dma_start3A_152 = tpu.memref_squeeze %dma_start3A_151 : memref<1x32xf32, #tpu.memory_space<hbm>> -> memref<32xf32, #tpu.memory_space<hbm>>
      tpu.enqueue_dma source(%dma_start3A_152 : memref<32xf32, #tpu.memory_space<hbm>>) target(%dma_start3A_149 : memref<32xf32, #tpu.memory_space<vmem>>) target_semaphore(%arg16 : memref<!tpu.dma_semaphore, #tpu.memory_space<semaphore_mem>>)
      %slice3A_153 = vector.extract_strided_slice %get3A_119 {offsets = [2], sizes = [1], strides = [1]} : vector<16xi32> to vector<1xi32>
      %squeeze3A_154 = vector.extract %slice3A_153[0] : i32 from vector<1xi32>
      %mul3A_155 = arith.constant 16 : i32
      %mul3A_156 = arith.muli %scan3A_113, %mul3A_155 : i32
      %add3A_157 = arith.constant 2 : i32
      %add3A_158 = arith.addi %mul3A_156, %add3A_157 : i32
      %dma_start3A_159 = arith.constant 0 : i32
      %dma_start3A_160 = tpu.memref_slice %arg12[%add3A_158, %dma_start3A_159] : memref<128x32xf32, #tpu.memory_space<vmem>> -> memref<1x32xf32, #tpu.memory_space<vmem>>
      %dma_start3A_161 = tpu.memref_squeeze %dma_start3A_160 : memref<1x32xf32, #tpu.memory_space<vmem>> -> memref<32xf32, #tpu.memory_space<vmem>>
      %dma_start3A_162 = arith.constant 0 : i32
      %dma_start3A_163 = tpu.memref_slice %arg4[%squeeze3A_154, %dma_start3A_162] : memref<1000000x32xf32, #tpu.memory_space<hbm>> -> memref<1x32xf32, #tpu.memory_space<hbm>>
      %dma_start3A_164 = tpu.memref_squeeze %dma_start3A_163 : memref<1x32xf32, #tpu.memory_space<hbm>> -> memref<32xf32, #tpu.memory_space<hbm>>
      %dma_start3A_165 = arith.constant 0 : i32
      %dma_start3A_166 = tpu.memref_slice %arg12[%add3A_158, %dma_start3A_165] : memref<128x32xf32, #tpu.memory_space<vmem>> -> memref<1x32xf32, #tpu.memory_space<vmem>>
      %dma_start3A_167 = tpu.memref_squeeze %dma_start3A_166 : memref<1x32xf32, #tpu.memory_space<vmem>> -> memref<32xf32, #tpu.memory_space<vmem>>
      %dma_start3A_168 = arith.constant 0 : i32
      %dma_start3A_169 = tpu.memref_slice %arg4[%squeeze3A_154, %dma_start3A_168] : memref<1000000x32xf32, #tpu.memory_space<hbm>> -> memref<1x32xf32, #tpu.memory_space<hbm>>
      %dma_start3A_170 = tpu.memref_squeeze %dma_start3A_169 : memref<1x32xf32, #tpu.memory_space<hbm>> -> memref<32xf32, #tpu.memory_space<hbm>>
      tpu.enqueue_dma source(%dma_start3A_170 : memref<32xf32, #tpu.memory_space<hbm>>) target(%dma_start3A_167 : memref<32xf32, #tpu.memory_space<vmem>>) target_semaphore(%arg16 : memref<!tpu.dma_semaphore, #tpu.memory_space<semaphore_mem>>)
      %slice3A_171 = vector.extract_strided_slice %get3A_119 {offsets = [3], sizes = [1], strides = [1]} : vector<16xi32> to vector<1xi32>
      %squeeze3A_172 = vector.extract %slice3A_171[0] : i32 from vector<1xi32>
      %mul3A_173 = arith.constant 16 : i32
      %mul3A_174 = arith.muli %scan3A_113, %mul3A_173 : i32
      %add3A_175 = arith.constant 3 : i32
      %add3A_176 = arith.addi %mul3A_174, %add3A_175 : i32
      %dma_start3A_177 = arith.constant 0 : i32
      %dma_start3A_178 = tpu.memref_slice %arg12[%add3A_176, %dma_start3A_177] : memref<128x32xf32, #tpu.memory_space<vmem>> -> memref<1x32xf32, #tpu.memory_space<vmem>>
      %dma_start3A_179 = tpu.memref_squeeze %dma_start3A_178 : memref<1x32xf32, #tpu.memory_space<vmem>> -> memref<32xf32, #tpu.memory_space<vmem>>
      %dma_start3A_180 = arith.constant 0 : i32
      %dma_start3A_181 = tpu.memref_slice %arg4[%squeeze3A_172, %dma_start3A_180] : memref<1000000x32xf32, #tpu.memory_space<hbm>> -> memref<1x32xf32, #tpu.memory_space<hbm>>
      %dma_start3A_182 = tpu.memref_squeeze %dma_start3A_181 : memref<1x32xf32, #tpu.memory_space<hbm>> -> memref<32xf32, #tpu.memory_space<hbm>>
      %dma_start3A_183 = arith.constant 0 : i32
      %dma_start3A_184 = tpu.memref_slice %arg12[%add3A_176, %dma_start3A_183] : memref<128x32xf32, #tpu.memory_space<vmem>> -> memref<1x32xf32, #tpu.memory_space<vmem>>
      %dma_start3A_185 = tpu.memref_squeeze %dma_start3A_184 : memref<1x32xf32, #tpu.memory_space<vmem>> -> memref<32xf32, #tpu.memory_space<vmem>>
      %dma_start3A_186 = arith.constant 0 : i32
      %dma_start3A_187 = tpu.memref_slice %arg4[%squeeze3A_172, %dma_start3A_186] : memref<1000000x32xf32, #tpu.memory_space<hbm>> -> memref<1x32xf32, #tpu.memory_space<hbm>>
      %dma_start3A_188 = tpu.memref_squeeze %dma_start3A_187 : memref<1x32xf32, #tpu.memory_space<hbm>> -> memref<32xf32, #tpu.memory_space<hbm>>
      tpu.enqueue_dma source(%dma_start3A_188 : memref<32xf32, #tpu.memory_space<hbm>>) target(%dma_start3A_185 : memref<32xf32, #tpu.memory_space<vmem>>) target_semaphore(%arg16 : memref<!tpu.dma_semaphore, #tpu.memory_space<semaphore_mem>>)
      %slice3A_189 = vector.extract_strided_slice %get3A_119 {offsets = [4], sizes = [1], strides = [1]} : vector<16xi32> to vector<1xi32>
      %squeeze3A_190 = vector.extract %slice3A_189[0] : i32 from vector<1xi32>
      %mul3A_191 = arith.constant 16 : i32
      %mul3A_192 = arith.muli %scan3A_113, %mul3A_191 : i32
      %add3A_193 = arith.constant 4 : i32
      %add3A_194 = arith.addi %mul3A_192, %add3A_193 : i32
      %dma_start3A_195 = arith.constant 0 : i32
      %dma_start3A_196 = tpu.memref_slice %arg12[%add3A_194, %dma_start3A_195] : memref<128x32xf32, #tpu.memory_space<vmem>> -> memref<1x32xf32, #tpu.memory_space<vmem>>
      %dma_start3A_197 = tpu.memref_squeeze %dma_start3A_196 : memref<1x32xf32, #tpu.memory_space<vmem>> -> memref<32xf32, #tpu.memory_space<vmem>>
      %dma_start3A_198 = arith.constant 0 : i32
      %dma_start3A_199 = tpu.memref_slice %arg4[%squeeze3A_190, %dma_start3A_198] : memref<1000000x32xf32, #tpu.memory_space<hbm>> -> memref<1x32xf32, #tpu.memory_space<hbm>>
      %dma_start3A_200 = tpu.memref_squeeze %dma_start3A_199 : memref<1x32xf32, #tpu.memory_space<hbm>> -> memref<32xf32, #tpu.memory_space<hbm>>
      %dma_start3A_201 = arith.constant 0 : i32
      %dma_start3A_202 = tpu.memref_slice %arg12[%add3A_194, %dma_start3A_201] : memref<128x32xf32, #tpu.memory_space<vmem>> -> memref<1x32xf32, #tpu.memory_space<vmem>>
      %dma_start3A_203 = tpu.memref_squeeze %dma_start3A_202 : memref<1x32xf32, #tpu.memory_space<vmem>> -> memref<32xf32, #tpu.memory_space<vmem>>
      %dma_start3A_204 = arith.constant 0 : i32
      %dma_start3A_205 = tpu.memref_slice %arg4[%squeeze3A_190, %dma_start3A_204] : memref<1000000x32xf32, #tpu.memory_space<hbm>> -> memref<1x32xf32, #tpu.memory_space<hbm>>
      %dma_start3A_206 = tpu.memref_squeeze %dma_start3A_205 : memref<1x32xf32, #tpu.memory_space<hbm>> -> memref<32xf32, #tpu.memory_space<hbm>>
      tpu.enqueue_dma source(%dma_start3A_206 : memref<32xf32, #tpu.memory_space<hbm>>) target(%dma_start3A_203 : memref<32xf32, #tpu.memory_space<vmem>>) target_semaphore(%arg16 : memref<!tpu.dma_semaphore, #tpu.memory_space<semaphore_mem>>)
      %slice3A_207 = vector.extract_strided_slice %get3A_119 {offsets = [5], sizes = [1], strides = [1]} : vector<16xi32> to vector<1xi32>
      %squeeze3A_208 = vector.extract %slice3A_207[0] : i32 from vector<1xi32>
      %mul3A_209 = arith.constant 16 : i32
      %mul3A_210 = arith.muli %scan3A_113, %mul3A_209 : i32
      %add3A_211 = arith.constant 5 : i32
      %add3A_212 = arith.addi %mul3A_210, %add3A_211 : i32
      %dma_start3A_213 = arith.constant 0 : i32
      %dma_start3A_214 = tpu.memref_slice %arg12[%add3A_212, %dma_start3A_213] : memref<128x32xf32, #tpu.memory_space<vmem>> -> memref<1x32xf32, #tpu.memory_space<vmem>>
      %dma_start3A_215 = tpu.memref_squeeze %dma_start3A_214 : memref<1x32xf32, #tpu.memory_space<vmem>> -> memref<32xf32, #tpu.memory_space<vmem>>
      %dma_start3A_216 = arith.constant 0 : i32
      %dma_start3A_217 = tpu.memref_slice %arg4[%squeeze3A_208, %dma_start3A_216] : memref<1000000x32xf32, #tpu.memory_space<hbm>> -> memref<1x32xf32, #tpu.memory_space<hbm>>
      %dma_start3A_218 = tpu.memref_squeeze %dma_start3A_217 : memref<1x32xf32, #tpu.memory_space<hbm>> -> memref<32xf32, #tpu.memory_space<hbm>>
      %dma_start3A_219 = arith.constant 0 : i32
      %dma_start3A_220 = tpu.memref_slice %arg12[%add3A_212, %dma_start3A_219] : memref<128x32xf32, #tpu.memory_space<vmem>> -> memref<1x32xf32, #tpu.memory_space<vmem>>
      %dma_start3A_221 = tpu.memref_squeeze %dma_start3A_220 : memref<1x32xf32, #tpu.memory_space<vmem>> -> memref<32xf32, #tpu.memory_space<vmem>>
      %dma_start3A_222 = arith.constant 0 : i32
      %dma_start3A_223 = tpu.memref_slice %arg4[%squeeze3A_208, %dma_start3A_222] : memref<1000000x32xf32, #tpu.memory_space<hbm>> -> memref<1x32xf32, #tpu.memory_space<hbm>>
      %dma_start3A_224 = tpu.memref_squeeze %dma_start3A_223 : memref<1x32xf32, #tpu.memory_space<hbm>> -> memref<32xf32, #tpu.memory_space<hbm>>
      tpu.enqueue_dma source(%dma_start3A_224 : memref<32xf32, #tpu.memory_space<hbm>>) target(%dma_start3A_221 : memref<32xf32, #tpu.memory_space<vmem>>) target_semaphore(%arg16 : memref<!tpu.dma_semaphore, #tpu.memory_space<semaphore_mem>>)
      %slice3A_225 = vector.extract_strided_slice %get3A_119 {offsets = [6], sizes = [1], strides = [1]} : vector<16xi32> to vector<1xi32>
      %squeeze3A_226 = vector.extract %slice3A_225[0] : i32 from vector<1xi32>
      %mul3A_227 = arith.constant 16 : i32
      %mul3A_228 = arith.muli %scan3A_113, %mul3A_227 : i32
      %add3A_229 = arith.constant 6 : i32
      %add3A_230 = arith.addi %mul3A_228, %add3A_229 : i32
      %dma_start3A_231 = arith.constant 0 : i32
      %dma_start3A_232 = tpu.memref_slice %arg12[%add3A_230, %dma_start3A_231] : memref<128x32xf32, #tpu.memory_space<vmem>> -> memref<1x32xf32, #tpu.memory_space<vmem>>
      %dma_start3A_233 = tpu.memref_squeeze %dma_start3A_232 : memref<1x32xf32, #tpu.memory_space<vmem>> -> memref<32xf32, #tpu.memory_space<vmem>>
      %dma_start3A_234 = arith.constant 0 : i32
      %dma_start3A_235 = tpu.memref_slice %arg4[%squeeze3A_226, %dma_start3A_234] : memref<1000000x32xf32, #tpu.memory_space<hbm>> -> memref<1x32xf32, #tpu.memory_space<hbm>>
      %dma_start3A_236 = tpu.memref_squeeze %dma_start3A_235 : memref<1x32xf32, #tpu.memory_space<hbm>> -> memref<32xf32, #tpu.memory_space<hbm>>
      %dma_start3A_237 = arith.constant 0 : i32
      %dma_start3A_238 = tpu.memref_slice %arg12[%add3A_230, %dma_start3A_237] : memref<128x32xf32, #tpu.memory_space<vmem>> -> memref<1x32xf32, #tpu.memory_space<vmem>>
      %dma_start3A_239 = tpu.memref_squeeze %dma_start3A_238 : memref<1x32xf32, #tpu.memory_space<vmem>> -> memref<32xf32, #tpu.memory_space<vmem>>
      %dma_start3A_240 = arith.constant 0 : i32
      %dma_start3A_241 = tpu.memref_slice %arg4[%squeeze3A_226, %dma_start3A_240] : memref<1000000x32xf32, #tpu.memory_space<hbm>> -> memref<1x32xf32, #tpu.memory_space<hbm>>
      %dma_start3A_242 = tpu.memref_squeeze %dma_start3A_241 : memref<1x32xf32, #tpu.memory_space<hbm>> -> memref<32xf32, #tpu.memory_space<hbm>>
      tpu.enqueue_dma source(%dma_start3A_242 : memref<32xf32, #tpu.memory_space<hbm>>) target(%dma_start3A_239 : memref<32xf32, #tpu.memory_space<vmem>>) target_semaphore(%arg16 : memref<!tpu.dma_semaphore, #tpu.memory_space<semaphore_mem>>)
      %slice3A_243 = vector.extract_strided_slice %get3A_119 {offsets = [7], sizes = [1], strides = [1]} : vector<16xi32> to vector<1xi32>
      %squeeze3A_244 = vector.extract %slice3A_243[0] : i32 from vector<1xi32>
      %mul3A_245 = arith.constant 16 : i32
      %mul3A_246 = arith.muli %scan3A_113, %mul3A_245 : i32
      %add3A_247 = arith.constant 7 : i32
      %add3A_248 = arith.addi %mul3A_246, %add3A_247 : i32
      %dma_start3A_249 = arith.constant 0 : i32
      %dma_start3A_250 = tpu.memref_slice %arg12[%add3A_248, %dma_start3A_249] : memref<128x32xf32, #tpu.memory_space<vmem>> -> memref<1x32xf32, #tpu.memory_space<vmem>>
      %dma_start3A_251 = tpu.memref_squeeze %dma_start3A_250 : memref<1x32xf32, #tpu.memory_space<vmem>> -> memref<32xf32, #tpu.memory_space<vmem>>
      %dma_start3A_252 = arith.constant 0 : i32
      %dma_start3A_253 = tpu.memref_slice %arg4[%squeeze3A_244, %dma_start3A_252] : memref<1000000x32xf32, #tpu.memory_space<hbm>> -> memref<1x32xf32, #tpu.memory_space<hbm>>
      %dma_start3A_254 = tpu.memref_squeeze %dma_start3A_253 : memref<1x32xf32, #tpu.memory_space<hbm>> -> memref<32xf32, #tpu.memory_space<hbm>>
      %dma_start3A_255 = arith.constant 0 : i32
      %dma_start3A_256 = tpu.memref_slice %arg12[%add3A_248, %dma_start3A_255] : memref<128x32xf32, #tpu.memory_space<vmem>> -> memref<1x32xf32, #tpu.memory_space<vmem>>
      %dma_start3A_257 = tpu.memref_squeeze %dma_start3A_256 : memref<1x32xf32, #tpu.memory_space<vmem>> -> memref<32xf32, #tpu.memory_space<vmem>>
      %dma_start3A_258 = arith.constant 0 : i32
      %dma_start3A_259 = tpu.memref_slice %arg4[%squeeze3A_244, %dma_start3A_258] : memref<1000000x32xf32, #tpu.memory_space<hbm>> -> memref<1x32xf32, #tpu.memory_space<hbm>>
      %dma_start3A_260 = tpu.memref_squeeze %dma_start3A_259 : memref<1x32xf32, #tpu.memory_space<hbm>> -> memref<32xf32, #tpu.memory_space<hbm>>
      tpu.enqueue_dma source(%dma_start3A_260 : memref<32xf32, #tpu.memory_space<hbm>>) target(%dma_start3A_257 : memref<32xf32, #tpu.memory_space<vmem>>) target_semaphore(%arg16 : memref<!tpu.dma_semaphore, #tpu.memory_space<semaphore_mem>>)
      %slice3A_261 = vector.extract_strided_slice %get3A_119 {offsets = [8], sizes = [1], strides = [1]} : vector<16xi32> to vector<1xi32>
      %squeeze3A_262 = vector.extract %slice3A_261[0] : i32 from vector<1xi32>
      %mul3A_263 = arith.constant 16 : i32
      %mul3A_264 = arith.muli %scan3A_113, %mul3A_263 : i32
      %add3A_265 = arith.constant 8 : i32
      %add3A_266 = arith.addi %mul3A_264, %add3A_265 : i32
      %dma_start3A_267 = arith.constant 0 : i32
      %dma_start3A_268 = tpu.memref_slice %arg12[%add3A_266, %dma_start3A_267] : memref<128x32xf32, #tpu.memory_space<vmem>> -> memref<1x32xf32, #tpu.memory_space<vmem>>
      %dma_start3A_269 = tpu.memref_squeeze %dma_start3A_268 : memref<1x32xf32, #tpu.memory_space<vmem>> -> memref<32xf32, #tpu.memory_space<vmem>>
      %dma_start3A_270 = arith.constant 0 : i32
      %dma_start3A_271 = tpu.memref_slice %arg4[%squeeze3A_262, %dma_start3A_270] : memref<1000000x32xf32, #tpu.memory_space<hbm>> -> memref<1x32xf32, #tpu.memory_space<hbm>>
      %dma_start3A_272 = tpu.memref_squeeze %dma_start3A_271 : memref<1x32xf32, #tpu.memory_space<hbm>> -> memref<32xf32, #tpu.memory_space<hbm>>
      %dma_start3A_273 = arith.constant 0 : i32
      %dma_start3A_274 = tpu.memref_slice %arg12[%add3A_266, %dma_start3A_273] : memref<128x32xf32, #tpu.memory_space<vmem>> -> memref<1x32xf32, #tpu.memory_space<vmem>>
      %dma_start3A_275 = tpu.memref_squeeze %dma_start3A_274 : memref<1x32xf32, #tpu.memory_space<vmem>> -> memref<32xf32, #tpu.memory_space<vmem>>
      %dma_start3A_276 = arith.constant 0 : i32
      %dma_start3A_277 = tpu.memref_slice %arg4[%squeeze3A_262, %dma_start3A_276] : memref<1000000x32xf32, #tpu.memory_space<hbm>> -> memref<1x32xf32, #tpu.memory_space<hbm>>
      %dma_start3A_278 = tpu.memref_squeeze %dma_start3A_277 : memref<1x32xf32, #tpu.memory_space<hbm>> -> memref<32xf32, #tpu.memory_space<hbm>>
      tpu.enqueue_dma source(%dma_start3A_278 : memref<32xf32, #tpu.memory_space<hbm>>) target(%dma_start3A_275 : memref<32xf32, #tpu.memory_space<vmem>>) target_semaphore(%arg16 : memref<!tpu.dma_semaphore, #tpu.memory_space<semaphore_mem>>)
      %slice3A_279 = vector.extract_strided_slice %get3A_119 {offsets = [9], sizes = [1], strides = [1]} : vector<16xi32> to vector<1xi32>
      %squeeze3A_280 = vector.extract %slice3A_279[0] : i32 from vector<1xi32>
      %mul3A_281 = arith.constant 16 : i32
      %mul3A_282 = arith.muli %scan3A_113, %mul3A_281 : i32
      %add3A_283 = arith.constant 9 : i32
      %add3A_284 = arith.addi %mul3A_282, %add3A_283 : i32
      %dma_start3A_285 = arith.constant 0 : i32
      %dma_start3A_286 = tpu.memref_slice %arg12[%add3A_284, %dma_start3A_285] : memref<128x32xf32, #tpu.memory_space<vmem>> -> memref<1x32xf32, #tpu.memory_space<vmem>>
      %dma_start3A_287 = tpu.memref_squeeze %dma_start3A_286 : memref<1x32xf32, #tpu.memory_space<vmem>> -> memref<32xf32, #tpu.memory_space<vmem>>
      %dma_start3A_288 = arith.constant 0 : i32
      %dma_start3A_289 = tpu.memref_slice %arg4[%squeeze3A_280, %dma_start3A_288] : memref<1000000x32xf32, #tpu.memory_space<hbm>> -> memref<1x32xf32, #tpu.memory_space<hbm>>
      %dma_start3A_290 = tpu.memref_squeeze %dma_start3A_289 : memref<1x32xf32, #tpu.memory_space<hbm>> -> memref<32xf32, #tpu.memory_space<hbm>>
      %dma_start3A_291 = arith.constant 0 : i32
      %dma_start3A_292 = tpu.memref_slice %arg12[%add3A_284, %dma_start3A_291] : memref<128x32xf32, #tpu.memory_space<vmem>> -> memref<1x32xf32, #tpu.memory_space<vmem>>
      %dma_start3A_293 = tpu.memref_squeeze %dma_start3A_292 : memref<1x32xf32, #tpu.memory_space<vmem>> -> memref<32xf32, #tpu.memory_space<vmem>>
      %dma_start3A_294 = arith.constant 0 : i32
      %dma_start3A_295 = tpu.memref_slice %arg4[%squeeze3A_280, %dma_start3A_294] : memref<1000000x32xf32, #tpu.memory_space<hbm>> -> memref<1x32xf32, #tpu.memory_space<hbm>>
      %dma_start3A_296 = tpu.memref_squeeze %dma_start3A_295 : memref<1x32xf32, #tpu.memory_space<hbm>> -> memref<32xf32, #tpu.memory_space<hbm>>
      tpu.enqueue_dma source(%dma_start3A_296 : memref<32xf32, #tpu.memory_space<hbm>>) target(%dma_start3A_293 : memref<32xf32, #tpu.memory_space<vmem>>) target_semaphore(%arg16 : memref<!tpu.dma_semaphore, #tpu.memory_space<semaphore_mem>>)
      %slice3A_297 = vector.extract_strided_slice %get3A_119 {offsets = [10], sizes = [1], strides = [1]} : vector<16xi32> to vector<1xi32>
      %squeeze3A_298 = vector.extract %slice3A_297[0] : i32 from vector<1xi32>
      %mul3A_299 = arith.constant 16 : i32
      %mul3A_300 = arith.muli %scan3A_113, %mul3A_299 : i32
      %add3A_301 = arith.constant 10 : i32
      %add3A_302 = arith.addi %mul3A_300, %add3A_301 : i32
      %dma_start3A_303 = arith.constant 0 : i32
      %dma_start3A_304 = tpu.memref_slice %arg12[%add3A_302, %dma_start3A_303] : memref<128x32xf32, #tpu.memory_space<vmem>> -> memref<1x32xf32, #tpu.memory_space<vmem>>
      %dma_start3A_305 = tpu.memref_squeeze %dma_start3A_304 : memref<1x32xf32, #tpu.memory_space<vmem>> -> memref<32xf32, #tpu.memory_space<vmem>>
      %dma_start3A_306 = arith.constant 0 : i32
      %dma_start3A_307 = tpu.memref_slice %arg4[%squeeze3A_298, %dma_start3A_306] : memref<1000000x32xf32, #tpu.memory_space<hbm>> -> memref<1x32xf32, #tpu.memory_space<hbm>>
      %dma_start3A_308 = tpu.memref_squeeze %dma_start3A_307 : memref<1x32xf32, #tpu.memory_space<hbm>> -> memref<32xf32, #tpu.memory_space<hbm>>
      %dma_start3A_309 = arith.constant 0 : i32
      %dma_start3A_310 = tpu.memref_slice %arg12[%add3A_302, %dma_start3A_309] : memref<128x32xf32, #tpu.memory_space<vmem>> -> memref<1x32xf32, #tpu.memory_space<vmem>>
      %dma_start3A_311 = tpu.memref_squeeze %dma_start3A_310 : memref<1x32xf32, #tpu.memory_space<vmem>> -> memref<32xf32, #tpu.memory_space<vmem>>
      %dma_start3A_312 = arith.constant 0 : i32
      %dma_start3A_313 = tpu.memref_slice %arg4[%squeeze3A_298, %dma_start3A_312] : memref<1000000x32xf32, #tpu.memory_space<hbm>> -> memref<1x32xf32, #tpu.memory_space<hbm>>
      %dma_start3A_314 = tpu.memref_squeeze %dma_start3A_313 : memref<1x32xf32, #tpu.memory_space<hbm>> -> memref<32xf32, #tpu.memory_space<hbm>>
      tpu.enqueue_dma source(%dma_start3A_314 : memref<32xf32, #tpu.memory_space<hbm>>) target(%dma_start3A_311 : memref<32xf32, #tpu.memory_space<vmem>>) target_semaphore(%arg16 : memref<!tpu.dma_semaphore, #tpu.memory_space<semaphore_mem>>)
      %slice3A_315 = vector.extract_strided_slice %get3A_119 {offsets = [11], sizes = [1], strides = [1]} : vector<16xi32> to vector<1xi32>
      %squeeze3A_316 = vector.extract %slice3A_315[0] : i32 from vector<1xi32>
      %mul3A_317 = arith.constant 16 : i32
      %mul3A_318 = arith.muli %scan3A_113, %mul3A_317 : i32
      %add3A_319 = arith.constant 11 : i32
      %add3A_320 = arith.addi %mul3A_318, %add3A_319 : i32
      %dma_start3A_321 = arith.constant 0 : i32
      %dma_start3A_322 = tpu.memref_slice %arg12[%add3A_320, %dma_start3A_321] : memref<128x32xf32, #tpu.memory_space<vmem>> -> memref<1x32xf32, #tpu.memory_space<vmem>>
      %dma_start3A_323 = tpu.memref_squeeze %dma_start3A_322 : memref<1x32xf32, #tpu.memory_space<vmem>> -> memref<32xf32, #tpu.memory_space<vmem>>
      %dma_start3A_324 = arith.constant 0 : i32
      %dma_start3A_325 = tpu.memref_slice %arg4[%squeeze3A_316, %dma_start3A_324] : memref<1000000x32xf32, #tpu.memory_space<hbm>> -> memref<1x32xf32, #tpu.memory_space<hbm>>
      %dma_start3A_326 = tpu.memref_squeeze %dma_start3A_325 : memref<1x32xf32, #tpu.memory_space<hbm>> -> memref<32xf32, #tpu.memory_space<hbm>>
      %dma_start3A_327 = arith.constant 0 : i32
      %dma_start3A_328 = tpu.memref_slice %arg12[%add3A_320, %dma_start3A_327] : memref<128x32xf32, #tpu.memory_space<vmem>> -> memref<1x32xf32, #tpu.memory_space<vmem>>
      %dma_start3A_329 = tpu.memref_squeeze %dma_start3A_328 : memref<1x32xf32, #tpu.memory_space<vmem>> -> memref<32xf32, #tpu.memory_space<vmem>>
      %dma_start3A_330 = arith.constant 0 : i32
      %dma_start3A_331 = tpu.memref_slice %arg4[%squeeze3A_316, %dma_start3A_330] : memref<1000000x32xf32, #tpu.memory_space<hbm>> -> memref<1x32xf32, #tpu.memory_space<hbm>>
      %dma_start3A_332 = tpu.memref_squeeze %dma_start3A_331 : memref<1x32xf32, #tpu.memory_space<hbm>> -> memref<32xf32, #tpu.memory_space<hbm>>
      tpu.enqueue_dma source(%dma_start3A_332 : memref<32xf32, #tpu.memory_space<hbm>>) target(%dma_start3A_329 : memref<32xf32, #tpu.memory_space<vmem>>) target_semaphore(%arg16 : memref<!tpu.dma_semaphore, #tpu.memory_space<semaphore_mem>>)
      %slice3A_333 = vector.extract_strided_slice %get3A_119 {offsets = [12], sizes = [1], strides = [1]} : vector<16xi32> to vector<1xi32>
      %squeeze3A_334 = vector.extract %slice3A_333[0] : i32 from vector<1xi32>
      %mul3A_335 = arith.constant 16 : i32
      %mul3A_336 = arith.muli %scan3A_113, %mul3A_335 : i32
      %add3A_337 = arith.constant 12 : i32
      %add3A_338 = arith.addi %mul3A_336, %add3A_337 : i32
      %dma_start3A_339 = arith.constant 0 : i32
      %dma_start3A_340 = tpu.memref_slice %arg12[%add3A_338, %dma_start3A_339] : memref<128x32xf32, #tpu.memory_space<vmem>> -> memref<1x32xf32, #tpu.memory_space<vmem>>
      %dma_start3A_341 = tpu.memref_squeeze %dma_start3A_340 : memref<1x32xf32, #tpu.memory_space<vmem>> -> memref<32xf32, #tpu.memory_space<vmem>>
      %dma_start3A_342 = arith.constant 0 : i32
      %dma_start3A_343 = tpu.memref_slice %arg4[%squeeze3A_334, %dma_start3A_342] : memref<1000000x32xf32, #tpu.memory_space<hbm>> -> memref<1x32xf32, #tpu.memory_space<hbm>>
      %dma_start3A_344 = tpu.memref_squeeze %dma_start3A_343 : memref<1x32xf32, #tpu.memory_space<hbm>> -> memref<32xf32, #tpu.memory_space<hbm>>
      %dma_start3A_345 = arith.constant 0 : i32
      %dma_start3A_346 = tpu.memref_slice %arg12[%add3A_338, %dma_start3A_345] : memref<128x32xf32, #tpu.memory_space<vmem>> -> memref<1x32xf32, #tpu.memory_space<vmem>>
      %dma_start3A_347 = tpu.memref_squeeze %dma_start3A_346 : memref<1x32xf32, #tpu.memory_space<vmem>> -> memref<32xf32, #tpu.memory_space<vmem>>
      %dma_start3A_348 = arith.constant 0 : i32
      %dma_start3A_349 = tpu.memref_slice %arg4[%squeeze3A_334, %dma_start3A_348] : memref<1000000x32xf32, #tpu.memory_space<hbm>> -> memref<1x32xf32, #tpu.memory_space<hbm>>
      %dma_start3A_350 = tpu.memref_squeeze %dma_start3A_349 : memref<1x32xf32, #tpu.memory_space<hbm>> -> memref<32xf32, #tpu.memory_space<hbm>>
      tpu.enqueue_dma source(%dma_start3A_350 : memref<32xf32, #tpu.memory_space<hbm>>) target(%dma_start3A_347 : memref<32xf32, #tpu.memory_space<vmem>>) target_semaphore(%arg16 : memref<!tpu.dma_semaphore, #tpu.memory_space<semaphore_mem>>)
      %slice3A_351 = vector.extract_strided_slice %get3A_119 {offsets = [13], sizes = [1], strides = [1]} : vector<16xi32> to vector<1xi32>
      %squeeze3A_352 = vector.extract %slice3A_351[0] : i32 from vector<1xi32>
      %mul3A_353 = arith.constant 16 : i32
      %mul3A_354 = arith.muli %scan3A_113, %mul3A_353 : i32
      %add3A_355 = arith.constant 13 : i32
      %add3A_356 = arith.addi %mul3A_354, %add3A_355 : i32
      %dma_start3A_357 = arith.constant 0 : i32
      %dma_start3A_358 = tpu.memref_slice %arg12[%add3A_356, %dma_start3A_357] : memref<128x32xf32, #tpu.memory_space<vmem>> -> memref<1x32xf32, #tpu.memory_space<vmem>>
      %dma_start3A_359 = tpu.memref_squeeze %dma_start3A_358 : memref<1x32xf32, #tpu.memory_space<vmem>> -> memref<32xf32, #tpu.memory_space<vmem>>
      %dma_start3A_360 = arith.constant 0 : i32
      %dma_start3A_361 = tpu.memref_slice %arg4[%squeeze3A_352, %dma_start3A_360] : memref<1000000x32xf32, #tpu.memory_space<hbm>> -> memref<1x32xf32, #tpu.memory_space<hbm>>
      %dma_start3A_362 = tpu.memref_squeeze %dma_start3A_361 : memref<1x32xf32, #tpu.memory_space<hbm>> -> memref<32xf32, #tpu.memory_space<hbm>>
      %dma_start3A_363 = arith.constant 0 : i32
      %dma_start3A_364 = tpu.memref_slice %arg12[%add3A_356, %dma_start3A_363] : memref<128x32xf32, #tpu.memory_space<vmem>> -> memref<1x32xf32, #tpu.memory_space<vmem>>
      %dma_start3A_365 = tpu.memref_squeeze %dma_start3A_364 : memref<1x32xf32, #tpu.memory_space<vmem>> -> memref<32xf32, #tpu.memory_space<vmem>>
      %dma_start3A_366 = arith.constant 0 : i32
      %dma_start3A_367 = tpu.memref_slice %arg4[%squeeze3A_352, %dma_start3A_366] : memref<1000000x32xf32, #tpu.memory_space<hbm>> -> memref<1x32xf32, #tpu.memory_space<hbm>>
      %dma_start3A_368 = tpu.memref_squeeze %dma_start3A_367 : memref<1x32xf32, #tpu.memory_space<hbm>> -> memref<32xf32, #tpu.memory_space<hbm>>
      tpu.enqueue_dma source(%dma_start3A_368 : memref<32xf32, #tpu.memory_space<hbm>>) target(%dma_start3A_365 : memref<32xf32, #tpu.memory_space<vmem>>) target_semaphore(%arg16 : memref<!tpu.dma_semaphore, #tpu.memory_space<semaphore_mem>>)
      %slice3A_369 = vector.extract_strided_slice %get3A_119 {offsets = [14], sizes = [1], strides = [1]} : vector<16xi32> to vector<1xi32>
      %squeeze3A_370 = vector.extract %slice3A_369[0] : i32 from vector<1xi32>
      %mul3A_371 = arith.constant 16 : i32
      %mul3A_372 = arith.muli %scan3A_113, %mul3A_371 : i32
      %add3A_373 = arith.constant 14 : i32
      %add3A_374 = arith.addi %mul3A_372, %add3A_373 : i32
      %dma_start3A_375 = arith.constant 0 : i32
      %dma_start3A_376 = tpu.memref_slice %arg12[%add3A_374, %dma_start3A_375] : memref<128x32xf32, #tpu.memory_space<vmem>> -> memref<1x32xf32, #tpu.memory_space<vmem>>
      %dma_start3A_377 = tpu.memref_squeeze %dma_start3A_376 : memref<1x32xf32, #tpu.memory_space<vmem>> -> memref<32xf32, #tpu.memory_space<vmem>>
      %dma_start3A_378 = arith.constant 0 : i32
      %dma_start3A_379 = tpu.memref_slice %arg4[%squeeze3A_370, %dma_start3A_378] : memref<1000000x32xf32, #tpu.memory_space<hbm>> -> memref<1x32xf32, #tpu.memory_space<hbm>>
      %dma_start3A_380 = tpu.memref_squeeze %dma_start3A_379 : memref<1x32xf32, #tpu.memory_space<hbm>> -> memref<32xf32, #tpu.memory_space<hbm>>
      %dma_start3A_381 = arith.constant 0 : i32
      %dma_start3A_382 = tpu.memref_slice %arg12[%add3A_374, %dma_start3A_381] : memref<128x32xf32, #tpu.memory_space<vmem>> -> memref<1x32xf32, #tpu.memory_space<vmem>>
      %dma_start3A_383 = tpu.memref_squeeze %dma_start3A_382 : memref<1x32xf32, #tpu.memory_space<vmem>> -> memref<32xf32, #tpu.memory_space<vmem>>
      %dma_start3A_384 = arith.constant 0 : i32
      %dma_start3A_385 = tpu.memref_slice %arg4[%squeeze3A_370, %dma_start3A_384] : memref<1000000x32xf32, #tpu.memory_space<hbm>> -> memref<1x32xf32, #tpu.memory_space<hbm>>
      %dma_start3A_386 = tpu.memref_squeeze %dma_start3A_385 : memref<1x32xf32, #tpu.memory_space<hbm>> -> memref<32xf32, #tpu.memory_space<hbm>>
      tpu.enqueue_dma source(%dma_start3A_386 : memref<32xf32, #tpu.memory_space<hbm>>) target(%dma_start3A_383 : memref<32xf32, #tpu.memory_space<vmem>>) target_semaphore(%arg16 : memref<!tpu.dma_semaphore, #tpu.memory_space<semaphore_mem>>)
      %slice3A_387 = vector.extract_strided_slice %get3A_119 {offsets = [15], sizes = [1], strides = [1]} : vector<16xi32> to vector<1xi32>
      %squeeze3A_388 = vector.extract %slice3A_387[0] : i32 from vector<1xi32>
      %mul3A_389 = arith.constant 16 : i32
      %mul3A_390 = arith.muli %scan3A_113, %mul3A_389 : i32
      %add3A_391 = arith.constant 15 : i32
      %add3A_392 = arith.addi %mul3A_390, %add3A_391 : i32
      %dma_start3A_393 = arith.constant 0 : i32
      %dma_start3A_394 = tpu.memref_slice %arg12[%add3A_392, %dma_start3A_393] : memref<128x32xf32, #tpu.memory_space<vmem>> -> memref<1x32xf32, #tpu.memory_space<vmem>>
      %dma_start3A_395 = tpu.memref_squeeze %dma_start3A_394 : memref<1x32xf32, #tpu.memory_space<vmem>> -> memref<32xf32, #tpu.memory_space<vmem>>
      %dma_start3A_396 = arith.constant 0 : i32
      %dma_start3A_397 = tpu.memref_slice %arg4[%squeeze3A_388, %dma_start3A_396] : memref<1000000x32xf32, #tpu.memory_space<hbm>> -> memref<1x32xf32, #tpu.memory_space<hbm>>
      %dma_start3A_398 = tpu.memref_squeeze %dma_start3A_397 : memref<1x32xf32, #tpu.memory_space<hbm>> -> memref<32xf32, #tpu.memory_space<hbm>>
      %dma_start3A_399 = arith.constant 0 : i32
      %dma_start3A_400 = tpu.memref_slice %arg12[%add3A_392, %dma_start3A_399] : memref<128x32xf32, #tpu.memory_space<vmem>> -> memref<1x32xf32, #tpu.memory_space<vmem>>
      %dma_start3A_401 = tpu.memref_squeeze %dma_start3A_400 : memref<1x32xf32, #tpu.memory_space<vmem>> -> memref<32xf32, #tpu.memory_space<vmem>>
      %dma_start3A_402 = arith.constant 0 : i32
      %dma_start3A_403 = tpu.memref_slice %arg4[%squeeze3A_388, %dma_start3A_402] : memref<1000000x32xf32, #tpu.memory_space<hbm>> -> memref<1x32xf32, #tpu.memory_space<hbm>>
      %dma_start3A_404 = tpu.memref_squeeze %dma_start3A_403 : memref<1x32xf32, #tpu.memory_space<hbm>> -> memref<32xf32, #tpu.memory_space<hbm>>
      tpu.enqueue_dma source(%dma_start3A_404 : memref<32xf32, #tpu.memory_space<hbm>>) target(%dma_start3A_401 : memref<32xf32, #tpu.memory_space<vmem>>) target_semaphore(%arg16 : memref<!tpu.dma_semaphore, #tpu.memory_space<semaphore_mem>>)
    }
    %scan3A_66 = arith.constant 8 : i32
    %dma_wait3A_67 = arith.constant 0 : i32
    %dma_wait3A_68 = arith.constant 0 : i32
    %dma_wait3A_69 = tpu.memref_slice %arg5[%dma_wait3A_67, %dma_wait3A_68] : memref<1000000x32xf32, #tpu.memory_space<hbm>> -> memref<128x32xf32, #tpu.memory_space<hbm>>
    %dma_wait3A_70 = arith.constant 0 : i32
    %dma_wait3A_71 = arith.constant 0 : i32
    %dma_wait3A_72 = tpu.memref_slice %arg5[%dma_wait3A_70, %dma_wait3A_71] : memref<1000000x32xf32, #tpu.memory_space<hbm>> -> memref<128x32xf32, #tpu.memory_space<hbm>>
    tpu.wait_dma2 semaphore(%arg17 : memref<!tpu.dma_semaphore, #tpu.memory_space<semaphore_mem>>) src(%dma_wait3A_72 : memref<128x32xf32, #tpu.memory_space<hbm>>) dst(%arg13 : memref<128x32xf32, #tpu.memory_space<vmem>>)
    %add3A_73 = arith.constant 128 : i32
    %add3A_74 = arith.addi %mul3A_2, %add3A_73 : i32
    "tpu.region"() ({
      %run_scoped3A = tpu.sem_alloc : memref<!tpu.dma_semaphore, #tpu.memory_space<semaphore_mem>>
      %dma_start3A = arith.constant 0 : i32
      %dma_start3A_113 = tpu.memref_slice %arg7[%add3A_74, %dma_start3A] : memref<16384x32xf32, #tpu.memory_space<hbm>> -> memref<128x32xf32, #tpu.memory_space<hbm>>
      %dma_start3A_114 = arith.constant 0 : i32
      %dma_start3A_115 = tpu.memref_slice %arg7[%add3A_74, %dma_start3A_114] : memref<16384x32xf32, #tpu.memory_space<hbm>> -> memref<128x32xf32, #tpu.memory_space<hbm>>
      tpu.enqueue_dma source(%arg13 : memref<128x32xf32, #tpu.memory_space<vmem>>) target(%dma_start3A_115 : memref<128x32xf32, #tpu.memory_space<hbm>>) target_semaphore(%run_scoped3A : memref<!tpu.dma_semaphore, #tpu.memory_space<semaphore_mem>>)
      %dma_wait3A_116 = arith.constant 0 : i32
      %dma_wait3A_117 = tpu.memref_slice %arg7[%add3A_74, %dma_wait3A_116] : memref<16384x32xf32, #tpu.memory_space<hbm>> -> memref<128x32xf32, #tpu.memory_space<hbm>>
      %dma_wait3A_118 = arith.constant 0 : i32
      %dma_wait3A_119 = tpu.memref_slice %arg7[%add3A_74, %dma_wait3A_118] : memref<16384x32xf32, #tpu.memory_space<hbm>> -> memref<128x32xf32, #tpu.memory_space<hbm>>
      tpu.wait_dma2 semaphore(%run_scoped3A : memref<!tpu.dma_semaphore, #tpu.memory_space<semaphore_mem>>) src(%arg13 : memref<128x32xf32, #tpu.memory_space<vmem>>) dst(%dma_wait3A_119 : memref<128x32xf32, #tpu.memory_space<hbm>>)
      tpu.yield
    }) : () -> ()
    %scan3A_75 = arith.constant 0 : i32
    %scan3A_76 = arith.constant 0 : i32
    %scan3A_77 = arith.constant 8 : i32
    %scan3A_78 = arith.addi %scan3A_76, %scan3A_77 : i32
    %scan3A_79 = arith.constant 1 : i32
    scf.for %scan3A_113 = %scan3A_76 to %scan3A_78 step %scan3A_79  : i32 {
      %mul3A_114 = arith.constant 16 : i32
      %mul3A_115 = arith.muli %scan3A_113, %mul3A_114 : i32
      %add3A_116 = arith.constant 384 : i32
      %add3A_117 = arith.addi %add3A_116, %mul3A_115 : i32
      %get3A = arith.index_cast %add3A_117 : i32 to index
      %get3A_118 = tpu.vector_load %arg9[%get3A] {strides = array<i32>} : memref<512xi32, #tpu.memory_space<vmem>>, vector<16xi32>,
      %get3A_119 = vector.shape_cast %get3A_118 : vector<16xi32> to vector<16xi32>
      %slice3A = vector.extract_strided_slice %get3A_119 {offsets = [0], sizes = [1], strides = [1]} : vector<16xi32> to vector<1xi32>
      %squeeze3A = vector.extract %slice3A[0] : i32 from vector<1xi32>
      %mul3A_120 = arith.constant 16 : i32
      %mul3A_121 = arith.muli %scan3A_113, %mul3A_120 : i32
      %add3A_122 = arith.constant 0 : i32
      %add3A_123 = arith.addi %mul3A_121, %add3A_122 : i32
      %dma_start3A = arith.constant 0 : i32
      %dma_start3A_124 = tpu.memref_slice %arg13[%add3A_123, %dma_start3A] : memref<128x32xf32, #tpu.memory_space<vmem>> -> memref<1x32xf32, #tpu.memory_space<vmem>>
      %dma_start3A_125 = tpu.memref_squeeze %dma_start3A_124 : memref<1x32xf32, #tpu.memory_space<vmem>> -> memref<32xf32, #tpu.memory_space<vmem>>
      %dma_start3A_126 = arith.constant 0 : i32
      %dma_start3A_127 = tpu.memref_slice %arg5[%squeeze3A, %dma_start3A_126] : memref<1000000x32xf32, #tpu.memory_space<hbm>> -> memref<1x32xf32, #tpu.memory_space<hbm>>
      %dma_start3A_128 = tpu.memref_squeeze %dma_start3A_127 : memref<1x32xf32, #tpu.memory_space<hbm>> -> memref<32xf32, #tpu.memory_space<hbm>>
      %dma_start3A_129 = arith.constant 0 : i32
      %dma_start3A_130 = tpu.memref_slice %arg13[%add3A_123, %dma_start3A_129] : memref<128x32xf32, #tpu.memory_space<vmem>> -> memref<1x32xf32, #tpu.memory_space<vmem>>
      %dma_start3A_131 = tpu.memref_squeeze %dma_start3A_130 : memref<1x32xf32, #tpu.memory_space<vmem>> -> memref<32xf32, #tpu.memory_space<vmem>>
      %dma_start3A_132 = arith.constant 0 : i32
      %dma_start3A_133 = tpu.memref_slice %arg5[%squeeze3A, %dma_start3A_132] : memref<1000000x32xf32, #tpu.memory_space<hbm>> -> memref<1x32xf32, #tpu.memory_space<hbm>>
      %dma_start3A_134 = tpu.memref_squeeze %dma_start3A_133 : memref<1x32xf32, #tpu.memory_space<hbm>> -> memref<32xf32, #tpu.memory_space<hbm>>
      tpu.enqueue_dma source(%dma_start3A_134 : memref<32xf32, #tpu.memory_space<hbm>>) target(%dma_start3A_131 : memref<32xf32, #tpu.memory_space<vmem>>) target_semaphore(%arg17 : memref<!tpu.dma_semaphore, #tpu.memory_space<semaphore_mem>>)
      %slice3A_135 = vector.extract_strided_slice %get3A_119 {offsets = [1], sizes = [1], strides = [1]} : vector<16xi32> to vector<1xi32>
      %squeeze3A_136 = vector.extract %slice3A_135[0] : i32 from vector<1xi32>
      %mul3A_137 = arith.constant 16 : i32
      %mul3A_138 = arith.muli %scan3A_113, %mul3A_137 : i32
      %add3A_139 = arith.constant 1 : i32
      %add3A_140 = arith.addi %mul3A_138, %add3A_139 : i32
      %dma_start3A_141 = arith.constant 0 : i32
      %dma_start3A_142 = tpu.memref_slice %arg13[%add3A_140, %dma_start3A_141] : memref<128x32xf32, #tpu.memory_space<vmem>> -> memref<1x32xf32, #tpu.memory_space<vmem>>
      %dma_start3A_143 = tpu.memref_squeeze %dma_start3A_142 : memref<1x32xf32, #tpu.memory_space<vmem>> -> memref<32xf32, #tpu.memory_space<vmem>>
      %dma_start3A_144 = arith.constant 0 : i32
      %dma_start3A_145 = tpu.memref_slice %arg5[%squeeze3A_136, %dma_start3A_144] : memref<1000000x32xf32, #tpu.memory_space<hbm>> -> memref<1x32xf32, #tpu.memory_space<hbm>>
      %dma_start3A_146 = tpu.memref_squeeze %dma_start3A_145 : memref<1x32xf32, #tpu.memory_space<hbm>> -> memref<32xf32, #tpu.memory_space<hbm>>
      %dma_start3A_147 = arith.constant 0 : i32
      %dma_start3A_148 = tpu.memref_slice %arg13[%add3A_140, %dma_start3A_147] : memref<128x32xf32, #tpu.memory_space<vmem>> -> memref<1x32xf32, #tpu.memory_space<vmem>>
      %dma_start3A_149 = tpu.memref_squeeze %dma_start3A_148 : memref<1x32xf32, #tpu.memory_space<vmem>> -> memref<32xf32, #tpu.memory_space<vmem>>
      %dma_start3A_150 = arith.constant 0 : i32
      %dma_start3A_151 = tpu.memref_slice %arg5[%squeeze3A_136, %dma_start3A_150] : memref<1000000x32xf32, #tpu.memory_space<hbm>> -> memref<1x32xf32, #tpu.memory_space<hbm>>
      %dma_start3A_152 = tpu.memref_squeeze %dma_start3A_151 : memref<1x32xf32, #tpu.memory_space<hbm>> -> memref<32xf32, #tpu.memory_space<hbm>>
      tpu.enqueue_dma source(%dma_start3A_152 : memref<32xf32, #tpu.memory_space<hbm>>) target(%dma_start3A_149 : memref<32xf32, #tpu.memory_space<vmem>>) target_semaphore(%arg17 : memref<!tpu.dma_semaphore, #tpu.memory_space<semaphore_mem>>)
      %slice3A_153 = vector.extract_strided_slice %get3A_119 {offsets = [2], sizes = [1], strides = [1]} : vector<16xi32> to vector<1xi32>
      %squeeze3A_154 = vector.extract %slice3A_153[0] : i32 from vector<1xi32>
      %mul3A_155 = arith.constant 16 : i32
      %mul3A_156 = arith.muli %scan3A_113, %mul3A_155 : i32
      %add3A_157 = arith.constant 2 : i32
      %add3A_158 = arith.addi %mul3A_156, %add3A_157 : i32
      %dma_start3A_159 = arith.constant 0 : i32
      %dma_start3A_160 = tpu.memref_slice %arg13[%add3A_158, %dma_start3A_159] : memref<128x32xf32, #tpu.memory_space<vmem>> -> memref<1x32xf32, #tpu.memory_space<vmem>>
      %dma_start3A_161 = tpu.memref_squeeze %dma_start3A_160 : memref<1x32xf32, #tpu.memory_space<vmem>> -> memref<32xf32, #tpu.memory_space<vmem>>
      %dma_start3A_162 = arith.constant 0 : i32
      %dma_start3A_163 = tpu.memref_slice %arg5[%squeeze3A_154, %dma_start3A_162] : memref<1000000x32xf32, #tpu.memory_space<hbm>> -> memref<1x32xf32, #tpu.memory_space<hbm>>
      %dma_start3A_164 = tpu.memref_squeeze %dma_start3A_163 : memref<1x32xf32, #tpu.memory_space<hbm>> -> memref<32xf32, #tpu.memory_space<hbm>>
      %dma_start3A_165 = arith.constant 0 : i32
      %dma_start3A_166 = tpu.memref_slice %arg13[%add3A_158, %dma_start3A_165] : memref<128x32xf32, #tpu.memory_space<vmem>> -> memref<1x32xf32, #tpu.memory_space<vmem>>
      %dma_start3A_167 = tpu.memref_squeeze %dma_start3A_166 : memref<1x32xf32, #tpu.memory_space<vmem>> -> memref<32xf32, #tpu.memory_space<vmem>>
      %dma_start3A_168 = arith.constant 0 : i32
      %dma_start3A_169 = tpu.memref_slice %arg5[%squeeze3A_154, %dma_start3A_168] : memref<1000000x32xf32, #tpu.memory_space<hbm>> -> memref<1x32xf32, #tpu.memory_space<hbm>>
      %dma_start3A_170 = tpu.memref_squeeze %dma_start3A_169 : memref<1x32xf32, #tpu.memory_space<hbm>> -> memref<32xf32, #tpu.memory_space<hbm>>
      tpu.enqueue_dma source(%dma_start3A_170 : memref<32xf32, #tpu.memory_space<hbm>>) target(%dma_start3A_167 : memref<32xf32, #tpu.memory_space<vmem>>) target_semaphore(%arg17 : memref<!tpu.dma_semaphore, #tpu.memory_space<semaphore_mem>>)
      %slice3A_171 = vector.extract_strided_slice %get3A_119 {offsets = [3], sizes = [1], strides = [1]} : vector<16xi32> to vector<1xi32>
      %squeeze3A_172 = vector.extract %slice3A_171[0] : i32 from vector<1xi32>
      %mul3A_173 = arith.constant 16 : i32
      %mul3A_174 = arith.muli %scan3A_113, %mul3A_173 : i32
      %add3A_175 = arith.constant 3 : i32
      %add3A_176 = arith.addi %mul3A_174, %add3A_175 : i32
      %dma_start3A_177 = arith.constant 0 : i32
      %dma_start3A_178 = tpu.memref_slice %arg13[%add3A_176, %dma_start3A_177] : memref<128x32xf32, #tpu.memory_space<vmem>> -> memref<1x32xf32, #tpu.memory_space<vmem>>
      %dma_start3A_179 = tpu.memref_squeeze %dma_start3A_178 : memref<1x32xf32, #tpu.memory_space<vmem>> -> memref<32xf32, #tpu.memory_space<vmem>>
      %dma_start3A_180 = arith.constant 0 : i32
      %dma_start3A_181 = tpu.memref_slice %arg5[%squeeze3A_172, %dma_start3A_180] : memref<1000000x32xf32, #tpu.memory_space<hbm>> -> memref<1x32xf32, #tpu.memory_space<hbm>>
      %dma_start3A_182 = tpu.memref_squeeze %dma_start3A_181 : memref<1x32xf32, #tpu.memory_space<hbm>> -> memref<32xf32, #tpu.memory_space<hbm>>
      %dma_start3A_183 = arith.constant 0 : i32
      %dma_start3A_184 = tpu.memref_slice %arg13[%add3A_176, %dma_start3A_183] : memref<128x32xf32, #tpu.memory_space<vmem>> -> memref<1x32xf32, #tpu.memory_space<vmem>>
      %dma_start3A_185 = tpu.memref_squeeze %dma_start3A_184 : memref<1x32xf32, #tpu.memory_space<vmem>> -> memref<32xf32, #tpu.memory_space<vmem>>
      %dma_start3A_186 = arith.constant 0 : i32
      %dma_start3A_187 = tpu.memref_slice %arg5[%squeeze3A_172, %dma_start3A_186] : memref<1000000x32xf32, #tpu.memory_space<hbm>> -> memref<1x32xf32, #tpu.memory_space<hbm>>
      %dma_start3A_188 = tpu.memref_squeeze %dma_start3A_187 : memref<1x32xf32, #tpu.memory_space<hbm>> -> memref<32xf32, #tpu.memory_space<hbm>>
      tpu.enqueue_dma source(%dma_start3A_188 : memref<32xf32, #tpu.memory_space<hbm>>) target(%dma_start3A_185 : memref<32xf32, #tpu.memory_space<vmem>>) target_semaphore(%arg17 : memref<!tpu.dma_semaphore, #tpu.memory_space<semaphore_mem>>)
      %slice3A_189 = vector.extract_strided_slice %get3A_119 {offsets = [4], sizes = [1], strides = [1]} : vector<16xi32> to vector<1xi32>
      %squeeze3A_190 = vector.extract %slice3A_189[0] : i32 from vector<1xi32>
      %mul3A_191 = arith.constant 16 : i32
      %mul3A_192 = arith.muli %scan3A_113, %mul3A_191 : i32
      %add3A_193 = arith.constant 4 : i32
      %add3A_194 = arith.addi %mul3A_192, %add3A_193 : i32
      %dma_start3A_195 = arith.constant 0 : i32
      %dma_start3A_196 = tpu.memref_slice %arg13[%add3A_194, %dma_start3A_195] : memref<128x32xf32, #tpu.memory_space<vmem>> -> memref<1x32xf32, #tpu.memory_space<vmem>>
      %dma_start3A_197 = tpu.memref_squeeze %dma_start3A_196 : memref<1x32xf32, #tpu.memory_space<vmem>> -> memref<32xf32, #tpu.memory_space<vmem>>
      %dma_start3A_198 = arith.constant 0 : i32
      %dma_start3A_199 = tpu.memref_slice %arg5[%squeeze3A_190, %dma_start3A_198] : memref<1000000x32xf32, #tpu.memory_space<hbm>> -> memref<1x32xf32, #tpu.memory_space<hbm>>
      %dma_start3A_200 = tpu.memref_squeeze %dma_start3A_199 : memref<1x32xf32, #tpu.memory_space<hbm>> -> memref<32xf32, #tpu.memory_space<hbm>>
      %dma_start3A_201 = arith.constant 0 : i32
      %dma_start3A_202 = tpu.memref_slice %arg13[%add3A_194, %dma_start3A_201] : memref<128x32xf32, #tpu.memory_space<vmem>> -> memref<1x32xf32, #tpu.memory_space<vmem>>
      %dma_start3A_203 = tpu.memref_squeeze %dma_start3A_202 : memref<1x32xf32, #tpu.memory_space<vmem>> -> memref<32xf32, #tpu.memory_space<vmem>>
      %dma_start3A_204 = arith.constant 0 : i32
      %dma_start3A_205 = tpu.memref_slice %arg5[%squeeze3A_190, %dma_start3A_204] : memref<1000000x32xf32, #tpu.memory_space<hbm>> -> memref<1x32xf32, #tpu.memory_space<hbm>>
      %dma_start3A_206 = tpu.memref_squeeze %dma_start3A_205 : memref<1x32xf32, #tpu.memory_space<hbm>> -> memref<32xf32, #tpu.memory_space<hbm>>
      tpu.enqueue_dma source(%dma_start3A_206 : memref<32xf32, #tpu.memory_space<hbm>>) target(%dma_start3A_203 : memref<32xf32, #tpu.memory_space<vmem>>) target_semaphore(%arg17 : memref<!tpu.dma_semaphore, #tpu.memory_space<semaphore_mem>>)
      %slice3A_207 = vector.extract_strided_slice %get3A_119 {offsets = [5], sizes = [1], strides = [1]} : vector<16xi32> to vector<1xi32>
      %squeeze3A_208 = vector.extract %slice3A_207[0] : i32 from vector<1xi32>
      %mul3A_209 = arith.constant 16 : i32
      %mul3A_210 = arith.muli %scan3A_113, %mul3A_209 : i32
      %add3A_211 = arith.constant 5 : i32
      %add3A_212 = arith.addi %mul3A_210, %add3A_211 : i32
      %dma_start3A_213 = arith.constant 0 : i32
      %dma_start3A_214 = tpu.memref_slice %arg13[%add3A_212, %dma_start3A_213] : memref<128x32xf32, #tpu.memory_space<vmem>> -> memref<1x32xf32, #tpu.memory_space<vmem>>
      %dma_start3A_215 = tpu.memref_squeeze %dma_start3A_214 : memref<1x32xf32, #tpu.memory_space<vmem>> -> memref<32xf32, #tpu.memory_space<vmem>>
      %dma_start3A_216 = arith.constant 0 : i32
      %dma_start3A_217 = tpu.memref_slice %arg5[%squeeze3A_208, %dma_start3A_216] : memref<1000000x32xf32, #tpu.memory_space<hbm>> -> memref<1x32xf32, #tpu.memory_space<hbm>>
      %dma_start3A_218 = tpu.memref_squeeze %dma_start3A_217 : memref<1x32xf32, #tpu.memory_space<hbm>> -> memref<32xf32, #tpu.memory_space<hbm>>
      %dma_start3A_219 = arith.constant 0 : i32
      %dma_start3A_220 = tpu.memref_slice %arg13[%add3A_212, %dma_start3A_219] : memref<128x32xf32, #tpu.memory_space<vmem>> -> memref<1x32xf32, #tpu.memory_space<vmem>>
      %dma_start3A_221 = tpu.memref_squeeze %dma_start3A_220 : memref<1x32xf32, #tpu.memory_space<vmem>> -> memref<32xf32, #tpu.memory_space<vmem>>
      %dma_start3A_222 = arith.constant 0 : i32
      %dma_start3A_223 = tpu.memref_slice %arg5[%squeeze3A_208, %dma_start3A_222] : memref<1000000x32xf32, #tpu.memory_space<hbm>> -> memref<1x32xf32, #tpu.memory_space<hbm>>
      %dma_start3A_224 = tpu.memref_squeeze %dma_start3A_223 : memref<1x32xf32, #tpu.memory_space<hbm>> -> memref<32xf32, #tpu.memory_space<hbm>>
      tpu.enqueue_dma source(%dma_start3A_224 : memref<32xf32, #tpu.memory_space<hbm>>) target(%dma_start3A_221 : memref<32xf32, #tpu.memory_space<vmem>>) target_semaphore(%arg17 : memref<!tpu.dma_semaphore, #tpu.memory_space<semaphore_mem>>)
      %slice3A_225 = vector.extract_strided_slice %get3A_119 {offsets = [6], sizes = [1], strides = [1]} : vector<16xi32> to vector<1xi32>
      %squeeze3A_226 = vector.extract %slice3A_225[0] : i32 from vector<1xi32>
      %mul3A_227 = arith.constant 16 : i32
      %mul3A_228 = arith.muli %scan3A_113, %mul3A_227 : i32
      %add3A_229 = arith.constant 6 : i32
      %add3A_230 = arith.addi %mul3A_228, %add3A_229 : i32
      %dma_start3A_231 = arith.constant 0 : i32
      %dma_start3A_232 = tpu.memref_slice %arg13[%add3A_230, %dma_start3A_231] : memref<128x32xf32, #tpu.memory_space<vmem>> -> memref<1x32xf32, #tpu.memory_space<vmem>>
      %dma_start3A_233 = tpu.memref_squeeze %dma_start3A_232 : memref<1x32xf32, #tpu.memory_space<vmem>> -> memref<32xf32, #tpu.memory_space<vmem>>
      %dma_start3A_234 = arith.constant 0 : i32
      %dma_start3A_235 = tpu.memref_slice %arg5[%squeeze3A_226, %dma_start3A_234] : memref<1000000x32xf32, #tpu.memory_space<hbm>> -> memref<1x32xf32, #tpu.memory_space<hbm>>
      %dma_start3A_236 = tpu.memref_squeeze %dma_start3A_235 : memref<1x32xf32, #tpu.memory_space<hbm>> -> memref<32xf32, #tpu.memory_space<hbm>>
      %dma_start3A_237 = arith.constant 0 : i32
      %dma_start3A_238 = tpu.memref_slice %arg13[%add3A_230, %dma_start3A_237] : memref<128x32xf32, #tpu.memory_space<vmem>> -> memref<1x32xf32, #tpu.memory_space<vmem>>
      %dma_start3A_239 = tpu.memref_squeeze %dma_start3A_238 : memref<1x32xf32, #tpu.memory_space<vmem>> -> memref<32xf32, #tpu.memory_space<vmem>>
      %dma_start3A_240 = arith.constant 0 : i32
      %dma_start3A_241 = tpu.memref_slice %arg5[%squeeze3A_226, %dma_start3A_240] : memref<1000000x32xf32, #tpu.memory_space<hbm>> -> memref<1x32xf32, #tpu.memory_space<hbm>>
      %dma_start3A_242 = tpu.memref_squeeze %dma_start3A_241 : memref<1x32xf32, #tpu.memory_space<hbm>> -> memref<32xf32, #tpu.memory_space<hbm>>
      tpu.enqueue_dma source(%dma_start3A_242 : memref<32xf32, #tpu.memory_space<hbm>>) target(%dma_start3A_239 : memref<32xf32, #tpu.memory_space<vmem>>) target_semaphore(%arg17 : memref<!tpu.dma_semaphore, #tpu.memory_space<semaphore_mem>>)
      %slice3A_243 = vector.extract_strided_slice %get3A_119 {offsets = [7], sizes = [1], strides = [1]} : vector<16xi32> to vector<1xi32>
      %squeeze3A_244 = vector.extract %slice3A_243[0] : i32 from vector<1xi32>
      %mul3A_245 = arith.constant 16 : i32
      %mul3A_246 = arith.muli %scan3A_113, %mul3A_245 : i32
      %add3A_247 = arith.constant 7 : i32
      %add3A_248 = arith.addi %mul3A_246, %add3A_247 : i32
      %dma_start3A_249 = arith.constant 0 : i32
      %dma_start3A_250 = tpu.memref_slice %arg13[%add3A_248, %dma_start3A_249] : memref<128x32xf32, #tpu.memory_space<vmem>> -> memref<1x32xf32, #tpu.memory_space<vmem>>
      %dma_start3A_251 = tpu.memref_squeeze %dma_start3A_250 : memref<1x32xf32, #tpu.memory_space<vmem>> -> memref<32xf32, #tpu.memory_space<vmem>>
      %dma_start3A_252 = arith.constant 0 : i32
      %dma_start3A_253 = tpu.memref_slice %arg5[%squeeze3A_244, %dma_start3A_252] : memref<1000000x32xf32, #tpu.memory_space<hbm>> -> memref<1x32xf32, #tpu.memory_space<hbm>>
      %dma_start3A_254 = tpu.memref_squeeze %dma_start3A_253 : memref<1x32xf32, #tpu.memory_space<hbm>> -> memref<32xf32, #tpu.memory_space<hbm>>
      %dma_start3A_255 = arith.constant 0 : i32
      %dma_start3A_256 = tpu.memref_slice %arg13[%add3A_248, %dma_start3A_255] : memref<128x32xf32, #tpu.memory_space<vmem>> -> memref<1x32xf32, #tpu.memory_space<vmem>>
      %dma_start3A_257 = tpu.memref_squeeze %dma_start3A_256 : memref<1x32xf32, #tpu.memory_space<vmem>> -> memref<32xf32, #tpu.memory_space<vmem>>
      %dma_start3A_258 = arith.constant 0 : i32
      %dma_start3A_259 = tpu.memref_slice %arg5[%squeeze3A_244, %dma_start3A_258] : memref<1000000x32xf32, #tpu.memory_space<hbm>> -> memref<1x32xf32, #tpu.memory_space<hbm>>
      %dma_start3A_260 = tpu.memref_squeeze %dma_start3A_259 : memref<1x32xf32, #tpu.memory_space<hbm>> -> memref<32xf32, #tpu.memory_space<hbm>>
      tpu.enqueue_dma source(%dma_start3A_260 : memref<32xf32, #tpu.memory_space<hbm>>) target(%dma_start3A_257 : memref<32xf32, #tpu.memory_space<vmem>>) target_semaphore(%arg17 : memref<!tpu.dma_semaphore, #tpu.memory_space<semaphore_mem>>)
      %slice3A_261 = vector.extract_strided_slice %get3A_119 {offsets = [8], sizes = [1], strides = [1]} : vector<16xi32> to vector<1xi32>
      %squeeze3A_262 = vector.extract %slice3A_261[0] : i32 from vector<1xi32>
      %mul3A_263 = arith.constant 16 : i32
      %mul3A_264 = arith.muli %scan3A_113, %mul3A_263 : i32
      %add3A_265 = arith.constant 8 : i32
      %add3A_266 = arith.addi %mul3A_264, %add3A_265 : i32
      %dma_start3A_267 = arith.constant 0 : i32
      %dma_start3A_268 = tpu.memref_slice %arg13[%add3A_266, %dma_start3A_267] : memref<128x32xf32, #tpu.memory_space<vmem>> -> memref<1x32xf32, #tpu.memory_space<vmem>>
      %dma_start3A_269 = tpu.memref_squeeze %dma_start3A_268 : memref<1x32xf32, #tpu.memory_space<vmem>> -> memref<32xf32, #tpu.memory_space<vmem>>
      %dma_start3A_270 = arith.constant 0 : i32
      %dma_start3A_271 = tpu.memref_slice %arg5[%squeeze3A_262, %dma_start3A_270] : memref<1000000x32xf32, #tpu.memory_space<hbm>> -> memref<1x32xf32, #tpu.memory_space<hbm>>
      %dma_start3A_272 = tpu.memref_squeeze %dma_start3A_271 : memref<1x32xf32, #tpu.memory_space<hbm>> -> memref<32xf32, #tpu.memory_space<hbm>>
      %dma_start3A_273 = arith.constant 0 : i32
      %dma_start3A_274 = tpu.memref_slice %arg13[%add3A_266, %dma_start3A_273] : memref<128x32xf32, #tpu.memory_space<vmem>> -> memref<1x32xf32, #tpu.memory_space<vmem>>
      %dma_start3A_275 = tpu.memref_squeeze %dma_start3A_274 : memref<1x32xf32, #tpu.memory_space<vmem>> -> memref<32xf32, #tpu.memory_space<vmem>>
      %dma_start3A_276 = arith.constant 0 : i32
      %dma_start3A_277 = tpu.memref_slice %arg5[%squeeze3A_262, %dma_start3A_276] : memref<1000000x32xf32, #tpu.memory_space<hbm>> -> memref<1x32xf32, #tpu.memory_space<hbm>>
      %dma_start3A_278 = tpu.memref_squeeze %dma_start3A_277 : memref<1x32xf32, #tpu.memory_space<hbm>> -> memref<32xf32, #tpu.memory_space<hbm>>
      tpu.enqueue_dma source(%dma_start3A_278 : memref<32xf32, #tpu.memory_space<hbm>>) target(%dma_start3A_275 : memref<32xf32, #tpu.memory_space<vmem>>) target_semaphore(%arg17 : memref<!tpu.dma_semaphore, #tpu.memory_space<semaphore_mem>>)
      %slice3A_279 = vector.extract_strided_slice %get3A_119 {offsets = [9], sizes = [1], strides = [1]} : vector<16xi32> to vector<1xi32>
      %squeeze3A_280 = vector.extract %slice3A_279[0] : i32 from vector<1xi32>
      %mul3A_281 = arith.constant 16 : i32
      %mul3A_282 = arith.muli %scan3A_113, %mul3A_281 : i32
      %add3A_283 = arith.constant 9 : i32
      %add3A_284 = arith.addi %mul3A_282, %add3A_283 : i32
      %dma_start3A_285 = arith.constant 0 : i32
      %dma_start3A_286 = tpu.memref_slice %arg13[%add3A_284, %dma_start3A_285] : memref<128x32xf32, #tpu.memory_space<vmem>> -> memref<1x32xf32, #tpu.memory_space<vmem>>
      %dma_start3A_287 = tpu.memref_squeeze %dma_start3A_286 : memref<1x32xf32, #tpu.memory_space<vmem>> -> memref<32xf32, #tpu.memory_space<vmem>>
      %dma_start3A_288 = arith.constant 0 : i32
      %dma_start3A_289 = tpu.memref_slice %arg5[%squeeze3A_280, %dma_start3A_288] : memref<1000000x32xf32, #tpu.memory_space<hbm>> -> memref<1x32xf32, #tpu.memory_space<hbm>>
      %dma_start3A_290 = tpu.memref_squeeze %dma_start3A_289 : memref<1x32xf32, #tpu.memory_space<hbm>> -> memref<32xf32, #tpu.memory_space<hbm>>
      %dma_start3A_291 = arith.constant 0 : i32
      %dma_start3A_292 = tpu.memref_slice %arg13[%add3A_284, %dma_start3A_291] : memref<128x32xf32, #tpu.memory_space<vmem>> -> memref<1x32xf32, #tpu.memory_space<vmem>>
      %dma_start3A_293 = tpu.memref_squeeze %dma_start3A_292 : memref<1x32xf32, #tpu.memory_space<vmem>> -> memref<32xf32, #tpu.memory_space<vmem>>
      %dma_start3A_294 = arith.constant 0 : i32
      %dma_start3A_295 = tpu.memref_slice %arg5[%squeeze3A_280, %dma_start3A_294] : memref<1000000x32xf32, #tpu.memory_space<hbm>> -> memref<1x32xf32, #tpu.memory_space<hbm>>
      %dma_start3A_296 = tpu.memref_squeeze %dma_start3A_295 : memref<1x32xf32, #tpu.memory_space<hbm>> -> memref<32xf32, #tpu.memory_space<hbm>>
      tpu.enqueue_dma source(%dma_start3A_296 : memref<32xf32, #tpu.memory_space<hbm>>) target(%dma_start3A_293 : memref<32xf32, #tpu.memory_space<vmem>>) target_semaphore(%arg17 : memref<!tpu.dma_semaphore, #tpu.memory_space<semaphore_mem>>)
      %slice3A_297 = vector.extract_strided_slice %get3A_119 {offsets = [10], sizes = [1], strides = [1]} : vector<16xi32> to vector<1xi32>
      %squeeze3A_298 = vector.extract %slice3A_297[0] : i32 from vector<1xi32>
      %mul3A_299 = arith.constant 16 : i32
      %mul3A_300 = arith.muli %scan3A_113, %mul3A_299 : i32
      %add3A_301 = arith.constant 10 : i32
      %add3A_302 = arith.addi %mul3A_300, %add3A_301 : i32
      %dma_start3A_303 = arith.constant 0 : i32
      %dma_start3A_304 = tpu.memref_slice %arg13[%add3A_302, %dma_start3A_303] : memref<128x32xf32, #tpu.memory_space<vmem>> -> memref<1x32xf32, #tpu.memory_space<vmem>>
      %dma_start3A_305 = tpu.memref_squeeze %dma_start3A_304 : memref<1x32xf32, #tpu.memory_space<vmem>> -> memref<32xf32, #tpu.memory_space<vmem>>
      %dma_start3A_306 = arith.constant 0 : i32
      %dma_start3A_307 = tpu.memref_slice %arg5[%squeeze3A_298, %dma_start3A_306] : memref<1000000x32xf32, #tpu.memory_space<hbm>> -> memref<1x32xf32, #tpu.memory_space<hbm>>
      %dma_start3A_308 = tpu.memref_squeeze %dma_start3A_307 : memref<1x32xf32, #tpu.memory_space<hbm>> -> memref<32xf32, #tpu.memory_space<hbm>>
      %dma_start3A_309 = arith.constant 0 : i32
      %dma_start3A_310 = tpu.memref_slice %arg13[%add3A_302, %dma_start3A_309] : memref<128x32xf32, #tpu.memory_space<vmem>> -> memref<1x32xf32, #tpu.memory_space<vmem>>
      %dma_start3A_311 = tpu.memref_squeeze %dma_start3A_310 : memref<1x32xf32, #tpu.memory_space<vmem>> -> memref<32xf32, #tpu.memory_space<vmem>>
      %dma_start3A_312 = arith.constant 0 : i32
      %dma_start3A_313 = tpu.memref_slice %arg5[%squeeze3A_298, %dma_start3A_312] : memref<1000000x32xf32, #tpu.memory_space<hbm>> -> memref<1x32xf32, #tpu.memory_space<hbm>>
      %dma_start3A_314 = tpu.memref_squeeze %dma_start3A_313 : memref<1x32xf32, #tpu.memory_space<hbm>> -> memref<32xf32, #tpu.memory_space<hbm>>
      tpu.enqueue_dma source(%dma_start3A_314 : memref<32xf32, #tpu.memory_space<hbm>>) target(%dma_start3A_311 : memref<32xf32, #tpu.memory_space<vmem>>) target_semaphore(%arg17 : memref<!tpu.dma_semaphore, #tpu.memory_space<semaphore_mem>>)
      %slice3A_315 = vector.extract_strided_slice %get3A_119 {offsets = [11], sizes = [1], strides = [1]} : vector<16xi32> to vector<1xi32>
      %squeeze3A_316 = vector.extract %slice3A_315[0] : i32 from vector<1xi32>
      %mul3A_317 = arith.constant 16 : i32
      %mul3A_318 = arith.muli %scan3A_113, %mul3A_317 : i32
      %add3A_319 = arith.constant 11 : i32
      %add3A_320 = arith.addi %mul3A_318, %add3A_319 : i32
      %dma_start3A_321 = arith.constant 0 : i32
      %dma_start3A_322 = tpu.memref_slice %arg13[%add3A_320, %dma_start3A_321] : memref<128x32xf32, #tpu.memory_space<vmem>> -> memref<1x32xf32, #tpu.memory_space<vmem>>
      %dma_start3A_323 = tpu.memref_squeeze %dma_start3A_322 : memref<1x32xf32, #tpu.memory_space<vmem>> -> memref<32xf32, #tpu.memory_space<vmem>>
      %dma_start3A_324 = arith.constant 0 : i32
      %dma_start3A_325 = tpu.memref_slice %arg5[%squeeze3A_316, %dma_start3A_324] : memref<1000000x32xf32, #tpu.memory_space<hbm>> -> memref<1x32xf32, #tpu.memory_space<hbm>>
      %dma_start3A_326 = tpu.memref_squeeze %dma_start3A_325 : memref<1x32xf32, #tpu.memory_space<hbm>> -> memref<32xf32, #tpu.memory_space<hbm>>
      %dma_start3A_327 = arith.constant 0 : i32
      %dma_start3A_328 = tpu.memref_slice %arg13[%add3A_320, %dma_start3A_327] : memref<128x32xf32, #tpu.memory_space<vmem>> -> memref<1x32xf32, #tpu.memory_space<vmem>>
      %dma_start3A_329 = tpu.memref_squeeze %dma_start3A_328 : memref<1x32xf32, #tpu.memory_space<vmem>> -> memref<32xf32, #tpu.memory_space<vmem>>
      %dma_start3A_330 = arith.constant 0 : i32
      %dma_start3A_331 = tpu.memref_slice %arg5[%squeeze3A_316, %dma_start3A_330] : memref<1000000x32xf32, #tpu.memory_space<hbm>> -> memref<1x32xf32, #tpu.memory_space<hbm>>
      %dma_start3A_332 = tpu.memref_squeeze %dma_start3A_331 : memref<1x32xf32, #tpu.memory_space<hbm>> -> memref<32xf32, #tpu.memory_space<hbm>>
      tpu.enqueue_dma source(%dma_start3A_332 : memref<32xf32, #tpu.memory_space<hbm>>) target(%dma_start3A_329 : memref<32xf32, #tpu.memory_space<vmem>>) target_semaphore(%arg17 : memref<!tpu.dma_semaphore, #tpu.memory_space<semaphore_mem>>)
      %slice3A_333 = vector.extract_strided_slice %get3A_119 {offsets = [12], sizes = [1], strides = [1]} : vector<16xi32> to vector<1xi32>
      %squeeze3A_334 = vector.extract %slice3A_333[0] : i32 from vector<1xi32>
      %mul3A_335 = arith.constant 16 : i32
      %mul3A_336 = arith.muli %scan3A_113, %mul3A_335 : i32
      %add3A_337 = arith.constant 12 : i32
      %add3A_338 = arith.addi %mul3A_336, %add3A_337 : i32
      %dma_start3A_339 = arith.constant 0 : i32
      %dma_start3A_340 = tpu.memref_slice %arg13[%add3A_338, %dma_start3A_339] : memref<128x32xf32, #tpu.memory_space<vmem>> -> memref<1x32xf32, #tpu.memory_space<vmem>>
      %dma_start3A_341 = tpu.memref_squeeze %dma_start3A_340 : memref<1x32xf32, #tpu.memory_space<vmem>> -> memref<32xf32, #tpu.memory_space<vmem>>
      %dma_start3A_342 = arith.constant 0 : i32
      %dma_start3A_343 = tpu.memref_slice %arg5[%squeeze3A_334, %dma_start3A_342] : memref<1000000x32xf32, #tpu.memory_space<hbm>> -> memref<1x32xf32, #tpu.memory_space<hbm>>
      %dma_start3A_344 = tpu.memref_squeeze %dma_start3A_343 : memref<1x32xf32, #tpu.memory_space<hbm>> -> memref<32xf32, #tpu.memory_space<hbm>>
      %dma_start3A_345 = arith.constant 0 : i32
      %dma_start3A_346 = tpu.memref_slice %arg13[%add3A_338, %dma_start3A_345] : memref<128x32xf32, #tpu.memory_space<vmem>> -> memref<1x32xf32, #tpu.memory_space<vmem>>
      %dma_start3A_347 = tpu.memref_squeeze %dma_start3A_346 : memref<1x32xf32, #tpu.memory_space<vmem>> -> memref<32xf32, #tpu.memory_space<vmem>>
      %dma_start3A_348 = arith.constant 0 : i32
      %dma_start3A_349 = tpu.memref_slice %arg5[%squeeze3A_334, %dma_start3A_348] : memref<1000000x32xf32, #tpu.memory_space<hbm>> -> memref<1x32xf32, #tpu.memory_space<hbm>>
      %dma_start3A_350 = tpu.memref_squeeze %dma_start3A_349 : memref<1x32xf32, #tpu.memory_space<hbm>> -> memref<32xf32, #tpu.memory_space<hbm>>
      tpu.enqueue_dma source(%dma_start3A_350 : memref<32xf32, #tpu.memory_space<hbm>>) target(%dma_start3A_347 : memref<32xf32, #tpu.memory_space<vmem>>) target_semaphore(%arg17 : memref<!tpu.dma_semaphore, #tpu.memory_space<semaphore_mem>>)
      %slice3A_351 = vector.extract_strided_slice %get3A_119 {offsets = [13], sizes = [1], strides = [1]} : vector<16xi32> to vector<1xi32>
      %squeeze3A_352 = vector.extract %slice3A_351[0] : i32 from vector<1xi32>
      %mul3A_353 = arith.constant 16 : i32
      %mul3A_354 = arith.muli %scan3A_113, %mul3A_353 : i32
      %add3A_355 = arith.constant 13 : i32
      %add3A_356 = arith.addi %mul3A_354, %add3A_355 : i32
      %dma_start3A_357 = arith.constant 0 : i32
      %dma_start3A_358 = tpu.memref_slice %arg13[%add3A_356, %dma_start3A_357] : memref<128x32xf32, #tpu.memory_space<vmem>> -> memref<1x32xf32, #tpu.memory_space<vmem>>
      %dma_start3A_359 = tpu.memref_squeeze %dma_start3A_358 : memref<1x32xf32, #tpu.memory_space<vmem>> -> memref<32xf32, #tpu.memory_space<vmem>>
      %dma_start3A_360 = arith.constant 0 : i32
      %dma_start3A_361 = tpu.memref_slice %arg5[%squeeze3A_352, %dma_start3A_360] : memref<1000000x32xf32, #tpu.memory_space<hbm>> -> memref<1x32xf32, #tpu.memory_space<hbm>>
      %dma_start3A_362 = tpu.memref_squeeze %dma_start3A_361 : memref<1x32xf32, #tpu.memory_space<hbm>> -> memref<32xf32, #tpu.memory_space<hbm>>
      %dma_start3A_363 = arith.constant 0 : i32
      %dma_start3A_364 = tpu.memref_slice %arg13[%add3A_356, %dma_start3A_363] : memref<128x32xf32, #tpu.memory_space<vmem>> -> memref<1x32xf32, #tpu.memory_space<vmem>>
      %dma_start3A_365 = tpu.memref_squeeze %dma_start3A_364 : memref<1x32xf32, #tpu.memory_space<vmem>> -> memref<32xf32, #tpu.memory_space<vmem>>
      %dma_start3A_366 = arith.constant 0 : i32
      %dma_start3A_367 = tpu.memref_slice %arg5[%squeeze3A_352, %dma_start3A_366] : memref<1000000x32xf32, #tpu.memory_space<hbm>> -> memref<1x32xf32, #tpu.memory_space<hbm>>
      %dma_start3A_368 = tpu.memref_squeeze %dma_start3A_367 : memref<1x32xf32, #tpu.memory_space<hbm>> -> memref<32xf32, #tpu.memory_space<hbm>>
      tpu.enqueue_dma source(%dma_start3A_368 : memref<32xf32, #tpu.memory_space<hbm>>) target(%dma_start3A_365 : memref<32xf32, #tpu.memory_space<vmem>>) target_semaphore(%arg17 : memref<!tpu.dma_semaphore, #tpu.memory_space<semaphore_mem>>)
      %slice3A_369 = vector.extract_strided_slice %get3A_119 {offsets = [14], sizes = [1], strides = [1]} : vector<16xi32> to vector<1xi32>
      %squeeze3A_370 = vector.extract %slice3A_369[0] : i32 from vector<1xi32>
      %mul3A_371 = arith.constant 16 : i32
      %mul3A_372 = arith.muli %scan3A_113, %mul3A_371 : i32
      %add3A_373 = arith.constant 14 : i32
      %add3A_374 = arith.addi %mul3A_372, %add3A_373 : i32
      %dma_start3A_375 = arith.constant 0 : i32
      %dma_start3A_376 = tpu.memref_slice %arg13[%add3A_374, %dma_start3A_375] : memref<128x32xf32, #tpu.memory_space<vmem>> -> memref<1x32xf32, #tpu.memory_space<vmem>>
      %dma_start3A_377 = tpu.memref_squeeze %dma_start3A_376 : memref<1x32xf32, #tpu.memory_space<vmem>> -> memref<32xf32, #tpu.memory_space<vmem>>
      %dma_start3A_378 = arith.constant 0 : i32
      %dma_start3A_379 = tpu.memref_slice %arg5[%squeeze3A_370, %dma_start3A_378] : memref<1000000x32xf32, #tpu.memory_space<hbm>> -> memref<1x32xf32, #tpu.memory_space<hbm>>
      %dma_start3A_380 = tpu.memref_squeeze %dma_start3A_379 : memref<1x32xf32, #tpu.memory_space<hbm>> -> memref<32xf32, #tpu.memory_space<hbm>>
      %dma_start3A_381 = arith.constant 0 : i32
      %dma_start3A_382 = tpu.memref_slice %arg13[%add3A_374, %dma_start3A_381] : memref<128x32xf32, #tpu.memory_space<vmem>> -> memref<1x32xf32, #tpu.memory_space<vmem>>
      %dma_start3A_383 = tpu.memref_squeeze %dma_start3A_382 : memref<1x32xf32, #tpu.memory_space<vmem>> -> memref<32xf32, #tpu.memory_space<vmem>>
      %dma_start3A_384 = arith.constant 0 : i32
      %dma_start3A_385 = tpu.memref_slice %arg5[%squeeze3A_370, %dma_start3A_384] : memref<1000000x32xf32, #tpu.memory_space<hbm>> -> memref<1x32xf32, #tpu.memory_space<hbm>>
      %dma_start3A_386 = tpu.memref_squeeze %dma_start3A_385 : memref<1x32xf32, #tpu.memory_space<hbm>> -> memref<32xf32, #tpu.memory_space<hbm>>
      tpu.enqueue_dma source(%dma_start3A_386 : memref<32xf32, #tpu.memory_space<hbm>>) target(%dma_start3A_383 : memref<32xf32, #tpu.memory_space<vmem>>) target_semaphore(%arg17 : memref<!tpu.dma_semaphore, #tpu.memory_space<semaphore_mem>>)
      %slice3A_387 = vector.extract_strided_slice %get3A_119 {offsets = [15], sizes = [1], strides = [1]} : vector<16xi32> to vector<1xi32>
      %squeeze3A_388 = vector.extract %slice3A_387[0] : i32 from vector<1xi32>
      %mul3A_389 = arith.constant 16 : i32
      %mul3A_390 = arith.muli %scan3A_113, %mul3A_389 : i32
      %add3A_391 = arith.constant 15 : i32
      %add3A_392 = arith.addi %mul3A_390, %add3A_391 : i32
      %dma_start3A_393 = arith.constant 0 : i32
      %dma_start3A_394 = tpu.memref_slice %arg13[%add3A_392, %dma_start3A_393] : memref<128x32xf32, #tpu.memory_space<vmem>> -> memref<1x32xf32, #tpu.memory_space<vmem>>
      %dma_start3A_395 = tpu.memref_squeeze %dma_start3A_394 : memref<1x32xf32, #tpu.memory_space<vmem>> -> memref<32xf32, #tpu.memory_space<vmem>>
      %dma_start3A_396 = arith.constant 0 : i32
      %dma_start3A_397 = tpu.memref_slice %arg5[%squeeze3A_388, %dma_start3A_396] : memref<1000000x32xf32, #tpu.memory_space<hbm>> -> memref<1x32xf32, #tpu.memory_space<hbm>>
      %dma_start3A_398 = tpu.memref_squeeze %dma_start3A_397 : memref<1x32xf32, #tpu.memory_space<hbm>> -> memref<32xf32, #tpu.memory_space<hbm>>
      %dma_start3A_399 = arith.constant 0 : i32
      %dma_start3A_400 = tpu.memref_slice %arg13[%add3A_392, %dma_start3A_399] : memref<128x32xf32, #tpu.memory_space<vmem>> -> memref<1x32xf32, #tpu.memory_space<vmem>>
      %dma_start3A_401 = tpu.memref_squeeze %dma_start3A_400 : memref<1x32xf32, #tpu.memory_space<vmem>> -> memref<32xf32, #tpu.memory_space<vmem>>
      %dma_start3A_402 = arith.constant 0 : i32
      %dma_start3A_403 = tpu.memref_slice %arg5[%squeeze3A_388, %dma_start3A_402] : memref<1000000x32xf32, #tpu.memory_space<hbm>> -> memref<1x32xf32, #tpu.memory_space<hbm>>
      %dma_start3A_404 = tpu.memref_squeeze %dma_start3A_403 : memref<1x32xf32, #tpu.memory_space<hbm>> -> memref<32xf32, #tpu.memory_space<hbm>>
      tpu.enqueue_dma source(%dma_start3A_404 : memref<32xf32, #tpu.memory_space<hbm>>) target(%dma_start3A_401 : memref<32xf32, #tpu.memory_space<vmem>>) target_semaphore(%arg17 : memref<!tpu.dma_semaphore, #tpu.memory_space<semaphore_mem>>)
    }
    %scan3A_80 = arith.constant 8 : i32
    %dma_wait3A_81 = arith.constant 0 : i32
    %dma_wait3A_82 = arith.constant 0 : i32
    %dma_wait3A_83 = tpu.memref_slice %arg4[%dma_wait3A_81, %dma_wait3A_82] : memref<1000000x32xf32, #tpu.memory_space<hbm>> -> memref<128x32xf32, #tpu.memory_space<hbm>>
    %dma_wait3A_84 = arith.constant 0 : i32
    %dma_wait3A_85 = arith.constant 0 : i32
    %dma_wait3A_86 = tpu.memref_slice %arg4[%dma_wait3A_84, %dma_wait3A_85] : memref<1000000x32xf32, #tpu.memory_space<hbm>> -> memref<128x32xf32, #tpu.memory_space<hbm>>
    tpu.wait_dma2 semaphore(%arg14 : memref<!tpu.dma_semaphore, #tpu.memory_space<semaphore_mem>>) src(%dma_wait3A_86 : memref<128x32xf32, #tpu.memory_space<hbm>>) dst(%arg10 : memref<128x32xf32, #tpu.memory_space<vmem>>)
    %add3A_87 = arith.constant 256 : i32
    %add3A_88 = arith.addi %mul3A_2, %add3A_87 : i32
    "tpu.region"() ({
      %run_scoped3A = tpu.sem_alloc : memref<!tpu.dma_semaphore, #tpu.memory_space<semaphore_mem>>
      %dma_start3A = arith.constant 0 : i32
      %dma_start3A_113 = tpu.memref_slice %arg6[%add3A_88, %dma_start3A] : memref<16384x32xf32, #tpu.memory_space<hbm>> -> memref<128x32xf32, #tpu.memory_space<hbm>>
      %dma_start3A_114 = arith.constant 0 : i32
      %dma_start3A_115 = tpu.memref_slice %arg6[%add3A_88, %dma_start3A_114] : memref<16384x32xf32, #tpu.memory_space<hbm>> -> memref<128x32xf32, #tpu.memory_space<hbm>>
      tpu.enqueue_dma source(%arg10 : memref<128x32xf32, #tpu.memory_space<vmem>>) target(%dma_start3A_115 : memref<128x32xf32, #tpu.memory_space<hbm>>) target_semaphore(%run_scoped3A : memref<!tpu.dma_semaphore, #tpu.memory_space<semaphore_mem>>)
      %dma_wait3A_116 = arith.constant 0 : i32
      %dma_wait3A_117 = tpu.memref_slice %arg6[%add3A_88, %dma_wait3A_116] : memref<16384x32xf32, #tpu.memory_space<hbm>> -> memref<128x32xf32, #tpu.memory_space<hbm>>
      %dma_wait3A_118 = arith.constant 0 : i32
      %dma_wait3A_119 = tpu.memref_slice %arg6[%add3A_88, %dma_wait3A_118] : memref<16384x32xf32, #tpu.memory_space<hbm>> -> memref<128x32xf32, #tpu.memory_space<hbm>>
      tpu.wait_dma2 semaphore(%run_scoped3A : memref<!tpu.dma_semaphore, #tpu.memory_space<semaphore_mem>>) src(%arg10 : memref<128x32xf32, #tpu.memory_space<vmem>>) dst(%dma_wait3A_119 : memref<128x32xf32, #tpu.memory_space<hbm>>)
      tpu.yield
    }) : () -> ()
    %dma_wait3A_89 = arith.constant 0 : i32
    %dma_wait3A_90 = arith.constant 0 : i32
    %dma_wait3A_91 = tpu.memref_slice %arg5[%dma_wait3A_89, %dma_wait3A_90] : memref<1000000x32xf32, #tpu.memory_space<hbm>> -> memref<128x32xf32, #tpu.memory_space<hbm>>
    %dma_wait3A_92 = arith.constant 0 : i32
    %dma_wait3A_93 = arith.constant 0 : i32
    %dma_wait3A_94 = tpu.memref_slice %arg5[%dma_wait3A_92, %dma_wait3A_93] : memref<1000000x32xf32, #tpu.memory_space<hbm>> -> memref<128x32xf32, #tpu.memory_space<hbm>>
    tpu.wait_dma2 semaphore(%arg15 : memref<!tpu.dma_semaphore, #tpu.memory_space<semaphore_mem>>) src(%dma_wait3A_94 : memref<128x32xf32, #tpu.memory_space<hbm>>) dst(%arg11 : memref<128x32xf32, #tpu.memory_space<vmem>>)
    %add3A_95 = arith.constant 256 : i32
    %add3A_96 = arith.addi %mul3A_2, %add3A_95 : i32
    "tpu.region"() ({
      %run_scoped3A = tpu.sem_alloc : memref<!tpu.dma_semaphore, #tpu.memory_space<semaphore_mem>>
      %dma_start3A = arith.constant 0 : i32
      %dma_start3A_113 = tpu.memref_slice %arg7[%add3A_96, %dma_start3A] : memref<16384x32xf32, #tpu.memory_space<hbm>> -> memref<128x32xf32, #tpu.memory_space<hbm>>
      %dma_start3A_114 = arith.constant 0 : i32
      %dma_start3A_115 = tpu.memref_slice %arg7[%add3A_96, %dma_start3A_114] : memref<16384x32xf32, #tpu.memory_space<hbm>> -> memref<128x32xf32, #tpu.memory_space<hbm>>
      tpu.enqueue_dma source(%arg11 : memref<128x32xf32, #tpu.memory_space<vmem>>) target(%dma_start3A_115 : memref<128x32xf32, #tpu.memory_space<hbm>>) target_semaphore(%run_scoped3A : memref<!tpu.dma_semaphore, #tpu.memory_space<semaphore_mem>>)
      %dma_wait3A_116 = arith.constant 0 : i32
      %dma_wait3A_117 = tpu.memref_slice %arg7[%add3A_96, %dma_wait3A_116] : memref<16384x32xf32, #tpu.memory_space<hbm>> -> memref<128x32xf32, #tpu.memory_space<hbm>>
      %dma_wait3A_118 = arith.constant 0 : i32
      %dma_wait3A_119 = tpu.memref_slice %arg7[%add3A_96, %dma_wait3A_118] : memref<16384x32xf32, #tpu.memory_space<hbm>> -> memref<128x32xf32, #tpu.memory_space<hbm>>
      tpu.wait_dma2 semaphore(%run_scoped3A : memref<!tpu.dma_semaphore, #tpu.memory_space<semaphore_mem>>) src(%arg11 : memref<128x32xf32, #tpu.memory_space<vmem>>) dst(%dma_wait3A_119 : memref<128x32xf32, #tpu.memory_space<hbm>>)
      tpu.yield
    }) : () -> ()
    %dma_wait3A_97 = arith.constant 0 : i32
    %dma_wait3A_98 = arith.constant 0 : i32
    %dma_wait3A_99 = tpu.memref_slice %arg4[%dma_wait3A_97, %dma_wait3A_98] : memref<1000000x32xf32, #tpu.memory_space<hbm>> -> memref<128x32xf32, #tpu.memory_space<hbm>>
    %dma_wait3A_100 = arith.constant 0 : i32
    %dma_wait3A_101 = arith.constant 0 : i32
    %dma_wait3A_102 = tpu.memref_slice %arg4[%dma_wait3A_100, %dma_wait3A_101] : memref<1000000x32xf32, #tpu.memory_space<hbm>> -> memref<128x32xf32, #tpu.memory_space<hbm>>
    tpu.wait_dma2 semaphore(%arg16 : memref<!tpu.dma_semaphore, #tpu.memory_space<semaphore_mem>>) src(%dma_wait3A_102 : memref<128x32xf32, #tpu.memory_space<hbm>>) dst(%arg12 : memref<128x32xf32, #tpu.memory_space<vmem>>)
    %add3A_103 = arith.constant 384 : i32
    %add3A_104 = arith.addi %mul3A_2, %add3A_103 : i32
    "tpu.region"() ({
      %run_scoped3A = tpu.sem_alloc : memref<!tpu.dma_semaphore, #tpu.memory_space<semaphore_mem>>
      %dma_start3A = arith.constant 0 : i32
      %dma_start3A_113 = tpu.memref_slice %arg6[%add3A_104, %dma_start3A] : memref<16384x32xf32, #tpu.memory_space<hbm>> -> memref<128x32xf32, #tpu.memory_space<hbm>>
      %dma_start3A_114 = arith.constant 0 : i32
      %dma_start3A_115 = tpu.memref_slice %arg6[%add3A_104, %dma_start3A_114] : memref<16384x32xf32, #tpu.memory_space<hbm>> -> memref<128x32xf32, #tpu.memory_space<hbm>>
      tpu.enqueue_dma source(%arg12 : memref<128x32xf32, #tpu.memory_space<vmem>>) target(%dma_start3A_115 : memref<128x32xf32, #tpu.memory_space<hbm>>) target_semaphore(%run_scoped3A : memref<!tpu.dma_semaphore, #tpu.memory_space<semaphore_mem>>)
      %dma_wait3A_116 = arith.constant 0 : i32
      %dma_wait3A_117 = tpu.memref_slice %arg6[%add3A_104, %dma_wait3A_116] : memref<16384x32xf32, #tpu.memory_space<hbm>> -> memref<128x32xf32, #tpu.memory_space<hbm>>
      %dma_wait3A_118 = arith.constant 0 : i32
      %dma_wait3A_119 = tpu.memref_slice %arg6[%add3A_104, %dma_wait3A_118] : memref<16384x32xf32, #tpu.memory_space<hbm>> -> memref<128x32xf32, #tpu.memory_space<hbm>>
      tpu.wait_dma2 semaphore(%run_scoped3A : memref<!tpu.dma_semaphore, #tpu.memory_space<semaphore_mem>>) src(%arg12 : memref<128x32xf32, #tpu.memory_space<vmem>>) dst(%dma_wait3A_119 : memref<128x32xf32, #tpu.memory_space<hbm>>)
      tpu.yield
    }) : () -> ()
    %dma_wait3A_105 = arith.constant 0 : i32
    %dma_wait3A_106 = arith.constant 0 : i32
    %dma_wait3A_107 = tpu.memref_slice %arg5[%dma_wait3A_105, %dma_wait3A_106] : memref<1000000x32xf32, #tpu.memory_space<hbm>> -> memref<128x32xf32, #tpu.memory_space<hbm>>
    %dma_wait3A_108 = arith.constant 0 : i32
    %dma_wait3A_109 = arith.constant 0 : i32
    %dma_wait3A_110 = tpu.memref_slice %arg5[%dma_wait3A_108, %dma_wait3A_109] : memref<1000000x32xf32, #tpu.memory_space<hbm>> -> memref<128x32xf32, #tpu.memory_space<hbm>>
    tpu.wait_dma2 semaphore(%arg17 : memref<!tpu.dma_semaphore, #tpu.memory_space<semaphore_mem>>) src(%dma_wait3A_110 : memref<128x32xf32, #tpu.memory_space<hbm>>) dst(%arg13 : memref<128x32xf32, #tpu.memory_space<vmem>>)
    %add3A_111 = arith.constant 384 : i32
    %add3A_112 = arith.addi %mul3A_2, %add3A_111 : i32
    "tpu.region"() ({
      %run_scoped3A = tpu.sem_alloc : memref<!tpu.dma_semaphore, #tpu.memory_space<semaphore_mem>>
      %dma_start3A = arith.constant 0 : i32
      %dma_start3A_113 = tpu.memref_slice %arg7[%add3A_112, %dma_start3A] : memref<16384x32xf32, #tpu.memory_space<hbm>> -> memref<128x32xf32, #tpu.memory_space<hbm>>
      %dma_start3A_114 = arith.constant 0 : i32
      %dma_start3A_115 = tpu.memref_slice %arg7[%add3A_112, %dma_start3A_114] : memref<16384x32xf32, #tpu.memory_space<hbm>> -> memref<128x32xf32, #tpu.memory_space<hbm>>
      tpu.enqueue_dma source(%arg13 : memref<128x32xf32, #tpu.memory_space<vmem>>) target(%dma_start3A_115 : memref<128x32xf32, #tpu.memory_space<hbm>>) target_semaphore(%run_scoped3A : memref<!tpu.dma_semaphore, #tpu.memory_space<semaphore_mem>>)
      %dma_wait3A_116 = arith.constant 0 : i32
      %dma_wait3A_117 = tpu.memref_slice %arg7[%add3A_112, %dma_wait3A_116] : memref<16384x32xf32, #tpu.memory_space<hbm>> -> memref<128x32xf32, #tpu.memory_space<hbm>>
      %dma_wait3A_118 = arith.constant 0 : i32
      %dma_wait3A_119 = tpu.memref_slice %arg7[%add3A_112, %dma_wait3A_118] : memref<16384x32xf32, #tpu.memory_space<hbm>> -> memref<128x32xf32, #tpu.memory_space<hbm>>
      tpu.wait_dma2 semaphore(%run_scoped3A : memref<!tpu.dma_semaphore, #tpu.memory_space<semaphore_mem>>) src(%arg13 : memref<128x32xf32, #tpu.memory_space<vmem>>) dst(%dma_wait3A_119 : memref<128x32xf32, #tpu.memory_space<hbm>>)
      tpu.yield
    }) : () -> ()
    return
  }
}

</mosaic_0001>

<sc_bundles>
// kernel: kernel.3.cloned.1.call-start
scs
__scs_entry_jumppad:
0x0: {  	(pc) =	sbr.rel $0x88, $3  }
0x1: {  	(tag) =	ssettag $0x0;
	lr =	simm.s32 $0x1  }
0x2: {  	[smem:$0x3F9D] =	sst lr;
	_ =	strace $0xD0000000  }
0x3: {  	_ = 	snop  }
0x4: {  	_ = 	snop  }
0x5: {  	_ = 	snop  }
0x6: {  	_ = 	snop  }
0x7: {  	_ = 	snop  }
__scs_overlays_trampoline_lowered:
0x8: {  	[smem:$0x3FAC] =	sst s0  }
0x9: {  	[smem:$0x3FAD] =	sst s1  }
0xa: {  	[smem:$0x3FAE] =	sst s2  }
0xb: {  	[smem:$0x3FAF] =	sst s3  }
0xc: {  	[smem:$0x3FB0] =	sst s4  }
0xd: {  	[smem:$0x3FB1] =	sst s5  }
0xe: {  	[smem:$0x3FB2] =	sst s6  }
0xf: {  	[smem:$0x3FB3] =	sst s7  }
0x10: {  	[smem:$0x3FB4] =	sst s8  }
0x11: {  	[smem:$0x3FB5] =	sst s9;
	s0 =	simm.s32 @!p0 $0x0  }
0x12: {  	s1 =	sld [smem:$0x3F9B];
	s0 =	simm.s32 @p0 $0x1  }
0x13: {  	[smem:$0x3FB6] =	sst s0;
	s0 =	simm.s32 @!p1 $0x0  }
0x14: {  	s2 =	sld [smem:$0x3F9A];
	s0 =	simm.s32 @p1 $0x1  }
0x15: {  	[smem:$0x3FB7] =	sst s0;
	s0 =	simm.s32 @!p2 $0x0  }
0x16: {  	s3 =	sld [smem:$0x3FDB];
	s0 =	simm.s32 @p2 $0x1  }
0x17: {  	s4 =	simm.s32 $0x1BF5;
	[smem:$0x3FB9] =	sst s0  }
0x18: {  	s0 =	sld [smem:$0x3F9C];
	_ =	swait.ge [sflag:s4], $0x0  }
0x19: {  	s7 =	sld [smem:$0x3F9D]  }
0x1a: {  	s8 =	sadd.s32 $0xFFFFE003, lr  }
0x1b: {  	s9 =	sadd.s32 $0xFFFFFEF7, lr;
	s5 =	simm.s32 $0xFFFFFFFF;
	p2 =	slt.u32 s8, $0xFFFFF086  }
0x1c: {  	p1 =	slt.u32 s9, $0xF7A;
	s5 =	simm.s32 @!p2 $0x0  }
0x1d: {  	s5 =	simm.s32 @p1 $0x1;
	p0 =	seq.s32 s7, s2  }
0x1e: {  	s7 =	smul.u32 @!p0 $0xF7A, s2;
	p2 =	seq.s32 @!p0 s5, $0x0  }
0x1f: {  	s9 =	smul.u32 $0xF7A, s1;
	s8 =	simm.s32 @!p0 $0x1BF5;
	p2 =	por !p2, p0  }
0x20: {  	[sflag:s8] =	ssyncset.s32 @!p0 $0xFFFFF086;
	s6 =	sadd.s32 @!p0 s3, s7;
	s7 =	simm.s32 @!p0 $0x108  }
0x21: {  	s3 =	sadd.s32 s3, s9;
	s6 =	sadd.s32 @!p0 $0x88, s6;
	s7 =	simm.s32 @p2 $0x1082  }
0x22: {  	[simem:s7], [sflag:s8] =	dma.local @!p0 [hbm:s6], $0xF7A  }
0x23: {  	s9 =	sor.u32 $0xD0000000, s2;
	s6 =	simm.s32 $0x108;
	_ =	swait.ge @!p0 [sflag:s8], $0x0  }
0x24: {  	s3 =	sadd.s32 $0x88, s3;
	s6 =	simm.s32 @!p1 $0x1082;
	[sflag:s4] =	ssyncset.s32 $0xFFFFF086  }
0x25: {  	[simem:s6], [sflag:s4] =	dma.local [hbm:s3], $0xF7A  }
0x26: {  	[smem:$0x3F9D] =	sst s1;
	(tag) =	ssettag s2;
	_ =	strace s9  }
0x27: {  	s1 =	sld [smem:$0x3FAD]  }
0x28: {  	s2 =	sld [smem:$0x3FAE]  }
0x29: {  	s4 =	sld [smem:$0x3FB0]  }
0x2a: {  	p0 =	seq.s32 s5, $0x0;
	s5 =	sld [smem:$0x3FB1]  }
0x2b: {  	s6 =	sld [smem:$0x3FB2]  }
0x2c: {  	s7 =	sld [smem:$0x3FB3]  }
0x2d: {  	s3 =	simm.s32 $0x108;
	s8 =	sld [smem:$0x3FB4]  }
0x2e: {  	s3 =	simm.s32 @!p0 $0x1082;
	s9 =	sld [smem:$0x3FB5]  }
0x2f: {  	lr =	sadd.s32 s0, s3;
	s0 =	sld [smem:$0x3FAC]  }
0x30: {  	s3 =	sld [smem:$0x3FAF]  }
0x31: {  	[smem:$0x3FB8] =	sst s10  }
0x32: {  	s10 =	sld [smem:$0x3FB6];
	_ =	sdelay $0x3  }
0x33: {  	p0 =	seq.s32 s10, $0x1;
	s10 =	sld [smem:$0x3FB8];
	_ =	sdelay $0x3  }
0x34: {  	[smem:$0x3FB8] =	sst s10  }
0x35: {  	s10 =	sld [smem:$0x3FB7];
	_ =	sdelay $0x3  }
0x36: {  	p1 =	seq.s32 s10, $0x1;
	s10 =	sld [smem:$0x3FB8];
	_ =	sdelay $0x3  }
0x37: {  	[smem:$0x3FB8] =	sst s10  }
0x38: {  	s10 =	sld [smem:$0x3FB9]  }
0x39: {  	_ = 	snop;
	(pc) =	sbr.ind lr, $3  }
0x3a: {  	_ = 	snop  }
0x3b: {  	_ = 	snop  }
0x3c: {  	p2 =	seq.s32 s10, $0x1;
	s10 =	sld [smem:$0x3FB8]  }
0x3d: {  	_ =	shalt  }
0x3e: {  	_ =	shalt  }
0x3f: {  	_ =	shalt  }
0x40: {  	_ =	shalt  }
0x41: {  	_ =	shalt  }
0x42: {  	_ =	shalt  }
0x43: {  	_ =	shalt  }
0x44: {  	_ =	shalt  }
0x45: {  	_ =	shalt  }
0x46: {  	_ =	shalt  }
0x47: {  	_ =	shalt  }
0x48: {  	_ =	shalt  }
0x49: {  	_ =	shalt  }
0x4a: {  	_ =	shalt  }
0x4b: {  	_ =	shalt  }
0x4c: {  	_ =	shalt  }
0x4d: {  	_ =	shalt  }
0x4e: {  	_ =	shalt  }
0x4f: {  	_ =	shalt  }
0x50: {  	_ =	shalt  }
0x51: {  	_ =	shalt  }
0x52: {  	_ =	shalt  }
0x53: {  	_ =	shalt  }
0x54: {  	_ =	shalt  }
0x55: {  	_ =	shalt  }
0x56: {  	_ =	shalt  }
0x57: {  	_ =	shalt  }
0x58: {  	_ =	shalt  }
0x59: {  	_ =	shalt  }
0x5a: {  	_ =	shalt  }
0x5b: {  	_ =	shalt  }
0x5c: {  	_ =	shalt  }
0x5d: {  	_ =	shalt  }
0x5e: {  	_ =	shalt  }
0x5f: {  	_ =	shalt  }
0x60: {  	_ =	shalt  }
0x61: {  	_ =	shalt  }
0x62: {  	_ =	shalt  }
0x63: {  	_ =	shalt  }
0x64: {  	_ =	shalt  }
0x65: {  	_ =	shalt  }
0x66: {  	_ =	shalt  }
0x67: {  	_ =	shalt  }
0x68: {  	_ =	shalt  }
0x69: {  	_ =	shalt  }
0x6a: {  	_ =	shalt  }
0x6b: {  	_ =	shalt  }
0x6c: {  	_ =	shalt  }
0x6d: {  	_ =	shalt  }
0x6e: {  	_ =	shalt  }
0x6f: {  	_ =	shalt  }
0x70: {  	_ =	shalt  }
0x71: {  	_ =	shalt  }
0x72: {  	_ =	shalt  }
0x73: {  	_ =	shalt  }
0x74: {  	_ =	shalt  }
0x75: {  	_ =	shalt  }
0x76: {  	_ =	shalt  }
0x77: {  	_ =	shalt  }
0x78: {  	_ =	shalt  }
0x79: {  	_ =	shalt  }
0x7a: {  	_ =	shalt  }
0x7b: {  	_ =	shalt  }
0x7c: {  	_ =	shalt  }
0x7d: {  	_ =	shalt  }
0x7e: {  	_ =	shalt  }
0x7f: {  	_ =	shalt  }
0x80: {  	_ =	shalt  }
0x81: {  	_ =	shalt  }
0x82: {  	_ =	shalt  }
0x83: {  	_ =	shalt  }
0x84: {  	_ =	shalt  }
0x85: {  	_ =	shalt  }
0x86: {  	_ =	shalt  }
0x87: {  	_ =	shalt  }
.Lfunc_end0:
.L_simem_size_0:
called_computation_lowered:
.L_overlay_start_0:
0x88: {  	s2 =	sld [smem:$0x3FD9]  }
0x89: {  	s3 =	sld [smem:$0x3FFE];
	_ =	sdelay $0x1  }
0x8a: {  	s1 =	srdreg.scid  }
0x8b: {  	s0 =	sand.u32 $0x1, s1  }
0x8c: {  	s17 =	sshll.u32 s0, $0xA;
	s2 =	sadd.s32 s3, s2  }
0x8d: {  	s2 =	sadd.s32 s2, s17  }
0x8e: {  	[smem:$0x3FC4] =	sst s2  }
0x8f: {  	_ = 	snop  }
0x90: {  	s2 =	sld [smem:$0x3FC9]  }
0x91: {  	s18 =	sld [smem:$0x3FC8];
	(tm) =	ssettm $0x1  }
0x92: {  	s4 =	sld [smem:$0x3FFB];
	_ =	sdelay $0x3  }
0x93: {  	_ =	strace s4  }
0x94: {  	s4 =	sld [smem:$0x3FFC];
	_ =	sdelay $0x3  }
0x95: {  	_ =	strace s4  }
0x96: {  	s4 =	sld [smem:$0x3FFD];
	_ =	sdelay $0x3  }
0x97: {  	_ =	strace s4  }
0x98: {  	_ =	strace $0x8FFFFFFF  }
0x99: {  	s19 =	sld [smem:$0x3FDB];
	_ =	sdelay $0x1  }
0x9a: {  	s5 =	simm.s32 $_scs_section_size  }
0x9b: {  	s6 =	simm.s32 $_size__tile_overlayer_lowered;
	s7 =	simm.s32 $_tile_overlayer_lowered  }
0x9c: {  	s22 =	simm.s32 $0x1BFF;
	s21 =	sshll.u32 s7, $0x1;
	s4 =	sadd.s32 s5, s19  }
0x9d: {  	s8 =	simm.s32 $0x0;
	s20 =	sshll.u32 s6, $0x1;
	s6 =	sadd.s32 s21, s4  }
0x9e: {  	[timem:s8], [sflag:s22] =	dma.local [hbm:s6], s20  }
0x9f: {  	_ =	swait.ge [sflag:s22], s20  }
0xa0: {  	s5 =	ssub.s32 $0x0, s20;
	[sflag:s22] =	ssyncset.done $0x0  }
0xa1: {  	[sflag:s22] =	ssyncadd.s32 s5;
	_ =	sdelay $0x1  }
0xa2: {  	s23 =	simm.s32 $0x1B8B  }
0xa3: {  	_ =	swait.ge [sflag:s23], $0x1  }
0xa4: {  	[sflag:s23] =	ssyncset.done $0x0  }
0xa5: {  	s25 =	simm.s32 $0x1B8E;
	s24 =	sld [smem:$0x3FFE];
	[sflag:s23] =	ssyncadd.s32 $0xFFFFFFFF  }
0xa6: {  	s26 =	simm.s32 $execute0_lowered;
	[smem:$0x3FD2] =	sst s25  }
0xa7: {  	s6 =	sshll.u32 s26, $0x1;
	_ =	strace $0x80000046;
	[dreg:$0x1] =	wrdreg $0xFFFFFFFF  }
0xa8: {  	s28 =	simm.s32 $_size_execute0_lowered;
	s4 =	sadd.s32 s4, s6;
	[dreg:$0x0] =	wrdreg $0x0  }
0xa9: {  	s6 =	sshll.u32 s28, $0x1;
	[dreg:$0x2] =	wrdreg s4  }
0xaa: {  	[dreg:$0x3] =	wrdreg s6  }
0xab: {  	[dreg:$0x4] =	wrdreg $0xC0  }
0xac: {  	_ =	task [dreg:s8], $0x5FFFF  }
0xad: {  	[dreg:$0x1] =	wrdreg $0xFFFFFFFF  }
0xae: {  	[dreg:$0x0] =	wrdreg $0x60  }
0xaf: {  	[dreg:$0x2] =	wrdreg s2  }
0xb0: {  	[dreg:$0x3] =	wrdreg s18  }
0xb1: {  	[dreg:$0x4] =	wrdreg s24  }
0xb2: {  	[dreg:$0x5] =	wrdreg $0x9  }
0xb3: {  	_ =	task.clear_ibuf [dreg:s8], $0x6FFFF;
	_ =	strace $0x90000046  }
0xb4: {  	s29 =	simm.s32 $0x9;
	_ =	strace $0x80000048  }
0xb5: {  	_ =	swait.ge [sflag:s29], $0x1  }
0xb6: {  	[sflag:s29] =	ssyncadd.s32 $0xFFFFFFFF  }
0xb7: {  	_ =	strace $0x90000048  }
0xb8: {  	_ =	sfence  }
0xb9: {  	s30 =	sld [smem:$0x0];
	_ =	sdelay $0x2  }
0xba: {  	s31 =	sshll.u32 s1, $0xD;
	s1 =	sshrl.u32 s1, $0x2  }
0xbb: {  	s3 =	sand.u32 $0x4000, s31;
	s1 =	sadd.s32 s1, s30  }
0xbc: {  	s0 =	sor.u32 s3, s0;
	s1 =	sshll.u32 s1, $0x11  }
0xbd: {  	s0 =	sor.u32 s1, s0  }
0xbe: {  	s0 =	sadd.s32 $0x8F2B, s0  }
0xbf: {  	[sflag:s0] =	ssyncadd.remote.s32 $0x1  }
0xc0: {  	_ =	sfence.sel $0xFFFF  }
0xc1: {  	[dreg:$0x0] =	wrdreg $0xFFFFFFFF;
	(pc) =	sbr.abs _section_cstart, $3  }
0xc2: {  	[dreg:$0x1] =	wrdreg $0xFFFFFFFF  }
0xc3: {  	_ =	task.clear_ibuf [dreg:s8], $0x2FFFF;
	_ =	strace $0x9FFFFFFF  }
0xc4: {  	(tm) =	ssettm $0x7FFFFFFF  }
0xc5: {  	_ =	shalt  }
tec
execute0_lowered:
.L_overlay_start_1:
0x0: {  	(tag) =	ssettag $0x1  }
0x1: {  	s0 =	rddreg [dreg:$0x0]  }
0x2: {  	s2 =	rddreg [dreg:$0x1]  }
0x3: {  	s5 =	rddreg [dreg:$0x2]  }
0x4: {  	s1 =	simm.s32 $0x0;
	s4 =	srdreg.scid;
	s7 =	stileid.u32  }
0x5: {  	s16 =	simm.s32 $0x5;
	s18 =	simm.s32 $0x1;
	s6 =	sand.u32 $0x1, s4  }
0x6: {  	s20 =	simm.s32 $0x2;
	s7 =	sshll.u32 s7, $0xA;
	s8 =	sshll.u32 s6, $0x9  }
0x7: {  	s22 =	simm.s32 $0x3;
	[smem:$0x7FF] =	sst s1;
	s7 =	sor.u32 s8, s7  }
0x8: {  	s3 =	sadd.s32 $0x800, s5;
	s4 =	sadd.s32 $0xF42C00, s5;
	s9 =	sshrl.u32 s7, $0x3  }
0x9: {  	s13 =	sadd.s32 $0x1E85000, s5;
	_ =	strace $0x80000047;
	s0 =	sadd.s32 s0, s9  }
0xa: {  	s24 =	sshll.u32 s7, $0x4;
	s2 =	sadd.s32 s2, s9;
	[dreg:$0x4] =	wrdreg s0  }
0xb: {  	s5 =	sadd.s32 $0x1EC5000, s5;
	s25 =	sadd.s32 s13, s24;
	[dreg:$0x5] =	wrdreg s2  }
0xc: {  	s26 =	sor.u32 $0x800, s24;
	s7 =	sadd.s32 s5, s24;
	[dreg:$0x6] =	wrdreg s25  }
0xd: {  	s6 =	ssub.s32 $0x2, s6;
	[dreg:$0x7] =	wrdreg s7;
	s28 =	sadd.s32 s13, s26  }
0xe: {  	s12 =	sor.u32 $0x1000, s24;
	s2 =	sadd.s32 s5, s26;
	[dreg:$0x8] =	wrdreg s28  }
0xf: {  	s23 =	sshrl.u32 s6, $0x1;
	s29 =	sadd.s32 s13, s12;
	[dreg:$0x9] =	wrdreg s2  }
0x10: {  	s0 =	sor.u32 $0x1800, s24;
	s30 =	sadd.s32 s5, s12;
	[dreg:$0xa] =	wrdreg s29  }
0x11: {  	s6 =	ssub.s32 s6, s23;
	[dreg:$0xb] =	wrdreg s30;
	s31 =	sadd.s32 s13, s0  }
0x12: {  	s15 =	smax.u32 s6, $0x1;
	s0 =	sadd.s32 s5, s0;
	[dreg:$0xc] =	wrdreg s31  }
0x13: {  	s24 =	simm.s32 $0x4;
	s26 =	simm.s32 $0x0;
	[dreg:$0xd] =	wrdreg s0  }
.LBB2_1:
0x14: {  	s0 =	rddreg [dreg:$0x4]  }
0x15: {  	[tilespmem:s1], [sflag:$0x5] =	stream.linear.gather [hbm4b:s0+s1], $0x200, $0x38;
	[tilespmem:$0x10400] =	vst v63  }
0x16: {  	_ =	swait.ge [sflag:s16], $0x200  }
0x17: {  	[sflag:s16] =	ssyncset.done $0x0  }
0x18: {  	s2 =	simm.s32 $0x200;
	s28 =	rddreg [dreg:$0x5];
	[sflag:s16] =	ssyncadd.s32 $0xFFFFFE00  }
0x19: {  	[tilespmem:s2], [sflag:$0x5] =	stream.linear.gather [hbm4b:s28+s1], $0x200, $0x38;
	[tilespmem:$0x10400] =	vst v63  }
0x1a: {  	_ =	swait.ge [sflag:s16], $0x200  }
0x1b: {  	[sflag:s16] =	ssyncset.done $0x0  }
0x1c: {  	[sflag:s16] =	ssyncadd.s32 $0xFFFFFE00  }
0x1d: {  	v0 =	vld [tilespmem:s1+$0x0];
	_ =	sdelay $0x4  }
0x1e: {  	v0 =	vshll.u32 v0, $0x4  }
0x1f: {  	(v2sf) =	vpush v0, $0x0  }
0x20: {  	(v2sf) =	vpush v0, $0x1  }
0x21: {  	(v2sf) =	vpush v0, $0x2;
	_ =	sdelay $0x1  }
0x22: {  	(v2sf) =	vpush v0, $0x4;
	_ =	sdelay $0x1  }
0x23: {  	(v2sf) =	vpush v0, $0x3  }
0x24: {  	(v2sf) =	vpush v0, $0x5  }
0x25: {  	s30 =	simm.s32 $0x2000;
	s29 =	simm.s32 $0x0;
	s31 =	simm.s32 $0x0;
	(v2sf) =	vpush v0, $0x6  }
.LBB2_2:
0x26: {  	p0 =	sne.s32 s30, $0xE000  }
0x27: {  	s7 =	sadd.s32 $0x480, s29;
	s19 =	sadd.s32 $0x980, s29;
	s0 =	smov.u32 s30  }
0x28: {  	s30 =	sadd.s32 $0x2000, s30;
	s25 =	sadd.s32 $0x780, s29;
	s2 =	sadd.s32 $0xA00, s29;
	(v2sf) =	vpush v0, $0x7  }
0x29: {  	s6 =	sadd.s32 $0x680, s29;
	s21 =	sadd.s32 $0x800, s29;
	s17 =	sadd.s32 $0xA80, s29  }
0x2a: {  	s8 =	sadd.s32 $0x400, s29;
	s9 =	sadd.s32 $0x600, s29;
	(v2sf) =	vpush v0, $0x8  }
0x2b: {  	s28 =	simm.s32 $0x0;
	s10 =	sadd.s32 $0x700, s29;
	s31 =	sadd.s32 $0x10, s31  }
0x2c: {  	s11 =	sadd.s32 $0x500, s29;
	s23 =	sadd.s32 $0x900, s29;
	s5 =	spop (v2sf);
	(v2sf) =	vpush v0, $0x9  }
0x2d: {  	s12 =	sand.u32 $0x1FFFFFF0, s5;
	s5 =	sadd.s32 $0x880, s29;
	s13 =	spop (v2sf)  }
0x2e: {  	s12 =	sadd.s32 s3, s12;
	s13 =	sand.u32 $0x1FFFFFF0, s13;
	s14 =	spop (v2sf);
	(v2sf) =	vpush v0, $0xA  }
0x2f: {  	[tilespmem:s8], [sflag:$0x1] =	stream.linear.gather [hbm4b:s12+s28], $0x80, $0x38;
	[tilespmem:$0x10400] =	vst v63  }
0x30: {  	s8 =	sadd.s32 s3, s13;
	s12 =	sadd.s32 $0x580, s29;
	s13 =	spop (v2sf);
	(v2sf) =	vpush v0, $0xB  }
0x31: {  	[tilespmem:s7], [sflag:$0x1] =	stream.linear.gather [hbm4b:s8+s28], $0x80, $0x38;
	[tilespmem:$0x10400] =	vst v63  }
0x32: {  	s7 =	sand.u32 $0x1FFFFFF0, s14;
	s8 =	sand.u32 $0x1FFFFFF0, s13;
	s13 =	spop (v2sf);
	(v2sf) =	vpush v0, $0xC  }
0x33: {  	s7 =	sadd.s32 s3, s7;
	s13 =	sand.u32 $0x1FFFFFF0, s13;
	s14 =	spop (v2sf)  }
0x34: {  	[tilespmem:s11], [sflag:$0x1] =	stream.linear.gather [hbm4b:s7+s28], $0x80, $0x38;
	(v2sf) =	vpush v0, $0xD;
	[tilespmem:$0x10400] =	vst v63  }
0x35: {  	s7 =	sadd.s32 s3, s13;
	s11 =	sand.u32 $0x1FFFFFF0, s14;
	s13 =	spop (v2sf)  }
0x36: {  	[tilespmem:s12], [sflag:$0x1] =	stream.linear.gather [hbm4b:s7+s28], $0x80, $0x38;
	(v2sf) =	vpush v0, $0xE;
	[tilespmem:$0x10400] =	vst v63  }
0x37: {  	s7 =	sadd.s32 s3, s8;
	s8 =	sand.u32 $0x1FFFFFF0, s13;
	s12 =	spop (v2sf)  }
0x38: {  	[tilespmem:s9], [sflag:$0x1] =	stream.linear.gather [hbm4b:s7+s28], $0x80, $0x38;
	(v2sf) =	vpush v0, $0xF;
	[tilespmem:$0x10400] =	vst v63  }
0x39: {  	s7 =	sadd.s32 s3, s11;
	s9 =	sand.u32 $0x1FFFFFF0, s12;
	s11 =	spop (v2sf)  }
0x3a: {  	[tilespmem:s6], [sflag:$0x1] =	stream.linear.gather [hbm4b:s7+s28], $0x80, $0x38;
	[tilespmem:$0x10400] =	vst v63  }
0x3b: {  	s6 =	sadd.s32 s3, s8;
	s7 =	sand.u32 $0x1FFFFFF0, s11;
	s8 =	spop (v2sf)  }
0x3c: {  	[tilespmem:s10], [sflag:$0x1] =	stream.linear.gather [hbm4b:s6+s28], $0x80, $0x38;
	[tilespmem:$0x10400] =	vst v63  }
0x3d: {  	s6 =	sadd.s32 s3, s9;
	s8 =	sand.u32 $0x1FFFFFF0, s8;
	s9 =	spop (v2sf)  }
0x3e: {  	[tilespmem:s25], [sflag:$0x1] =	stream.linear.gather [hbm4b:s6+s28], $0x80, $0x38;
	[tilespmem:$0x10400] =	vst v63  }
0x3f: {  	s6 =	sadd.s32 s3, s7;
	s7 =	sand.u32 $0x1FFFFFF0, s9;
	s9 =	spop (v2sf)  }
0x40: {  	[tilespmem:s21], [sflag:$0x1] =	stream.linear.gather [hbm4b:s6+s28], $0x80, $0x38;
	[tilespmem:$0x10400] =	vst v63  }
0x41: {  	s6 =	sadd.s32 s3, s8;
	s8 =	sand.u32 $0x1FFFFFF0, s9;
	s9 =	spop (v2sf)  }
0x42: {  	[tilespmem:s5], [sflag:$0x1] =	stream.linear.gather [hbm4b:s6+s28], $0x80, $0x38;
	[tilespmem:$0x10400] =	vst v63  }
0x43: {  	s5 =	sadd.s32 s3, s7;
	s6 =	sand.u32 $0x1FFFFFF0, s9;
	s7 =	spop (v2sf)  }
0x44: {  	[tilespmem:s23], [sflag:$0x1] =	stream.linear.gather [hbm4b:s5+s28], $0x80, $0x38;
	[tilespmem:$0x10400] =	vst v63  }
0x45: {  	s5 =	sadd.s32 s3, s8;
	s7 =	sand.u32 $0x1FFFFFF0, s7;
	s8 =	spop (v2sf)  }
0x46: {  	[tilespmem:s19], [sflag:$0x1] =	stream.linear.gather [hbm4b:s5+s28], $0x80, $0x38;
	[tilespmem:$0x10400] =	vst v63  }
0x47: {  	s5 =	sadd.s32 s3, s6;
	s6 =	sand.u32 $0x1FFFFFF0, s8;
	s8 =	spop (v2sf)  }
0x48: {  	[tilespmem:s2], [sflag:$0x1] =	stream.linear.gather [hbm4b:s5+s28], $0x80, $0x38;
	[tilespmem:$0x10400] =	vst v63  }
0x49: {  	s2 =	sadd.s32 s3, s7;
	s5 =	sand.u32 $0x1FFFFFF0, s8  }
0x4a: {  	[tilespmem:s17], [sflag:$0x1] =	stream.linear.gather [hbm4b:s2+s28], $0x80, $0x38;
	[tilespmem:$0x10400] =	vst v63  }
0x4b: {  	s6 =	sadd.s32 s3, s6;
	s2 =	sadd.s32 $0xB00, s29  }
0x4c: {  	[tilespmem:s2], [sflag:$0x1] =	stream.linear.gather [hbm4b:s6+s28], $0x80, $0x38;
	[tilespmem:$0x10400] =	vst v63  }
0x4d: {  	s5 =	sadd.s32 s3, s5;
	s2 =	sadd.s32 $0xB80, s29  }
0x4e: {  	[tilespmem:s2], [sflag:$0x1] =	stream.linear.gather [hbm4b:s5+s28], $0x80, $0x38;
	[tilespmem:$0x10400] =	vst v63  }
0x4f: {  	v0 =	vld [tilespmem:s31+$0x0];
	_ =	sdelay $0x4  }
0x50: {  	v0 =	vshll.u32 v0, $0x4  }
0x51: {  	(v2sf) =	vpush v0, $0x0  }
0x52: {  	(v2sf) =	vpush v0, $0x1  }
0x53: {  	(v2sf) =	vpush v0, $0x2;
	_ =	sdelay $0x1  }
0x54: {  	(v2sf) =	vpush v0, $0x4  }
.Ltmp0:
0x55: {  	(pc) =	sbr.rel @p0 .LBB2_2-.Ltmp0, $3  }
0x56: {  	(v2sf) =	vpush v0, $0x3  }
0x57: {  	(v2sf) =	vpush v0, $0x5;
	_ =	sdelay $0x1  }
0x58: {  	s29 =	sshra.s32 s0, $0x2;
	(v2sf) =	vpush v0, $0x6  }
0x59: {  	_ =	sdelay $0x1  }
0x5a: {  	s5 =	sadd.s32 $0x480, s29;
	s17 =	sadd.s32 $0x980, s29  }
0x5b: {  	s6 =	sadd.s32 $0x780, s29;
	s0 =	sadd.s32 $0xA00, s29;
	(v2sf) =	vpush v0, $0x7;
	s7 =	sadd.s32 $0x680, s29  }
0x5c: {  	s8 =	sadd.s32 $0x800, s29;
	s2 =	sadd.s32 $0xA80, s29;
	s9 =	sadd.s32 $0x400, s29  }
0x5d: {  	s10 =	sadd.s32 $0x600, s29;
	s11 =	sadd.s32 $0x700, s29;
	(v2sf) =	vpush v0, $0x8;
	s12 =	spop (v2sf)  }
0x5e: {  	s13 =	sadd.s32 $0x500, s29;
	s12 =	sand.u32 $0x1FFFFFF0, s12;
	s14 =	spop (v2sf)  }
0x5f: {  	(v2sf) =	vpush v0, $0x9;
	s12 =	sadd.s32 s3, s12;
	s14 =	sand.u32 $0x1FFFFFF0, s14;
	s19 =	spop (v2sf)  }
0x60: {  	[tilespmem:s9], [sflag:$0x1] =	stream.linear.gather [hbm4b:s12+s28], $0x80, $0x38;
	[tilespmem:$0x10400] =	vst v63  }
0x61: {  	(v2sf) =	vpush v0, $0xA;
	s21 =	sadd.s32 s3, s14;
	s23 =	sand.u32 $0x1FFFFFF0, s19;
	s14 =	spop (v2sf)  }
0x62: {  	[tilespmem:s5], [sflag:$0x1] =	stream.linear.gather [hbm4b:s21+s28], $0x80, $0x38;
	[tilespmem:$0x10400] =	vst v63  }
0x63: {  	s9 =	sadd.s32 $0x900, s29;
	(v2sf) =	vpush v0, $0xB;
	s12 =	sadd.s32 s3, s23;
	s25 =	spop (v2sf)  }
0x64: {  	s5 =	sadd.s32 $0x880, s29;
	s21 =	sadd.s32 $0x580, s29;
	s19 =	sand.u32 $0x1FFFFFF0, s25  }
0x65: {  	(v2sf) =	vpush v0, $0xC;
	[tilespmem:s13], [sflag:$0x1] =	stream.linear.gather [hbm4b:s12+s28], $0x80, $0x38;
	[tilespmem:$0x10400] =	vst v63  }
0x66: {  	s12 =	sand.u32 $0x1FFFFFF0, s14;
	s23 =	spop (v2sf);
	s25 =	sadd.s32 s3, s19  }
0x67: {  	(v2sf) =	vpush v0, $0xD;
	[tilespmem:s21], [sflag:$0x1] =	stream.linear.gather [hbm4b:s25+s28], $0x80, $0x38;
	[tilespmem:$0x10400] =	vst v63  }
0x68: {  	s13 =	sand.u32 $0x1FFFFFF0, s23;
	s12 =	sadd.s32 s3, s12;
	s19 =	spop (v2sf)  }
0x69: {  	(v2sf) =	vpush v0, $0xE;
	[tilespmem:s10], [sflag:$0x1] =	stream.linear.gather [hbm4b:s12+s28], $0x80, $0x38;
	[tilespmem:$0x10400] =	vst v63  }
0x6a: {  	s13 =	sadd.s32 s3, s13;
	s21 =	sand.u32 $0x1FFFFFF0, s19;
	s23 =	spop (v2sf)  }
0x6b: {  	(v2sf) =	vpush v0, $0xF;
	[tilespmem:s7], [sflag:$0x1] =	stream.linear.gather [hbm4b:s13+s28], $0x80, $0x38;
	[tilespmem:$0x10400] =	vst v63  }
0x6c: {  	s25 =	sand.u32 $0x1FFFFFF0, s23;
	s10 =	sadd.s32 s3, s21;
	s13 =	spop (v2sf)  }
0x6d: {  	[tilespmem:s11], [sflag:$0x1] =	stream.linear.gather [hbm4b:s10+s28], $0x80, $0x38;
	[tilespmem:$0x10400] =	vst v63  }
0x6e: {  	s7 =	sadd.s32 s3, s25;
	s14 =	sand.u32 $0x1FFFFFF0, s13;
	s19 =	spop (v2sf)  }
0x6f: {  	[tilespmem:s6], [sflag:$0x1] =	stream.linear.gather [hbm4b:s7+s28], $0x80, $0x38;
	[tilespmem:$0x10400] =	vst v63  }
0x70: {  	s10 =	sadd.s32 s3, s14;
	s21 =	sand.u32 $0x1FFFFFF0, s19;
	s23 =	spop (v2sf)  }
0x71: {  	[tilespmem:s8], [sflag:$0x1] =	stream.linear.gather [hbm4b:s10+s28], $0x80, $0x38;
	[tilespmem:$0x10400] =	vst v63  }
0x72: {  	s7 =	sand.u32 $0x1FFFFFF0, s23;
	s6 =	sadd.s32 s3, s21;
	s25 =	spop (v2sf)  }
0x73: {  	[tilespmem:s5], [sflag:$0x1] =	stream.linear.gather [hbm4b:s6+s28], $0x80, $0x38;
	[tilespmem:$0x10400] =	vst v63  }
0x74: {  	s7 =	sadd.s32 s3, s7;
	s10 =	sand.u32 $0x1FFFFFF0, s25;
	s11 =	spop (v2sf)  }
0x75: {  	[tilespmem:s9], [sflag:$0x1] =	stream.linear.gather [hbm4b:s7+s28], $0x80, $0x38;
	[tilespmem:$0x10400] =	vst v63  }
0x76: {  	s5 =	sadd.s32 s3, s10;
	s6 =	sand.u32 $0x1FFFFFF0, s11;
	s12 =	spop (v2sf)  }
0x77: {  	[tilespmem:s17], [sflag:$0x1] =	stream.linear.gather [hbm4b:s5+s28], $0x80, $0x38;
	[tilespmem:$0x10400] =	vst v63  }
0x78: {  	s13 =	sand.u32 $0x1FFFFFF0, s12;
	s6 =	sadd.s32 s3, s6;
	s14 =	spop (v2sf)  }
0x79: {  	[tilespmem:s0], [sflag:$0x1] =	stream.linear.gather [hbm4b:s6+s28], $0x80, $0x38;
	[tilespmem:$0x10400] =	vst v63  }
0x7a: {  	s17 =	sand.u32 $0x1FFFFFF0, s14;
	s19 =	spop (v2sf);
	s5 =	sadd.s32 s3, s13  }
0x7b: {  	[tilespmem:s2], [sflag:$0x1] =	stream.linear.gather [hbm4b:s5+s28], $0x80, $0x38;
	[tilespmem:$0x10400] =	vst v63  }
0x7c: {  	s23 =	sadd.s32 $0xB00, s29;
	s21 =	sand.u32 $0x1FFFFFF0, s19;
	s0 =	sadd.s32 s3, s17  }
0x7d: {  	[tilespmem:s23], [sflag:$0x1] =	stream.linear.gather [hbm4b:s0+s28], $0x80, $0x38;
	[tilespmem:$0x10400] =	vst v63  }
0x7e: {  	s30 =	simm.s32 $0x80;
	s25 =	sadd.s32 $0xB80, s29;
	s2 =	sadd.s32 s3, s21  }
0x7f: {  	[tilespmem:s25], [sflag:$0x1] =	stream.linear.gather [hbm4b:s2+s28], $0x80, $0x38;
	[tilespmem:$0x10400] =	vst v63  }
0x80: {  	v0 =	vld [tilespmem:s30+$0x0];
	_ =	sdelay $0x4  }
0x81: {  	v0 =	vshll.u32 v0, $0x4  }
0x82: {  	(v2sf) =	vpush v0, $0x0  }
0x83: {  	(v2sf) =	vpush v0, $0x1  }
0x84: {  	(v2sf) =	vpush v0, $0x2;
	_ =	sdelay $0x1  }
0x85: {  	(v2sf) =	vpush v0, $0x4;
	_ =	sdelay $0x1  }
0x86: {  	(v2sf) =	vpush v0, $0x3  }
0x87: {  	(v2sf) =	vpush v0, $0x5  }
0x88: {  	s31 =	simm.s32 $0x2000;
	s29 =	simm.s32 $0x0;
	(v2sf) =	vpush v0, $0x6  }
.LBB2_4:
0x89: {  	p0 =	sne.s32 s31, $0xE000  }
0x8a: {  	s7 =	sadd.s32 $0x8480, s29;
	s19 =	sadd.s32 $0x8980, s29;
	s0 =	smov.u32 s31  }
0x8b: {  	s31 =	sadd.s32 $0x2000, s31;
	s25 =	sadd.s32 $0x8780, s29;
	s2 =	sadd.s32 $0x8A00, s29;
	(v2sf) =	vpush v0, $0x7  }
0x8c: {  	s6 =	sadd.s32 $0x8680, s29;
	s23 =	sadd.s32 $0x8800, s29;
	s17 =	sadd.s32 $0x8A80, s29  }
0x8d: {  	s8 =	sadd.s32 $0x8400, s29;
	s9 =	sadd.s32 $0x8600, s29;
	(v2sf) =	vpush v0, $0x8  }
0x8e: {  	s10 =	sadd.s32 $0x8700, s29;
	s30 =	sadd.s32 $0x10, s30  }
0x8f: {  	s11 =	sadd.s32 $0x8500, s29;
	s21 =	sadd.s32 $0x8900, s29;
	s5 =	spop (v2sf);
	(v2sf) =	vpush v0, $0x9  }
0x90: {  	s12 =	sand.u32 $0x1FFFFFF0, s5;
	s5 =	sadd.s32 $0x8880, s29;
	s13 =	spop (v2sf)  }
0x91: {  	s12 =	sadd.s32 s3, s12;
	s13 =	sand.u32 $0x1FFFFFF0, s13;
	s14 =	spop (v2sf);
	(v2sf) =	vpush v0, $0xA  }
0x92: {  	[tilespmem:s8], [sflag:$0x3] =	stream.linear.gather [hbm4b:s12+s28], $0x80, $0x38;
	[tilespmem:$0x10400] =	vst v63  }
0x93: {  	s8 =	sadd.s32 s3, s13;
	s12 =	sadd.s32 $0x8580, s29;
	s13 =	spop (v2sf);
	(v2sf) =	vpush v0, $0xB  }
0x94: {  	[tilespmem:s7], [sflag:$0x3] =	stream.linear.gather [hbm4b:s8+s28], $0x80, $0x38;
	[tilespmem:$0x10400] =	vst v63  }
0x95: {  	s7 =	sand.u32 $0x1FFFFFF0, s14;
	s8 =	sand.u32 $0x1FFFFFF0, s13;
	s13 =	spop (v2sf);
	(v2sf) =	vpush v0, $0xC  }
0x96: {  	s7 =	sadd.s32 s3, s7;
	s13 =	sand.u32 $0x1FFFFFF0, s13;
	s14 =	spop (v2sf)  }
0x97: {  	[tilespmem:s11], [sflag:$0x3] =	stream.linear.gather [hbm4b:s7+s28], $0x80, $0x38;
	(v2sf) =	vpush v0, $0xD;
	[tilespmem:$0x10400] =	vst v63  }
0x98: {  	s7 =	sadd.s32 s3, s13;
	s11 =	sand.u32 $0x1FFFFFF0, s14;
	s13 =	spop (v2sf)  }
0x99: {  	[tilespmem:s12], [sflag:$0x3] =	stream.linear.gather [hbm4b:s7+s28], $0x80, $0x38;
	(v2sf) =	vpush v0, $0xE;
	[tilespmem:$0x10400] =	vst v63  }
0x9a: {  	s7 =	sadd.s32 s3, s8;
	s8 =	sand.u32 $0x1FFFFFF0, s13;
	s12 =	spop (v2sf)  }
0x9b: {  	[tilespmem:s9], [sflag:$0x3] =	stream.linear.gather [hbm4b:s7+s28], $0x80, $0x38;
	(v2sf) =	vpush v0, $0xF;
	[tilespmem:$0x10400] =	vst v63  }
0x9c: {  	s7 =	sadd.s32 s3, s11;
	s9 =	sand.u32 $0x1FFFFFF0, s12;
	s11 =	spop (v2sf)  }
0x9d: {  	[tilespmem:s6], [sflag:$0x3] =	stream.linear.gather [hbm4b:s7+s28], $0x80, $0x38;
	[tilespmem:$0x10400] =	vst v63  }
0x9e: {  	s6 =	sadd.s32 s3, s8;
	s7 =	sand.u32 $0x1FFFFFF0, s11;
	s8 =	spop (v2sf)  }
0x9f: {  	[tilespmem:s10], [sflag:$0x3] =	stream.linear.gather [hbm4b:s6+s28], $0x80, $0x38;
	[tilespmem:$0x10400] =	vst v63  }
0xa0: {  	s6 =	sadd.s32 s3, s9;
	s8 =	sand.u32 $0x1FFFFFF0, s8;
	s9 =	spop (v2sf)  }
0xa1: {  	[tilespmem:s25], [sflag:$0x3] =	stream.linear.gather [hbm4b:s6+s28], $0x80, $0x38;
	[tilespmem:$0x10400] =	vst v63  }
0xa2: {  	s6 =	sadd.s32 s3, s7;
	s7 =	sand.u32 $0x1FFFFFF0, s9;
	s9 =	spop (v2sf)  }
0xa3: {  	[tilespmem:s23], [sflag:$0x3] =	stream.linear.gather [hbm4b:s6+s28], $0x80, $0x38;
	[tilespmem:$0x10400] =	vst v63  }
0xa4: {  	s6 =	sadd.s32 s3, s8;
	s8 =	sand.u32 $0x1FFFFFF0, s9;
	s9 =	spop (v2sf)  }
0xa5: {  	[tilespmem:s5], [sflag:$0x3] =	stream.linear.gather [hbm4b:s6+s28], $0x80, $0x38;
	[tilespmem:$0x10400] =	vst v63  }
0xa6: {  	s5 =	sadd.s32 s3, s7;
	s6 =	sand.u32 $0x1FFFFFF0, s9;
	s7 =	spop (v2sf)  }
0xa7: {  	[tilespmem:s21], [sflag:$0x3] =	stream.linear.gather [hbm4b:s5+s28], $0x80, $0x38;
	[tilespmem:$0x10400] =	vst v63  }
0xa8: {  	s5 =	sadd.s32 s3, s8;
	s7 =	sand.u32 $0x1FFFFFF0, s7;
	s8 =	spop (v2sf)  }
0xa9: {  	[tilespmem:s19], [sflag:$0x3] =	stream.linear.gather [hbm4b:s5+s28], $0x80, $0x38;
	[tilespmem:$0x10400] =	vst v63  }
0xaa: {  	s5 =	sadd.s32 s3, s6;
	s6 =	sand.u32 $0x1FFFFFF0, s8;
	s8 =	spop (v2sf)  }
0xab: {  	[tilespmem:s2], [sflag:$0x3] =	stream.linear.gather [hbm4b:s5+s28], $0x80, $0x38;
	[tilespmem:$0x10400] =	vst v63  }
0xac: {  	s2 =	sadd.s32 s3, s7;
	s5 =	sand.u32 $0x1FFFFFF0, s8  }
0xad: {  	[tilespmem:s17], [sflag:$0x3] =	stream.linear.gather [hbm4b:s2+s28], $0x80, $0x38;
	[tilespmem:$0x10400] =	vst v63  }
0xae: {  	s6 =	sadd.s32 s3, s6;
	s2 =	sadd.s32 $0x8B00, s29  }
0xaf: {  	[tilespmem:s2], [sflag:$0x3] =	stream.linear.gather [hbm4b:s6+s28], $0x80, $0x38;
	[tilespmem:$0x10400] =	vst v63  }
0xb0: {  	s5 =	sadd.s32 s3, s5;
	s2 =	sadd.s32 $0x8B80, s29  }
0xb1: {  	[tilespmem:s2], [sflag:$0x3] =	stream.linear.gather [hbm4b:s5+s28], $0x80, $0x38;
	[tilespmem:$0x10400] =	vst v63  }
0xb2: {  	v0 =	vld [tilespmem:s30+$0x0];
	_ =	sdelay $0x4  }
0xb3: {  	v0 =	vshll.u32 v0, $0x4  }
0xb4: {  	(v2sf) =	vpush v0, $0x0  }
0xb5: {  	(v2sf) =	vpush v0, $0x1  }
0xb6: {  	(v2sf) =	vpush v0, $0x2;
	_ =	sdelay $0x1  }
0xb7: {  	(v2sf) =	vpush v0, $0x4  }
.Ltmp1:
0xb8: {  	(pc) =	sbr.rel @p0 .LBB2_4-.Ltmp1, $3  }
0xb9: {  	(v2sf) =	vpush v0, $0x3  }
0xba: {  	(v2sf) =	vpush v0, $0x5;
	_ =	sdelay $0x1  }
0xbb: {  	s29 =	sshra.s32 s0, $0x2;
	(v2sf) =	vpush v0, $0x6  }
0xbc: {  	_ =	sdelay $0x1  }
0xbd: {  	s5 =	sadd.s32 $0x8480, s29;
	s17 =	sadd.s32 $0x8980, s29  }
0xbe: {  	s6 =	sadd.s32 $0x8780, s29;
	s0 =	sadd.s32 $0x8A00, s29;
	(v2sf) =	vpush v0, $0x7;
	s7 =	sadd.s32 $0x8680, s29  }
0xbf: {  	s8 =	sadd.s32 $0x8800, s29;
	s2 =	sadd.s32 $0x8A80, s29;
	s9 =	sadd.s32 $0x8400, s29  }
0xc0: {  	s10 =	sadd.s32 $0x8600, s29;
	s11 =	sadd.s32 $0x8700, s29;
	(v2sf) =	vpush v0, $0x8;
	s12 =	spop (v2sf)  }
0xc1: {  	s13 =	sadd.s32 $0x8500, s29;
	s12 =	sand.u32 $0x1FFFFFF0, s12;
	s14 =	spop (v2sf)  }
0xc2: {  	(v2sf) =	vpush v0, $0x9;
	s12 =	sadd.s32 s3, s12;
	s14 =	sand.u32 $0x1FFFFFF0, s14;
	s19 =	spop (v2sf)  }
0xc3: {  	[tilespmem:s9], [sflag:$0x3] =	stream.linear.gather [hbm4b:s12+s28], $0x80, $0x38;
	[tilespmem:$0x10400] =	vst v63  }
0xc4: {  	(v2sf) =	vpush v0, $0xA;
	s21 =	sadd.s32 s3, s14;
	s23 =	sand.u32 $0x1FFFFFF0, s19;
	s14 =	spop (v2sf)  }
0xc5: {  	[tilespmem:s5], [sflag:$0x3] =	stream.linear.gather [hbm4b:s21+s28], $0x80, $0x38;
	[tilespmem:$0x10400] =	vst v63  }
0xc6: {  	s9 =	sadd.s32 $0x8900, s29;
	(v2sf) =	vpush v0, $0xB;
	s12 =	sadd.s32 s3, s23;
	s25 =	spop (v2sf)  }
0xc7: {  	s5 =	sadd.s32 $0x8880, s29;
	s21 =	sadd.s32 $0x8580, s29;
	s19 =	sand.u32 $0x1FFFFFF0, s25  }
0xc8: {  	(v2sf) =	vpush v0, $0xC;
	[tilespmem:s13], [sflag:$0x3] =	stream.linear.gather [hbm4b:s12+s28], $0x80, $0x38;
	[tilespmem:$0x10400] =	vst v63  }
0xc9: {  	s12 =	sand.u32 $0x1FFFFFF0, s14;
	s23 =	spop (v2sf);
	s25 =	sadd.s32 s3, s19  }
0xca: {  	(v2sf) =	vpush v0, $0xD;
	[tilespmem:s21], [sflag:$0x3] =	stream.linear.gather [hbm4b:s25+s28], $0x80, $0x38;
	[tilespmem:$0x10400] =	vst v63  }
0xcb: {  	s13 =	sand.u32 $0x1FFFFFF0, s23;
	s12 =	sadd.s32 s3, s12;
	s19 =	spop (v2sf)  }
0xcc: {  	(v2sf) =	vpush v0, $0xE;
	[tilespmem:s10], [sflag:$0x3] =	stream.linear.gather [hbm4b:s12+s28], $0x80, $0x38;
	[tilespmem:$0x10400] =	vst v63  }
0xcd: {  	s13 =	sadd.s32 s3, s13;
	s21 =	sand.u32 $0x1FFFFFF0, s19;
	s23 =	spop (v2sf)  }
0xce: {  	(v2sf) =	vpush v0, $0xF;
	[tilespmem:s7], [sflag:$0x3] =	stream.linear.gather [hbm4b:s13+s28], $0x80, $0x38;
	[tilespmem:$0x10400] =	vst v63  }
0xcf: {  	s25 =	sand.u32 $0x1FFFFFF0, s23;
	s10 =	sadd.s32 s3, s21;
	s13 =	spop (v2sf)  }
0xd0: {  	[tilespmem:s11], [sflag:$0x3] =	stream.linear.gather [hbm4b:s10+s28], $0x80, $0x38;
	[tilespmem:$0x10400] =	vst v63  }
0xd1: {  	s7 =	sadd.s32 s3, s25;
	s14 =	sand.u32 $0x1FFFFFF0, s13;
	s19 =	spop (v2sf)  }
0xd2: {  	[tilespmem:s6], [sflag:$0x3] =	stream.linear.gather [hbm4b:s7+s28], $0x80, $0x38;
	[tilespmem:$0x10400] =	vst v63  }
0xd3: {  	s10 =	sadd.s32 s3, s14;
	s21 =	sand.u32 $0x1FFFFFF0, s19;
	s23 =	spop (v2sf)  }
0xd4: {  	[tilespmem:s8], [sflag:$0x3] =	stream.linear.gather [hbm4b:s10+s28], $0x80, $0x38;
	[tilespmem:$0x10400] =	vst v63  }
0xd5: {  	s7 =	sand.u32 $0x1FFFFFF0, s23;
	s6 =	sadd.s32 s3, s21;
	s25 =	spop (v2sf)  }
0xd6: {  	[tilespmem:s5], [sflag:$0x3] =	stream.linear.gather [hbm4b:s6+s28], $0x80, $0x38;
	[tilespmem:$0x10400] =	vst v63  }
0xd7: {  	s7 =	sadd.s32 s3, s7;
	s10 =	sand.u32 $0x1FFFFFF0, s25;
	s11 =	spop (v2sf)  }
0xd8: {  	[tilespmem:s9], [sflag:$0x3] =	stream.linear.gather [hbm4b:s7+s28], $0x80, $0x38;
	[tilespmem:$0x10400] =	vst v63  }
0xd9: {  	s5 =	sadd.s32 s3, s10;
	s6 =	sand.u32 $0x1FFFFFF0, s11;
	s12 =	spop (v2sf)  }
0xda: {  	[tilespmem:s17], [sflag:$0x3] =	stream.linear.gather [hbm4b:s5+s28], $0x80, $0x38;
	[tilespmem:$0x10400] =	vst v63  }
0xdb: {  	s13 =	sand.u32 $0x1FFFFFF0, s12;
	s6 =	sadd.s32 s3, s6;
	s14 =	spop (v2sf)  }
0xdc: {  	[tilespmem:s0], [sflag:$0x3] =	stream.linear.gather [hbm4b:s6+s28], $0x80, $0x38;
	[tilespmem:$0x10400] =	vst v63  }
0xdd: {  	s17 =	sand.u32 $0x1FFFFFF0, s14;
	s19 =	spop (v2sf);
	s5 =	sadd.s32 s3, s13  }
0xde: {  	[tilespmem:s2], [sflag:$0x3] =	stream.linear.gather [hbm4b:s5+s28], $0x80, $0x38;
	[tilespmem:$0x10400] =	vst v63  }
0xdf: {  	s23 =	sadd.s32 $0x8B00, s29;
	s21 =	sand.u32 $0x1FFFFFF0, s19;
	s0 =	sadd.s32 s3, s17  }
0xe0: {  	[tilespmem:s23], [sflag:$0x3] =	stream.linear.gather [hbm4b:s0+s28], $0x80, $0x38;
	[tilespmem:$0x10400] =	vst v63  }
0xe1: {  	s30 =	simm.s32 $0x200;
	s25 =	sadd.s32 $0x8B80, s29;
	s2 =	sadd.s32 s3, s21  }
0xe2: {  	[tilespmem:s25], [sflag:$0x3] =	stream.linear.gather [hbm4b:s2+s28], $0x80, $0x38;
	[tilespmem:$0x10400] =	vst v63  }
0xe3: {  	v0 =	vld [tilespmem:s30+$0x0];
	_ =	sdelay $0x4  }
0xe4: {  	v0 =	vshll.u32 v0, $0x4  }
0xe5: {  	(v2sf) =	vpush v0, $0x0  }
0xe6: {  	(v2sf) =	vpush v0, $0x1  }
0xe7: {  	(v2sf) =	vpush v0, $0x2;
	_ =	sdelay $0x1  }
0xe8: {  	(v2sf) =	vpush v0, $0x4;
	_ =	sdelay $0x1  }
0xe9: {  	(v2sf) =	vpush v0, $0x3  }
0xea: {  	(v2sf) =	vpush v0, $0x5  }
0xeb: {  	s31 =	simm.s32 $0x2000;
	s29 =	simm.s32 $0x0;
	(v2sf) =	vpush v0, $0x6  }
.LBB2_6:
0xec: {  	p0 =	sne.s32 s31, $0xE000  }
0xed: {  	s7 =	sadd.s32 $0x4480, s29;
	s19 =	sadd.s32 $0x4980, s29;
	s0 =	smov.u32 s31  }
0xee: {  	s31 =	sadd.s32 $0x2000, s31;
	s25 =	sadd.s32 $0x4780, s29;
	s2 =	sadd.s32 $0x4A00, s29;
	(v2sf) =	vpush v0, $0x7  }
0xef: {  	s6 =	sadd.s32 $0x4680, s29;
	s21 =	sadd.s32 $0x4800, s29;
	s17 =	sadd.s32 $0x4A80, s29  }
0xf0: {  	s8 =	sadd.s32 $0x4400, s29;
	s9 =	sadd.s32 $0x4600, s29;
	(v2sf) =	vpush v0, $0x8  }
0xf1: {  	s28 =	simm.s32 $0x0;
	s10 =	sadd.s32 $0x4700, s29;
	s30 =	sadd.s32 $0x10, s30  }
0xf2: {  	s11 =	sadd.s32 $0x4500, s29;
	s23 =	sadd.s32 $0x4900, s29;
	s5 =	spop (v2sf);
	(v2sf) =	vpush v0, $0x9  }
0xf3: {  	s12 =	sand.u32 $0x1FFFFFF0, s5;
	s5 =	sadd.s32 $0x4880, s29;
	s13 =	spop (v2sf)  }
0xf4: {  	s12 =	sadd.s32 s4, s12;
	s13 =	sand.u32 $0x1FFFFFF0, s13;
	s14 =	spop (v2sf);
	(v2sf) =	vpush v0, $0xA  }
0xf5: {  	[tilespmem:s8], [sflag:$0x2] =	stream.linear.gather [hbm4b:s12+s28], $0x80, $0x38;
	[tilespmem:$0x10400] =	vst v63  }
0xf6: {  	s8 =	sadd.s32 s4, s13;
	s12 =	sadd.s32 $0x4580, s29;
	s13 =	spop (v2sf);
	(v2sf) =	vpush v0, $0xB  }
0xf7: {  	[tilespmem:s7], [sflag:$0x2] =	stream.linear.gather [hbm4b:s8+s28], $0x80, $0x38;
	[tilespmem:$0x10400] =	vst v63  }
0xf8: {  	s7 =	sand.u32 $0x1FFFFFF0, s14;
	s8 =	sand.u32 $0x1FFFFFF0, s13;
	s13 =	spop (v2sf);
	(v2sf) =	vpush v0, $0xC  }
0xf9: {  	s7 =	sadd.s32 s4, s7;
	s13 =	sand.u32 $0x1FFFFFF0, s13;
	s14 =	spop (v2sf)  }
0xfa: {  	[tilespmem:s11], [sflag:$0x2] =	stream.linear.gather [hbm4b:s7+s28], $0x80, $0x38;
	(v2sf) =	vpush v0, $0xD;
	[tilespmem:$0x10400] =	vst v63  }
0xfb: {  	s7 =	sadd.s32 s4, s13;
	s11 =	sand.u32 $0x1FFFFFF0, s14;
	s13 =	spop (v2sf)  }
0xfc: {  	[tilespmem:s12], [sflag:$0x2] =	stream.linear.gather [hbm4b:s7+s28], $0x80, $0x38;
	(v2sf) =	vpush v0, $0xE;
	[tilespmem:$0x10400] =	vst v63  }
0xfd: {  	s7 =	sadd.s32 s4, s8;
	s8 =	sand.u32 $0x1FFFFFF0, s13;
	s12 =	spop (v2sf)  }
0xfe: {  	[tilespmem:s9], [sflag:$0x2] =	stream.linear.gather [hbm4b:s7+s28], $0x80, $0x38;
	(v2sf) =	vpush v0, $0xF;
	[tilespmem:$0x10400] =	vst v63  }
0xff: {  	s7 =	sadd.s32 s4, s11;
	s9 =	sand.u32 $0x1FFFFFF0, s12;
	s11 =	spop (v2sf)  }
0x100: {  	[tilespmem:s6], [sflag:$0x2] =	stream.linear.gather [hbm4b:s7+s28], $0x80, $0x38;
	[tilespmem:$0x10400] =	vst v63  }
0x101: {  	s6 =	sadd.s32 s4, s8;
	s7 =	sand.u32 $0x1FFFFFF0, s11;
	s8 =	spop (v2sf)  }
0x102: {  	[tilespmem:s10], [sflag:$0x2] =	stream.linear.gather [hbm4b:s6+s28], $0x80, $0x38;
	[tilespmem:$0x10400] =	vst v63  }
0x103: {  	s6 =	sadd.s32 s4, s9;
	s8 =	sand.u32 $0x1FFFFFF0, s8;
	s9 =	spop (v2sf)  }
0x104: {  	[tilespmem:s25], [sflag:$0x2] =	stream.linear.gather [hbm4b:s6+s28], $0x80, $0x38;
	[tilespmem:$0x10400] =	vst v63  }
0x105: {  	s6 =	sadd.s32 s4, s7;
	s7 =	sand.u32 $0x1FFFFFF0, s9;
	s9 =	spop (v2sf)  }
0x106: {  	[tilespmem:s21], [sflag:$0x2] =	stream.linear.gather [hbm4b:s6+s28], $0x80, $0x38;
	[tilespmem:$0x10400] =	vst v63  }
0x107: {  	s6 =	sadd.s32 s4, s8;
	s8 =	sand.u32 $0x1FFFFFF0, s9;
	s9 =	spop (v2sf)  }
0x108: {  	[tilespmem:s5], [sflag:$0x2] =	stream.linear.gather [hbm4b:s6+s28], $0x80, $0x38;
	[tilespmem:$0x10400] =	vst v63  }
0x109: {  	s5 =	sadd.s32 s4, s7;
	s6 =	sand.u32 $0x1FFFFFF0, s9;
	s7 =	spop (v2sf)  }
0x10a: {  	[tilespmem:s23], [sflag:$0x2] =	stream.linear.gather [hbm4b:s5+s28], $0x80, $0x38;
	[tilespmem:$0x10400] =	vst v63  }
0x10b: {  	s5 =	sadd.s32 s4, s8;
	s7 =	sand.u32 $0x1FFFFFF0, s7;
	s8 =	spop (v2sf)  }
0x10c: {  	[tilespmem:s19], [sflag:$0x2] =	stream.linear.gather [hbm4b:s5+s28], $0x80, $0x38;
	[tilespmem:$0x10400] =	vst v63  }
0x10d: {  	s5 =	sadd.s32 s4, s6;
	s6 =	sand.u32 $0x1FFFFFF0, s8;
	s8 =	spop (v2sf)  }
0x10e: {  	[tilespmem:s2], [sflag:$0x2] =	stream.linear.gather [hbm4b:s5+s28], $0x80, $0x38;
	[tilespmem:$0x10400] =	vst v63  }
0x10f: {  	s2 =	sadd.s32 s4, s7;
	s5 =	sand.u32 $0x1FFFFFF0, s8  }
0x110: {  	[tilespmem:s17], [sflag:$0x2] =	stream.linear.gather [hbm4b:s2+s28], $0x80, $0x38;
	[tilespmem:$0x10400] =	vst v63  }
0x111: {  	s6 =	sadd.s32 s4, s6;
	s2 =	sadd.s32 $0x4B00, s29  }
0x112: {  	[tilespmem:s2], [sflag:$0x2] =	stream.linear.gather [hbm4b:s6+s28], $0x80, $0x38;
	[tilespmem:$0x10400] =	vst v63  }
0x113: {  	s5 =	sadd.s32 s4, s5;
	s2 =	sadd.s32 $0x4B80, s29  }
0x114: {  	[tilespmem:s2], [sflag:$0x2] =	stream.linear.gather [hbm4b:s5+s28], $0x80, $0x38;
	[tilespmem:$0x10400] =	vst v63  }
0x115: {  	v0 =	vld [tilespmem:s30+$0x0];
	_ =	sdelay $0x4  }
0x116: {  	v0 =	vshll.u32 v0, $0x4  }
0x117: {  	(v2sf) =	vpush v0, $0x0  }
0x118: {  	(v2sf) =	vpush v0, $0x1  }
0x119: {  	(v2sf) =	vpush v0, $0x2;
	_ =	sdelay $0x1  }
0x11a: {  	(v2sf) =	vpush v0, $0x4  }
.Ltmp2:
0x11b: {  	(pc) =	sbr.rel @p0 .LBB2_6-.Ltmp2, $3  }
0x11c: {  	(v2sf) =	vpush v0, $0x3  }
0x11d: {  	(v2sf) =	vpush v0, $0x5;
	_ =	sdelay $0x1  }
0x11e: {  	s29 =	sshra.s32 s0, $0x2;
	(v2sf) =	vpush v0, $0x6  }
0x11f: {  	_ =	sdelay $0x1  }
0x120: {  	s5 =	sadd.s32 $0x4480, s29;
	s17 =	sadd.s32 $0x4980, s29  }
0x121: {  	s6 =	sadd.s32 $0x4780, s29;
	s0 =	sadd.s32 $0x4A00, s29;
	(v2sf) =	vpush v0, $0x7;
	s7 =	sadd.s32 $0x4680, s29  }
0x122: {  	s8 =	sadd.s32 $0x4800, s29;
	s2 =	sadd.s32 $0x4A80, s29;
	s9 =	sadd.s32 $0x4400, s29  }
0x123: {  	s10 =	sadd.s32 $0x4600, s29;
	s11 =	sadd.s32 $0x4700, s29;
	(v2sf) =	vpush v0, $0x8;
	s12 =	spop (v2sf)  }
0x124: {  	s13 =	sadd.s32 $0x4500, s29;
	s12 =	sand.u32 $0x1FFFFFF0, s12;
	s14 =	spop (v2sf)  }
0x125: {  	(v2sf) =	vpush v0, $0x9;
	s12 =	sadd.s32 s4, s12;
	s14 =	sand.u32 $0x1FFFFFF0, s14;
	s19 =	spop (v2sf)  }
0x126: {  	[tilespmem:s9], [sflag:$0x2] =	stream.linear.gather [hbm4b:s12+s28], $0x80, $0x38;
	[tilespmem:$0x10400] =	vst v63  }
0x127: {  	s21 =	sadd.s32 $0x4580, s29;
	(v2sf) =	vpush v0, $0xA;
	s25 =	sadd.s32 s4, s14;
	s31 =	spop (v2sf)  }
0x128: {  	[tilespmem:s5], [sflag:$0x2] =	stream.linear.gather [hbm4b:s25+s28], $0x80, $0x38;
	[tilespmem:$0x10400] =	vst v63  }
0x129: {  	s9 =	sadd.s32 $0x4900, s29;
	s19 =	sand.u32 $0x1FFFFFF0, s19;
	(v2sf) =	vpush v0, $0xB;
	s23 =	spop (v2sf)  }
0x12a: {  	s12 =	sadd.s32 s4, s19;
	s5 =	sadd.s32 $0x4880, s29;
	s19 =	sand.u32 $0x1FFFFFF0, s23  }
0x12b: {  	(v2sf) =	vpush v0, $0xC;
	[tilespmem:s13], [sflag:$0x2] =	stream.linear.gather [hbm4b:s12+s28], $0x80, $0x38;
	[tilespmem:$0x10400] =	vst v63  }
0x12c: {  	s25 =	sand.u32 $0x1FFFFFF0, s31;
	s31 =	spop (v2sf);
	s19 =	sadd.s32 s4, s19  }
0x12d: {  	(v2sf) =	vpush v0, $0xD;
	[tilespmem:s21], [sflag:$0x2] =	stream.linear.gather [hbm4b:s19+s28], $0x80, $0x38;
	[tilespmem:$0x10400] =	vst v63  }
0x12e: {  	s12 =	sadd.s32 s4, s25;
	s13 =	sand.u32 $0x1FFFFFF0, s31;
	s23 =	spop (v2sf)  }
0x12f: {  	(v2sf) =	vpush v0, $0xE;
	[tilespmem:s10], [sflag:$0x2] =	stream.linear.gather [hbm4b:s12+s28], $0x80, $0x38;
	[tilespmem:$0x10400] =	vst v63  }
0x130: {  	s13 =	sadd.s32 s4, s13;
	s25 =	sand.u32 $0x1FFFFFF0, s23;
	s31 =	spop (v2sf)  }
0x131: {  	(v2sf) =	vpush v0, $0xF;
	[tilespmem:s7], [sflag:$0x2] =	stream.linear.gather [hbm4b:s13+s28], $0x80, $0x38;
	[tilespmem:$0x10400] =	vst v63  }
0x132: {  	s14 =	sand.u32 $0x1FFFFFF0, s31;
	s19 =	spop (v2sf);
	s10 =	sadd.s32 s4, s25  }
0x133: {  	[tilespmem:s11], [sflag:$0x2] =	stream.linear.gather [hbm4b:s10+s28], $0x80, $0x38;
	[tilespmem:$0x10400] =	vst v63  }
0x134: {  	s21 =	sand.u32 $0x1FFFFFF0, s19;
	s7 =	sadd.s32 s4, s14;
	s23 =	spop (v2sf)  }
0x135: {  	[tilespmem:s6], [sflag:$0x2] =	stream.linear.gather [hbm4b:s7+s28], $0x80, $0x38;
	[tilespmem:$0x10400] =	vst v63  }
0x136: {  	s10 =	sadd.s32 s4, s21;
	s25 =	sand.u32 $0x1FFFFFF0, s23;
	s31 =	spop (v2sf)  }
0x137: {  	[tilespmem:s8], [sflag:$0x2] =	stream.linear.gather [hbm4b:s10+s28], $0x80, $0x38;
	[tilespmem:$0x10400] =	vst v63  }
0x138: {  	s7 =	sand.u32 $0x1FFFFFF0, s31;
	s6 =	sadd.s32 s4, s25;
	s10 =	spop (v2sf)  }
0x139: {  	[tilespmem:s5], [sflag:$0x2] =	stream.linear.gather [hbm4b:s6+s28], $0x80, $0x38;
	[tilespmem:$0x10400] =	vst v63  }
0x13a: {  	s7 =	sadd.s32 s4, s7;
	s11 =	sand.u32 $0x1FFFFFF0, s10;
	s12 =	spop (v2sf)  }
0x13b: {  	[tilespmem:s9], [sflag:$0x2] =	stream.linear.gather [hbm4b:s7+s28], $0x80, $0x38;
	[tilespmem:$0x10400] =	vst v63  }
0x13c: {  	s5 =	sadd.s32 s4, s11;
	s6 =	sand.u32 $0x1FFFFFF0, s12;
	s13 =	spop (v2sf)  }
0x13d: {  	[tilespmem:s17], [sflag:$0x2] =	stream.linear.gather [hbm4b:s5+s28], $0x80, $0x38;
	[tilespmem:$0x10400] =	vst v63  }
0x13e: {  	s14 =	sand.u32 $0x1FFFFFF0, s13;
	s6 =	sadd.s32 s4, s6;
	s17 =	spop (v2sf)  }
0x13f: {  	[tilespmem:s0], [sflag:$0x2] =	stream.linear.gather [hbm4b:s6+s28], $0x80, $0x38;
	[tilespmem:$0x10400] =	vst v63  }
0x140: {  	s5 =	sadd.s32 s4, s14;
	s19 =	sand.u32 $0x1FFFFFF0, s17;
	s21 =	spop (v2sf)  }
0x141: {  	[tilespmem:s2], [sflag:$0x2] =	stream.linear.gather [hbm4b:s5+s28], $0x80, $0x38;
	[tilespmem:$0x10400] =	vst v63  }
0x142: {  	s25 =	sadd.s32 $0x4B00, s29;
	s23 =	sand.u32 $0x1FFFFFF0, s21;
	s0 =	sadd.s32 s4, s19  }
0x143: {  	[tilespmem:s25], [sflag:$0x2] =	stream.linear.gather [hbm4b:s0+s28], $0x80, $0x38;
	[tilespmem:$0x10400] =	vst v63  }
0x144: {  	s31 =	sadd.s32 $0x4B80, s29;
	s29 =	simm.s32 $0x280;
	s2 =	sadd.s32 s4, s23  }
0x145: {  	[tilespmem:s31], [sflag:$0x2] =	stream.linear.gather [hbm4b:s2+s28], $0x80, $0x38;
	[tilespmem:$0x10400] =	vst v63  }
0x146: {  	v0 =	vld [tilespmem:s29+$0x0];
	_ =	sdelay $0x4  }
0x147: {  	v0 =	vshll.u32 v0, $0x4  }
0x148: {  	(v2sf) =	vpush v0, $0x0  }
0x149: {  	(v2sf) =	vpush v0, $0x1  }
0x14a: {  	(v2sf) =	vpush v0, $0x2;
	_ =	sdelay $0x1  }
0x14b: {  	(v2sf) =	vpush v0, $0x4;
	_ =	sdelay $0x1  }
0x14c: {  	(v2sf) =	vpush v0, $0x3  }
0x14d: {  	(v2sf) =	vpush v0, $0x5  }
0x14e: {  	s30 =	simm.s32 $0x2000;
	s28 =	simm.s32 $0x0;
	(v2sf) =	vpush v0, $0x6  }
.LBB2_8:
0x14f: {  	p0 =	sne.s32 s30, $0xE000  }
0x150: {  	s7 =	sadd.s32 $0xC480, s28;
	s19 =	sadd.s32 $0xC980, s28;
	s0 =	smov.u32 s30  }
0x151: {  	s30 =	sadd.s32 $0x2000, s30;
	s25 =	sadd.s32 $0xC780, s28;
	s2 =	sadd.s32 $0xCA00, s28;
	(v2sf) =	vpush v0, $0x7  }
0x152: {  	s6 =	sadd.s32 $0xC680, s28;
	s23 =	sadd.s32 $0xC800, s28;
	s17 =	sadd.s32 $0xCA80, s28  }
0x153: {  	s8 =	sadd.s32 $0xC400, s28;
	s9 =	sadd.s32 $0xC600, s28;
	(v2sf) =	vpush v0, $0x8  }
0x154: {  	s10 =	sadd.s32 $0xC700, s28;
	s29 =	sadd.s32 $0x10, s29  }
0x155: {  	s11 =	sadd.s32 $0xC500, s28;
	s21 =	sadd.s32 $0xC900, s28;
	s5 =	spop (v2sf);
	(v2sf) =	vpush v0, $0x9  }
0x156: {  	s12 =	sand.u32 $0x1FFFFFF0, s5;
	s5 =	sadd.s32 $0xC880, s28;
	s13 =	spop (v2sf)  }
0x157: {  	s12 =	sadd.s32 s4, s12;
	s13 =	sand.u32 $0x1FFFFFF0, s13;
	s14 =	spop (v2sf);
	(v2sf) =	vpush v0, $0xA  }
0x158: {  	[tilespmem:s8], [sflag:$0x4] =	stream.linear.gather [hbm4b:s12+s1], $0x80, $0x38;
	[tilespmem:$0x10400] =	vst v63  }
0x159: {  	s8 =	sadd.s32 s4, s13;
	s12 =	sadd.s32 $0xC580, s28;
	s13 =	spop (v2sf);
	(v2sf) =	vpush v0, $0xB  }
0x15a: {  	[tilespmem:s7], [sflag:$0x4] =	stream.linear.gather [hbm4b:s8+s1], $0x80, $0x38;
	[tilespmem:$0x10400] =	vst v63  }
0x15b: {  	s7 =	sand.u32 $0x1FFFFFF0, s14;
	s8 =	sand.u32 $0x1FFFFFF0, s13;
	s13 =	spop (v2sf);
	(v2sf) =	vpush v0, $0xC  }
0x15c: {  	s7 =	sadd.s32 s4, s7;
	s13 =	sand.u32 $0x1FFFFFF0, s13;
	s14 =	spop (v2sf)  }
0x15d: {  	[tilespmem:s11], [sflag:$0x4] =	stream.linear.gather [hbm4b:s7+s1], $0x80, $0x38;
	(v2sf) =	vpush v0, $0xD;
	[tilespmem:$0x10400] =	vst v63  }
0x15e: {  	s7 =	sadd.s32 s4, s13;
	s11 =	sand.u32 $0x1FFFFFF0, s14;
	s13 =	spop (v2sf)  }
0x15f: {  	[tilespmem:s12], [sflag:$0x4] =	stream.linear.gather [hbm4b:s7+s1], $0x80, $0x38;
	(v2sf) =	vpush v0, $0xE;
	[tilespmem:$0x10400] =	vst v63  }
0x160: {  	s7 =	sadd.s32 s4, s8;
	s8 =	sand.u32 $0x1FFFFFF0, s13;
	s12 =	spop (v2sf)  }
0x161: {  	[tilespmem:s9], [sflag:$0x4] =	stream.linear.gather [hbm4b:s7+s1], $0x80, $0x38;
	(v2sf) =	vpush v0, $0xF;
	[tilespmem:$0x10400] =	vst v63  }
0x162: {  	s7 =	sadd.s32 s4, s11;
	s9 =	sand.u32 $0x1FFFFFF0, s12;
	s11 =	spop (v2sf)  }
0x163: {  	[tilespmem:s6], [sflag:$0x4] =	stream.linear.gather [hbm4b:s7+s1], $0x80, $0x38;
	[tilespmem:$0x10400] =	vst v63  }
0x164: {  	s6 =	sadd.s32 s4, s8;
	s7 =	sand.u32 $0x1FFFFFF0, s11;
	s8 =	spop (v2sf)  }
0x165: {  	[tilespmem:s10], [sflag:$0x4] =	stream.linear.gather [hbm4b:s6+s1], $0x80, $0x38;
	[tilespmem:$0x10400] =	vst v63  }
0x166: {  	s6 =	sadd.s32 s4, s9;
	s8 =	sand.u32 $0x1FFFFFF0, s8;
	s9 =	spop (v2sf)  }
0x167: {  	[tilespmem:s25], [sflag:$0x4] =	stream.linear.gather [hbm4b:s6+s1], $0x80, $0x38;
	[tilespmem:$0x10400] =	vst v63  }
0x168: {  	s6 =	sadd.s32 s4, s7;
	s7 =	sand.u32 $0x1FFFFFF0, s9;
	s9 =	spop (v2sf)  }
0x169: {  	[tilespmem:s23], [sflag:$0x4] =	stream.linear.gather [hbm4b:s6+s1], $0x80, $0x38;
	[tilespmem:$0x10400] =	vst v63  }
0x16a: {  	s6 =	sadd.s32 s4, s8;
	s8 =	sand.u32 $0x1FFFFFF0, s9;
	s9 =	spop (v2sf)  }
0x16b: {  	[tilespmem:s5], [sflag:$0x4] =	stream.linear.gather [hbm4b:s6+s1], $0x80, $0x38;
	[tilespmem:$0x10400] =	vst v63  }
0x16c: {  	s5 =	sadd.s32 s4, s7;
	s6 =	sand.u32 $0x1FFFFFF0, s9;
	s7 =	spop (v2sf)  }
0x16d: {  	[tilespmem:s21], [sflag:$0x4] =	stream.linear.gather [hbm4b:s5+s1], $0x80, $0x38;
	[tilespmem:$0x10400] =	vst v63  }
0x16e: {  	s5 =	sadd.s32 s4, s8;
	s7 =	sand.u32 $0x1FFFFFF0, s7;
	s8 =	spop (v2sf)  }
0x16f: {  	[tilespmem:s19], [sflag:$0x4] =	stream.linear.gather [hbm4b:s5+s1], $0x80, $0x38;
	[tilespmem:$0x10400] =	vst v63  }
0x170: {  	s5 =	sadd.s32 s4, s6;
	s6 =	sand.u32 $0x1FFFFFF0, s8;
	s8 =	spop (v2sf)  }
0x171: {  	[tilespmem:s2], [sflag:$0x4] =	stream.linear.gather [hbm4b:s5+s1], $0x80, $0x38;
	[tilespmem:$0x10400] =	vst v63  }
0x172: {  	s2 =	sadd.s32 s4, s7;
	s5 =	sand.u32 $0x1FFFFFF0, s8  }
0x173: {  	[tilespmem:s17], [sflag:$0x4] =	stream.linear.gather [hbm4b:s2+s1], $0x80, $0x38;
	[tilespmem:$0x10400] =	vst v63  }
0x174: {  	s6 =	sadd.s32 s4, s6;
	s2 =	sadd.s32 $0xCB00, s28  }
0x175: {  	[tilespmem:s2], [sflag:$0x4] =	stream.linear.gather [hbm4b:s6+s1], $0x80, $0x38;
	[tilespmem:$0x10400] =	vst v63  }
0x176: {  	s5 =	sadd.s32 s4, s5;
	s2 =	sadd.s32 $0xCB80, s28  }
0x177: {  	[tilespmem:s2], [sflag:$0x4] =	stream.linear.gather [hbm4b:s5+s1], $0x80, $0x38;
	[tilespmem:$0x10400] =	vst v63  }
0x178: {  	v0 =	vld [tilespmem:s29+$0x0];
	_ =	sdelay $0x4  }
0x179: {  	v0 =	vshll.u32 v0, $0x4  }
0x17a: {  	(v2sf) =	vpush v0, $0x0  }
0x17b: {  	(v2sf) =	vpush v0, $0x1  }
0x17c: {  	(v2sf) =	vpush v0, $0x2;
	_ =	sdelay $0x1  }
0x17d: {  	(v2sf) =	vpush v0, $0x4  }
.Ltmp3:
0x17e: {  	(pc) =	sbr.rel @p0 .LBB2_8-.Ltmp3, $3  }
0x17f: {  	(v2sf) =	vpush v0, $0x3  }
0x180: {  	(v2sf) =	vpush v0, $0x5;
	_ =	sdelay $0x1  }
0x181: {  	s28 =	sshra.s32 s0, $0x2;
	(v2sf) =	vpush v0, $0x6  }
0x182: {  	_ =	sdelay $0x1  }
0x183: {  	s5 =	sadd.s32 $0xC480, s28;
	s17 =	sadd.s32 $0xC980, s28  }
0x184: {  	s6 =	sadd.s32 $0xC780, s28;
	s0 =	sadd.s32 $0xCA00, s28;
	(v2sf) =	vpush v0, $0x7;
	s7 =	sadd.s32 $0xC680, s28  }
0x185: {  	s8 =	sadd.s32 $0xC800, s28;
	s2 =	sadd.s32 $0xCA80, s28;
	s9 =	sadd.s32 $0xC400, s28  }
0x186: {  	s10 =	sadd.s32 $0xC600, s28;
	s11 =	sadd.s32 $0xC700, s28;
	(v2sf) =	vpush v0, $0x8;
	s12 =	spop (v2sf)  }
0x187: {  	s13 =	sadd.s32 $0xC500, s28;
	s12 =	sand.u32 $0x1FFFFFF0, s12;
	s14 =	spop (v2sf)  }
0x188: {  	(v2sf) =	vpush v0, $0x9;
	s12 =	sadd.s32 s4, s12;
	s14 =	sand.u32 $0x1FFFFFF0, s14;
	s19 =	spop (v2sf)  }
0x189: {  	[tilespmem:s9], [sflag:$0x4] =	stream.linear.gather [hbm4b:s12+s1], $0x80, $0x38;
	[tilespmem:$0x10400] =	vst v63  }
0x18a: {  	s21 =	sadd.s32 $0xC580, s28;
	(v2sf) =	vpush v0, $0xA;
	s23 =	sadd.s32 s4, s14;
	s25 =	spop (v2sf)  }
0x18b: {  	[tilespmem:s5], [sflag:$0x4] =	stream.linear.gather [hbm4b:s23+s1], $0x80, $0x38;
	[tilespmem:$0x10400] =	vst v63  }
0x18c: {  	s9 =	sadd.s32 $0xC900, s28;
	s19 =	sand.u32 $0x1FFFFFF0, s19;
	(v2sf) =	vpush v0, $0xB;
	s23 =	spop (v2sf)  }
0x18d: {  	s12 =	sadd.s32 s4, s19;
	s5 =	sadd.s32 $0xC880, s28;
	s19 =	sand.u32 $0x1FFFFFF0, s23  }
0x18e: {  	(v2sf) =	vpush v0, $0xC;
	[tilespmem:s13], [sflag:$0x4] =	stream.linear.gather [hbm4b:s12+s1], $0x80, $0x38;
	[tilespmem:$0x10400] =	vst v63  }
0x18f: {  	s12 =	sand.u32 $0x1FFFFFF0, s25;
	s25 =	spop (v2sf);
	s23 =	sadd.s32 s4, s19  }
0x190: {  	(v2sf) =	vpush v0, $0xD;
	[tilespmem:s21], [sflag:$0x4] =	stream.linear.gather [hbm4b:s23+s1], $0x80, $0x38;
	[tilespmem:$0x10400] =	vst v63  }
0x191: {  	s13 =	sand.u32 $0x1FFFFFF0, s25;
	s12 =	sadd.s32 s4, s12;
	s25 =	spop (v2sf)  }
0x192: {  	(v2sf) =	vpush v0, $0xE;
	[tilespmem:s10], [sflag:$0x4] =	stream.linear.gather [hbm4b:s12+s1], $0x80, $0x38;
	[tilespmem:$0x10400] =	vst v63  }
0x193: {  	s13 =	sadd.s32 s4, s13;
	s19 =	sand.u32 $0x1FFFFFF0, s25;
	s21 =	spop (v2sf)  }
0x194: {  	(v2sf) =	vpush v0, $0xF;
	[tilespmem:s7], [sflag:$0x4] =	stream.linear.gather [hbm4b:s13+s1], $0x80, $0x38;
	[tilespmem:$0x10400] =	vst v63  }
0x195: {  	s23 =	sand.u32 $0x1FFFFFF0, s21;
	s25 =	spop (v2sf);
	s10 =	sadd.s32 s4, s19  }
0x196: {  	[tilespmem:s11], [sflag:$0x4] =	stream.linear.gather [hbm4b:s10+s1], $0x80, $0x38;
	[tilespmem:$0x10400] =	vst v63  }
0x197: {  	s13 =	sand.u32 $0x1FFFFFF0, s25;
	s7 =	sadd.s32 s4, s23;
	s14 =	spop (v2sf)  }
0x198: {  	[tilespmem:s6], [sflag:$0x4] =	stream.linear.gather [hbm4b:s7+s1], $0x80, $0x38;
	[tilespmem:$0x10400] =	vst v63  }
0x199: {  	s10 =	sadd.s32 s4, s13;
	s19 =	sand.u32 $0x1FFFFFF0, s14;
	s21 =	spop (v2sf)  }
0x19a: {  	[tilespmem:s8], [sflag:$0x4] =	stream.linear.gather [hbm4b:s10+s1], $0x80, $0x38;
	[tilespmem:$0x10400] =	vst v63  }
0x19b: {  	s7 =	sand.u32 $0x1FFFFFF0, s21;
	s6 =	sadd.s32 s4, s19;
	s23 =	spop (v2sf)  }
0x19c: {  	[tilespmem:s5], [sflag:$0x4] =	stream.linear.gather [hbm4b:s6+s1], $0x80, $0x38;
	[tilespmem:$0x10400] =	vst v63  }
0x19d: {  	s7 =	sadd.s32 s4, s7;
	s25 =	sand.u32 $0x1FFFFFF0, s23;
	s8 =	spop (v2sf)  }
0x19e: {  	[tilespmem:s9], [sflag:$0x4] =	stream.linear.gather [hbm4b:s7+s1], $0x80, $0x38;
	[tilespmem:$0x10400] =	vst v63  }
0x19f: {  	s5 =	sadd.s32 s4, s25;
	s6 =	sand.u32 $0x1FFFFFF0, s8;
	s10 =	spop (v2sf)  }
0x1a0: {  	[tilespmem:s17], [sflag:$0x4] =	stream.linear.gather [hbm4b:s5+s1], $0x80, $0x38;
	[tilespmem:$0x10400] =	vst v63  }
0x1a1: {  	s11 =	sand.u32 $0x1FFFFFF0, s10;
	s6 =	sadd.s32 s4, s6;
	s12 =	spop (v2sf)  }
0x1a2: {  	[tilespmem:s0], [sflag:$0x4] =	stream.linear.gather [hbm4b:s6+s1], $0x80, $0x38;
	[tilespmem:$0x10400] =	vst v63  }
0x1a3: {  	s13 =	sand.u32 $0x1FFFFFF0, s12;
	s14 =	spop (v2sf);
	s5 =	sadd.s32 s4, s11  }
0x1a4: {  	[tilespmem:s2], [sflag:$0x4] =	stream.linear.gather [hbm4b:s5+s1], $0x80, $0x38;
	[tilespmem:$0x10400] =	vst v63  }
0x1a5: {  	s19 =	sadd.s32 $0xCB00, s28;
	s17 =	sand.u32 $0x1FFFFFF0, s14;
	s0 =	sadd.s32 s4, s13  }
0x1a6: {  	[tilespmem:s19], [sflag:$0x4] =	stream.linear.gather [hbm4b:s0+s1], $0x80, $0x38;
	[tilespmem:$0x10400] =	vst v63  }
0x1a7: {  	s21 =	sadd.s32 $0xCB80, s28;
	s2 =	sadd.s32 s4, s17  }
0x1a8: {  	[tilespmem:s21], [sflag:$0x4] =	stream.linear.gather [hbm4b:s2+s1], $0x80, $0x38;
	[tilespmem:$0x10400] =	vst v63  }
0x1a9: {  	_ =	swait.ge [sflag:s18], $0x4000  }
0x1aa: {  	s31 =	simm.s32 $0x400;
	[sflag:s18] =	ssyncset.done $0x0  }
0x1ab: {  	s23 =	simm.s32 $0x0;
	s25 =	rddreg [dreg:$0x6];
	[sflag:s18] =	ssyncadd.s32 $0xFFFFC000  }
0x1ac: {  	[hbm4b:s25+s23] =	stream.linear.scatter [tilespmem:s31], [sflag:$0x5], $0x4000, $0x38;
	[tilespmem:$0x10400] =	vst v63  }
0x1ad: {  	_ =	swait.ge [sflag:s16], $0x4000  }
0x1ae: {  	[sflag:s16] =	ssyncset.done $0x0  }
0x1af: {  	s29 =	simm.s32 $0x100;
	[sflag:s16] =	ssyncadd.s32 $0xFFFFC000  }
0x1b0: {  	v0 =	vld [tilespmem:s29+$0x0];
	_ =	sdelay $0x4  }
0x1b1: {  	v0 =	vshll.u32 v0, $0x4  }
0x1b2: {  	(v2sf) =	vpush v0, $0x0  }
0x1b3: {  	(v2sf) =	vpush v0, $0x1  }
0x1b4: {  	(v2sf) =	vpush v0, $0x2;
	_ =	sdelay $0x1  }
0x1b5: {  	(v2sf) =	vpush v0, $0x4;
	_ =	sdelay $0x1  }
0x1b6: {  	(v2sf) =	vpush v0, $0x3  }
0x1b7: {  	(v2sf) =	vpush v0, $0x5  }
0x1b8: {  	s30 =	simm.s32 $0x2000;
	s28 =	simm.s32 $0x0;
	(v2sf) =	vpush v0, $0x6  }
.LBB2_10:
0x1b9: {  	p0 =	sne.s32 s30, $0xE000  }
0x1ba: {  	s7 =	sadd.s32 $0x480, s28;
	s19 =	sadd.s32 $0x980, s28;
	s0 =	smov.u32 s30  }
0x1bb: {  	s30 =	sadd.s32 $0x2000, s30;
	s25 =	sadd.s32 $0x780, s28;
	s2 =	sadd.s32 $0xA00, s28;
	(v2sf) =	vpush v0, $0x7  }
0x1bc: {  	s6 =	sadd.s32 $0x680, s28;
	s23 =	sadd.s32 $0x800, s28;
	s17 =	sadd.s32 $0xA80, s28  }
0x1bd: {  	s8 =	sadd.s32 $0x400, s28;
	s9 =	sadd.s32 $0x600, s28;
	(v2sf) =	vpush v0, $0x8  }
0x1be: {  	s10 =	sadd.s32 $0x700, s28;
	s29 =	sadd.s32 $0x10, s29  }
0x1bf: {  	s11 =	sadd.s32 $0x500, s28;
	s21 =	sadd.s32 $0x900, s28;
	s5 =	spop (v2sf);
	(v2sf) =	vpush v0, $0x9  }
0x1c0: {  	s12 =	sand.u32 $0x1FFFFFF0, s5;
	s5 =	sadd.s32 $0x880, s28;
	s13 =	spop (v2sf)  }
0x1c1: {  	s12 =	sadd.s32 s3, s12;
	s13 =	sand.u32 $0x1FFFFFF0, s13;
	s14 =	spop (v2sf);
	(v2sf) =	vpush v0, $0xA  }
0x1c2: {  	[tilespmem:s8], [sflag:$0x1] =	stream.linear.gather [hbm4b:s12+s1], $0x80, $0x38;
	[tilespmem:$0x10400] =	vst v63  }
0x1c3: {  	s8 =	sadd.s32 s3, s13;
	s12 =	sadd.s32 $0x580, s28;
	s13 =	spop (v2sf);
	(v2sf) =	vpush v0, $0xB  }
0x1c4: {  	[tilespmem:s7], [sflag:$0x1] =	stream.linear.gather [hbm4b:s8+s1], $0x80, $0x38;
	[tilespmem:$0x10400] =	vst v63  }
0x1c5: {  	s7 =	sand.u32 $0x1FFFFFF0, s14;
	s8 =	sand.u32 $0x1FFFFFF0, s13;
	s13 =	spop (v2sf);
	(v2sf) =	vpush v0, $0xC  }
0x1c6: {  	s7 =	sadd.s32 s3, s7;
	s13 =	sand.u32 $0x1FFFFFF0, s13;
	s14 =	spop (v2sf)  }
0x1c7: {  	[tilespmem:s11], [sflag:$0x1] =	stream.linear.gather [hbm4b:s7+s1], $0x80, $0x38;
	(v2sf) =	vpush v0, $0xD;
	[tilespmem:$0x10400] =	vst v63  }
0x1c8: {  	s7 =	sadd.s32 s3, s13;
	s11 =	sand.u32 $0x1FFFFFF0, s14;
	s13 =	spop (v2sf)  }
0x1c9: {  	[tilespmem:s12], [sflag:$0x1] =	stream.linear.gather [hbm4b:s7+s1], $0x80, $0x38;
	(v2sf) =	vpush v0, $0xE;
	[tilespmem:$0x10400] =	vst v63  }
0x1ca: {  	s7 =	sadd.s32 s3, s8;
	s8 =	sand.u32 $0x1FFFFFF0, s13;
	s12 =	spop (v2sf)  }
0x1cb: {  	[tilespmem:s9], [sflag:$0x1] =	stream.linear.gather [hbm4b:s7+s1], $0x80, $0x38;
	(v2sf) =	vpush v0, $0xF;
	[tilespmem:$0x10400] =	vst v63  }
0x1cc: {  	s7 =	sadd.s32 s3, s11;
	s9 =	sand.u32 $0x1FFFFFF0, s12;
	s11 =	spop (v2sf)  }
0x1cd: {  	[tilespmem:s6], [sflag:$0x1] =	stream.linear.gather [hbm4b:s7+s1], $0x80, $0x38;
	[tilespmem:$0x10400] =	vst v63  }
0x1ce: {  	s6 =	sadd.s32 s3, s8;
	s7 =	sand.u32 $0x1FFFFFF0, s11;
	s8 =	spop (v2sf)  }
0x1cf: {  	[tilespmem:s10], [sflag:$0x1] =	stream.linear.gather [hbm4b:s6+s1], $0x80, $0x38;
	[tilespmem:$0x10400] =	vst v63  }
0x1d0: {  	s6 =	sadd.s32 s3, s9;
	s8 =	sand.u32 $0x1FFFFFF0, s8;
	s9 =	spop (v2sf)  }
0x1d1: {  	[tilespmem:s25], [sflag:$0x1] =	stream.linear.gather [hbm4b:s6+s1], $0x80, $0x38;
	[tilespmem:$0x10400] =	vst v63  }
0x1d2: {  	s6 =	sadd.s32 s3, s7;
	s7 =	sand.u32 $0x1FFFFFF0, s9;
	s9 =	spop (v2sf)  }
0x1d3: {  	[tilespmem:s23], [sflag:$0x1] =	stream.linear.gather [hbm4b:s6+s1], $0x80, $0x38;
	[tilespmem:$0x10400] =	vst v63  }
0x1d4: {  	s6 =	sadd.s32 s3, s8;
	s8 =	sand.u32 $0x1FFFFFF0, s9;
	s9 =	spop (v2sf)  }
0x1d5: {  	[tilespmem:s5], [sflag:$0x1] =	stream.linear.gather [hbm4b:s6+s1], $0x80, $0x38;
	[tilespmem:$0x10400] =	vst v63  }
0x1d6: {  	s5 =	sadd.s32 s3, s7;
	s6 =	sand.u32 $0x1FFFFFF0, s9;
	s7 =	spop (v2sf)  }
0x1d7: {  	[tilespmem:s21], [sflag:$0x1] =	stream.linear.gather [hbm4b:s5+s1], $0x80, $0x38;
	[tilespmem:$0x10400] =	vst v63  }
0x1d8: {  	s5 =	sadd.s32 s3, s8;
	s7 =	sand.u32 $0x1FFFFFF0, s7;
	s8 =	spop (v2sf)  }
0x1d9: {  	[tilespmem:s19], [sflag:$0x1] =	stream.linear.gather [hbm4b:s5+s1], $0x80, $0x38;
	[tilespmem:$0x10400] =	vst v63  }
0x1da: {  	s5 =	sadd.s32 s3, s6;
	s6 =	sand.u32 $0x1FFFFFF0, s8;
	s8 =	spop (v2sf)  }
0x1db: {  	[tilespmem:s2], [sflag:$0x1] =	stream.linear.gather [hbm4b:s5+s1], $0x80, $0x38;
	[tilespmem:$0x10400] =	vst v63  }
0x1dc: {  	s2 =	sadd.s32 s3, s7;
	s5 =	sand.u32 $0x1FFFFFF0, s8  }
0x1dd: {  	[tilespmem:s17], [sflag:$0x1] =	stream.linear.gather [hbm4b:s2+s1], $0x80, $0x38;
	[tilespmem:$0x10400] =	vst v63  }
0x1de: {  	s6 =	sadd.s32 s3, s6;
	s2 =	sadd.s32 $0xB00, s28  }
0x1df: {  	[tilespmem:s2], [sflag:$0x1] =	stream.linear.gather [hbm4b:s6+s1], $0x80, $0x38;
	[tilespmem:$0x10400] =	vst v63  }
0x1e0: {  	s5 =	sadd.s32 s3, s5;
	s2 =	sadd.s32 $0xB80, s28  }
0x1e1: {  	[tilespmem:s2], [sflag:$0x1] =	stream.linear.gather [hbm4b:s5+s1], $0x80, $0x38;
	[tilespmem:$0x10400] =	vst v63  }
0x1e2: {  	v0 =	vld [tilespmem:s29+$0x0];
	_ =	sdelay $0x4  }
0x1e3: {  	v0 =	vshll.u32 v0, $0x4  }
0x1e4: {  	(v2sf) =	vpush v0, $0x0  }
0x1e5: {  	(v2sf) =	vpush v0, $0x1  }
0x1e6: {  	(v2sf) =	vpush v0, $0x2;
	_ =	sdelay $0x1  }
0x1e7: {  	(v2sf) =	vpush v0, $0x4  }
.Ltmp4:
0x1e8: {  	(pc) =	sbr.rel @p0 .LBB2_10-.Ltmp4, $3  }
0x1e9: {  	(v2sf) =	vpush v0, $0x3  }
0x1ea: {  	(v2sf) =	vpush v0, $0x5;
	_ =	sdelay $0x1  }
0x1eb: {  	s28 =	sshra.s32 s0, $0x2;
	(v2sf) =	vpush v0, $0x6  }
0x1ec: {  	_ =	sdelay $0x1  }
0x1ed: {  	s5 =	sadd.s32 $0x480, s28;
	s17 =	sadd.s32 $0x980, s28  }
0x1ee: {  	s6 =	sadd.s32 $0x780, s28;
	s0 =	sadd.s32 $0xA00, s28;
	(v2sf) =	vpush v0, $0x7;
	s7 =	sadd.s32 $0x680, s28  }
0x1ef: {  	s8 =	sadd.s32 $0x800, s28;
	s2 =	sadd.s32 $0xA80, s28;
	s9 =	sadd.s32 $0x400, s28  }
0x1f0: {  	s10 =	sadd.s32 $0x600, s28;
	s11 =	sadd.s32 $0x700, s28;
	(v2sf) =	vpush v0, $0x8;
	s12 =	spop (v2sf)  }
0x1f1: {  	s13 =	sadd.s32 $0x500, s28;
	s12 =	sand.u32 $0x1FFFFFF0, s12;
	s14 =	spop (v2sf)  }
0x1f2: {  	(v2sf) =	vpush v0, $0x9;
	s12 =	sadd.s32 s3, s12;
	s14 =	sand.u32 $0x1FFFFFF0, s14;
	s19 =	spop (v2sf)  }
0x1f3: {  	[tilespmem:s9], [sflag:$0x1] =	stream.linear.gather [hbm4b:s12+s1], $0x80, $0x38;
	[tilespmem:$0x10400] =	vst v63  }
0x1f4: {  	s21 =	sadd.s32 $0x580, s28;
	(v2sf) =	vpush v0, $0xA;
	s23 =	sadd.s32 s3, s14;
	s25 =	spop (v2sf)  }
0x1f5: {  	[tilespmem:s5], [sflag:$0x1] =	stream.linear.gather [hbm4b:s23+s1], $0x80, $0x38;
	[tilespmem:$0x10400] =	vst v63  }
0x1f6: {  	s9 =	sadd.s32 $0x900, s28;
	s19 =	sand.u32 $0x1FFFFFF0, s19;
	(v2sf) =	vpush v0, $0xB;
	s23 =	spop (v2sf)  }
0x1f7: {  	s12 =	sadd.s32 s3, s19;
	s5 =	sadd.s32 $0x880, s28;
	s19 =	sand.u32 $0x1FFFFFF0, s23  }
0x1f8: {  	(v2sf) =	vpush v0, $0xC;
	[tilespmem:s13], [sflag:$0x1] =	stream.linear.gather [hbm4b:s12+s1], $0x80, $0x38;
	[tilespmem:$0x10400] =	vst v63  }
0x1f9: {  	s12 =	sand.u32 $0x1FFFFFF0, s25;
	s25 =	spop (v2sf);
	s23 =	sadd.s32 s3, s19  }
0x1fa: {  	(v2sf) =	vpush v0, $0xD;
	[tilespmem:s21], [sflag:$0x1] =	stream.linear.gather [hbm4b:s23+s1], $0x80, $0x38;
	[tilespmem:$0x10400] =	vst v63  }
0x1fb: {  	s13 =	sand.u32 $0x1FFFFFF0, s25;
	s12 =	sadd.s32 s3, s12;
	s25 =	spop (v2sf)  }
0x1fc: {  	(v2sf) =	vpush v0, $0xE;
	[tilespmem:s10], [sflag:$0x1] =	stream.linear.gather [hbm4b:s12+s1], $0x80, $0x38;
	[tilespmem:$0x10400] =	vst v63  }
0x1fd: {  	s13 =	sadd.s32 s3, s13;
	s19 =	sand.u32 $0x1FFFFFF0, s25;
	s21 =	spop (v2sf)  }
0x1fe: {  	(v2sf) =	vpush v0, $0xF;
	[tilespmem:s7], [sflag:$0x1] =	stream.linear.gather [hbm4b:s13+s1], $0x80, $0x38;
	[tilespmem:$0x10400] =	vst v63  }
0x1ff: {  	s23 =	sand.u32 $0x1FFFFFF0, s21;
	s25 =	spop (v2sf);
	s10 =	sadd.s32 s3, s19  }
0x200: {  	[tilespmem:s11], [sflag:$0x1] =	stream.linear.gather [hbm4b:s10+s1], $0x80, $0x38;
	[tilespmem:$0x10400] =	vst v63  }
0x201: {  	s13 =	sand.u32 $0x1FFFFFF0, s25;
	s7 =	sadd.s32 s3, s23;
	s14 =	spop (v2sf)  }
0x202: {  	[tilespmem:s6], [sflag:$0x1] =	stream.linear.gather [hbm4b:s7+s1], $0x80, $0x38;
	[tilespmem:$0x10400] =	vst v63  }
0x203: {  	s10 =	sadd.s32 s3, s13;
	s19 =	sand.u32 $0x1FFFFFF0, s14;
	s21 =	spop (v2sf)  }
0x204: {  	[tilespmem:s8], [sflag:$0x1] =	stream.linear.gather [hbm4b:s10+s1], $0x80, $0x38;
	[tilespmem:$0x10400] =	vst v63  }
0x205: {  	s7 =	sand.u32 $0x1FFFFFF0, s21;
	s6 =	sadd.s32 s3, s19;
	s23 =	spop (v2sf)  }
0x206: {  	[tilespmem:s5], [sflag:$0x1] =	stream.linear.gather [hbm4b:s6+s1], $0x80, $0x38;
	[tilespmem:$0x10400] =	vst v63  }
0x207: {  	s7 =	sadd.s32 s3, s7;
	s25 =	sand.u32 $0x1FFFFFF0, s23;
	s8 =	spop (v2sf)  }
0x208: {  	[tilespmem:s9], [sflag:$0x1] =	stream.linear.gather [hbm4b:s7+s1], $0x80, $0x38;
	[tilespmem:$0x10400] =	vst v63  }
0x209: {  	s5 =	sadd.s32 s3, s25;
	s6 =	sand.u32 $0x1FFFFFF0, s8;
	s9 =	spop (v2sf)  }
0x20a: {  	[tilespmem:s17], [sflag:$0x1] =	stream.linear.gather [hbm4b:s5+s1], $0x80, $0x38;
	[tilespmem:$0x10400] =	vst v63  }
0x20b: {  	s6 =	sadd.s32 s3, s6;
	s10 =	sand.u32 $0x1FFFFFF0, s9;
	s11 =	spop (v2sf)  }
0x20c: {  	[tilespmem:s0], [sflag:$0x1] =	stream.linear.gather [hbm4b:s6+s1], $0x80, $0x38;
	[tilespmem:$0x10400] =	vst v63  }
0x20d: {  	s12 =	sand.u32 $0x1FFFFFF0, s11;
	s13 =	spop (v2sf);
	s5 =	sadd.s32 s3, s10  }
0x20e: {  	[tilespmem:s2], [sflag:$0x1] =	stream.linear.gather [hbm4b:s5+s1], $0x80, $0x38;
	[tilespmem:$0x10400] =	vst v63  }
0x20f: {  	s17 =	sadd.s32 $0xB00, s28;
	s14 =	sand.u32 $0x1FFFFFF0, s13;
	s0 =	sadd.s32 s3, s12  }
0x210: {  	[tilespmem:s17], [sflag:$0x1] =	stream.linear.gather [hbm4b:s0+s1], $0x80, $0x38;
	[tilespmem:$0x10400] =	vst v63  }
0x211: {  	s19 =	sadd.s32 $0xB80, s28;
	s2 =	sadd.s32 s3, s14  }
0x212: {  	[tilespmem:s19], [sflag:$0x1] =	stream.linear.gather [hbm4b:s2+s1], $0x80, $0x38;
	[tilespmem:$0x10400] =	vst v63  }
0x213: {  	_ =	swait.ge [sflag:s20], $0x4000  }
0x214: {  	s21 =	simm.s32 $0x0;
	[sflag:s20] =	ssyncset.done $0x0  }
0x215: {  	s25 =	simm.s32 $0x4400;
	s23 =	rddreg [dreg:$0x7];
	[sflag:s20] =	ssyncadd.s32 $0xFFFFC000  }
0x216: {  	[hbm4b:s23+s21] =	stream.linear.scatter [tilespmem:s25], [sflag:$0x5], $0x4000, $0x38;
	[tilespmem:$0x10400] =	vst v63  }
0x217: {  	_ =	swait.ge [sflag:s16], $0x4000  }
0x218: {  	[sflag:s16] =	ssyncset.done $0x0  }
0x219: {  	s29 =	simm.s32 $0x300;
	[sflag:s16] =	ssyncadd.s32 $0xFFFFC000  }
0x21a: {  	v0 =	vld [tilespmem:s29+$0x0];
	_ =	sdelay $0x4  }
0x21b: {  	v0 =	vshll.u32 v0, $0x4  }
0x21c: {  	(v2sf) =	vpush v0, $0x0  }
0x21d: {  	(v2sf) =	vpush v0, $0x1  }
0x21e: {  	(v2sf) =	vpush v0, $0x2;
	_ =	sdelay $0x1  }
0x21f: {  	(v2sf) =	vpush v0, $0x4;
	_ =	sdelay $0x1  }
0x220: {  	(v2sf) =	vpush v0, $0x3  }
0x221: {  	(v2sf) =	vpush v0, $0x5  }
0x222: {  	s30 =	simm.s32 $0x2000;
	s28 =	simm.s32 $0x0;
	(v2sf) =	vpush v0, $0x6  }
.LBB2_12:
0x223: {  	p0 =	sne.s32 s30, $0xE000  }
0x224: {  	s7 =	sadd.s32 $0x4480, s28;
	s19 =	sadd.s32 $0x4980, s28;
	s0 =	smov.u32 s30  }
0x225: {  	s30 =	sadd.s32 $0x2000, s30;
	s25 =	sadd.s32 $0x4780, s28;
	s2 =	sadd.s32 $0x4A00, s28;
	(v2sf) =	vpush v0, $0x7  }
0x226: {  	s6 =	sadd.s32 $0x4680, s28;
	s23 =	sadd.s32 $0x4800, s28;
	s17 =	sadd.s32 $0x4A80, s28  }
0x227: {  	s8 =	sadd.s32 $0x4400, s28;
	s9 =	sadd.s32 $0x4600, s28;
	(v2sf) =	vpush v0, $0x8  }
0x228: {  	s10 =	sadd.s32 $0x4700, s28;
	s29 =	sadd.s32 $0x10, s29  }
0x229: {  	s11 =	sadd.s32 $0x4500, s28;
	s21 =	sadd.s32 $0x4900, s28;
	s5 =	spop (v2sf);
	(v2sf) =	vpush v0, $0x9  }
0x22a: {  	s12 =	sand.u32 $0x1FFFFFF0, s5;
	s5 =	sadd.s32 $0x4880, s28;
	s13 =	spop (v2sf)  }
0x22b: {  	s12 =	sadd.s32 s4, s12;
	s13 =	sand.u32 $0x1FFFFFF0, s13;
	s14 =	spop (v2sf);
	(v2sf) =	vpush v0, $0xA  }
0x22c: {  	[tilespmem:s8], [sflag:$0x2] =	stream.linear.gather [hbm4b:s12+s1], $0x80, $0x38;
	[tilespmem:$0x10400] =	vst v63  }
0x22d: {  	s8 =	sadd.s32 s4, s13;
	s12 =	sadd.s32 $0x4580, s28;
	s13 =	spop (v2sf);
	(v2sf) =	vpush v0, $0xB  }
0x22e: {  	[tilespmem:s7], [sflag:$0x2] =	stream.linear.gather [hbm4b:s8+s1], $0x80, $0x38;
	[tilespmem:$0x10400] =	vst v63  }
0x22f: {  	s7 =	sand.u32 $0x1FFFFFF0, s14;
	s8 =	sand.u32 $0x1FFFFFF0, s13;
	s13 =	spop (v2sf);
	(v2sf) =	vpush v0, $0xC  }
0x230: {  	s7 =	sadd.s32 s4, s7;
	s13 =	sand.u32 $0x1FFFFFF0, s13;
	s14 =	spop (v2sf)  }
0x231: {  	[tilespmem:s11], [sflag:$0x2] =	stream.linear.gather [hbm4b:s7+s1], $0x80, $0x38;
	(v2sf) =	vpush v0, $0xD;
	[tilespmem:$0x10400] =	vst v63  }
0x232: {  	s7 =	sadd.s32 s4, s13;
	s11 =	sand.u32 $0x1FFFFFF0, s14;
	s13 =	spop (v2sf)  }
0x233: {  	[tilespmem:s12], [sflag:$0x2] =	stream.linear.gather [hbm4b:s7+s1], $0x80, $0x38;
	(v2sf) =	vpush v0, $0xE;
	[tilespmem:$0x10400] =	vst v63  }
0x234: {  	s7 =	sadd.s32 s4, s8;
	s8 =	sand.u32 $0x1FFFFFF0, s13;
	s12 =	spop (v2sf)  }
0x235: {  	[tilespmem:s9], [sflag:$0x2] =	stream.linear.gather [hbm4b:s7+s1], $0x80, $0x38;
	(v2sf) =	vpush v0, $0xF;
	[tilespmem:$0x10400] =	vst v63  }
0x236: {  	s7 =	sadd.s32 s4, s11;
	s9 =	sand.u32 $0x1FFFFFF0, s12;
	s11 =	spop (v2sf)  }
0x237: {  	[tilespmem:s6], [sflag:$0x2] =	stream.linear.gather [hbm4b:s7+s1], $0x80, $0x38;
	[tilespmem:$0x10400] =	vst v63  }
0x238: {  	s6 =	sadd.s32 s4, s8;
	s7 =	sand.u32 $0x1FFFFFF0, s11;
	s8 =	spop (v2sf)  }
0x239: {  	[tilespmem:s10], [sflag:$0x2] =	stream.linear.gather [hbm4b:s6+s1], $0x80, $0x38;
	[tilespmem:$0x10400] =	vst v63  }
0x23a: {  	s6 =	sadd.s32 s4, s9;
	s8 =	sand.u32 $0x1FFFFFF0, s8;
	s9 =	spop (v2sf)  }
0x23b: {  	[tilespmem:s25], [sflag:$0x2] =	stream.linear.gather [hbm4b:s6+s1], $0x80, $0x38;
	[tilespmem:$0x10400] =	vst v63  }
0x23c: {  	s6 =	sadd.s32 s4, s7;
	s7 =	sand.u32 $0x1FFFFFF0, s9;
	s9 =	spop (v2sf)  }
0x23d: {  	[tilespmem:s23], [sflag:$0x2] =	stream.linear.gather [hbm4b:s6+s1], $0x80, $0x38;
	[tilespmem:$0x10400] =	vst v63  }
0x23e: {  	s6 =	sadd.s32 s4, s8;
	s8 =	sand.u32 $0x1FFFFFF0, s9;
	s9 =	spop (v2sf)  }
0x23f: {  	[tilespmem:s5], [sflag:$0x2] =	stream.linear.gather [hbm4b:s6+s1], $0x80, $0x38;
	[tilespmem:$0x10400] =	vst v63  }
0x240: {  	s5 =	sadd.s32 s4, s7;
	s6 =	sand.u32 $0x1FFFFFF0, s9;
	s7 =	spop (v2sf)  }
0x241: {  	[tilespmem:s21], [sflag:$0x2] =	stream.linear.gather [hbm4b:s5+s1], $0x80, $0x38;
	[tilespmem:$0x10400] =	vst v63  }
0x242: {  	s5 =	sadd.s32 s4, s8;
	s7 =	sand.u32 $0x1FFFFFF0, s7;
	s8 =	spop (v2sf)  }
0x243: {  	[tilespmem:s19], [sflag:$0x2] =	stream.linear.gather [hbm4b:s5+s1], $0x80, $0x38;
	[tilespmem:$0x10400] =	vst v63  }
0x244: {  	s5 =	sadd.s32 s4, s6;
	s6 =	sand.u32 $0x1FFFFFF0, s8;
	s8 =	spop (v2sf)  }
0x245: {  	[tilespmem:s2], [sflag:$0x2] =	stream.linear.gather [hbm4b:s5+s1], $0x80, $0x38;
	[tilespmem:$0x10400] =	vst v63  }
0x246: {  	s2 =	sadd.s32 s4, s7;
	s5 =	sand.u32 $0x1FFFFFF0, s8  }
0x247: {  	[tilespmem:s17], [sflag:$0x2] =	stream.linear.gather [hbm4b:s2+s1], $0x80, $0x38;
	[tilespmem:$0x10400] =	vst v63  }
0x248: {  	s6 =	sadd.s32 s4, s6;
	s2 =	sadd.s32 $0x4B00, s28  }
0x249: {  	[tilespmem:s2], [sflag:$0x2] =	stream.linear.gather [hbm4b:s6+s1], $0x80, $0x38;
	[tilespmem:$0x10400] =	vst v63  }
0x24a: {  	s5 =	sadd.s32 s4, s5;
	s2 =	sadd.s32 $0x4B80, s28  }
0x24b: {  	[tilespmem:s2], [sflag:$0x2] =	stream.linear.gather [hbm4b:s5+s1], $0x80, $0x38;
	[tilespmem:$0x10400] =	vst v63  }
0x24c: {  	v0 =	vld [tilespmem:s29+$0x0];
	_ =	sdelay $0x4  }
0x24d: {  	v0 =	vshll.u32 v0, $0x4  }
0x24e: {  	(v2sf) =	vpush v0, $0x0  }
0x24f: {  	(v2sf) =	vpush v0, $0x1  }
0x250: {  	(v2sf) =	vpush v0, $0x2;
	_ =	sdelay $0x1  }
0x251: {  	(v2sf) =	vpush v0, $0x4  }
.Ltmp5:
0x252: {  	(pc) =	sbr.rel @p0 .LBB2_12-.Ltmp5, $3  }
0x253: {  	(v2sf) =	vpush v0, $0x3  }
0x254: {  	(v2sf) =	vpush v0, $0x5;
	_ =	sdelay $0x1  }
0x255: {  	s28 =	sshra.s32 s0, $0x2;
	(v2sf) =	vpush v0, $0x6  }
0x256: {  	_ =	sdelay $0x1  }
0x257: {  	s5 =	sadd.s32 $0x4480, s28;
	s17 =	sadd.s32 $0x4980, s28  }
0x258: {  	s6 =	sadd.s32 $0x4780, s28;
	s0 =	sadd.s32 $0x4A00, s28;
	(v2sf) =	vpush v0, $0x7;
	s7 =	sadd.s32 $0x4680, s28  }
0x259: {  	s8 =	sadd.s32 $0x4800, s28;
	s2 =	sadd.s32 $0x4A80, s28;
	s9 =	sadd.s32 $0x4400, s28  }
0x25a: {  	s10 =	sadd.s32 $0x4600, s28;
	s11 =	sadd.s32 $0x4700, s28;
	(v2sf) =	vpush v0, $0x8;
	s12 =	spop (v2sf)  }
0x25b: {  	s13 =	sadd.s32 $0x4500, s28;
	s12 =	sand.u32 $0x1FFFFFF0, s12;
	s14 =	spop (v2sf)  }
0x25c: {  	(v2sf) =	vpush v0, $0x9;
	s12 =	sadd.s32 s4, s12;
	s14 =	sand.u32 $0x1FFFFFF0, s14;
	s19 =	spop (v2sf)  }
0x25d: {  	[tilespmem:s9], [sflag:$0x2] =	stream.linear.gather [hbm4b:s12+s1], $0x80, $0x38;
	[tilespmem:$0x10400] =	vst v63  }
0x25e: {  	s21 =	sadd.s32 $0x4580, s28;
	(v2sf) =	vpush v0, $0xA;
	s23 =	sadd.s32 s4, s14;
	s25 =	spop (v2sf)  }
0x25f: {  	[tilespmem:s5], [sflag:$0x2] =	stream.linear.gather [hbm4b:s23+s1], $0x80, $0x38;
	[tilespmem:$0x10400] =	vst v63  }
0x260: {  	s9 =	sadd.s32 $0x4900, s28;
	s19 =	sand.u32 $0x1FFFFFF0, s19;
	(v2sf) =	vpush v0, $0xB;
	s23 =	spop (v2sf)  }
0x261: {  	s12 =	sadd.s32 s4, s19;
	s5 =	sadd.s32 $0x4880, s28;
	s19 =	sand.u32 $0x1FFFFFF0, s23  }
0x262: {  	(v2sf) =	vpush v0, $0xC;
	[tilespmem:s13], [sflag:$0x2] =	stream.linear.gather [hbm4b:s12+s1], $0x80, $0x38;
	[tilespmem:$0x10400] =	vst v63  }
0x263: {  	s12 =	sand.u32 $0x1FFFFFF0, s25;
	s25 =	spop (v2sf);
	s23 =	sadd.s32 s4, s19  }
0x264: {  	(v2sf) =	vpush v0, $0xD;
	[tilespmem:s21], [sflag:$0x2] =	stream.linear.gather [hbm4b:s23+s1], $0x80, $0x38;
	[tilespmem:$0x10400] =	vst v63  }
0x265: {  	s13 =	sand.u32 $0x1FFFFFF0, s25;
	s12 =	sadd.s32 s4, s12;
	s25 =	spop (v2sf)  }
0x266: {  	(v2sf) =	vpush v0, $0xE;
	[tilespmem:s10], [sflag:$0x2] =	stream.linear.gather [hbm4b:s12+s1], $0x80, $0x38;
	[tilespmem:$0x10400] =	vst v63  }
0x267: {  	s13 =	sadd.s32 s4, s13;
	s19 =	sand.u32 $0x1FFFFFF0, s25;
	s21 =	spop (v2sf)  }
0x268: {  	(v2sf) =	vpush v0, $0xF;
	[tilespmem:s7], [sflag:$0x2] =	stream.linear.gather [hbm4b:s13+s1], $0x80, $0x38;
	[tilespmem:$0x10400] =	vst v63  }
0x269: {  	s23 =	sand.u32 $0x1FFFFFF0, s21;
	s25 =	spop (v2sf);
	s10 =	sadd.s32 s4, s19  }
0x26a: {  	[tilespmem:s11], [sflag:$0x2] =	stream.linear.gather [hbm4b:s10+s1], $0x80, $0x38;
	[tilespmem:$0x10400] =	vst v63  }
0x26b: {  	s13 =	sand.u32 $0x1FFFFFF0, s25;
	s7 =	sadd.s32 s4, s23;
	s14 =	spop (v2sf)  }
0x26c: {  	[tilespmem:s6], [sflag:$0x2] =	stream.linear.gather [hbm4b:s7+s1], $0x80, $0x38;
	[tilespmem:$0x10400] =	vst v63  }
0x26d: {  	s10 =	sadd.s32 s4, s13;
	s19 =	sand.u32 $0x1FFFFFF0, s14;
	s21 =	spop (v2sf)  }
0x26e: {  	[tilespmem:s8], [sflag:$0x2] =	stream.linear.gather [hbm4b:s10+s1], $0x80, $0x38;
	[tilespmem:$0x10400] =	vst v63  }
0x26f: {  	s7 =	sand.u32 $0x1FFFFFF0, s21;
	s6 =	sadd.s32 s4, s19;
	s23 =	spop (v2sf)  }
0x270: {  	[tilespmem:s5], [sflag:$0x2] =	stream.linear.gather [hbm4b:s6+s1], $0x80, $0x38;
	[tilespmem:$0x10400] =	vst v63  }
0x271: {  	s7 =	sadd.s32 s4, s7;
	s25 =	sand.u32 $0x1FFFFFF0, s23;
	s8 =	spop (v2sf)  }
0x272: {  	[tilespmem:s9], [sflag:$0x2] =	stream.linear.gather [hbm4b:s7+s1], $0x80, $0x38;
	[tilespmem:$0x10400] =	vst v63  }
0x273: {  	s5 =	sadd.s32 s4, s25;
	s6 =	sand.u32 $0x1FFFFFF0, s8;
	s9 =	spop (v2sf)  }
0x274: {  	[tilespmem:s17], [sflag:$0x2] =	stream.linear.gather [hbm4b:s5+s1], $0x80, $0x38;
	[tilespmem:$0x10400] =	vst v63  }
0x275: {  	s6 =	sadd.s32 s4, s6;
	s10 =	sand.u32 $0x1FFFFFF0, s9;
	s11 =	spop (v2sf)  }
0x276: {  	[tilespmem:s0], [sflag:$0x2] =	stream.linear.gather [hbm4b:s6+s1], $0x80, $0x38;
	[tilespmem:$0x10400] =	vst v63  }
0x277: {  	s12 =	sand.u32 $0x1FFFFFF0, s11;
	s13 =	spop (v2sf);
	s5 =	sadd.s32 s4, s10  }
0x278: {  	[tilespmem:s2], [sflag:$0x2] =	stream.linear.gather [hbm4b:s5+s1], $0x80, $0x38;
	[tilespmem:$0x10400] =	vst v63  }
0x279: {  	s17 =	sadd.s32 $0x4B00, s28;
	s14 =	sand.u32 $0x1FFFFFF0, s13;
	s0 =	sadd.s32 s4, s12  }
0x27a: {  	[tilespmem:s17], [sflag:$0x2] =	stream.linear.gather [hbm4b:s0+s1], $0x80, $0x38;
	[tilespmem:$0x10400] =	vst v63  }
0x27b: {  	s19 =	sadd.s32 $0x4B80, s28;
	s2 =	sadd.s32 s4, s14  }
0x27c: {  	[tilespmem:s19], [sflag:$0x2] =	stream.linear.gather [hbm4b:s2+s1], $0x80, $0x38;
	[tilespmem:$0x10400] =	vst v63  }
0x27d: {  	_ =	swait.ge [sflag:s22], $0x4000  }
0x27e: {  	s21 =	simm.s32 $0x0;
	[sflag:s22] =	ssyncset.done $0x0  }
0x27f: {  	s25 =	simm.s32 $0x8400;
	s23 =	rddreg [dreg:$0x8];
	[sflag:s22] =	ssyncadd.s32 $0xFFFFC000  }
0x280: {  	[hbm4b:s23+s21] =	stream.linear.scatter [tilespmem:s25], [sflag:$0x5], $0x4000, $0x38;
	[tilespmem:$0x10400] =	vst v63  }
0x281: {  	_ =	swait.ge [sflag:s16], $0x4000  }
0x282: {  	[sflag:s16] =	ssyncset.done $0x0  }
0x283: {  	s29 =	simm.s32 $0x180;
	[sflag:s16] =	ssyncadd.s32 $0xFFFFC000  }
0x284: {  	v0 =	vld [tilespmem:s29+$0x0];
	_ =	sdelay $0x4  }
0x285: {  	v0 =	vshll.u32 v0, $0x4  }
0x286: {  	(v2sf) =	vpush v0, $0x0  }
0x287: {  	(v2sf) =	vpush v0, $0x1  }
0x288: {  	(v2sf) =	vpush v0, $0x2;
	_ =	sdelay $0x1  }
0x289: {  	(v2sf) =	vpush v0, $0x4;
	_ =	sdelay $0x1  }
0x28a: {  	(v2sf) =	vpush v0, $0x3  }
0x28b: {  	(v2sf) =	vpush v0, $0x5  }
0x28c: {  	s30 =	simm.s32 $0x2000;
	s28 =	simm.s32 $0x0;
	(v2sf) =	vpush v0, $0x6  }
.LBB2_14:
0x28d: {  	p0 =	sne.s32 s30, $0xE000  }
0x28e: {  	s7 =	sadd.s32 $0x8480, s28;
	s19 =	sadd.s32 $0x8980, s28;
	s0 =	smov.u32 s30  }
0x28f: {  	s30 =	sadd.s32 $0x2000, s30;
	s25 =	sadd.s32 $0x8780, s28;
	s2 =	sadd.s32 $0x8A00, s28;
	(v2sf) =	vpush v0, $0x7  }
0x290: {  	s6 =	sadd.s32 $0x8680, s28;
	s23 =	sadd.s32 $0x8800, s28;
	s17 =	sadd.s32 $0x8A80, s28  }
0x291: {  	s8 =	sadd.s32 $0x8400, s28;
	s9 =	sadd.s32 $0x8600, s28;
	(v2sf) =	vpush v0, $0x8  }
0x292: {  	s10 =	sadd.s32 $0x8700, s28;
	s29 =	sadd.s32 $0x10, s29  }
0x293: {  	s11 =	sadd.s32 $0x8500, s28;
	s21 =	sadd.s32 $0x8900, s28;
	s5 =	spop (v2sf);
	(v2sf) =	vpush v0, $0x9  }
0x294: {  	s12 =	sand.u32 $0x1FFFFFF0, s5;
	s5 =	sadd.s32 $0x8880, s28;
	s13 =	spop (v2sf)  }
0x295: {  	s12 =	sadd.s32 s3, s12;
	s13 =	sand.u32 $0x1FFFFFF0, s13;
	s14 =	spop (v2sf);
	(v2sf) =	vpush v0, $0xA  }
0x296: {  	[tilespmem:s8], [sflag:$0x3] =	stream.linear.gather [hbm4b:s12+s1], $0x80, $0x38;
	[tilespmem:$0x10400] =	vst v63  }
0x297: {  	s8 =	sadd.s32 s3, s13;
	s12 =	sadd.s32 $0x8580, s28;
	s13 =	spop (v2sf);
	(v2sf) =	vpush v0, $0xB  }
0x298: {  	[tilespmem:s7], [sflag:$0x3] =	stream.linear.gather [hbm4b:s8+s1], $0x80, $0x38;
	[tilespmem:$0x10400] =	vst v63  }
0x299: {  	s7 =	sand.u32 $0x1FFFFFF0, s14;
	s8 =	sand.u32 $0x1FFFFFF0, s13;
	s13 =	spop (v2sf);
	(v2sf) =	vpush v0, $0xC  }
0x29a: {  	s7 =	sadd.s32 s3, s7;
	s13 =	sand.u32 $0x1FFFFFF0, s13;
	s14 =	spop (v2sf)  }
0x29b: {  	[tilespmem:s11], [sflag:$0x3] =	stream.linear.gather [hbm4b:s7+s1], $0x80, $0x38;
	(v2sf) =	vpush v0, $0xD;
	[tilespmem:$0x10400] =	vst v63  }
0x29c: {  	s7 =	sadd.s32 s3, s13;
	s11 =	sand.u32 $0x1FFFFFF0, s14;
	s13 =	spop (v2sf)  }
0x29d: {  	[tilespmem:s12], [sflag:$0x3] =	stream.linear.gather [hbm4b:s7+s1], $0x80, $0x38;
	(v2sf) =	vpush v0, $0xE;
	[tilespmem:$0x10400] =	vst v63  }
0x29e: {  	s7 =	sadd.s32 s3, s8;
	s8 =	sand.u32 $0x1FFFFFF0, s13;
	s12 =	spop (v2sf)  }
0x29f: {  	[tilespmem:s9], [sflag:$0x3] =	stream.linear.gather [hbm4b:s7+s1], $0x80, $0x38;
	(v2sf) =	vpush v0, $0xF;
	[tilespmem:$0x10400] =	vst v63  }
0x2a0: {  	s7 =	sadd.s32 s3, s11;
	s9 =	sand.u32 $0x1FFFFFF0, s12;
	s11 =	spop (v2sf)  }
0x2a1: {  	[tilespmem:s6], [sflag:$0x3] =	stream.linear.gather [hbm4b:s7+s1], $0x80, $0x38;
	[tilespmem:$0x10400] =	vst v63  }
0x2a2: {  	s6 =	sadd.s32 s3, s8;
	s7 =	sand.u32 $0x1FFFFFF0, s11;
	s8 =	spop (v2sf)  }
0x2a3: {  	[tilespmem:s10], [sflag:$0x3] =	stream.linear.gather [hbm4b:s6+s1], $0x80, $0x38;
	[tilespmem:$0x10400] =	vst v63  }
0x2a4: {  	s6 =	sadd.s32 s3, s9;
	s8 =	sand.u32 $0x1FFFFFF0, s8;
	s9 =	spop (v2sf)  }
0x2a5: {  	[tilespmem:s25], [sflag:$0x3] =	stream.linear.gather [hbm4b:s6+s1], $0x80, $0x38;
	[tilespmem:$0x10400] =	vst v63  }
0x2a6: {  	s6 =	sadd.s32 s3, s7;
	s7 =	sand.u32 $0x1FFFFFF0, s9;
	s9 =	spop (v2sf)  }
0x2a7: {  	[tilespmem:s23], [sflag:$0x3] =	stream.linear.gather [hbm4b:s6+s1], $0x80, $0x38;
	[tilespmem:$0x10400] =	vst v63  }
0x2a8: {  	s6 =	sadd.s32 s3, s8;
	s8 =	sand.u32 $0x1FFFFFF0, s9;
	s9 =	spop (v2sf)  }
0x2a9: {  	[tilespmem:s5], [sflag:$0x3] =	stream.linear.gather [hbm4b:s6+s1], $0x80, $0x38;
	[tilespmem:$0x10400] =	vst v63  }
0x2aa: {  	s5 =	sadd.s32 s3, s7;
	s6 =	sand.u32 $0x1FFFFFF0, s9;
	s7 =	spop (v2sf)  }
0x2ab: {  	[tilespmem:s21], [sflag:$0x3] =	stream.linear.gather [hbm4b:s5+s1], $0x80, $0x38;
	[tilespmem:$0x10400] =	vst v63  }
0x2ac: {  	s5 =	sadd.s32 s3, s8;
	s7 =	sand.u32 $0x1FFFFFF0, s7;
	s8 =	spop (v2sf)  }
0x2ad: {  	[tilespmem:s19], [sflag:$0x3] =	stream.linear.gather [hbm4b:s5+s1], $0x80, $0x38;
	[tilespmem:$0x10400] =	vst v63  }
0x2ae: {  	s5 =	sadd.s32 s3, s6;
	s6 =	sand.u32 $0x1FFFFFF0, s8;
	s8 =	spop (v2sf)  }
0x2af: {  	[tilespmem:s2], [sflag:$0x3] =	stream.linear.gather [hbm4b:s5+s1], $0x80, $0x38;
	[tilespmem:$0x10400] =	vst v63  }
0x2b0: {  	s2 =	sadd.s32 s3, s7;
	s5 =	sand.u32 $0x1FFFFFF0, s8  }
0x2b1: {  	[tilespmem:s17], [sflag:$0x3] =	stream.linear.gather [hbm4b:s2+s1], $0x80, $0x38;
	[tilespmem:$0x10400] =	vst v63  }
0x2b2: {  	s6 =	sadd.s32 s3, s6;
	s2 =	sadd.s32 $0x8B00, s28  }
0x2b3: {  	[tilespmem:s2], [sflag:$0x3] =	stream.linear.gather [hbm4b:s6+s1], $0x80, $0x38;
	[tilespmem:$0x10400] =	vst v63  }
0x2b4: {  	s5 =	sadd.s32 s3, s5;
	s2 =	sadd.s32 $0x8B80, s28  }
0x2b5: {  	[tilespmem:s2], [sflag:$0x3] =	stream.linear.gather [hbm4b:s5+s1], $0x80, $0x38;
	[tilespmem:$0x10400] =	vst v63  }
0x2b6: {  	v0 =	vld [tilespmem:s29+$0x0];
	_ =	sdelay $0x4  }
0x2b7: {  	v0 =	vshll.u32 v0, $0x4  }
0x2b8: {  	(v2sf) =	vpush v0, $0x0  }
0x2b9: {  	(v2sf) =	vpush v0, $0x1  }
0x2ba: {  	(v2sf) =	vpush v0, $0x2;
	_ =	sdelay $0x1  }
0x2bb: {  	(v2sf) =	vpush v0, $0x4  }
.Ltmp6:
0x2bc: {  	(pc) =	sbr.rel @p0 .LBB2_14-.Ltmp6, $3  }
0x2bd: {  	(v2sf) =	vpush v0, $0x3  }
0x2be: {  	(v2sf) =	vpush v0, $0x5;
	_ =	sdelay $0x1  }
0x2bf: {  	s28 =	sshra.s32 s0, $0x2;
	(v2sf) =	vpush v0, $0x6  }
0x2c0: {  	_ =	sdelay $0x1  }
0x2c1: {  	s5 =	sadd.s32 $0x8480, s28;
	s17 =	sadd.s32 $0x8980, s28  }
0x2c2: {  	s6 =	sadd.s32 $0x8780, s28;
	s0 =	sadd.s32 $0x8A00, s28;
	(v2sf) =	vpush v0, $0x7;
	s7 =	sadd.s32 $0x8680, s28  }
0x2c3: {  	s8 =	sadd.s32 $0x8800, s28;
	s2 =	sadd.s32 $0x8A80, s28;
	s9 =	sadd.s32 $0x8400, s28  }
0x2c4: {  	s10 =	sadd.s32 $0x8600, s28;
	s11 =	sadd.s32 $0x8700, s28;
	(v2sf) =	vpush v0, $0x8;
	s12 =	spop (v2sf)  }
0x2c5: {  	s13 =	sadd.s32 $0x8500, s28;
	s12 =	sand.u32 $0x1FFFFFF0, s12;
	s14 =	spop (v2sf)  }
0x2c6: {  	(v2sf) =	vpush v0, $0x9;
	s12 =	sadd.s32 s3, s12;
	s14 =	sand.u32 $0x1FFFFFF0, s14;
	s19 =	spop (v2sf)  }
0x2c7: {  	[tilespmem:s9], [sflag:$0x3] =	stream.linear.gather [hbm4b:s12+s1], $0x80, $0x38;
	[tilespmem:$0x10400] =	vst v63  }
0x2c8: {  	s21 =	sadd.s32 $0x8580, s28;
	(v2sf) =	vpush v0, $0xA;
	s23 =	sadd.s32 s3, s14;
	s25 =	spop (v2sf)  }
0x2c9: {  	[tilespmem:s5], [sflag:$0x3] =	stream.linear.gather [hbm4b:s23+s1], $0x80, $0x38;
	[tilespmem:$0x10400] =	vst v63  }
0x2ca: {  	s9 =	sadd.s32 $0x8900, s28;
	s19 =	sand.u32 $0x1FFFFFF0, s19;
	(v2sf) =	vpush v0, $0xB;
	s23 =	spop (v2sf)  }
0x2cb: {  	s12 =	sadd.s32 s3, s19;
	s5 =	sadd.s32 $0x8880, s28;
	s19 =	sand.u32 $0x1FFFFFF0, s23  }
0x2cc: {  	(v2sf) =	vpush v0, $0xC;
	[tilespmem:s13], [sflag:$0x3] =	stream.linear.gather [hbm4b:s12+s1], $0x80, $0x38;
	[tilespmem:$0x10400] =	vst v63  }
0x2cd: {  	s12 =	sand.u32 $0x1FFFFFF0, s25;
	s25 =	spop (v2sf);
	s23 =	sadd.s32 s3, s19  }
0x2ce: {  	(v2sf) =	vpush v0, $0xD;
	[tilespmem:s21], [sflag:$0x3] =	stream.linear.gather [hbm4b:s23+s1], $0x80, $0x38;
	[tilespmem:$0x10400] =	vst v63  }
0x2cf: {  	s13 =	sand.u32 $0x1FFFFFF0, s25;
	s12 =	sadd.s32 s3, s12;
	s25 =	spop (v2sf)  }
0x2d0: {  	(v2sf) =	vpush v0, $0xE;
	[tilespmem:s10], [sflag:$0x3] =	stream.linear.gather [hbm4b:s12+s1], $0x80, $0x38;
	[tilespmem:$0x10400] =	vst v63  }
0x2d1: {  	s13 =	sadd.s32 s3, s13;
	s19 =	sand.u32 $0x1FFFFFF0, s25;
	s21 =	spop (v2sf)  }
0x2d2: {  	(v2sf) =	vpush v0, $0xF;
	[tilespmem:s7], [sflag:$0x3] =	stream.linear.gather [hbm4b:s13+s1], $0x80, $0x38;
	[tilespmem:$0x10400] =	vst v63  }
0x2d3: {  	s23 =	sand.u32 $0x1FFFFFF0, s21;
	s25 =	spop (v2sf);
	s10 =	sadd.s32 s3, s19  }
0x2d4: {  	[tilespmem:s11], [sflag:$0x3] =	stream.linear.gather [hbm4b:s10+s1], $0x80, $0x38;
	[tilespmem:$0x10400] =	vst v63  }
0x2d5: {  	s13 =	sand.u32 $0x1FFFFFF0, s25;
	s7 =	sadd.s32 s3, s23;
	s14 =	spop (v2sf)  }
0x2d6: {  	[tilespmem:s6], [sflag:$0x3] =	stream.linear.gather [hbm4b:s7+s1], $0x80, $0x38;
	[tilespmem:$0x10400] =	vst v63  }
0x2d7: {  	s10 =	sadd.s32 s3, s13;
	s19 =	sand.u32 $0x1FFFFFF0, s14;
	s21 =	spop (v2sf)  }
0x2d8: {  	[tilespmem:s8], [sflag:$0x3] =	stream.linear.gather [hbm4b:s10+s1], $0x80, $0x38;
	[tilespmem:$0x10400] =	vst v63  }
0x2d9: {  	s7 =	sand.u32 $0x1FFFFFF0, s21;
	s6 =	sadd.s32 s3, s19;
	s23 =	spop (v2sf)  }
0x2da: {  	[tilespmem:s5], [sflag:$0x3] =	stream.linear.gather [hbm4b:s6+s1], $0x80, $0x38;
	[tilespmem:$0x10400] =	vst v63  }
0x2db: {  	s7 =	sadd.s32 s3, s7;
	s25 =	sand.u32 $0x1FFFFFF0, s23;
	s8 =	spop (v2sf)  }
0x2dc: {  	[tilespmem:s9], [sflag:$0x3] =	stream.linear.gather [hbm4b:s7+s1], $0x80, $0x38;
	[tilespmem:$0x10400] =	vst v63  }
0x2dd: {  	s5 =	sadd.s32 s3, s25;
	s6 =	sand.u32 $0x1FFFFFF0, s8;
	s9 =	spop (v2sf)  }
0x2de: {  	[tilespmem:s17], [sflag:$0x3] =	stream.linear.gather [hbm4b:s5+s1], $0x80, $0x38;
	[tilespmem:$0x10400] =	vst v63  }
0x2df: {  	s6 =	sadd.s32 s3, s6;
	s10 =	sand.u32 $0x1FFFFFF0, s9;
	s11 =	spop (v2sf)  }
0x2e0: {  	[tilespmem:s0], [sflag:$0x3] =	stream.linear.gather [hbm4b:s6+s1], $0x80, $0x38;
	[tilespmem:$0x10400] =	vst v63  }
0x2e1: {  	s12 =	sand.u32 $0x1FFFFFF0, s11;
	s13 =	spop (v2sf);
	s5 =	sadd.s32 s3, s10  }
0x2e2: {  	[tilespmem:s2], [sflag:$0x3] =	stream.linear.gather [hbm4b:s5+s1], $0x80, $0x38;
	[tilespmem:$0x10400] =	vst v63  }
0x2e3: {  	s17 =	sadd.s32 $0x8B00, s28;
	s14 =	sand.u32 $0x1FFFFFF0, s13;
	s0 =	sadd.s32 s3, s12  }
0x2e4: {  	[tilespmem:s17], [sflag:$0x3] =	stream.linear.gather [hbm4b:s0+s1], $0x80, $0x38;
	[tilespmem:$0x10400] =	vst v63  }
0x2e5: {  	s19 =	sadd.s32 $0x8B80, s28;
	s2 =	sadd.s32 s3, s14  }
0x2e6: {  	[tilespmem:s19], [sflag:$0x3] =	stream.linear.gather [hbm4b:s2+s1], $0x80, $0x38;
	[tilespmem:$0x10400] =	vst v63  }
0x2e7: {  	_ =	swait.ge [sflag:s24], $0x4000  }
0x2e8: {  	s21 =	simm.s32 $0x0;
	[sflag:s24] =	ssyncset.done $0x0  }
0x2e9: {  	s25 =	simm.s32 $0xC400;
	s23 =	rddreg [dreg:$0x9];
	[sflag:s24] =	ssyncadd.s32 $0xFFFFC000  }
0x2ea: {  	[hbm4b:s23+s21] =	stream.linear.scatter [tilespmem:s25], [sflag:$0x5], $0x4000, $0x38;
	[tilespmem:$0x10400] =	vst v63  }
0x2eb: {  	_ =	swait.ge [sflag:s16], $0x4000  }
0x2ec: {  	[sflag:s16] =	ssyncset.done $0x0  }
0x2ed: {  	s29 =	simm.s32 $0x380;
	[sflag:s16] =	ssyncadd.s32 $0xFFFFC000  }
0x2ee: {  	v0 =	vld [tilespmem:s29+$0x0];
	_ =	sdelay $0x4  }
0x2ef: {  	v0 =	vshll.u32 v0, $0x4  }
0x2f0: {  	(v2sf) =	vpush v0, $0x0  }
0x2f1: {  	(v2sf) =	vpush v0, $0x1  }
0x2f2: {  	(v2sf) =	vpush v0, $0x2;
	_ =	sdelay $0x1  }
0x2f3: {  	(v2sf) =	vpush v0, $0x4;
	_ =	sdelay $0x1  }
0x2f4: {  	(v2sf) =	vpush v0, $0x3  }
0x2f5: {  	(v2sf) =	vpush v0, $0x5  }
0x2f6: {  	s30 =	simm.s32 $0x2000;
	s28 =	simm.s32 $0x0;
	(v2sf) =	vpush v0, $0x6  }
.LBB2_16:
0x2f7: {  	p0 =	sne.s32 s30, $0xE000  }
0x2f8: {  	s7 =	sadd.s32 $0xC480, s28;
	s19 =	sadd.s32 $0xC980, s28;
	s0 =	smov.u32 s30  }
0x2f9: {  	s30 =	sadd.s32 $0x2000, s30;
	s25 =	sadd.s32 $0xC780, s28;
	s2 =	sadd.s32 $0xCA00, s28;
	(v2sf) =	vpush v0, $0x7  }
0x2fa: {  	s6 =	sadd.s32 $0xC680, s28;
	s23 =	sadd.s32 $0xC800, s28;
	s17 =	sadd.s32 $0xCA80, s28  }
0x2fb: {  	s8 =	sadd.s32 $0xC400, s28;
	s9 =	sadd.s32 $0xC600, s28;
	(v2sf) =	vpush v0, $0x8  }
0x2fc: {  	s10 =	sadd.s32 $0xC700, s28;
	s29 =	sadd.s32 $0x10, s29  }
0x2fd: {  	s11 =	sadd.s32 $0xC500, s28;
	s21 =	sadd.s32 $0xC900, s28;
	s5 =	spop (v2sf);
	(v2sf) =	vpush v0, $0x9  }
0x2fe: {  	s12 =	sand.u32 $0x1FFFFFF0, s5;
	s5 =	sadd.s32 $0xC880, s28;
	s13 =	spop (v2sf)  }
0x2ff: {  	s12 =	sadd.s32 s4, s12;
	s13 =	sand.u32 $0x1FFFFFF0, s13;
	s14 =	spop (v2sf);
	(v2sf) =	vpush v0, $0xA  }
0x300: {  	[tilespmem:s8], [sflag:$0x4] =	stream.linear.gather [hbm4b:s12+s1], $0x80, $0x38;
	[tilespmem:$0x10400] =	vst v63  }
0x301: {  	s8 =	sadd.s32 s4, s13;
	s12 =	sadd.s32 $0xC580, s28;
	s13 =	spop (v2sf);
	(v2sf) =	vpush v0, $0xB  }
0x302: {  	[tilespmem:s7], [sflag:$0x4] =	stream.linear.gather [hbm4b:s8+s1], $0x80, $0x38;
	[tilespmem:$0x10400] =	vst v63  }
0x303: {  	s7 =	sand.u32 $0x1FFFFFF0, s14;
	s8 =	sand.u32 $0x1FFFFFF0, s13;
	s13 =	spop (v2sf);
	(v2sf) =	vpush v0, $0xC  }
0x304: {  	s7 =	sadd.s32 s4, s7;
	s13 =	sand.u32 $0x1FFFFFF0, s13;
	s14 =	spop (v2sf)  }
0x305: {  	[tilespmem:s11], [sflag:$0x4] =	stream.linear.gather [hbm4b:s7+s1], $0x80, $0x38;
	(v2sf) =	vpush v0, $0xD;
	[tilespmem:$0x10400] =	vst v63  }
0x306: {  	s7 =	sadd.s32 s4, s13;
	s11 =	sand.u32 $0x1FFFFFF0, s14;
	s13 =	spop (v2sf)  }
0x307: {  	[tilespmem:s12], [sflag:$0x4] =	stream.linear.gather [hbm4b:s7+s1], $0x80, $0x38;
	(v2sf) =	vpush v0, $0xE;
	[tilespmem:$0x10400] =	vst v63  }
0x308: {  	s7 =	sadd.s32 s4, s8;
	s8 =	sand.u32 $0x1FFFFFF0, s13;
	s12 =	spop (v2sf)  }
0x309: {  	[tilespmem:s9], [sflag:$0x4] =	stream.linear.gather [hbm4b:s7+s1], $0x80, $0x38;
	(v2sf) =	vpush v0, $0xF;
	[tilespmem:$0x10400] =	vst v63  }
0x30a: {  	s7 =	sadd.s32 s4, s11;
	s9 =	sand.u32 $0x1FFFFFF0, s12;
	s11 =	spop (v2sf)  }
0x30b: {  	[tilespmem:s6], [sflag:$0x4] =	stream.linear.gather [hbm4b:s7+s1], $0x80, $0x38;
	[tilespmem:$0x10400] =	vst v63  }
0x30c: {  	s6 =	sadd.s32 s4, s8;
	s7 =	sand.u32 $0x1FFFFFF0, s11;
	s8 =	spop (v2sf)  }
0x30d: {  	[tilespmem:s10], [sflag:$0x4] =	stream.linear.gather [hbm4b:s6+s1], $0x80, $0x38;
	[tilespmem:$0x10400] =	vst v63  }
0x30e: {  	s6 =	sadd.s32 s4, s9;
	s8 =	sand.u32 $0x1FFFFFF0, s8;
	s9 =	spop (v2sf)  }
0x30f: {  	[tilespmem:s25], [sflag:$0x4] =	stream.linear.gather [hbm4b:s6+s1], $0x80, $0x38;
	[tilespmem:$0x10400] =	vst v63  }
0x310: {  	s6 =	sadd.s32 s4, s7;
	s7 =	sand.u32 $0x1FFFFFF0, s9;
	s9 =	spop (v2sf)  }
0x311: {  	[tilespmem:s23], [sflag:$0x4] =	stream.linear.gather [hbm4b:s6+s1], $0x80, $0x38;
	[tilespmem:$0x10400] =	vst v63  }
0x312: {  	s6 =	sadd.s32 s4, s8;
	s8 =	sand.u32 $0x1FFFFFF0, s9;
	s9 =	spop (v2sf)  }
0x313: {  	[tilespmem:s5], [sflag:$0x4] =	stream.linear.gather [hbm4b:s6+s1], $0x80, $0x38;
	[tilespmem:$0x10400] =	vst v63  }
0x314: {  	s5 =	sadd.s32 s4, s7;
	s6 =	sand.u32 $0x1FFFFFF0, s9;
	s7 =	spop (v2sf)  }
0x315: {  	[tilespmem:s21], [sflag:$0x4] =	stream.linear.gather [hbm4b:s5+s1], $0x80, $0x38;
	[tilespmem:$0x10400] =	vst v63  }
0x316: {  	s5 =	sadd.s32 s4, s8;
	s7 =	sand.u32 $0x1FFFFFF0, s7;
	s8 =	spop (v2sf)  }
0x317: {  	[tilespmem:s19], [sflag:$0x4] =	stream.linear.gather [hbm4b:s5+s1], $0x80, $0x38;
	[tilespmem:$0x10400] =	vst v63  }
0x318: {  	s5 =	sadd.s32 s4, s6;
	s6 =	sand.u32 $0x1FFFFFF0, s8;
	s8 =	spop (v2sf)  }
0x319: {  	[tilespmem:s2], [sflag:$0x4] =	stream.linear.gather [hbm4b:s5+s1], $0x80, $0x38;
	[tilespmem:$0x10400] =	vst v63  }
0x31a: {  	s2 =	sadd.s32 s4, s7;
	s5 =	sand.u32 $0x1FFFFFF0, s8  }
0x31b: {  	[tilespmem:s17], [sflag:$0x4] =	stream.linear.gather [hbm4b:s2+s1], $0x80, $0x38;
	[tilespmem:$0x10400] =	vst v63  }
0x31c: {  	s6 =	sadd.s32 s4, s6;
	s2 =	sadd.s32 $0xCB00, s28  }
0x31d: {  	[tilespmem:s2], [sflag:$0x4] =	stream.linear.gather [hbm4b:s6+s1], $0x80, $0x38;
	[tilespmem:$0x10400] =	vst v63  }
0x31e: {  	s5 =	sadd.s32 s4, s5;
	s2 =	sadd.s32 $0xCB80, s28  }
0x31f: {  	[tilespmem:s2], [sflag:$0x4] =	stream.linear.gather [hbm4b:s5+s1], $0x80, $0x38;
	[tilespmem:$0x10400] =	vst v63  }
0x320: {  	v0 =	vld [tilespmem:s29+$0x0];
	_ =	sdelay $0x4  }
0x321: {  	v0 =	vshll.u32 v0, $0x4  }
0x322: {  	(v2sf) =	vpush v0, $0x0  }
0x323: {  	(v2sf) =	vpush v0, $0x1  }
0x324: {  	(v2sf) =	vpush v0, $0x2;
	_ =	sdelay $0x1  }
0x325: {  	(v2sf) =	vpush v0, $0x4  }
.Ltmp7:
0x326: {  	(pc) =	sbr.rel @p0 .LBB2_16-.Ltmp7, $3  }
0x327: {  	(v2sf) =	vpush v0, $0x3  }
0x328: {  	(v2sf) =	vpush v0, $0x5;
	_ =	sdelay $0x1  }
0x329: {  	s28 =	sshra.s32 s0, $0x2;
	(v2sf) =	vpush v0, $0x6  }
0x32a: {  	_ =	sdelay $0x5  }
0x32b: {  	s0 =	spop (v2sf)  }
0x32c: {  	s2 =	spop (v2sf)  }
0x32d: {  	s30 =	spop (v2sf)  }
0x32e: {  	s7 =	spop (v2sf);
	(v2sf) =	vpush v0, $0x7  }
0x32f: {  	s0 =	sand.u32 $0x1FFFFFF0, s0  }
0x330: {  	s5 =	sadd.s32 $0xC400, s28;
	s0 =	sadd.s32 s4, s0  }
0x331: {  	[tilespmem:s5], [sflag:$0x4] =	stream.linear.gather [hbm4b:s0+s1], $0x80, $0x38;
	[tilespmem:$0x10400] =	vst v63  }
0x332: {  	s2 =	sand.u32 $0x1FFFFFF0, s2;
	s8 =	spop (v2sf);
	(v2sf) =	vpush v0, $0x8  }
0x333: {  	s29 =	sadd.s32 $0xC480, s28;
	s2 =	sadd.s32 s4, s2  }
0x334: {  	[tilespmem:s29], [sflag:$0x4] =	stream.linear.gather [hbm4b:s2+s1], $0x80, $0x38;
	[tilespmem:$0x10400] =	vst v63  }
0x335: {  	s5 =	sand.u32 $0x1FFFFFF0, s30;
	s12 =	spop (v2sf);
	(v2sf) =	vpush v0, $0x9  }
0x336: {  	s6 =	sadd.s32 $0xC500, s28;
	s0 =	sadd.s32 s4, s5  }
0x337: {  	[tilespmem:s6], [sflag:$0x4] =	stream.linear.gather [hbm4b:s0+s1], $0x80, $0x38;
	[tilespmem:$0x10400] =	vst v63  }
0x338: {  	s0 =	sand.u32 $0x1FFFFFF0, s8;
	s14 =	spop (v2sf);
	(v2sf) =	vpush v0, $0xA  }
0x339: {  	s9 =	sadd.s32 $0xC580, s28;
	s10 =	sand.u32 $0x1FFFFFF0, s7;
	s0 =	sadd.s32 s4, s0  }
0x33a: {  	[tilespmem:s9], [sflag:$0x4] =	stream.linear.gather [hbm4b:s0+s1], $0x80, $0x38;
	[tilespmem:$0x10400] =	vst v63  }
0x33b: {  	s11 =	sadd.s32 $0xC600, s28;
	s0 =	sadd.s32 s4, s10  }
0x33c: {  	[tilespmem:s11], [sflag:$0x4] =	stream.linear.gather [hbm4b:s0+s1], $0x80, $0x38;
	[tilespmem:$0x10400] =	vst v63  }
0x33d: {  	s0 =	sand.u32 $0x1FFFFFF0, s12;
	s19 =	spop (v2sf);
	(v2sf) =	vpush v0, $0xB  }
0x33e: {  	s13 =	sadd.s32 $0xC680, s28;
	s0 =	sadd.s32 s4, s0  }
0x33f: {  	[tilespmem:s13], [sflag:$0x4] =	stream.linear.gather [hbm4b:s0+s1], $0x80, $0x38;
	[tilespmem:$0x10400] =	vst v63  }
0x340: {  	s0 =	sand.u32 $0x1FFFFFF0, s14  }
0x341: {  	s17 =	sadd.s32 $0xC700, s28;
	s0 =	sadd.s32 s4, s0;
	s23 =	spop (v2sf);
	(v2sf) =	vpush v0, $0xC  }
0x342: {  	[tilespmem:s17], [sflag:$0x4] =	stream.linear.gather [hbm4b:s0+s1], $0x80, $0x38;
	[tilespmem:$0x10400] =	vst v63  }
0x343: {  	s0 =	sand.u32 $0x1FFFFFF0, s19  }
0x344: {  	s21 =	sadd.s32 $0xC780, s28;
	s0 =	sadd.s32 s4, s0;
	s29 =	spop (v2sf);
	(v2sf) =	vpush v0, $0xD  }
0x345: {  	[tilespmem:s21], [sflag:$0x4] =	stream.linear.gather [hbm4b:s0+s1], $0x80, $0x38;
	[tilespmem:$0x10400] =	vst v63  }
0x346: {  	s0 =	sand.u32 $0x1FFFFFF0, s23  }
0x347: {  	s25 =	sadd.s32 $0xC800, s28;
	s0 =	sadd.s32 s4, s0;
	s5 =	spop (v2sf);
	(v2sf) =	vpush v0, $0xE  }
0x348: {  	[tilespmem:s25], [sflag:$0x4] =	stream.linear.gather [hbm4b:s0+s1], $0x80, $0x38;
	[tilespmem:$0x10400] =	vst v63  }
0x349: {  	s0 =	sand.u32 $0x1FFFFFF0, s29  }
0x34a: {  	s30 =	sadd.s32 $0xC880, s28;
	s0 =	sadd.s32 s4, s0  }
0x34b: {  	[tilespmem:s30], [sflag:$0x4] =	stream.linear.gather [hbm4b:s0+s1], $0x80, $0x38;
	[tilespmem:$0x10400] =	vst v63  }
0x34c: {  	s0 =	sand.u32 $0x1FFFFFF0, s5;
	s7 =	spop (v2sf);
	(v2sf) =	vpush v0, $0xF  }
0x34d: {  	s6 =	sadd.s32 $0xC900, s28;
	s0 =	sadd.s32 s4, s0  }
0x34e: {  	[tilespmem:s6], [sflag:$0x4] =	stream.linear.gather [hbm4b:s0+s1], $0x80, $0x38;
	[tilespmem:$0x10400] =	vst v63  }
0x34f: {  	s0 =	sand.u32 $0x1FFFFFF0, s7  }
0x350: {  	s8 =	sadd.s32 $0xC980, s28;
	s0 =	sadd.s32 s4, s0;
	s9 =	spop (v2sf)  }
0x351: {  	[tilespmem:s8], [sflag:$0x4] =	stream.linear.gather [hbm4b:s0+s1], $0x80, $0x38;
	[tilespmem:$0x10400] =	vst v63  }
0x352: {  	s0 =	sand.u32 $0x1FFFFFF0, s9  }
0x353: {  	s10 =	sadd.s32 $0xCA00, s28;
	s11 =	spop (v2sf);
	s0 =	sadd.s32 s4, s0  }
0x354: {  	[tilespmem:s10], [sflag:$0x4] =	stream.linear.gather [hbm4b:s0+s1], $0x80, $0x38;
	[tilespmem:$0x10400] =	vst v63  }
0x355: {  	s0 =	sand.u32 $0x1FFFFFF0, s11  }
0x356: {  	s12 =	sadd.s32 $0xCA80, s28;
	s13 =	spop (v2sf);
	s0 =	sadd.s32 s4, s0  }
0x357: {  	[tilespmem:s12], [sflag:$0x4] =	stream.linear.gather [hbm4b:s0+s1], $0x80, $0x38;
	[tilespmem:$0x10400] =	vst v63  }
0x358: {  	s0 =	sand.u32 $0x1FFFFFF0, s13  }
0x359: {  	s14 =	sadd.s32 $0xCB00, s28;
	s0 =	sadd.s32 s4, s0  }
0x35a: {  	[tilespmem:s14], [sflag:$0x4] =	stream.linear.gather [hbm4b:s0+s1], $0x80, $0x38;
	[tilespmem:$0x10400] =	vst v63  }
0x35b: {  	s17 =	spop (v2sf)  }
0x35c: {  	s0 =	sand.u32 $0x1FFFFFF0, s17  }
0x35d: {  	s19 =	sadd.s32 $0xCB80, s28;
	s0 =	sadd.s32 s4, s0  }
0x35e: {  	[tilespmem:s19], [sflag:$0x4] =	stream.linear.gather [hbm4b:s0+s1], $0x80, $0x38;
	[tilespmem:$0x10400] =	vst v63  }
0x35f: {  	_ =	swait.ge [sflag:s18], $0x4000  }
0x360: {  	[sflag:s18] =	ssyncset.done $0x0  }
0x361: {  	s21 =	rddreg [dreg:$0xa];
	[sflag:s18] =	ssyncadd.s32 $0xFFFFC000  }
0x362: {  	[hbm4b:s21+s1] =	stream.linear.scatter [tilespmem:s31], [sflag:$0x5], $0x4000, $0x38;
	[tilespmem:$0x10400] =	vst v63  }
0x363: {  	_ =	swait.ge [sflag:s16], $0x4000  }
0x364: {  	[sflag:s16] =	ssyncset.done $0x0  }
0x365: {  	[sflag:s16] =	ssyncadd.s32 $0xFFFFC000  }
0x366: {  	_ =	swait.ge [sflag:s20], $0x4000  }
0x367: {  	[sflag:s20] =	ssyncset.done $0x0  }
0x368: {  	s25 =	simm.s32 $0x4400;
	s23 =	rddreg [dreg:$0xb];
	[sflag:s20] =	ssyncadd.s32 $0xFFFFC000  }
0x369: {  	[hbm4b:s23+s1] =	stream.linear.scatter [tilespmem:s25], [sflag:$0x5], $0x4000, $0x38;
	[tilespmem:$0x10400] =	vst v63  }
0x36a: {  	_ =	swait.ge [sflag:s16], $0x4000  }
0x36b: {  	[sflag:s16] =	ssyncset.done $0x0  }
0x36c: {  	[sflag:s16] =	ssyncadd.s32 $0xFFFFC000  }
0x36d: {  	_ =	swait.ge [sflag:s22], $0x4000  }
0x36e: {  	[sflag:s22] =	ssyncset.done $0x0  }
0x36f: {  	s29 =	simm.s32 $0x8400;
	s28 =	rddreg [dreg:$0xc];
	[sflag:s22] =	ssyncadd.s32 $0xFFFFC000  }
0x370: {  	[hbm4b:s28+s1] =	stream.linear.scatter [tilespmem:s29], [sflag:$0x5], $0x4000, $0x38;
	[tilespmem:$0x10400] =	vst v63  }
0x371: {  	_ =	swait.ge [sflag:s16], $0x4000  }
0x372: {  	[sflag:s16] =	ssyncset.done $0x0  }
0x373: {  	[sflag:s16] =	ssyncadd.s32 $0xFFFFC000  }
0x374: {  	s26 =	sadd.s32 $0x1, s26;
	_ =	swait.ge [sflag:s24], $0x4000  }
0x375: {  	p0 =	sne.s32 s26, s15;
	s31 =	simm.s32 $0xC400;
	[sflag:s24] =	ssyncset.done $0x0  }
.Ltmp8:
0x376: {  	s30 =	rddreg [dreg:$0xd];
	[sflag:s24] =	ssyncadd.s32 $0xFFFFC000;
	(pc) =	sbr.rel @p0 .LBB2_1-.Ltmp8, $4  }
0x377: {  	[hbm4b:s30+s1] =	stream.linear.scatter [tilespmem:s31], [sflag:$0x5], $0x4000, $0x38;
	[tilespmem:$0x10400] =	vst v63  }
0x378: {  	_ =	swait.ge [sflag:s16], $0x4000  }
0x379: {  	[sflag:s16] =	ssyncset.done $0x0  }
0x37a: {  	[sflag:s16] =	ssyncadd.s32 $0xFFFFC000  }
0x37b: {  	_ =	sfence.sel $0x180000  }
0x37c: {  	[bflag:$0x0] =	sbarrier.arrive $0xFFFF  }
0x37d: {  	_ =	strace $0x90000047  }
0x37e: {  	s0 =	stileid.u32;
	[bflag:$0x2] =	sbarrier.arrive $0xFFFF  }
0x37f: {  	p0 =	sne.s32 s0, $0x0;
	s0 =	rddreg [dreg:$0x3]  }
0x380: {  	s0 =	sadd.s32 @!p0 $0x100000, s0  }
0x381: {  	[sflag:s0] =	ssyncadd.tile.s32 @!p0 $0x1;
	_ =	shalt  }
.Lfunc_end2:
_tile_overlayer_lowered:
.L_overlay_start_2:
0x382: {  	(tag) =	ssettag $0x2  }
0x383: {  	s0 =	rddreg [dreg:$0x0];
	s2 =	stileid.u32  }
0x384: {  	s1 =	rddreg [dreg:$0x1];
	p0 =	sne.s32 s2, $0x0  }
0x385: {  	s3 =	rddreg [dreg:$0x2];
	[bflag:$0x3] =	sbarrier.arrive $0xFFFF;
	s2 =	simm.s32 @!p0 $0x1C05  }
0x386: {  	[timem:s3], [sflag:s2] =	dma.local @!p0 [hbm:s0], s1  }
0x387: {  	s0 =	simm.s32 @!p0 $0x5  }
0x388: {  	_ =	swait.ge @!p0 [sflag:s0], s1  }
0x389: {  	s1 =	ssub.s32 @!p0 $0x0, s1;
	[sflag:s0] =	ssyncset.done @!p0 $0x0  }
0x38a: {  	[sflag:s0] =	ssyncadd.s32 @!p0 s1  }
0x38b: {  	[bflag:$0x3] =	sbarrier.arrive $0xFFFF  }
0x38c: {  	_ =	shalt  }

</sc_bundles>
